<compile_context>
chip_gen: v7x
topology: tpu7x:2x2x1
jax: 0.10.2.dev20260603
libtpu: 0.0.44.dev20260713+nightly
codegen_flags: <defaults>
</compile_context>

<pallas_src>
import functools

import jax
import jax.numpy as jnp
from jax import lax
from jax.experimental import pallas as pl
from jax.experimental.pallas import tpu as pltpu
from jax.experimental.pallas import tpu_sc as plsc

_N = 10000
_E = 320000
_D = 128
_G = 64

_NC = 2
_NS = 16
_NW = _NC * _NS
_CHUNK = 40
_EPW = _E // _NW
_NCHUNK = _EPW // _CHUNK
_NPAD = 10240
_RPT = _NPAD // _NS

_BLK = 1000
_NBLK = _N // _BLK


_NBUF = 5
_NPH = 5
_PCH = _NCHUNK // _NPH
_PGRP = _PCH // _NBUF


def _sc_gather_scatter(x, src3, dst3):
    mesh = plsc.VectorSubcoreMesh(core_axis_name="c", subcore_axis_name="s")

    @functools.partial(
        pl.kernel,
        mesh=mesh,
        out_type=jax.ShapeDtypeStruct((_NC, _NPAD, _D), jnp.float32),
        scratch_types=[
            pltpu.VMEM_SHARED((_NPAD, _D), jnp.float32),
            pltpu.VMEM((_PCH, _CHUNK), jnp.int32),
            pltpu.VMEM((_PCH, _CHUNK), jnp.int32),
            pltpu.VMEM((_NBUF, _CHUNK, _D), jnp.float32),
        ] + [pltpu.SemaphoreType.DMA] * (_NBUF + 1),
    )
    def k(x_hbm, src_hbm, dst_hbm, out_hbm, acc, sidx, didx, rows, *sems):
        isem = sems[_NBUF]
        c = lax.axis_index("c")
        s = lax.axis_index("s")
        rowbase = s * _RPT
        wid = c * _NS + s

        def fire_idx(p):
            pltpu.async_copy(src_hbm.at[wid, p], sidx, isem)
            pltpu.async_copy(dst_hbm.at[wid, p], didx, isem)

        def wait_idx(p):
            pltpu.make_async_copy(src_hbm.at[wid, p], sidx, isem).wait()
            pltpu.make_async_copy(dst_hbm.at[wid, p], didx, isem).wait()

        fire_idx(0)

        zvec = jnp.zeros((16,), jnp.float32)

        def zrow(r, carry):
            for q in range(_D // 16):
                rows[0, r, pl.ds(q * 16, 16)] = zvec
            return carry

        lax.fori_loop(0, _CHUNK, zrow, 0)
        for t in range(_RPT // _CHUNK):
            pltpu.sync_copy(rows.at[0],
                            acc.at[pl.ds(rowbase + t * _CHUNK, _CHUNK)])
        plsc.subcore_barrier()

        for p in range(_NPH):
            wait_idx(p)
            for b in range(_NBUF):
                pltpu.async_copy(x_hbm.at[sidx.at[b]], rows.at[b], sems[b])

            def body(g, carry):
                for b in range(_NBUF):
                    j = g * _NBUF + b
                    pltpu.make_async_copy(x_hbm.at[sidx.at[j]], rows.at[b],
                                          sems[b]).wait()
                    pltpu.sync_copy(rows.at[b], acc.at[didx.at[j]], add=True)
                    pltpu.async_copy(x_hbm.at[sidx.at[j + _NBUF]],
                                     rows.at[b], sems[b])
                return carry

            lax.fori_loop(0, _PGRP - 1, body, 0)
            for b in range(_NBUF):
                j = (_PGRP - 1) * _NBUF + b
                pltpu.make_async_copy(x_hbm.at[sidx.at[j]], rows.at[b],
                                      sems[b]).wait()
                pltpu.sync_copy(rows.at[b], acc.at[didx.at[j]], add=True)
            if p + 1 < _NPH:
                fire_idx(p + 1)

        plsc.subcore_barrier()
        pltpu.sync_copy(acc.at[pl.ds(rowbase, _RPT)],
                        out_hbm.at[c, pl.ds(rowbase, _RPT)])

    return k(x, src3, dst3)


def _tc_finish(parts, x, gids2, W_msg, W_upd, W_cls, b2):
    def body(p_ref, x_ref, g_ref, wm_ref, wu_ref, wcls_ref, b_ref, out_ref):
        a = p_ref[0, :_N, :] + p_ref[1, :_N, :]
        agg = jnp.dot(a, wm_ref[...], preferred_element_type=jnp.float32)
        ne = jnp.dot(agg, wu_ref[...], preferred_element_type=jnp.float32)
        ne = jnp.maximum(ne + x_ref[...], 0.0)
        g = g_ref[...].reshape(_N, 1)
        seg = lax.broadcasted_iota(jnp.int32, (_N, _G), 1)
        oh = (g == seg).astype(jnp.float32)
        ge = lax.dot_general(oh, ne, (((0,), (0,)), ((), ())),
                             preferred_element_type=jnp.float32)
        logits = jnp.dot(ge, wcls_ref[...],
                         preferred_element_type=jnp.float32) + b_ref[0, 0]
        out_ref[...] = 1.0 / (1.0 + jnp.exp(-logits))

    return pl.pallas_call(
        body,
        out_shape=jax.ShapeDtypeStruct((_G, 1), jnp.float32),
    )(parts, x, gids2, W_msg, W_upd, W_cls, b2)


def kernel(x, edge_index, graph_ids, W_msg, W_upd, W_cls, b_cls):
    src3 = edge_index[0].reshape(_NW, _NPH, _PCH, _CHUNK)
    dst3 = edge_index[1].reshape(_NW, _NPH, _PCH, _CHUNK)
    parts = _sc_gather_scatter(x, src3, dst3)
    gids2 = graph_ids.reshape(1, _N)
    return _tc_finish(parts, x, gids2, W_msg, W_upd, W_cls,
                      b_cls.reshape(1, 1))

# --- scband reference (transcript-rebuilt; emitter-appended) ---
"""Pipeline reference for scband-gnn-binary-32152125178578 (READ-ONLY COPY).

The authoritative reference and input builder live on the scoring server;
editing this copy changes nothing except your own understanding.
"""

import jax, jax.numpy as jnp
import numpy as np

N = 10000
E = 320000
D = 128
G = 64

def setup_inputs(seed: int = 0) -> dict:
    key = jax.random.key(seed)
    ks = jax.random.split(key, 8)
    x = jax.random.normal(ks[0], (N, D), dtype=jnp.float32)
    edge_index = jax.random.randint(ks[1], (2, E), 0, N, dtype=jnp.int32)
    graph_ids = jnp.sort(jax.random.randint(ks[2], (N,), 0, G, dtype=jnp.int32))
    W_msg = jax.random.normal(ks[3], (D, D), dtype=jnp.float32) * (1.0 / np.sqrt(D))
    W_upd = jax.random.normal(ks[4], (D, D), dtype=jnp.float32) * (1.0 / np.sqrt(D))
    W_cls = jax.random.normal(ks[5], (D, 1), dtype=jnp.float32) * (1.0 / np.sqrt(D))
    b_cls = jnp.zeros((1,), dtype=jnp.float32)
    return {"x": x, "edge_index": edge_index, "graph_ids": graph_ids,
            "W_msg": W_msg, "W_upd": W_upd, "W_cls": W_cls, "b_cls": b_cls}

def reference(x, edge_index, graph_ids, W_msg, W_upd, W_cls, b_cls):
    # GNN message passing (one round, as in GnnClassifierBase.gnn):
    # gather source node states, transform, scatter-add to destinations.
    src = edge_index[0]
    dst = edge_index[1]
    msg = jnp.take(x, src, axis=0) @ W_msg            # gather + linear message
    agg = jax.ops.segment_sum(msg, dst, num_segments=N)  # scatter-add aggregation
    node_embed = jax.nn.relu(agg @ W_upd + x)          # node state update (residual)
    # graph readout: sum-pool node embeddings per graph in the packed batch
    graph_embed = jax.ops.segment_sum(node_embed, graph_ids, num_segments=G)
    # out_classifier + sigmoid (GnnBinary.forward, label=None path)
    logits = graph_embed @ W_cls + b_cls
    prob = jax.nn.sigmoid(logits)
    return prob

if __name__ == "__main__":
    import jax
    _d = setup_inputs()
    print(jax.jit(kernel)(*tuple(_d.values())))

</pallas_src>

<mosaic_0001>
#map = affine_map<(d0, d1) -> (0, 0)>
#map1 = affine_map<(d0, d1) -> (0, 0, 0, 0)>
#map2 = affine_map<(d0, d1) -> (0, 0, 0)>
module attributes {stable_mosaic.version = 14 : i64} {
  func.func @k(%arg0: i32, %arg1: i32, %arg2: memref<10000x128xf32, #tpu.memory_space<hbm>>, %arg3: memref<32x5x50x40xi32, #tpu.memory_space<hbm>>, %arg4: memref<32x5x50x40xi32, #tpu.memory_space<hbm>>, %arg5: memref<2x10240x128xf32, #tpu.memory_space<hbm>>, %arg6: memref<10240x128xf32, #tpu.memory_space<vmem_shared>>, %arg7: memref<50x40xi32, #tpu.memory_space<vmem>>, %arg8: memref<50x40xi32, #tpu.memory_space<vmem>>, %arg9: memref<5x40x128xf32, #tpu.memory_space<vmem>>, %arg10: memref<!tpu.dma_semaphore, #tpu.memory_space<semaphore_mem>>, %arg11: memref<!tpu.dma_semaphore, #tpu.memory_space<semaphore_mem>>, %arg12: memref<!tpu.dma_semaphore, #tpu.memory_space<semaphore_mem>>, %arg13: memref<!tpu.dma_semaphore, #tpu.memory_space<semaphore_mem>>, %arg14: memref<!tpu.dma_semaphore, #tpu.memory_space<semaphore_mem>>, %arg15: memref<!tpu.dma_semaphore, #tpu.memory_space<semaphore_mem>>) attributes {dimension_semantics = [#tpu.dimension_semantics<core_parallel>, #tpu.dimension_semantics<subcore_parallel>], iteration_bounds = array<i64: 2, 16>, scalar_prefetch = 0 : i64, scratch_operands = 10 : i64, tpu.core_type = #tpu.core_type<sc_vector_subcore>, window_params = [{transform_indices = #map}, {transform_indices = #map1}, {transform_indices = #map1}, {transform_indices = #map2}]} {
    %mul3A = arith.constant 640 : i32
    %mul3A_0 = arith.muli %arg1, %mul3A : i32
    %mul3A_1 = arith.constant 16 : i32
    %mul3A_2 = arith.muli %arg0, %mul3A_1 : i32
    %add3A = arith.addi %mul3A_2, %arg1 : i32
    %dma_start3A = arith.constant 0 : i32
    %dma_start3A_3 = arith.constant 0 : i32
    %dma_start3A_4 = arith.constant 0 : i32
    %dma_start3A_5 = tpu.memref_slice %arg3[%add3A, %dma_start3A, %dma_start3A_3, %dma_start3A_4] : memref<32x5x50x40xi32, #tpu.memory_space<hbm>> -> memref<1x1x50x40xi32, #tpu.memory_space<hbm>>
    %dma_start3A_6 = tpu.memref_squeeze %dma_start3A_5 : memref<1x1x50x40xi32, #tpu.memory_space<hbm>> -> memref<50x40xi32, #tpu.memory_space<hbm>>
    %dma_start3A_7 = arith.constant 0 : i32
    %dma_start3A_8 = arith.constant 0 : i32
    %dma_start3A_9 = tpu.memref_slice %arg3[%add3A, %dma_start3A, %dma_start3A_7, %dma_start3A_8] : memref<32x5x50x40xi32, #tpu.memory_space<hbm>> -> memref<1x1x50x40xi32, #tpu.memory_space<hbm>>
    %dma_start3A_10 = tpu.memref_squeeze %dma_start3A_9 : memref<1x1x50x40xi32, #tpu.memory_space<hbm>> -> memref<50x40xi32, #tpu.memory_space<hbm>>
    tpu.enqueue_dma source(%dma_start3A_10 : memref<50x40xi32, #tpu.memory_space<hbm>>) target(%arg7 : memref<50x40xi32, #tpu.memory_space<vmem>>) target_semaphore(%arg15 : memref<!tpu.dma_semaphore, #tpu.memory_space<semaphore_mem>>)
    %dma_start3A_11 = arith.constant 0 : i32
    %dma_start3A_12 = arith.constant 0 : i32
    %dma_start3A_13 = arith.constant 0 : i32
    %dma_start3A_14 = tpu.memref_slice %arg4[%add3A, %dma_start3A_11, %dma_start3A_12, %dma_start3A_13] : memref<32x5x50x40xi32, #tpu.memory_space<hbm>> -> memref<1x1x50x40xi32, #tpu.memory_space<hbm>>
    %dma_start3A_15 = tpu.memref_squeeze %dma_start3A_14 : memref<1x1x50x40xi32, #tpu.memory_space<hbm>> -> memref<50x40xi32, #tpu.memory_space<hbm>>
    %dma_start3A_16 = arith.constant 0 : i32
    %dma_start3A_17 = arith.constant 0 : i32
    %dma_start3A_18 = tpu.memref_slice %arg4[%add3A, %dma_start3A_11, %dma_start3A_16, %dma_start3A_17] : memref<32x5x50x40xi32, #tpu.memory_space<hbm>> -> memref<1x1x50x40xi32, #tpu.memory_space<hbm>>
    %dma_start3A_19 = tpu.memref_squeeze %dma_start3A_18 : memref<1x1x50x40xi32, #tpu.memory_space<hbm>> -> memref<50x40xi32, #tpu.memory_space<hbm>>
    tpu.enqueue_dma source(%dma_start3A_19 : memref<50x40xi32, #tpu.memory_space<hbm>>) target(%arg8 : memref<50x40xi32, #tpu.memory_space<vmem>>) target_semaphore(%arg15 : memref<!tpu.dma_semaphore, #tpu.memory_space<semaphore_mem>>)
    %broadcast_in_dim3A = arith.constant 0.000000e+00 : f32
    %broadcast_in_dim3A_20 = vector.broadcast %broadcast_in_dim3A : f32 to vector<16xf32>
    %scan3A = arith.constant 0 : i32
    %scan3A_21 = arith.constant 0 : i32
    %scan3A_22 = arith.constant 40 : i32
    %scan3A_23 = arith.addi %scan3A_21, %scan3A_22 : i32
    %scan3A_24 = arith.constant 1 : i32
    scf.for %scan3A_915 = %scan3A_21 to %scan3A_23 step %scan3A_24  : i32 {
      %swap3A = arith.constant 0 : i32
      %swap3A_916 = arith.index_cast %swap3A : i32 to index
      %swap3A_917 = arith.index_cast %scan3A_915 : i32 to index
      %swap3A_918 = arith.constant 0 : index
      %swap3A_919 = tpu.vector_load %arg9[%swap3A_916, %swap3A_917, %swap3A_918] {strides = array<i32>} : memref<5x40x128xf32, #tpu.memory_space<vmem>>, vector<1x1x16xf32>,
      %swap3A_920 = vector.shape_cast %swap3A_919 : vector<1x1x16xf32> to vector<16xf32>
      %swap3A_921 = vector.shape_cast %broadcast_in_dim3A_20 : vector<16xf32> to vector<1x1x16xf32>
      tpu.vector_store %arg9[%swap3A_916, %swap3A_917, %swap3A_918], %swap3A_921 {strides = array<i32>} : memref<5x40x128xf32, #tpu.memory_space<vmem>>, vector<1x1x16xf32>,
      %swap3A_922 = arith.constant 0 : i32
      %swap3A_923 = arith.index_cast %swap3A_922 : i32 to index
      %swap3A_924 = arith.index_cast %scan3A_915 : i32 to index
      %swap3A_925 = arith.constant 16 : index
      %swap3A_926 = tpu.vector_load %arg9[%swap3A_923, %swap3A_924, %swap3A_925] {strides = array<i32>} : memref<5x40x128xf32, #tpu.memory_space<vmem>>, vector<1x1x16xf32>,
      %swap3A_927 = vector.shape_cast %swap3A_926 : vector<1x1x16xf32> to vector<16xf32>
      %swap3A_928 = vector.shape_cast %broadcast_in_dim3A_20 : vector<16xf32> to vector<1x1x16xf32>
      tpu.vector_store %arg9[%swap3A_923, %swap3A_924, %swap3A_925], %swap3A_928 {strides = array<i32>} : memref<5x40x128xf32, #tpu.memory_space<vmem>>, vector<1x1x16xf32>,
      %swap3A_929 = arith.constant 0 : i32
      %swap3A_930 = arith.index_cast %swap3A_929 : i32 to index
      %swap3A_931 = arith.index_cast %scan3A_915 : i32 to index
      %swap3A_932 = arith.constant 32 : index
      %swap3A_933 = tpu.vector_load %arg9[%swap3A_930, %swap3A_931, %swap3A_932] {strides = array<i32>} : memref<5x40x128xf32, #tpu.memory_space<vmem>>, vector<1x1x16xf32>,
      %swap3A_934 = vector.shape_cast %swap3A_933 : vector<1x1x16xf32> to vector<16xf32>
      %swap3A_935 = vector.shape_cast %broadcast_in_dim3A_20 : vector<16xf32> to vector<1x1x16xf32>
      tpu.vector_store %arg9[%swap3A_930, %swap3A_931, %swap3A_932], %swap3A_935 {strides = array<i32>} : memref<5x40x128xf32, #tpu.memory_space<vmem>>, vector<1x1x16xf32>,
      %swap3A_936 = arith.constant 0 : i32
      %swap3A_937 = arith.index_cast %swap3A_936 : i32 to index
      %swap3A_938 = arith.index_cast %scan3A_915 : i32 to index
      %swap3A_939 = arith.constant 48 : index
      %swap3A_940 = tpu.vector_load %arg9[%swap3A_937, %swap3A_938, %swap3A_939] {strides = array<i32>} : memref<5x40x128xf32, #tpu.memory_space<vmem>>, vector<1x1x16xf32>,
      %swap3A_941 = vector.shape_cast %swap3A_940 : vector<1x1x16xf32> to vector<16xf32>
      %swap3A_942 = vector.shape_cast %broadcast_in_dim3A_20 : vector<16xf32> to vector<1x1x16xf32>
      tpu.vector_store %arg9[%swap3A_937, %swap3A_938, %swap3A_939], %swap3A_942 {strides = array<i32>} : memref<5x40x128xf32, #tpu.memory_space<vmem>>, vector<1x1x16xf32>,
      %swap3A_943 = arith.constant 0 : i32
      %swap3A_944 = arith.index_cast %swap3A_943 : i32 to index
      %swap3A_945 = arith.index_cast %scan3A_915 : i32 to index
      %swap3A_946 = arith.constant 64 : index
      %swap3A_947 = tpu.vector_load %arg9[%swap3A_944, %swap3A_945, %swap3A_946] {strides = array<i32>} : memref<5x40x128xf32, #tpu.memory_space<vmem>>, vector<1x1x16xf32>,
      %swap3A_948 = vector.shape_cast %swap3A_947 : vector<1x1x16xf32> to vector<16xf32>
      %swap3A_949 = vector.shape_cast %broadcast_in_dim3A_20 : vector<16xf32> to vector<1x1x16xf32>
      tpu.vector_store %arg9[%swap3A_944, %swap3A_945, %swap3A_946], %swap3A_949 {strides = array<i32>} : memref<5x40x128xf32, #tpu.memory_space<vmem>>, vector<1x1x16xf32>,
      %swap3A_950 = arith.constant 0 : i32
      %swap3A_951 = arith.index_cast %swap3A_950 : i32 to index
      %swap3A_952 = arith.index_cast %scan3A_915 : i32 to index
      %swap3A_953 = arith.constant 80 : index
      %swap3A_954 = tpu.vector_load %arg9[%swap3A_951, %swap3A_952, %swap3A_953] {strides = array<i32>} : memref<5x40x128xf32, #tpu.memory_space<vmem>>, vector<1x1x16xf32>,
      %swap3A_955 = vector.shape_cast %swap3A_954 : vector<1x1x16xf32> to vector<16xf32>
      %swap3A_956 = vector.shape_cast %broadcast_in_dim3A_20 : vector<16xf32> to vector<1x1x16xf32>
      tpu.vector_store %arg9[%swap3A_951, %swap3A_952, %swap3A_953], %swap3A_956 {strides = array<i32>} : memref<5x40x128xf32, #tpu.memory_space<vmem>>, vector<1x1x16xf32>,
      %swap3A_957 = arith.constant 0 : i32
      %swap3A_958 = arith.index_cast %swap3A_957 : i32 to index
      %swap3A_959 = arith.index_cast %scan3A_915 : i32 to index
      %swap3A_960 = arith.constant 96 : index
      %swap3A_961 = tpu.vector_load %arg9[%swap3A_958, %swap3A_959, %swap3A_960] {strides = array<i32>} : memref<5x40x128xf32, #tpu.memory_space<vmem>>, vector<1x1x16xf32>,
      %swap3A_962 = vector.shape_cast %swap3A_961 : vector<1x1x16xf32> to vector<16xf32>
      %swap3A_963 = vector.shape_cast %broadcast_in_dim3A_20 : vector<16xf32> to vector<1x1x16xf32>
      tpu.vector_store %arg9[%swap3A_958, %swap3A_959, %swap3A_960], %swap3A_963 {strides = array<i32>} : memref<5x40x128xf32, #tpu.memory_space<vmem>>, vector<1x1x16xf32>,
      %swap3A_964 = arith.constant 0 : i32
      %swap3A_965 = arith.index_cast %swap3A_964 : i32 to index
      %swap3A_966 = arith.index_cast %scan3A_915 : i32 to index
      %swap3A_967 = arith.constant 112 : index
      %swap3A_968 = tpu.vector_load %arg9[%swap3A_965, %swap3A_966, %swap3A_967] {strides = array<i32>} : memref<5x40x128xf32, #tpu.memory_space<vmem>>, vector<1x1x16xf32>,
      %swap3A_969 = vector.shape_cast %swap3A_968 : vector<1x1x16xf32> to vector<16xf32>
      %swap3A_970 = vector.shape_cast %broadcast_in_dim3A_20 : vector<16xf32> to vector<1x1x16xf32>
      tpu.vector_store %arg9[%swap3A_965, %swap3A_966, %swap3A_967], %swap3A_970 {strides = array<i32>} : memref<5x40x128xf32, #tpu.memory_space<vmem>>, vector<1x1x16xf32>,
    }
    %scan3A_25 = arith.constant 40 : i32
    %add3A_26 = arith.constant 0 : i32
    %add3A_27 = arith.addi %mul3A_0, %add3A_26 : i32
    %run_scoped3A = arith.constant 0 : i32
    "tpu.region"() ({
      %run_scoped3A_915 = tpu.sem_alloc : memref<!tpu.dma_semaphore, #tpu.memory_space<semaphore_mem>>
      %dma_start3A_916 = arith.constant 0 : i32
      %dma_start3A_917 = arith.constant 0 : i32
      %dma_start3A_918 = tpu.memref_slice %arg9[%run_scoped3A, %dma_start3A_916, %dma_start3A_917] : memref<5x40x128xf32, #tpu.memory_space<vmem>> -> memref<1x40x128xf32, #tpu.memory_space<vmem>>
      %dma_start3A_919 = tpu.memref_squeeze %dma_start3A_918 : memref<1x40x128xf32, #tpu.memory_space<vmem>> -> memref<40x128xf32, #tpu.memory_space<vmem>>
      %dma_start3A_920 = arith.constant 0 : i32
      %dma_start3A_921 = tpu.memref_slice %arg6[%add3A_27, %dma_start3A_920] : memref<10240x128xf32, #tpu.memory_space<vmem_shared>> -> memref<40x128xf32, #tpu.memory_space<vmem_shared>>
      %dma_start3A_922 = arith.constant 0 : i32
      %dma_start3A_923 = tpu.memref_slice %arg6[%add3A_27, %dma_start3A_922] : memref<10240x128xf32, #tpu.memory_space<vmem_shared>> -> memref<40x128xf32, #tpu.memory_space<vmem_shared>>
      %dma_start3A_924 = arith.constant 0 : i32
      %dma_start3A_925 = arith.constant 0 : i32
      %dma_start3A_926 = tpu.memref_slice %arg9[%run_scoped3A, %dma_start3A_924, %dma_start3A_925] : memref<5x40x128xf32, #tpu.memory_space<vmem>> -> memref<1x40x128xf32, #tpu.memory_space<vmem>>
      %dma_start3A_927 = tpu.memref_squeeze %dma_start3A_926 : memref<1x40x128xf32, #tpu.memory_space<vmem>> -> memref<40x128xf32, #tpu.memory_space<vmem>>
      tpu.enqueue_dma source(%dma_start3A_927 : memref<40x128xf32, #tpu.memory_space<vmem>>) target(%dma_start3A_923 : memref<40x128xf32, #tpu.memory_space<vmem_shared>>) target_semaphore(%run_scoped3A_915 : memref<!tpu.dma_semaphore, #tpu.memory_space<semaphore_mem>>)
      %dma_wait3A_928 = arith.constant 0 : i32
      %dma_wait3A_929 = arith.constant 0 : i32
      %dma_wait3A_930 = tpu.memref_slice %arg9[%run_scoped3A, %dma_wait3A_928, %dma_wait3A_929] : memref<5x40x128xf32, #tpu.memory_space<vmem>> -> memref<1x40x128xf32, #tpu.memory_space<vmem>>
      %dma_wait3A_931 = tpu.memref_squeeze %dma_wait3A_930 : memref<1x40x128xf32, #tpu.memory_space<vmem>> -> memref<40x128xf32, #tpu.memory_space<vmem>>
      %dma_wait3A_932 = arith.constant 0 : i32
      %dma_wait3A_933 = tpu.memref_slice %arg6[%add3A_27, %dma_wait3A_932] : memref<10240x128xf32, #tpu.memory_space<vmem_shared>> -> memref<40x128xf32, #tpu.memory_space<vmem_shared>>
      %dma_wait3A_934 = arith.constant 0 : i32
      %dma_wait3A_935 = tpu.memref_slice %arg6[%add3A_27, %dma_wait3A_934] : memref<10240x128xf32, #tpu.memory_space<vmem_shared>> -> memref<40x128xf32, #tpu.memory_space<vmem_shared>>
      %dma_wait3A_936 = arith.constant 0 : i32
      %dma_wait3A_937 = arith.constant 0 : i32
      %dma_wait3A_938 = tpu.memref_slice %arg9[%run_scoped3A, %dma_wait3A_936, %dma_wait3A_937] : memref<5x40x128xf32, #tpu.memory_space<vmem>> -> memref<1x40x128xf32, #tpu.memory_space<vmem>>
      %dma_wait3A_939 = tpu.memref_squeeze %dma_wait3A_938 : memref<1x40x128xf32, #tpu.memory_space<vmem>> -> memref<40x128xf32, #tpu.memory_space<vmem>>
      tpu.wait_dma2 semaphore(%run_scoped3A_915 : memref<!tpu.dma_semaphore, #tpu.memory_space<semaphore_mem>>) src(%dma_wait3A_939 : memref<40x128xf32, #tpu.memory_space<vmem>>) dst(%dma_wait3A_935 : memref<40x128xf32, #tpu.memory_space<vmem_shared>>)
      tpu.yield
    }) : () -> ()
    %add3A_28 = arith.constant 40 : i32
    %add3A_29 = arith.addi %mul3A_0, %add3A_28 : i32
    %run_scoped3A_30 = arith.constant 0 : i32
    "tpu.region"() ({
      %run_scoped3A_915 = tpu.sem_alloc : memref<!tpu.dma_semaphore, #tpu.memory_space<semaphore_mem>>
      %dma_start3A_916 = arith.constant 0 : i32
      %dma_start3A_917 = arith.constant 0 : i32
      %dma_start3A_918 = tpu.memref_slice %arg9[%run_scoped3A_30, %dma_start3A_916, %dma_start3A_917] : memref<5x40x128xf32, #tpu.memory_space<vmem>> -> memref<1x40x128xf32, #tpu.memory_space<vmem>>
      %dma_start3A_919 = tpu.memref_squeeze %dma_start3A_918 : memref<1x40x128xf32, #tpu.memory_space<vmem>> -> memref<40x128xf32, #tpu.memory_space<vmem>>
      %dma_start3A_920 = arith.constant 0 : i32
      %dma_start3A_921 = tpu.memref_slice %arg6[%add3A_29, %dma_start3A_920] : memref<10240x128xf32, #tpu.memory_space<vmem_shared>> -> memref<40x128xf32, #tpu.memory_space<vmem_shared>>
      %dma_start3A_922 = arith.constant 0 : i32
      %dma_start3A_923 = tpu.memref_slice %arg6[%add3A_29, %dma_start3A_922] : memref<10240x128xf32, #tpu.memory_space<vmem_shared>> -> memref<40x128xf32, #tpu.memory_space<vmem_shared>>
      %dma_start3A_924 = arith.constant 0 : i32
      %dma_start3A_925 = arith.constant 0 : i32
      %dma_start3A_926 = tpu.memref_slice %arg9[%run_scoped3A_30, %dma_start3A_924, %dma_start3A_925] : memref<5x40x128xf32, #tpu.memory_space<vmem>> -> memref<1x40x128xf32, #tpu.memory_space<vmem>>
      %dma_start3A_927 = tpu.memref_squeeze %dma_start3A_926 : memref<1x40x128xf32, #tpu.memory_space<vmem>> -> memref<40x128xf32, #tpu.memory_space<vmem>>
      tpu.enqueue_dma source(%dma_start3A_927 : memref<40x128xf32, #tpu.memory_space<vmem>>) target(%dma_start3A_923 : memref<40x128xf32, #tpu.memory_space<vmem_shared>>) target_semaphore(%run_scoped3A_915 : memref<!tpu.dma_semaphore, #tpu.memory_space<semaphore_mem>>)
      %dma_wait3A_928 = arith.constant 0 : i32
      %dma_wait3A_929 = arith.constant 0 : i32
      %dma_wait3A_930 = tpu.memref_slice %arg9[%run_scoped3A_30, %dma_wait3A_928, %dma_wait3A_929] : memref<5x40x128xf32, #tpu.memory_space<vmem>> -> memref<1x40x128xf32, #tpu.memory_space<vmem>>
      %dma_wait3A_931 = tpu.memref_squeeze %dma_wait3A_930 : memref<1x40x128xf32, #tpu.memory_space<vmem>> -> memref<40x128xf32, #tpu.memory_space<vmem>>
      %dma_wait3A_932 = arith.constant 0 : i32
      %dma_wait3A_933 = tpu.memref_slice %arg6[%add3A_29, %dma_wait3A_932] : memref<10240x128xf32, #tpu.memory_space<vmem_shared>> -> memref<40x128xf32, #tpu.memory_space<vmem_shared>>
      %dma_wait3A_934 = arith.constant 0 : i32
      %dma_wait3A_935 = tpu.memref_slice %arg6[%add3A_29, %dma_wait3A_934] : memref<10240x128xf32, #tpu.memory_space<vmem_shared>> -> memref<40x128xf32, #tpu.memory_space<vmem_shared>>
      %dma_wait3A_936 = arith.constant 0 : i32
      %dma_wait3A_937 = arith.constant 0 : i32
      %dma_wait3A_938 = tpu.memref_slice %arg9[%run_scoped3A_30, %dma_wait3A_936, %dma_wait3A_937] : memref<5x40x128xf32, #tpu.memory_space<vmem>> -> memref<1x40x128xf32, #tpu.memory_space<vmem>>
      %dma_wait3A_939 = tpu.memref_squeeze %dma_wait3A_938 : memref<1x40x128xf32, #tpu.memory_space<vmem>> -> memref<40x128xf32, #tpu.memory_space<vmem>>
      tpu.wait_dma2 semaphore(%run_scoped3A_915 : memref<!tpu.dma_semaphore, #tpu.memory_space<semaphore_mem>>) src(%dma_wait3A_939 : memref<40x128xf32, #tpu.memory_space<vmem>>) dst(%dma_wait3A_935 : memref<40x128xf32, #tpu.memory_space<vmem_shared>>)
      tpu.yield
    }) : () -> ()
    %add3A_31 = arith.constant 80 : i32
    %add3A_32 = arith.addi %mul3A_0, %add3A_31 : i32
    %run_scoped3A_33 = arith.constant 0 : i32
    "tpu.region"() ({
      %run_scoped3A_915 = tpu.sem_alloc : memref<!tpu.dma_semaphore, #tpu.memory_space<semaphore_mem>>
      %dma_start3A_916 = arith.constant 0 : i32
      %dma_start3A_917 = arith.constant 0 : i32
      %dma_start3A_918 = tpu.memref_slice %arg9[%run_scoped3A_33, %dma_start3A_916, %dma_start3A_917] : memref<5x40x128xf32, #tpu.memory_space<vmem>> -> memref<1x40x128xf32, #tpu.memory_space<vmem>>
      %dma_start3A_919 = tpu.memref_squeeze %dma_start3A_918 : memref<1x40x128xf32, #tpu.memory_space<vmem>> -> memref<40x128xf32, #tpu.memory_space<vmem>>
      %dma_start3A_920 = arith.constant 0 : i32
      %dma_start3A_921 = tpu.memref_slice %arg6[%add3A_32, %dma_start3A_920] : memref<10240x128xf32, #tpu.memory_space<vmem_shared>> -> memref<40x128xf32, #tpu.memory_space<vmem_shared>>
      %dma_start3A_922 = arith.constant 0 : i32
      %dma_start3A_923 = tpu.memref_slice %arg6[%add3A_32, %dma_start3A_922] : memref<10240x128xf32, #tpu.memory_space<vmem_shared>> -> memref<40x128xf32, #tpu.memory_space<vmem_shared>>
      %dma_start3A_924 = arith.constant 0 : i32
      %dma_start3A_925 = arith.constant 0 : i32
      %dma_start3A_926 = tpu.memref_slice %arg9[%run_scoped3A_33, %dma_start3A_924, %dma_start3A_925] : memref<5x40x128xf32, #tpu.memory_space<vmem>> -> memref<1x40x128xf32, #tpu.memory_space<vmem>>
      %dma_start3A_927 = tpu.memref_squeeze %dma_start3A_926 : memref<1x40x128xf32, #tpu.memory_space<vmem>> -> memref<40x128xf32, #tpu.memory_space<vmem>>
      tpu.enqueue_dma source(%dma_start3A_927 : memref<40x128xf32, #tpu.memory_space<vmem>>) target(%dma_start3A_923 : memref<40x128xf32, #tpu.memory_space<vmem_shared>>) target_semaphore(%run_scoped3A_915 : memref<!tpu.dma_semaphore, #tpu.memory_space<semaphore_mem>>)
      %dma_wait3A_928 = arith.constant 0 : i32
      %dma_wait3A_929 = arith.constant 0 : i32
      %dma_wait3A_930 = tpu.memref_slice %arg9[%run_scoped3A_33, %dma_wait3A_928, %dma_wait3A_929] : memref<5x40x128xf32, #tpu.memory_space<vmem>> -> memref<1x40x128xf32, #tpu.memory_space<vmem>>
      %dma_wait3A_931 = tpu.memref_squeeze %dma_wait3A_930 : memref<1x40x128xf32, #tpu.memory_space<vmem>> -> memref<40x128xf32, #tpu.memory_space<vmem>>
      %dma_wait3A_932 = arith.constant 0 : i32
      %dma_wait3A_933 = tpu.memref_slice %arg6[%add3A_32, %dma_wait3A_932] : memref<10240x128xf32, #tpu.memory_space<vmem_shared>> -> memref<40x128xf32, #tpu.memory_space<vmem_shared>>
      %dma_wait3A_934 = arith.constant 0 : i32
      %dma_wait3A_935 = tpu.memref_slice %arg6[%add3A_32, %dma_wait3A_934] : memref<10240x128xf32, #tpu.memory_space<vmem_shared>> -> memref<40x128xf32, #tpu.memory_space<vmem_shared>>
      %dma_wait3A_936 = arith.constant 0 : i32
      %dma_wait3A_937 = arith.constant 0 : i32
      %dma_wait3A_938 = tpu.memref_slice %arg9[%run_scoped3A_33, %dma_wait3A_936, %dma_wait3A_937] : memref<5x40x128xf32, #tpu.memory_space<vmem>> -> memref<1x40x128xf32, #tpu.memory_space<vmem>>
      %dma_wait3A_939 = tpu.memref_squeeze %dma_wait3A_938 : memref<1x40x128xf32, #tpu.memory_space<vmem>> -> memref<40x128xf32, #tpu.memory_space<vmem>>
      tpu.wait_dma2 semaphore(%run_scoped3A_915 : memref<!tpu.dma_semaphore, #tpu.memory_space<semaphore_mem>>) src(%dma_wait3A_939 : memref<40x128xf32, #tpu.memory_space<vmem>>) dst(%dma_wait3A_935 : memref<40x128xf32, #tpu.memory_space<vmem_shared>>)
      tpu.yield
    }) : () -> ()
    %add3A_34 = arith.constant 120 : i32
    %add3A_35 = arith.addi %mul3A_0, %add3A_34 : i32
    %run_scoped3A_36 = arith.constant 0 : i32
    "tpu.region"() ({
      %run_scoped3A_915 = tpu.sem_alloc : memref<!tpu.dma_semaphore, #tpu.memory_space<semaphore_mem>>
      %dma_start3A_916 = arith.constant 0 : i32
      %dma_start3A_917 = arith.constant 0 : i32
      %dma_start3A_918 = tpu.memref_slice %arg9[%run_scoped3A_36, %dma_start3A_916, %dma_start3A_917] : memref<5x40x128xf32, #tpu.memory_space<vmem>> -> memref<1x40x128xf32, #tpu.memory_space<vmem>>
      %dma_start3A_919 = tpu.memref_squeeze %dma_start3A_918 : memref<1x40x128xf32, #tpu.memory_space<vmem>> -> memref<40x128xf32, #tpu.memory_space<vmem>>
      %dma_start3A_920 = arith.constant 0 : i32
      %dma_start3A_921 = tpu.memref_slice %arg6[%add3A_35, %dma_start3A_920] : memref<10240x128xf32, #tpu.memory_space<vmem_shared>> -> memref<40x128xf32, #tpu.memory_space<vmem_shared>>
      %dma_start3A_922 = arith.constant 0 : i32
      %dma_start3A_923 = tpu.memref_slice %arg6[%add3A_35, %dma_start3A_922] : memref<10240x128xf32, #tpu.memory_space<vmem_shared>> -> memref<40x128xf32, #tpu.memory_space<vmem_shared>>
      %dma_start3A_924 = arith.constant 0 : i32
      %dma_start3A_925 = arith.constant 0 : i32
      %dma_start3A_926 = tpu.memref_slice %arg9[%run_scoped3A_36, %dma_start3A_924, %dma_start3A_925] : memref<5x40x128xf32, #tpu.memory_space<vmem>> -> memref<1x40x128xf32, #tpu.memory_space<vmem>>
      %dma_start3A_927 = tpu.memref_squeeze %dma_start3A_926 : memref<1x40x128xf32, #tpu.memory_space<vmem>> -> memref<40x128xf32, #tpu.memory_space<vmem>>
      tpu.enqueue_dma source(%dma_start3A_927 : memref<40x128xf32, #tpu.memory_space<vmem>>) target(%dma_start3A_923 : memref<40x128xf32, #tpu.memory_space<vmem_shared>>) target_semaphore(%run_scoped3A_915 : memref<!tpu.dma_semaphore, #tpu.memory_space<semaphore_mem>>)
      %dma_wait3A_928 = arith.constant 0 : i32
      %dma_wait3A_929 = arith.constant 0 : i32
      %dma_wait3A_930 = tpu.memref_slice %arg9[%run_scoped3A_36, %dma_wait3A_928, %dma_wait3A_929] : memref<5x40x128xf32, #tpu.memory_space<vmem>> -> memref<1x40x128xf32, #tpu.memory_space<vmem>>
      %dma_wait3A_931 = tpu.memref_squeeze %dma_wait3A_930 : memref<1x40x128xf32, #tpu.memory_space<vmem>> -> memref<40x128xf32, #tpu.memory_space<vmem>>
      %dma_wait3A_932 = arith.constant 0 : i32
      %dma_wait3A_933 = tpu.memref_slice %arg6[%add3A_35, %dma_wait3A_932] : memref<10240x128xf32, #tpu.memory_space<vmem_shared>> -> memref<40x128xf32, #tpu.memory_space<vmem_shared>>
      %dma_wait3A_934 = arith.constant 0 : i32
      %dma_wait3A_935 = tpu.memref_slice %arg6[%add3A_35, %dma_wait3A_934] : memref<10240x128xf32, #tpu.memory_space<vmem_shared>> -> memref<40x128xf32, #tpu.memory_space<vmem_shared>>
      %dma_wait3A_936 = arith.constant 0 : i32
      %dma_wait3A_937 = arith.constant 0 : i32
      %dma_wait3A_938 = tpu.memref_slice %arg9[%run_scoped3A_36, %dma_wait3A_936, %dma_wait3A_937] : memref<5x40x128xf32, #tpu.memory_space<vmem>> -> memref<1x40x128xf32, #tpu.memory_space<vmem>>
      %dma_wait3A_939 = tpu.memref_squeeze %dma_wait3A_938 : memref<1x40x128xf32, #tpu.memory_space<vmem>> -> memref<40x128xf32, #tpu.memory_space<vmem>>
      tpu.wait_dma2 semaphore(%run_scoped3A_915 : memref<!tpu.dma_semaphore, #tpu.memory_space<semaphore_mem>>) src(%dma_wait3A_939 : memref<40x128xf32, #tpu.memory_space<vmem>>) dst(%dma_wait3A_935 : memref<40x128xf32, #tpu.memory_space<vmem_shared>>)
      tpu.yield
    }) : () -> ()
    %add3A_37 = arith.constant 160 : i32
    %add3A_38 = arith.addi %mul3A_0, %add3A_37 : i32
    %run_scoped3A_39 = arith.constant 0 : i32
    "tpu.region"() ({
      %run_scoped3A_915 = tpu.sem_alloc : memref<!tpu.dma_semaphore, #tpu.memory_space<semaphore_mem>>
      %dma_start3A_916 = arith.constant 0 : i32
      %dma_start3A_917 = arith.constant 0 : i32
      %dma_start3A_918 = tpu.memref_slice %arg9[%run_scoped3A_39, %dma_start3A_916, %dma_start3A_917] : memref<5x40x128xf32, #tpu.memory_space<vmem>> -> memref<1x40x128xf32, #tpu.memory_space<vmem>>
      %dma_start3A_919 = tpu.memref_squeeze %dma_start3A_918 : memref<1x40x128xf32, #tpu.memory_space<vmem>> -> memref<40x128xf32, #tpu.memory_space<vmem>>
      %dma_start3A_920 = arith.constant 0 : i32
      %dma_start3A_921 = tpu.memref_slice %arg6[%add3A_38, %dma_start3A_920] : memref<10240x128xf32, #tpu.memory_space<vmem_shared>> -> memref<40x128xf32, #tpu.memory_space<vmem_shared>>
      %dma_start3A_922 = arith.constant 0 : i32
      %dma_start3A_923 = tpu.memref_slice %arg6[%add3A_38, %dma_start3A_922] : memref<10240x128xf32, #tpu.memory_space<vmem_shared>> -> memref<40x128xf32, #tpu.memory_space<vmem_shared>>
      %dma_start3A_924 = arith.constant 0 : i32
      %dma_start3A_925 = arith.constant 0 : i32
      %dma_start3A_926 = tpu.memref_slice %arg9[%run_scoped3A_39, %dma_start3A_924, %dma_start3A_925] : memref<5x40x128xf32, #tpu.memory_space<vmem>> -> memref<1x40x128xf32, #tpu.memory_space<vmem>>
      %dma_start3A_927 = tpu.memref_squeeze %dma_start3A_926 : memref<1x40x128xf32, #tpu.memory_space<vmem>> -> memref<40x128xf32, #tpu.memory_space<vmem>>
      tpu.enqueue_dma source(%dma_start3A_927 : memref<40x128xf32, #tpu.memory_space<vmem>>) target(%dma_start3A_923 : memref<40x128xf32, #tpu.memory_space<vmem_shared>>) target_semaphore(%run_scoped3A_915 : memref<!tpu.dma_semaphore, #tpu.memory_space<semaphore_mem>>)
      %dma_wait3A_928 = arith.constant 0 : i32
      %dma_wait3A_929 = arith.constant 0 : i32
      %dma_wait3A_930 = tpu.memref_slice %arg9[%run_scoped3A_39, %dma_wait3A_928, %dma_wait3A_929] : memref<5x40x128xf32, #tpu.memory_space<vmem>> -> memref<1x40x128xf32, #tpu.memory_space<vmem>>
      %dma_wait3A_931 = tpu.memref_squeeze %dma_wait3A_930 : memref<1x40x128xf32, #tpu.memory_space<vmem>> -> memref<40x128xf32, #tpu.memory_space<vmem>>
      %dma_wait3A_932 = arith.constant 0 : i32
      %dma_wait3A_933 = tpu.memref_slice %arg6[%add3A_38, %dma_wait3A_932] : memref<10240x128xf32, #tpu.memory_space<vmem_shared>> -> memref<40x128xf32, #tpu.memory_space<vmem_shared>>
      %dma_wait3A_934 = arith.constant 0 : i32
      %dma_wait3A_935 = tpu.memref_slice %arg6[%add3A_38, %dma_wait3A_934] : memref<10240x128xf32, #tpu.memory_space<vmem_shared>> -> memref<40x128xf32, #tpu.memory_space<vmem_shared>>
      %dma_wait3A_936 = arith.constant 0 : i32
      %dma_wait3A_937 = arith.constant 0 : i32
      %dma_wait3A_938 = tpu.memref_slice %arg9[%run_scoped3A_39, %dma_wait3A_936, %dma_wait3A_937] : memref<5x40x128xf32, #tpu.memory_space<vmem>> -> memref<1x40x128xf32, #tpu.memory_space<vmem>>
      %dma_wait3A_939 = tpu.memref_squeeze %dma_wait3A_938 : memref<1x40x128xf32, #tpu.memory_space<vmem>> -> memref<40x128xf32, #tpu.memory_space<vmem>>
      tpu.wait_dma2 semaphore(%run_scoped3A_915 : memref<!tpu.dma_semaphore, #tpu.memory_space<semaphore_mem>>) src(%dma_wait3A_939 : memref<40x128xf32, #tpu.memory_space<vmem>>) dst(%dma_wait3A_935 : memref<40x128xf32, #tpu.memory_space<vmem_shared>>)
      tpu.yield
    }) : () -> ()
    %add3A_40 = arith.constant 200 : i32
    %add3A_41 = arith.addi %mul3A_0, %add3A_40 : i32
    %run_scoped3A_42 = arith.constant 0 : i32
    "tpu.region"() ({
      %run_scoped3A_915 = tpu.sem_alloc : memref<!tpu.dma_semaphore, #tpu.memory_space<semaphore_mem>>
      %dma_start3A_916 = arith.constant 0 : i32
      %dma_start3A_917 = arith.constant 0 : i32
      %dma_start3A_918 = tpu.memref_slice %arg9[%run_scoped3A_42, %dma_start3A_916, %dma_start3A_917] : memref<5x40x128xf32, #tpu.memory_space<vmem>> -> memref<1x40x128xf32, #tpu.memory_space<vmem>>
      %dma_start3A_919 = tpu.memref_squeeze %dma_start3A_918 : memref<1x40x128xf32, #tpu.memory_space<vmem>> -> memref<40x128xf32, #tpu.memory_space<vmem>>
      %dma_start3A_920 = arith.constant 0 : i32
      %dma_start3A_921 = tpu.memref_slice %arg6[%add3A_41, %dma_start3A_920] : memref<10240x128xf32, #tpu.memory_space<vmem_shared>> -> memref<40x128xf32, #tpu.memory_space<vmem_shared>>
      %dma_start3A_922 = arith.constant 0 : i32
      %dma_start3A_923 = tpu.memref_slice %arg6[%add3A_41, %dma_start3A_922] : memref<10240x128xf32, #tpu.memory_space<vmem_shared>> -> memref<40x128xf32, #tpu.memory_space<vmem_shared>>
      %dma_start3A_924 = arith.constant 0 : i32
      %dma_start3A_925 = arith.constant 0 : i32
      %dma_start3A_926 = tpu.memref_slice %arg9[%run_scoped3A_42, %dma_start3A_924, %dma_start3A_925] : memref<5x40x128xf32, #tpu.memory_space<vmem>> -> memref<1x40x128xf32, #tpu.memory_space<vmem>>
      %dma_start3A_927 = tpu.memref_squeeze %dma_start3A_926 : memref<1x40x128xf32, #tpu.memory_space<vmem>> -> memref<40x128xf32, #tpu.memory_space<vmem>>
      tpu.enqueue_dma source(%dma_start3A_927 : memref<40x128xf32, #tpu.memory_space<vmem>>) target(%dma_start3A_923 : memref<40x128xf32, #tpu.memory_space<vmem_shared>>) target_semaphore(%run_scoped3A_915 : memref<!tpu.dma_semaphore, #tpu.memory_space<semaphore_mem>>)
      %dma_wait3A_928 = arith.constant 0 : i32
      %dma_wait3A_929 = arith.constant 0 : i32
      %dma_wait3A_930 = tpu.memref_slice %arg9[%run_scoped3A_42, %dma_wait3A_928, %dma_wait3A_929] : memref<5x40x128xf32, #tpu.memory_space<vmem>> -> memref<1x40x128xf32, #tpu.memory_space<vmem>>
      %dma_wait3A_931 = tpu.memref_squeeze %dma_wait3A_930 : memref<1x40x128xf32, #tpu.memory_space<vmem>> -> memref<40x128xf32, #tpu.memory_space<vmem>>
      %dma_wait3A_932 = arith.constant 0 : i32
      %dma_wait3A_933 = tpu.memref_slice %arg6[%add3A_41, %dma_wait3A_932] : memref<10240x128xf32, #tpu.memory_space<vmem_shared>> -> memref<40x128xf32, #tpu.memory_space<vmem_shared>>
      %dma_wait3A_934 = arith.constant 0 : i32
      %dma_wait3A_935 = tpu.memref_slice %arg6[%add3A_41, %dma_wait3A_934] : memref<10240x128xf32, #tpu.memory_space<vmem_shared>> -> memref<40x128xf32, #tpu.memory_space<vmem_shared>>
      %dma_wait3A_936 = arith.constant 0 : i32
      %dma_wait3A_937 = arith.constant 0 : i32
      %dma_wait3A_938 = tpu.memref_slice %arg9[%run_scoped3A_42, %dma_wait3A_936, %dma_wait3A_937] : memref<5x40x128xf32, #tpu.memory_space<vmem>> -> memref<1x40x128xf32, #tpu.memory_space<vmem>>
      %dma_wait3A_939 = tpu.memref_squeeze %dma_wait3A_938 : memref<1x40x128xf32, #tpu.memory_space<vmem>> -> memref<40x128xf32, #tpu.memory_space<vmem>>
      tpu.wait_dma2 semaphore(%run_scoped3A_915 : memref<!tpu.dma_semaphore, #tpu.memory_space<semaphore_mem>>) src(%dma_wait3A_939 : memref<40x128xf32, #tpu.memory_space<vmem>>) dst(%dma_wait3A_935 : memref<40x128xf32, #tpu.memory_space<vmem_shared>>)
      tpu.yield
    }) : () -> ()
    %add3A_43 = arith.constant 240 : i32
    %add3A_44 = arith.addi %mul3A_0, %add3A_43 : i32
    %run_scoped3A_45 = arith.constant 0 : i32
    "tpu.region"() ({
      %run_scoped3A_915 = tpu.sem_alloc : memref<!tpu.dma_semaphore, #tpu.memory_space<semaphore_mem>>
      %dma_start3A_916 = arith.constant 0 : i32
      %dma_start3A_917 = arith.constant 0 : i32
      %dma_start3A_918 = tpu.memref_slice %arg9[%run_scoped3A_45, %dma_start3A_916, %dma_start3A_917] : memref<5x40x128xf32, #tpu.memory_space<vmem>> -> memref<1x40x128xf32, #tpu.memory_space<vmem>>
      %dma_start3A_919 = tpu.memref_squeeze %dma_start3A_918 : memref<1x40x128xf32, #tpu.memory_space<vmem>> -> memref<40x128xf32, #tpu.memory_space<vmem>>
      %dma_start3A_920 = arith.constant 0 : i32
      %dma_start3A_921 = tpu.memref_slice %arg6[%add3A_44, %dma_start3A_920] : memref<10240x128xf32, #tpu.memory_space<vmem_shared>> -> memref<40x128xf32, #tpu.memory_space<vmem_shared>>
      %dma_start3A_922 = arith.constant 0 : i32
      %dma_start3A_923 = tpu.memref_slice %arg6[%add3A_44, %dma_start3A_922] : memref<10240x128xf32, #tpu.memory_space<vmem_shared>> -> memref<40x128xf32, #tpu.memory_space<vmem_shared>>
      %dma_start3A_924 = arith.constant 0 : i32
      %dma_start3A_925 = arith.constant 0 : i32
      %dma_start3A_926 = tpu.memref_slice %arg9[%run_scoped3A_45, %dma_start3A_924, %dma_start3A_925] : memref<5x40x128xf32, #tpu.memory_space<vmem>> -> memref<1x40x128xf32, #tpu.memory_space<vmem>>
      %dma_start3A_927 = tpu.memref_squeeze %dma_start3A_926 : memref<1x40x128xf32, #tpu.memory_space<vmem>> -> memref<40x128xf32, #tpu.memory_space<vmem>>
      tpu.enqueue_dma source(%dma_start3A_927 : memref<40x128xf32, #tpu.memory_space<vmem>>) target(%dma_start3A_923 : memref<40x128xf32, #tpu.memory_space<vmem_shared>>) target_semaphore(%run_scoped3A_915 : memref<!tpu.dma_semaphore, #tpu.memory_space<semaphore_mem>>)
      %dma_wait3A_928 = arith.constant 0 : i32
      %dma_wait3A_929 = arith.constant 0 : i32
      %dma_wait3A_930 = tpu.memref_slice %arg9[%run_scoped3A_45, %dma_wait3A_928, %dma_wait3A_929] : memref<5x40x128xf32, #tpu.memory_space<vmem>> -> memref<1x40x128xf32, #tpu.memory_space<vmem>>
      %dma_wait3A_931 = tpu.memref_squeeze %dma_wait3A_930 : memref<1x40x128xf32, #tpu.memory_space<vmem>> -> memref<40x128xf32, #tpu.memory_space<vmem>>
      %dma_wait3A_932 = arith.constant 0 : i32
      %dma_wait3A_933 = tpu.memref_slice %arg6[%add3A_44, %dma_wait3A_932] : memref<10240x128xf32, #tpu.memory_space<vmem_shared>> -> memref<40x128xf32, #tpu.memory_space<vmem_shared>>
      %dma_wait3A_934 = arith.constant 0 : i32
      %dma_wait3A_935 = tpu.memref_slice %arg6[%add3A_44, %dma_wait3A_934] : memref<10240x128xf32, #tpu.memory_space<vmem_shared>> -> memref<40x128xf32, #tpu.memory_space<vmem_shared>>
      %dma_wait3A_936 = arith.constant 0 : i32
      %dma_wait3A_937 = arith.constant 0 : i32
      %dma_wait3A_938 = tpu.memref_slice %arg9[%run_scoped3A_45, %dma_wait3A_936, %dma_wait3A_937] : memref<5x40x128xf32, #tpu.memory_space<vmem>> -> memref<1x40x128xf32, #tpu.memory_space<vmem>>
      %dma_wait3A_939 = tpu.memref_squeeze %dma_wait3A_938 : memref<1x40x128xf32, #tpu.memory_space<vmem>> -> memref<40x128xf32, #tpu.memory_space<vmem>>
      tpu.wait_dma2 semaphore(%run_scoped3A_915 : memref<!tpu.dma_semaphore, #tpu.memory_space<semaphore_mem>>) src(%dma_wait3A_939 : memref<40x128xf32, #tpu.memory_space<vmem>>) dst(%dma_wait3A_935 : memref<40x128xf32, #tpu.memory_space<vmem_shared>>)
      tpu.yield
    }) : () -> ()
    %add3A_46 = arith.constant 280 : i32
    %add3A_47 = arith.addi %mul3A_0, %add3A_46 : i32
    %run_scoped3A_48 = arith.constant 0 : i32
    "tpu.region"() ({
      %run_scoped3A_915 = tpu.sem_alloc : memref<!tpu.dma_semaphore, #tpu.memory_space<semaphore_mem>>
      %dma_start3A_916 = arith.constant 0 : i32
      %dma_start3A_917 = arith.constant 0 : i32
      %dma_start3A_918 = tpu.memref_slice %arg9[%run_scoped3A_48, %dma_start3A_916, %dma_start3A_917] : memref<5x40x128xf32, #tpu.memory_space<vmem>> -> memref<1x40x128xf32, #tpu.memory_space<vmem>>
      %dma_start3A_919 = tpu.memref_squeeze %dma_start3A_918 : memref<1x40x128xf32, #tpu.memory_space<vmem>> -> memref<40x128xf32, #tpu.memory_space<vmem>>
      %dma_start3A_920 = arith.constant 0 : i32
      %dma_start3A_921 = tpu.memref_slice %arg6[%add3A_47, %dma_start3A_920] : memref<10240x128xf32, #tpu.memory_space<vmem_shared>> -> memref<40x128xf32, #tpu.memory_space<vmem_shared>>
      %dma_start3A_922 = arith.constant 0 : i32
      %dma_start3A_923 = tpu.memref_slice %arg6[%add3A_47, %dma_start3A_922] : memref<10240x128xf32, #tpu.memory_space<vmem_shared>> -> memref<40x128xf32, #tpu.memory_space<vmem_shared>>
      %dma_start3A_924 = arith.constant 0 : i32
      %dma_start3A_925 = arith.constant 0 : i32
      %dma_start3A_926 = tpu.memref_slice %arg9[%run_scoped3A_48, %dma_start3A_924, %dma_start3A_925] : memref<5x40x128xf32, #tpu.memory_space<vmem>> -> memref<1x40x128xf32, #tpu.memory_space<vmem>>
      %dma_start3A_927 = tpu.memref_squeeze %dma_start3A_926 : memref<1x40x128xf32, #tpu.memory_space<vmem>> -> memref<40x128xf32, #tpu.memory_space<vmem>>
      tpu.enqueue_dma source(%dma_start3A_927 : memref<40x128xf32, #tpu.memory_space<vmem>>) target(%dma_start3A_923 : memref<40x128xf32, #tpu.memory_space<vmem_shared>>) target_semaphore(%run_scoped3A_915 : memref<!tpu.dma_semaphore, #tpu.memory_space<semaphore_mem>>)
      %dma_wait3A_928 = arith.constant 0 : i32
      %dma_wait3A_929 = arith.constant 0 : i32
      %dma_wait3A_930 = tpu.memref_slice %arg9[%run_scoped3A_48, %dma_wait3A_928, %dma_wait3A_929] : memref<5x40x128xf32, #tpu.memory_space<vmem>> -> memref<1x40x128xf32, #tpu.memory_space<vmem>>
      %dma_wait3A_931 = tpu.memref_squeeze %dma_wait3A_930 : memref<1x40x128xf32, #tpu.memory_space<vmem>> -> memref<40x128xf32, #tpu.memory_space<vmem>>
      %dma_wait3A_932 = arith.constant 0 : i32
      %dma_wait3A_933 = tpu.memref_slice %arg6[%add3A_47, %dma_wait3A_932] : memref<10240x128xf32, #tpu.memory_space<vmem_shared>> -> memref<40x128xf32, #tpu.memory_space<vmem_shared>>
      %dma_wait3A_934 = arith.constant 0 : i32
      %dma_wait3A_935 = tpu.memref_slice %arg6[%add3A_47, %dma_wait3A_934] : memref<10240x128xf32, #tpu.memory_space<vmem_shared>> -> memref<40x128xf32, #tpu.memory_space<vmem_shared>>
      %dma_wait3A_936 = arith.constant 0 : i32
      %dma_wait3A_937 = arith.constant 0 : i32
      %dma_wait3A_938 = tpu.memref_slice %arg9[%run_scoped3A_48, %dma_wait3A_936, %dma_wait3A_937] : memref<5x40x128xf32, #tpu.memory_space<vmem>> -> memref<1x40x128xf32, #tpu.memory_space<vmem>>
      %dma_wait3A_939 = tpu.memref_squeeze %dma_wait3A_938 : memref<1x40x128xf32, #tpu.memory_space<vmem>> -> memref<40x128xf32, #tpu.memory_space<vmem>>
      tpu.wait_dma2 semaphore(%run_scoped3A_915 : memref<!tpu.dma_semaphore, #tpu.memory_space<semaphore_mem>>) src(%dma_wait3A_939 : memref<40x128xf32, #tpu.memory_space<vmem>>) dst(%dma_wait3A_935 : memref<40x128xf32, #tpu.memory_space<vmem_shared>>)
      tpu.yield
    }) : () -> ()
    %add3A_49 = arith.constant 320 : i32
    %add3A_50 = arith.addi %mul3A_0, %add3A_49 : i32
    %run_scoped3A_51 = arith.constant 0 : i32
    "tpu.region"() ({
      %run_scoped3A_915 = tpu.sem_alloc : memref<!tpu.dma_semaphore, #tpu.memory_space<semaphore_mem>>
      %dma_start3A_916 = arith.constant 0 : i32
      %dma_start3A_917 = arith.constant 0 : i32
      %dma_start3A_918 = tpu.memref_slice %arg9[%run_scoped3A_51, %dma_start3A_916, %dma_start3A_917] : memref<5x40x128xf32, #tpu.memory_space<vmem>> -> memref<1x40x128xf32, #tpu.memory_space<vmem>>
      %dma_start3A_919 = tpu.memref_squeeze %dma_start3A_918 : memref<1x40x128xf32, #tpu.memory_space<vmem>> -> memref<40x128xf32, #tpu.memory_space<vmem>>
      %dma_start3A_920 = arith.constant 0 : i32
      %dma_start3A_921 = tpu.memref_slice %arg6[%add3A_50, %dma_start3A_920] : memref<10240x128xf32, #tpu.memory_space<vmem_shared>> -> memref<40x128xf32, #tpu.memory_space<vmem_shared>>
      %dma_start3A_922 = arith.constant 0 : i32
      %dma_start3A_923 = tpu.memref_slice %arg6[%add3A_50, %dma_start3A_922] : memref<10240x128xf32, #tpu.memory_space<vmem_shared>> -> memref<40x128xf32, #tpu.memory_space<vmem_shared>>
      %dma_start3A_924 = arith.constant 0 : i32
      %dma_start3A_925 = arith.constant 0 : i32
      %dma_start3A_926 = tpu.memref_slice %arg9[%run_scoped3A_51, %dma_start3A_924, %dma_start3A_925] : memref<5x40x128xf32, #tpu.memory_space<vmem>> -> memref<1x40x128xf32, #tpu.memory_space<vmem>>
      %dma_start3A_927 = tpu.memref_squeeze %dma_start3A_926 : memref<1x40x128xf32, #tpu.memory_space<vmem>> -> memref<40x128xf32, #tpu.memory_space<vmem>>
      tpu.enqueue_dma source(%dma_start3A_927 : memref<40x128xf32, #tpu.memory_space<vmem>>) target(%dma_start3A_923 : memref<40x128xf32, #tpu.memory_space<vmem_shared>>) target_semaphore(%run_scoped3A_915 : memref<!tpu.dma_semaphore, #tpu.memory_space<semaphore_mem>>)
      %dma_wait3A_928 = arith.constant 0 : i32
      %dma_wait3A_929 = arith.constant 0 : i32
      %dma_wait3A_930 = tpu.memref_slice %arg9[%run_scoped3A_51, %dma_wait3A_928, %dma_wait3A_929] : memref<5x40x128xf32, #tpu.memory_space<vmem>> -> memref<1x40x128xf32, #tpu.memory_space<vmem>>
      %dma_wait3A_931 = tpu.memref_squeeze %dma_wait3A_930 : memref<1x40x128xf32, #tpu.memory_space<vmem>> -> memref<40x128xf32, #tpu.memory_space<vmem>>
      %dma_wait3A_932 = arith.constant 0 : i32
      %dma_wait3A_933 = tpu.memref_slice %arg6[%add3A_50, %dma_wait3A_932] : memref<10240x128xf32, #tpu.memory_space<vmem_shared>> -> memref<40x128xf32, #tpu.memory_space<vmem_shared>>
      %dma_wait3A_934 = arith.constant 0 : i32
      %dma_wait3A_935 = tpu.memref_slice %arg6[%add3A_50, %dma_wait3A_934] : memref<10240x128xf32, #tpu.memory_space<vmem_shared>> -> memref<40x128xf32, #tpu.memory_space<vmem_shared>>
      %dma_wait3A_936 = arith.constant 0 : i32
      %dma_wait3A_937 = arith.constant 0 : i32
      %dma_wait3A_938 = tpu.memref_slice %arg9[%run_scoped3A_51, %dma_wait3A_936, %dma_wait3A_937] : memref<5x40x128xf32, #tpu.memory_space<vmem>> -> memref<1x40x128xf32, #tpu.memory_space<vmem>>
      %dma_wait3A_939 = tpu.memref_squeeze %dma_wait3A_938 : memref<1x40x128xf32, #tpu.memory_space<vmem>> -> memref<40x128xf32, #tpu.memory_space<vmem>>
      tpu.wait_dma2 semaphore(%run_scoped3A_915 : memref<!tpu.dma_semaphore, #tpu.memory_space<semaphore_mem>>) src(%dma_wait3A_939 : memref<40x128xf32, #tpu.memory_space<vmem>>) dst(%dma_wait3A_935 : memref<40x128xf32, #tpu.memory_space<vmem_shared>>)
      tpu.yield
    }) : () -> ()
    %add3A_52 = arith.constant 360 : i32
    %add3A_53 = arith.addi %mul3A_0, %add3A_52 : i32
    %run_scoped3A_54 = arith.constant 0 : i32
    "tpu.region"() ({
      %run_scoped3A_915 = tpu.sem_alloc : memref<!tpu.dma_semaphore, #tpu.memory_space<semaphore_mem>>
      %dma_start3A_916 = arith.constant 0 : i32
      %dma_start3A_917 = arith.constant 0 : i32
      %dma_start3A_918 = tpu.memref_slice %arg9[%run_scoped3A_54, %dma_start3A_916, %dma_start3A_917] : memref<5x40x128xf32, #tpu.memory_space<vmem>> -> memref<1x40x128xf32, #tpu.memory_space<vmem>>
      %dma_start3A_919 = tpu.memref_squeeze %dma_start3A_918 : memref<1x40x128xf32, #tpu.memory_space<vmem>> -> memref<40x128xf32, #tpu.memory_space<vmem>>
      %dma_start3A_920 = arith.constant 0 : i32
      %dma_start3A_921 = tpu.memref_slice %arg6[%add3A_53, %dma_start3A_920] : memref<10240x128xf32, #tpu.memory_space<vmem_shared>> -> memref<40x128xf32, #tpu.memory_space<vmem_shared>>
      %dma_start3A_922 = arith.constant 0 : i32
      %dma_start3A_923 = tpu.memref_slice %arg6[%add3A_53, %dma_start3A_922] : memref<10240x128xf32, #tpu.memory_space<vmem_shared>> -> memref<40x128xf32, #tpu.memory_space<vmem_shared>>
      %dma_start3A_924 = arith.constant 0 : i32
      %dma_start3A_925 = arith.constant 0 : i32
      %dma_start3A_926 = tpu.memref_slice %arg9[%run_scoped3A_54, %dma_start3A_924, %dma_start3A_925] : memref<5x40x128xf32, #tpu.memory_space<vmem>> -> memref<1x40x128xf32, #tpu.memory_space<vmem>>
      %dma_start3A_927 = tpu.memref_squeeze %dma_start3A_926 : memref<1x40x128xf32, #tpu.memory_space<vmem>> -> memref<40x128xf32, #tpu.memory_space<vmem>>
      tpu.enqueue_dma source(%dma_start3A_927 : memref<40x128xf32, #tpu.memory_space<vmem>>) target(%dma_start3A_923 : memref<40x128xf32, #tpu.memory_space<vmem_shared>>) target_semaphore(%run_scoped3A_915 : memref<!tpu.dma_semaphore, #tpu.memory_space<semaphore_mem>>)
      %dma_wait3A_928 = arith.constant 0 : i32
      %dma_wait3A_929 = arith.constant 0 : i32
      %dma_wait3A_930 = tpu.memref_slice %arg9[%run_scoped3A_54, %dma_wait3A_928, %dma_wait3A_929] : memref<5x40x128xf32, #tpu.memory_space<vmem>> -> memref<1x40x128xf32, #tpu.memory_space<vmem>>
      %dma_wait3A_931 = tpu.memref_squeeze %dma_wait3A_930 : memref<1x40x128xf32, #tpu.memory_space<vmem>> -> memref<40x128xf32, #tpu.memory_space<vmem>>
      %dma_wait3A_932 = arith.constant 0 : i32
      %dma_wait3A_933 = tpu.memref_slice %arg6[%add3A_53, %dma_wait3A_932] : memref<10240x128xf32, #tpu.memory_space<vmem_shared>> -> memref<40x128xf32, #tpu.memory_space<vmem_shared>>
      %dma_wait3A_934 = arith.constant 0 : i32
      %dma_wait3A_935 = tpu.memref_slice %arg6[%add3A_53, %dma_wait3A_934] : memref<10240x128xf32, #tpu.memory_space<vmem_shared>> -> memref<40x128xf32, #tpu.memory_space<vmem_shared>>
      %dma_wait3A_936 = arith.constant 0 : i32
      %dma_wait3A_937 = arith.constant 0 : i32
      %dma_wait3A_938 = tpu.memref_slice %arg9[%run_scoped3A_54, %dma_wait3A_936, %dma_wait3A_937] : memref<5x40x128xf32, #tpu.memory_space<vmem>> -> memref<1x40x128xf32, #tpu.memory_space<vmem>>
      %dma_wait3A_939 = tpu.memref_squeeze %dma_wait3A_938 : memref<1x40x128xf32, #tpu.memory_space<vmem>> -> memref<40x128xf32, #tpu.memory_space<vmem>>
      tpu.wait_dma2 semaphore(%run_scoped3A_915 : memref<!tpu.dma_semaphore, #tpu.memory_space<semaphore_mem>>) src(%dma_wait3A_939 : memref<40x128xf32, #tpu.memory_space<vmem>>) dst(%dma_wait3A_935 : memref<40x128xf32, #tpu.memory_space<vmem_shared>>)
      tpu.yield
    }) : () -> ()
    %add3A_55 = arith.constant 400 : i32
    %add3A_56 = arith.addi %mul3A_0, %add3A_55 : i32
    %run_scoped3A_57 = arith.constant 0 : i32
    "tpu.region"() ({
      %run_scoped3A_915 = tpu.sem_alloc : memref<!tpu.dma_semaphore, #tpu.memory_space<semaphore_mem>>
      %dma_start3A_916 = arith.constant 0 : i32
      %dma_start3A_917 = arith.constant 0 : i32
      %dma_start3A_918 = tpu.memref_slice %arg9[%run_scoped3A_57, %dma_start3A_916, %dma_start3A_917] : memref<5x40x128xf32, #tpu.memory_space<vmem>> -> memref<1x40x128xf32, #tpu.memory_space<vmem>>
      %dma_start3A_919 = tpu.memref_squeeze %dma_start3A_918 : memref<1x40x128xf32, #tpu.memory_space<vmem>> -> memref<40x128xf32, #tpu.memory_space<vmem>>
      %dma_start3A_920 = arith.constant 0 : i32
      %dma_start3A_921 = tpu.memref_slice %arg6[%add3A_56, %dma_start3A_920] : memref<10240x128xf32, #tpu.memory_space<vmem_shared>> -> memref<40x128xf32, #tpu.memory_space<vmem_shared>>
      %dma_start3A_922 = arith.constant 0 : i32
      %dma_start3A_923 = tpu.memref_slice %arg6[%add3A_56, %dma_start3A_922] : memref<10240x128xf32, #tpu.memory_space<vmem_shared>> -> memref<40x128xf32, #tpu.memory_space<vmem_shared>>
      %dma_start3A_924 = arith.constant 0 : i32
      %dma_start3A_925 = arith.constant 0 : i32
      %dma_start3A_926 = tpu.memref_slice %arg9[%run_scoped3A_57, %dma_start3A_924, %dma_start3A_925] : memref<5x40x128xf32, #tpu.memory_space<vmem>> -> memref<1x40x128xf32, #tpu.memory_space<vmem>>
      %dma_start3A_927 = tpu.memref_squeeze %dma_start3A_926 : memref<1x40x128xf32, #tpu.memory_space<vmem>> -> memref<40x128xf32, #tpu.memory_space<vmem>>
      tpu.enqueue_dma source(%dma_start3A_927 : memref<40x128xf32, #tpu.memory_space<vmem>>) target(%dma_start3A_923 : memref<40x128xf32, #tpu.memory_space<vmem_shared>>) target_semaphore(%run_scoped3A_915 : memref<!tpu.dma_semaphore, #tpu.memory_space<semaphore_mem>>)
      %dma_wait3A_928 = arith.constant 0 : i32
      %dma_wait3A_929 = arith.constant 0 : i32
      %dma_wait3A_930 = tpu.memref_slice %arg9[%run_scoped3A_57, %dma_wait3A_928, %dma_wait3A_929] : memref<5x40x128xf32, #tpu.memory_space<vmem>> -> memref<1x40x128xf32, #tpu.memory_space<vmem>>
      %dma_wait3A_931 = tpu.memref_squeeze %dma_wait3A_930 : memref<1x40x128xf32, #tpu.memory_space<vmem>> -> memref<40x128xf32, #tpu.memory_space<vmem>>
      %dma_wait3A_932 = arith.constant 0 : i32
      %dma_wait3A_933 = tpu.memref_slice %arg6[%add3A_56, %dma_wait3A_932] : memref<10240x128xf32, #tpu.memory_space<vmem_shared>> -> memref<40x128xf32, #tpu.memory_space<vmem_shared>>
      %dma_wait3A_934 = arith.constant 0 : i32
      %dma_wait3A_935 = tpu.memref_slice %arg6[%add3A_56, %dma_wait3A_934] : memref<10240x128xf32, #tpu.memory_space<vmem_shared>> -> memref<40x128xf32, #tpu.memory_space<vmem_shared>>
      %dma_wait3A_936 = arith.constant 0 : i32
      %dma_wait3A_937 = arith.constant 0 : i32
      %dma_wait3A_938 = tpu.memref_slice %arg9[%run_scoped3A_57, %dma_wait3A_936, %dma_wait3A_937] : memref<5x40x128xf32, #tpu.memory_space<vmem>> -> memref<1x40x128xf32, #tpu.memory_space<vmem>>
      %dma_wait3A_939 = tpu.memref_squeeze %dma_wait3A_938 : memref<1x40x128xf32, #tpu.memory_space<vmem>> -> memref<40x128xf32, #tpu.memory_space<vmem>>
      tpu.wait_dma2 semaphore(%run_scoped3A_915 : memref<!tpu.dma_semaphore, #tpu.memory_space<semaphore_mem>>) src(%dma_wait3A_939 : memref<40x128xf32, #tpu.memory_space<vmem>>) dst(%dma_wait3A_935 : memref<40x128xf32, #tpu.memory_space<vmem_shared>>)
      tpu.yield
    }) : () -> ()
    %add3A_58 = arith.constant 440 : i32
    %add3A_59 = arith.addi %mul3A_0, %add3A_58 : i32
    %run_scoped3A_60 = arith.constant 0 : i32
    "tpu.region"() ({
      %run_scoped3A_915 = tpu.sem_alloc : memref<!tpu.dma_semaphore, #tpu.memory_space<semaphore_mem>>
      %dma_start3A_916 = arith.constant 0 : i32
      %dma_start3A_917 = arith.constant 0 : i32
      %dma_start3A_918 = tpu.memref_slice %arg9[%run_scoped3A_60, %dma_start3A_916, %dma_start3A_917] : memref<5x40x128xf32, #tpu.memory_space<vmem>> -> memref<1x40x128xf32, #tpu.memory_space<vmem>>
      %dma_start3A_919 = tpu.memref_squeeze %dma_start3A_918 : memref<1x40x128xf32, #tpu.memory_space<vmem>> -> memref<40x128xf32, #tpu.memory_space<vmem>>
      %dma_start3A_920 = arith.constant 0 : i32
      %dma_start3A_921 = tpu.memref_slice %arg6[%add3A_59, %dma_start3A_920] : memref<10240x128xf32, #tpu.memory_space<vmem_shared>> -> memref<40x128xf32, #tpu.memory_space<vmem_shared>>
      %dma_start3A_922 = arith.constant 0 : i32
      %dma_start3A_923 = tpu.memref_slice %arg6[%add3A_59, %dma_start3A_922] : memref<10240x128xf32, #tpu.memory_space<vmem_shared>> -> memref<40x128xf32, #tpu.memory_space<vmem_shared>>
      %dma_start3A_924 = arith.constant 0 : i32
      %dma_start3A_925 = arith.constant 0 : i32
      %dma_start3A_926 = tpu.memref_slice %arg9[%run_scoped3A_60, %dma_start3A_924, %dma_start3A_925] : memref<5x40x128xf32, #tpu.memory_space<vmem>> -> memref<1x40x128xf32, #tpu.memory_space<vmem>>
      %dma_start3A_927 = tpu.memref_squeeze %dma_start3A_926 : memref<1x40x128xf32, #tpu.memory_space<vmem>> -> memref<40x128xf32, #tpu.memory_space<vmem>>
      tpu.enqueue_dma source(%dma_start3A_927 : memref<40x128xf32, #tpu.memory_space<vmem>>) target(%dma_start3A_923 : memref<40x128xf32, #tpu.memory_space<vmem_shared>>) target_semaphore(%run_scoped3A_915 : memref<!tpu.dma_semaphore, #tpu.memory_space<semaphore_mem>>)
      %dma_wait3A_928 = arith.constant 0 : i32
      %dma_wait3A_929 = arith.constant 0 : i32
      %dma_wait3A_930 = tpu.memref_slice %arg9[%run_scoped3A_60, %dma_wait3A_928, %dma_wait3A_929] : memref<5x40x128xf32, #tpu.memory_space<vmem>> -> memref<1x40x128xf32, #tpu.memory_space<vmem>>
      %dma_wait3A_931 = tpu.memref_squeeze %dma_wait3A_930 : memref<1x40x128xf32, #tpu.memory_space<vmem>> -> memref<40x128xf32, #tpu.memory_space<vmem>>
      %dma_wait3A_932 = arith.constant 0 : i32
      %dma_wait3A_933 = tpu.memref_slice %arg6[%add3A_59, %dma_wait3A_932] : memref<10240x128xf32, #tpu.memory_space<vmem_shared>> -> memref<40x128xf32, #tpu.memory_space<vmem_shared>>
      %dma_wait3A_934 = arith.constant 0 : i32
      %dma_wait3A_935 = tpu.memref_slice %arg6[%add3A_59, %dma_wait3A_934] : memref<10240x128xf32, #tpu.memory_space<vmem_shared>> -> memref<40x128xf32, #tpu.memory_space<vmem_shared>>
      %dma_wait3A_936 = arith.constant 0 : i32
      %dma_wait3A_937 = arith.constant 0 : i32
      %dma_wait3A_938 = tpu.memref_slice %arg9[%run_scoped3A_60, %dma_wait3A_936, %dma_wait3A_937] : memref<5x40x128xf32, #tpu.memory_space<vmem>> -> memref<1x40x128xf32, #tpu.memory_space<vmem>>
      %dma_wait3A_939 = tpu.memref_squeeze %dma_wait3A_938 : memref<1x40x128xf32, #tpu.memory_space<vmem>> -> memref<40x128xf32, #tpu.memory_space<vmem>>
      tpu.wait_dma2 semaphore(%run_scoped3A_915 : memref<!tpu.dma_semaphore, #tpu.memory_space<semaphore_mem>>) src(%dma_wait3A_939 : memref<40x128xf32, #tpu.memory_space<vmem>>) dst(%dma_wait3A_935 : memref<40x128xf32, #tpu.memory_space<vmem_shared>>)
      tpu.yield
    }) : () -> ()
    %add3A_61 = arith.constant 480 : i32
    %add3A_62 = arith.addi %mul3A_0, %add3A_61 : i32
    %run_scoped3A_63 = arith.constant 0 : i32
    "tpu.region"() ({
      %run_scoped3A_915 = tpu.sem_alloc : memref<!tpu.dma_semaphore, #tpu.memory_space<semaphore_mem>>
      %dma_start3A_916 = arith.constant 0 : i32
      %dma_start3A_917 = arith.constant 0 : i32
      %dma_start3A_918 = tpu.memref_slice %arg9[%run_scoped3A_63, %dma_start3A_916, %dma_start3A_917] : memref<5x40x128xf32, #tpu.memory_space<vmem>> -> memref<1x40x128xf32, #tpu.memory_space<vmem>>
      %dma_start3A_919 = tpu.memref_squeeze %dma_start3A_918 : memref<1x40x128xf32, #tpu.memory_space<vmem>> -> memref<40x128xf32, #tpu.memory_space<vmem>>
      %dma_start3A_920 = arith.constant 0 : i32
      %dma_start3A_921 = tpu.memref_slice %arg6[%add3A_62, %dma_start3A_920] : memref<10240x128xf32, #tpu.memory_space<vmem_shared>> -> memref<40x128xf32, #tpu.memory_space<vmem_shared>>
      %dma_start3A_922 = arith.constant 0 : i32
      %dma_start3A_923 = tpu.memref_slice %arg6[%add3A_62, %dma_start3A_922] : memref<10240x128xf32, #tpu.memory_space<vmem_shared>> -> memref<40x128xf32, #tpu.memory_space<vmem_shared>>
      %dma_start3A_924 = arith.constant 0 : i32
      %dma_start3A_925 = arith.constant 0 : i32
      %dma_start3A_926 = tpu.memref_slice %arg9[%run_scoped3A_63, %dma_start3A_924, %dma_start3A_925] : memref<5x40x128xf32, #tpu.memory_space<vmem>> -> memref<1x40x128xf32, #tpu.memory_space<vmem>>
      %dma_start3A_927 = tpu.memref_squeeze %dma_start3A_926 : memref<1x40x128xf32, #tpu.memory_space<vmem>> -> memref<40x128xf32, #tpu.memory_space<vmem>>
      tpu.enqueue_dma source(%dma_start3A_927 : memref<40x128xf32, #tpu.memory_space<vmem>>) target(%dma_start3A_923 : memref<40x128xf32, #tpu.memory_space<vmem_shared>>) target_semaphore(%run_scoped3A_915 : memref<!tpu.dma_semaphore, #tpu.memory_space<semaphore_mem>>)
      %dma_wait3A_928 = arith.constant 0 : i32
      %dma_wait3A_929 = arith.constant 0 : i32
      %dma_wait3A_930 = tpu.memref_slice %arg9[%run_scoped3A_63, %dma_wait3A_928, %dma_wait3A_929] : memref<5x40x128xf32, #tpu.memory_space<vmem>> -> memref<1x40x128xf32, #tpu.memory_space<vmem>>
      %dma_wait3A_931 = tpu.memref_squeeze %dma_wait3A_930 : memref<1x40x128xf32, #tpu.memory_space<vmem>> -> memref<40x128xf32, #tpu.memory_space<vmem>>
      %dma_wait3A_932 = arith.constant 0 : i32
      %dma_wait3A_933 = tpu.memref_slice %arg6[%add3A_62, %dma_wait3A_932] : memref<10240x128xf32, #tpu.memory_space<vmem_shared>> -> memref<40x128xf32, #tpu.memory_space<vmem_shared>>
      %dma_wait3A_934 = arith.constant 0 : i32
      %dma_wait3A_935 = tpu.memref_slice %arg6[%add3A_62, %dma_wait3A_934] : memref<10240x128xf32, #tpu.memory_space<vmem_shared>> -> memref<40x128xf32, #tpu.memory_space<vmem_shared>>
      %dma_wait3A_936 = arith.constant 0 : i32
      %dma_wait3A_937 = arith.constant 0 : i32
      %dma_wait3A_938 = tpu.memref_slice %arg9[%run_scoped3A_63, %dma_wait3A_936, %dma_wait3A_937] : memref<5x40x128xf32, #tpu.memory_space<vmem>> -> memref<1x40x128xf32, #tpu.memory_space<vmem>>
      %dma_wait3A_939 = tpu.memref_squeeze %dma_wait3A_938 : memref<1x40x128xf32, #tpu.memory_space<vmem>> -> memref<40x128xf32, #tpu.memory_space<vmem>>
      tpu.wait_dma2 semaphore(%run_scoped3A_915 : memref<!tpu.dma_semaphore, #tpu.memory_space<semaphore_mem>>) src(%dma_wait3A_939 : memref<40x128xf32, #tpu.memory_space<vmem>>) dst(%dma_wait3A_935 : memref<40x128xf32, #tpu.memory_space<vmem_shared>>)
      tpu.yield
    }) : () -> ()
    %add3A_64 = arith.constant 520 : i32
    %add3A_65 = arith.addi %mul3A_0, %add3A_64 : i32
    %run_scoped3A_66 = arith.constant 0 : i32
    "tpu.region"() ({
      %run_scoped3A_915 = tpu.sem_alloc : memref<!tpu.dma_semaphore, #tpu.memory_space<semaphore_mem>>
      %dma_start3A_916 = arith.constant 0 : i32
      %dma_start3A_917 = arith.constant 0 : i32
      %dma_start3A_918 = tpu.memref_slice %arg9[%run_scoped3A_66, %dma_start3A_916, %dma_start3A_917] : memref<5x40x128xf32, #tpu.memory_space<vmem>> -> memref<1x40x128xf32, #tpu.memory_space<vmem>>
      %dma_start3A_919 = tpu.memref_squeeze %dma_start3A_918 : memref<1x40x128xf32, #tpu.memory_space<vmem>> -> memref<40x128xf32, #tpu.memory_space<vmem>>
      %dma_start3A_920 = arith.constant 0 : i32
      %dma_start3A_921 = tpu.memref_slice %arg6[%add3A_65, %dma_start3A_920] : memref<10240x128xf32, #tpu.memory_space<vmem_shared>> -> memref<40x128xf32, #tpu.memory_space<vmem_shared>>
      %dma_start3A_922 = arith.constant 0 : i32
      %dma_start3A_923 = tpu.memref_slice %arg6[%add3A_65, %dma_start3A_922] : memref<10240x128xf32, #tpu.memory_space<vmem_shared>> -> memref<40x128xf32, #tpu.memory_space<vmem_shared>>
      %dma_start3A_924 = arith.constant 0 : i32
      %dma_start3A_925 = arith.constant 0 : i32
      %dma_start3A_926 = tpu.memref_slice %arg9[%run_scoped3A_66, %dma_start3A_924, %dma_start3A_925] : memref<5x40x128xf32, #tpu.memory_space<vmem>> -> memref<1x40x128xf32, #tpu.memory_space<vmem>>
      %dma_start3A_927 = tpu.memref_squeeze %dma_start3A_926 : memref<1x40x128xf32, #tpu.memory_space<vmem>> -> memref<40x128xf32, #tpu.memory_space<vmem>>
      tpu.enqueue_dma source(%dma_start3A_927 : memref<40x128xf32, #tpu.memory_space<vmem>>) target(%dma_start3A_923 : memref<40x128xf32, #tpu.memory_space<vmem_shared>>) target_semaphore(%run_scoped3A_915 : memref<!tpu.dma_semaphore, #tpu.memory_space<semaphore_mem>>)
      %dma_wait3A_928 = arith.constant 0 : i32
      %dma_wait3A_929 = arith.constant 0 : i32
      %dma_wait3A_930 = tpu.memref_slice %arg9[%run_scoped3A_66, %dma_wait3A_928, %dma_wait3A_929] : memref<5x40x128xf32, #tpu.memory_space<vmem>> -> memref<1x40x128xf32, #tpu.memory_space<vmem>>
      %dma_wait3A_931 = tpu.memref_squeeze %dma_wait3A_930 : memref<1x40x128xf32, #tpu.memory_space<vmem>> -> memref<40x128xf32, #tpu.memory_space<vmem>>
      %dma_wait3A_932 = arith.constant 0 : i32
      %dma_wait3A_933 = tpu.memref_slice %arg6[%add3A_65, %dma_wait3A_932] : memref<10240x128xf32, #tpu.memory_space<vmem_shared>> -> memref<40x128xf32, #tpu.memory_space<vmem_shared>>
      %dma_wait3A_934 = arith.constant 0 : i32
      %dma_wait3A_935 = tpu.memref_slice %arg6[%add3A_65, %dma_wait3A_934] : memref<10240x128xf32, #tpu.memory_space<vmem_shared>> -> memref<40x128xf32, #tpu.memory_space<vmem_shared>>
      %dma_wait3A_936 = arith.constant 0 : i32
      %dma_wait3A_937 = arith.constant 0 : i32
      %dma_wait3A_938 = tpu.memref_slice %arg9[%run_scoped3A_66, %dma_wait3A_936, %dma_wait3A_937] : memref<5x40x128xf32, #tpu.memory_space<vmem>> -> memref<1x40x128xf32, #tpu.memory_space<vmem>>
      %dma_wait3A_939 = tpu.memref_squeeze %dma_wait3A_938 : memref<1x40x128xf32, #tpu.memory_space<vmem>> -> memref<40x128xf32, #tpu.memory_space<vmem>>
      tpu.wait_dma2 semaphore(%run_scoped3A_915 : memref<!tpu.dma_semaphore, #tpu.memory_space<semaphore_mem>>) src(%dma_wait3A_939 : memref<40x128xf32, #tpu.memory_space<vmem>>) dst(%dma_wait3A_935 : memref<40x128xf32, #tpu.memory_space<vmem_shared>>)
      tpu.yield
    }) : () -> ()
    %add3A_67 = arith.constant 560 : i32
    %add3A_68 = arith.addi %mul3A_0, %add3A_67 : i32
    %run_scoped3A_69 = arith.constant 0 : i32
    "tpu.region"() ({
      %run_scoped3A_915 = tpu.sem_alloc : memref<!tpu.dma_semaphore, #tpu.memory_space<semaphore_mem>>
      %dma_start3A_916 = arith.constant 0 : i32
      %dma_start3A_917 = arith.constant 0 : i32
      %dma_start3A_918 = tpu.memref_slice %arg9[%run_scoped3A_69, %dma_start3A_916, %dma_start3A_917] : memref<5x40x128xf32, #tpu.memory_space<vmem>> -> memref<1x40x128xf32, #tpu.memory_space<vmem>>
      %dma_start3A_919 = tpu.memref_squeeze %dma_start3A_918 : memref<1x40x128xf32, #tpu.memory_space<vmem>> -> memref<40x128xf32, #tpu.memory_space<vmem>>
      %dma_start3A_920 = arith.constant 0 : i32
      %dma_start3A_921 = tpu.memref_slice %arg6[%add3A_68, %dma_start3A_920] : memref<10240x128xf32, #tpu.memory_space<vmem_shared>> -> memref<40x128xf32, #tpu.memory_space<vmem_shared>>
      %dma_start3A_922 = arith.constant 0 : i32
      %dma_start3A_923 = tpu.memref_slice %arg6[%add3A_68, %dma_start3A_922] : memref<10240x128xf32, #tpu.memory_space<vmem_shared>> -> memref<40x128xf32, #tpu.memory_space<vmem_shared>>
      %dma_start3A_924 = arith.constant 0 : i32
      %dma_start3A_925 = arith.constant 0 : i32
      %dma_start3A_926 = tpu.memref_slice %arg9[%run_scoped3A_69, %dma_start3A_924, %dma_start3A_925] : memref<5x40x128xf32, #tpu.memory_space<vmem>> -> memref<1x40x128xf32, #tpu.memory_space<vmem>>
      %dma_start3A_927 = tpu.memref_squeeze %dma_start3A_926 : memref<1x40x128xf32, #tpu.memory_space<vmem>> -> memref<40x128xf32, #tpu.memory_space<vmem>>
      tpu.enqueue_dma source(%dma_start3A_927 : memref<40x128xf32, #tpu.memory_space<vmem>>) target(%dma_start3A_923 : memref<40x128xf32, #tpu.memory_space<vmem_shared>>) target_semaphore(%run_scoped3A_915 : memref<!tpu.dma_semaphore, #tpu.memory_space<semaphore_mem>>)
      %dma_wait3A_928 = arith.constant 0 : i32
      %dma_wait3A_929 = arith.constant 0 : i32
      %dma_wait3A_930 = tpu.memref_slice %arg9[%run_scoped3A_69, %dma_wait3A_928, %dma_wait3A_929] : memref<5x40x128xf32, #tpu.memory_space<vmem>> -> memref<1x40x128xf32, #tpu.memory_space<vmem>>
      %dma_wait3A_931 = tpu.memref_squeeze %dma_wait3A_930 : memref<1x40x128xf32, #tpu.memory_space<vmem>> -> memref<40x128xf32, #tpu.memory_space<vmem>>
      %dma_wait3A_932 = arith.constant 0 : i32
      %dma_wait3A_933 = tpu.memref_slice %arg6[%add3A_68, %dma_wait3A_932] : memref<10240x128xf32, #tpu.memory_space<vmem_shared>> -> memref<40x128xf32, #tpu.memory_space<vmem_shared>>
      %dma_wait3A_934 = arith.constant 0 : i32
      %dma_wait3A_935 = tpu.memref_slice %arg6[%add3A_68, %dma_wait3A_934] : memref<10240x128xf32, #tpu.memory_space<vmem_shared>> -> memref<40x128xf32, #tpu.memory_space<vmem_shared>>
      %dma_wait3A_936 = arith.constant 0 : i32
      %dma_wait3A_937 = arith.constant 0 : i32
      %dma_wait3A_938 = tpu.memref_slice %arg9[%run_scoped3A_69, %dma_wait3A_936, %dma_wait3A_937] : memref<5x40x128xf32, #tpu.memory_space<vmem>> -> memref<1x40x128xf32, #tpu.memory_space<vmem>>
      %dma_wait3A_939 = tpu.memref_squeeze %dma_wait3A_938 : memref<1x40x128xf32, #tpu.memory_space<vmem>> -> memref<40x128xf32, #tpu.memory_space<vmem>>
      tpu.wait_dma2 semaphore(%run_scoped3A_915 : memref<!tpu.dma_semaphore, #tpu.memory_space<semaphore_mem>>) src(%dma_wait3A_939 : memref<40x128xf32, #tpu.memory_space<vmem>>) dst(%dma_wait3A_935 : memref<40x128xf32, #tpu.memory_space<vmem_shared>>)
      tpu.yield
    }) : () -> ()
    %add3A_70 = arith.constant 600 : i32
    %add3A_71 = arith.addi %mul3A_0, %add3A_70 : i32
    %run_scoped3A_72 = arith.constant 0 : i32
    "tpu.region"() ({
      %run_scoped3A_915 = tpu.sem_alloc : memref<!tpu.dma_semaphore, #tpu.memory_space<semaphore_mem>>
      %dma_start3A_916 = arith.constant 0 : i32
      %dma_start3A_917 = arith.constant 0 : i32
      %dma_start3A_918 = tpu.memref_slice %arg9[%run_scoped3A_72, %dma_start3A_916, %dma_start3A_917] : memref<5x40x128xf32, #tpu.memory_space<vmem>> -> memref<1x40x128xf32, #tpu.memory_space<vmem>>
      %dma_start3A_919 = tpu.memref_squeeze %dma_start3A_918 : memref<1x40x128xf32, #tpu.memory_space<vmem>> -> memref<40x128xf32, #tpu.memory_space<vmem>>
      %dma_start3A_920 = arith.constant 0 : i32
      %dma_start3A_921 = tpu.memref_slice %arg6[%add3A_71, %dma_start3A_920] : memref<10240x128xf32, #tpu.memory_space<vmem_shared>> -> memref<40x128xf32, #tpu.memory_space<vmem_shared>>
      %dma_start3A_922 = arith.constant 0 : i32
      %dma_start3A_923 = tpu.memref_slice %arg6[%add3A_71, %dma_start3A_922] : memref<10240x128xf32, #tpu.memory_space<vmem_shared>> -> memref<40x128xf32, #tpu.memory_space<vmem_shared>>
      %dma_start3A_924 = arith.constant 0 : i32
      %dma_start3A_925 = arith.constant 0 : i32
      %dma_start3A_926 = tpu.memref_slice %arg9[%run_scoped3A_72, %dma_start3A_924, %dma_start3A_925] : memref<5x40x128xf32, #tpu.memory_space<vmem>> -> memref<1x40x128xf32, #tpu.memory_space<vmem>>
      %dma_start3A_927 = tpu.memref_squeeze %dma_start3A_926 : memref<1x40x128xf32, #tpu.memory_space<vmem>> -> memref<40x128xf32, #tpu.memory_space<vmem>>
      tpu.enqueue_dma source(%dma_start3A_927 : memref<40x128xf32, #tpu.memory_space<vmem>>) target(%dma_start3A_923 : memref<40x128xf32, #tpu.memory_space<vmem_shared>>) target_semaphore(%run_scoped3A_915 : memref<!tpu.dma_semaphore, #tpu.memory_space<semaphore_mem>>)
      %dma_wait3A_928 = arith.constant 0 : i32
      %dma_wait3A_929 = arith.constant 0 : i32
      %dma_wait3A_930 = tpu.memref_slice %arg9[%run_scoped3A_72, %dma_wait3A_928, %dma_wait3A_929] : memref<5x40x128xf32, #tpu.memory_space<vmem>> -> memref<1x40x128xf32, #tpu.memory_space<vmem>>
      %dma_wait3A_931 = tpu.memref_squeeze %dma_wait3A_930 : memref<1x40x128xf32, #tpu.memory_space<vmem>> -> memref<40x128xf32, #tpu.memory_space<vmem>>
      %dma_wait3A_932 = arith.constant 0 : i32
      %dma_wait3A_933 = tpu.memref_slice %arg6[%add3A_71, %dma_wait3A_932] : memref<10240x128xf32, #tpu.memory_space<vmem_shared>> -> memref<40x128xf32, #tpu.memory_space<vmem_shared>>
      %dma_wait3A_934 = arith.constant 0 : i32
      %dma_wait3A_935 = tpu.memref_slice %arg6[%add3A_71, %dma_wait3A_934] : memref<10240x128xf32, #tpu.memory_space<vmem_shared>> -> memref<40x128xf32, #tpu.memory_space<vmem_shared>>
      %dma_wait3A_936 = arith.constant 0 : i32
      %dma_wait3A_937 = arith.constant 0 : i32
      %dma_wait3A_938 = tpu.memref_slice %arg9[%run_scoped3A_72, %dma_wait3A_936, %dma_wait3A_937] : memref<5x40x128xf32, #tpu.memory_space<vmem>> -> memref<1x40x128xf32, #tpu.memory_space<vmem>>
      %dma_wait3A_939 = tpu.memref_squeeze %dma_wait3A_938 : memref<1x40x128xf32, #tpu.memory_space<vmem>> -> memref<40x128xf32, #tpu.memory_space<vmem>>
      tpu.wait_dma2 semaphore(%run_scoped3A_915 : memref<!tpu.dma_semaphore, #tpu.memory_space<semaphore_mem>>) src(%dma_wait3A_939 : memref<40x128xf32, #tpu.memory_space<vmem>>) dst(%dma_wait3A_935 : memref<40x128xf32, #tpu.memory_space<vmem_shared>>)
      tpu.yield
    }) : () -> ()
    %barrier3A = arith.constant 0 : index
    tpu.barrier barrier_id(%barrier3A)
    %dma_wait3A = arith.constant 0 : i32
    %dma_wait3A_73 = arith.constant 0 : i32
    %dma_wait3A_74 = arith.constant 0 : i32
    %dma_wait3A_75 = tpu.memref_slice %arg3[%add3A, %dma_wait3A, %dma_wait3A_73, %dma_wait3A_74] : memref<32x5x50x40xi32, #tpu.memory_space<hbm>> -> memref<1x1x50x40xi32, #tpu.memory_space<hbm>>
    %dma_wait3A_76 = tpu.memref_squeeze %dma_wait3A_75 : memref<1x1x50x40xi32, #tpu.memory_space<hbm>> -> memref<50x40xi32, #tpu.memory_space<hbm>>
    %dma_wait3A_77 = arith.constant 0 : i32
    %dma_wait3A_78 = arith.constant 0 : i32
    %dma_wait3A_79 = tpu.memref_slice %arg3[%add3A, %dma_wait3A, %dma_wait3A_77, %dma_wait3A_78] : memref<32x5x50x40xi32, #tpu.memory_space<hbm>> -> memref<1x1x50x40xi32, #tpu.memory_space<hbm>>
    %dma_wait3A_80 = tpu.memref_squeeze %dma_wait3A_79 : memref<1x1x50x40xi32, #tpu.memory_space<hbm>> -> memref<50x40xi32, #tpu.memory_space<hbm>>
    tpu.wait_dma2 semaphore(%arg15 : memref<!tpu.dma_semaphore, #tpu.memory_space<semaphore_mem>>) src(%dma_wait3A_80 : memref<50x40xi32, #tpu.memory_space<hbm>>) dst(%arg7 : memref<50x40xi32, #tpu.memory_space<vmem>>)
    %dma_wait3A_81 = arith.constant 0 : i32
    %dma_wait3A_82 = arith.constant 0 : i32
    %dma_wait3A_83 = arith.constant 0 : i32
    %dma_wait3A_84 = tpu.memref_slice %arg4[%add3A, %dma_wait3A_81, %dma_wait3A_82, %dma_wait3A_83] : memref<32x5x50x40xi32, #tpu.memory_space<hbm>> -> memref<1x1x50x40xi32, #tpu.memory_space<hbm>>
    %dma_wait3A_85 = tpu.memref_squeeze %dma_wait3A_84 : memref<1x1x50x40xi32, #tpu.memory_space<hbm>> -> memref<50x40xi32, #tpu.memory_space<hbm>>
    %dma_wait3A_86 = arith.constant 0 : i32
    %dma_wait3A_87 = arith.constant 0 : i32
    %dma_wait3A_88 = tpu.memref_slice %arg4[%add3A, %dma_wait3A_81, %dma_wait3A_86, %dma_wait3A_87] : memref<32x5x50x40xi32, #tpu.memory_space<hbm>> -> memref<1x1x50x40xi32, #tpu.memory_space<hbm>>
    %dma_wait3A_89 = tpu.memref_squeeze %dma_wait3A_88 : memref<1x1x50x40xi32, #tpu.memory_space<hbm>> -> memref<50x40xi32, #tpu.memory_space<hbm>>
    tpu.wait_dma2 semaphore(%arg15 : memref<!tpu.dma_semaphore, #tpu.memory_space<semaphore_mem>>) src(%dma_wait3A_89 : memref<50x40xi32, #tpu.memory_space<hbm>>) dst(%arg8 : memref<50x40xi32, #tpu.memory_space<vmem>>)
    %dma_start3A_90 = arith.constant 0 : i32
    %dma_start3A_91 = arith.constant 0 : i32
    %dma_start3A_92 = arith.constant 0 : i32
    %dma_start3A_93 = arith.constant 0 : i32
    %dma_start3A_94 = tpu.memref_slice %arg9[%dma_start3A_91, %dma_start3A_92, %dma_start3A_93] : memref<5x40x128xf32, #tpu.memory_space<vmem>> -> memref<1x40x128xf32, #tpu.memory_space<vmem>>
    %dma_start3A_95 = tpu.memref_squeeze %dma_start3A_94 : memref<1x40x128xf32, #tpu.memory_space<vmem>> -> memref<40x128xf32, #tpu.memory_space<vmem>>
    %dma_start3A_96 = arith.constant 0 : i32
    %dma_start3A_97 = tpu.memref_slice %arg7[%dma_start3A_90, %dma_start3A_96] : memref<50x40xi32, #tpu.memory_space<vmem>> -> memref<1x40xi32, #tpu.memory_space<vmem>>
    %dma_start3A_98 = tpu.memref_squeeze %dma_start3A_97 : memref<1x40xi32, #tpu.memory_space<vmem>> -> memref<40xi32, #tpu.memory_space<vmem>>
    %dma_start3A_99 = arith.constant 0 : i32
    %dma_start3A_100 = arith.constant 0 : i32
    %dma_start3A_101 = tpu.memref_slice %arg2[%dma_start3A_99, %dma_start3A_100] : memref<10000x128xf32, #tpu.memory_space<hbm>> -> memref<10000x128xf32, #tpu.memory_space<hbm>>
    tpu.enqueue_indirect_dma source(%dma_start3A_101 : memref<10000x128xf32, #tpu.memory_space<hbm>>) target(%dma_start3A_95 : memref<40x128xf32, #tpu.memory_space<vmem>>) offsets(%dma_start3A_98 : memref<40xi32, #tpu.memory_space<vmem>>) semaphore(%arg10 : memref<!tpu.dma_semaphore, #tpu.memory_space<semaphore_mem>>)
    %dma_start3A_102 = arith.constant 1 : i32
    %dma_start3A_103 = arith.constant 1 : i32
    %dma_start3A_104 = arith.constant 0 : i32
    %dma_start3A_105 = arith.constant 0 : i32
    %dma_start3A_106 = tpu.memref_slice %arg9[%dma_start3A_103, %dma_start3A_104, %dma_start3A_105] : memref<5x40x128xf32, #tpu.memory_space<vmem>> -> memref<1x40x128xf32, #tpu.memory_space<vmem>>
    %dma_start3A_107 = tpu.memref_squeeze %dma_start3A_106 : memref<1x40x128xf32, #tpu.memory_space<vmem>> -> memref<40x128xf32, #tpu.memory_space<vmem>>
    %dma_start3A_108 = arith.constant 0 : i32
    %dma_start3A_109 = tpu.memref_slice %arg7[%dma_start3A_102, %dma_start3A_108] : memref<50x40xi32, #tpu.memory_space<vmem>> -> memref<1x40xi32, #tpu.memory_space<vmem>>
    %dma_start3A_110 = tpu.memref_squeeze %dma_start3A_109 : memref<1x40xi32, #tpu.memory_space<vmem>> -> memref<40xi32, #tpu.memory_space<vmem>>
    %dma_start3A_111 = arith.constant 0 : i32
    %dma_start3A_112 = arith.constant 0 : i32
    %dma_start3A_113 = tpu.memref_slice %arg2[%dma_start3A_111, %dma_start3A_112] : memref<10000x128xf32, #tpu.memory_space<hbm>> -> memref<10000x128xf32, #tpu.memory_space<hbm>>
    tpu.enqueue_indirect_dma source(%dma_start3A_113 : memref<10000x128xf32, #tpu.memory_space<hbm>>) target(%dma_start3A_107 : memref<40x128xf32, #tpu.memory_space<vmem>>) offsets(%dma_start3A_110 : memref<40xi32, #tpu.memory_space<vmem>>) semaphore(%arg11 : memref<!tpu.dma_semaphore, #tpu.memory_space<semaphore_mem>>)
    %dma_start3A_114 = arith.constant 2 : i32
    %dma_start3A_115 = arith.constant 2 : i32
    %dma_start3A_116 = arith.constant 0 : i32
    %dma_start3A_117 = arith.constant 0 : i32
    %dma_start3A_118 = tpu.memref_slice %arg9[%dma_start3A_115, %dma_start3A_116, %dma_start3A_117] : memref<5x40x128xf32, #tpu.memory_space<vmem>> -> memref<1x40x128xf32, #tpu.memory_space<vmem>>
    %dma_start3A_119 = tpu.memref_squeeze %dma_start3A_118 : memref<1x40x128xf32, #tpu.memory_space<vmem>> -> memref<40x128xf32, #tpu.memory_space<vmem>>
    %dma_start3A_120 = arith.constant 0 : i32
    %dma_start3A_121 = tpu.memref_slice %arg7[%dma_start3A_114, %dma_start3A_120] : memref<50x40xi32, #tpu.memory_space<vmem>> -> memref<1x40xi32, #tpu.memory_space<vmem>>
    %dma_start3A_122 = tpu.memref_squeeze %dma_start3A_121 : memref<1x40xi32, #tpu.memory_space<vmem>> -> memref<40xi32, #tpu.memory_space<vmem>>
    %dma_start3A_123 = arith.constant 0 : i32
    %dma_start3A_124 = arith.constant 0 : i32
    %dma_start3A_125 = tpu.memref_slice %arg2[%dma_start3A_123, %dma_start3A_124] : memref<10000x128xf32, #tpu.memory_space<hbm>> -> memref<10000x128xf32, #tpu.memory_space<hbm>>
    tpu.enqueue_indirect_dma source(%dma_start3A_125 : memref<10000x128xf32, #tpu.memory_space<hbm>>) target(%dma_start3A_119 : memref<40x128xf32, #tpu.memory_space<vmem>>) offsets(%dma_start3A_122 : memref<40xi32, #tpu.memory_space<vmem>>) semaphore(%arg12 : memref<!tpu.dma_semaphore, #tpu.memory_space<semaphore_mem>>)
    %dma_start3A_126 = arith.constant 3 : i32
    %dma_start3A_127 = arith.constant 3 : i32
    %dma_start3A_128 = arith.constant 0 : i32
    %dma_start3A_129 = arith.constant 0 : i32
    %dma_start3A_130 = tpu.memref_slice %arg9[%dma_start3A_127, %dma_start3A_128, %dma_start3A_129] : memref<5x40x128xf32, #tpu.memory_space<vmem>> -> memref<1x40x128xf32, #tpu.memory_space<vmem>>
    %dma_start3A_131 = tpu.memref_squeeze %dma_start3A_130 : memref<1x40x128xf32, #tpu.memory_space<vmem>> -> memref<40x128xf32, #tpu.memory_space<vmem>>
    %dma_start3A_132 = arith.constant 0 : i32
    %dma_start3A_133 = tpu.memref_slice %arg7[%dma_start3A_126, %dma_start3A_132] : memref<50x40xi32, #tpu.memory_space<vmem>> -> memref<1x40xi32, #tpu.memory_space<vmem>>
    %dma_start3A_134 = tpu.memref_squeeze %dma_start3A_133 : memref<1x40xi32, #tpu.memory_space<vmem>> -> memref<40xi32, #tpu.memory_space<vmem>>
    %dma_start3A_135 = arith.constant 0 : i32
    %dma_start3A_136 = arith.constant 0 : i32
    %dma_start3A_137 = tpu.memref_slice %arg2[%dma_start3A_135, %dma_start3A_136] : memref<10000x128xf32, #tpu.memory_space<hbm>> -> memref<10000x128xf32, #tpu.memory_space<hbm>>
    tpu.enqueue_indirect_dma source(%dma_start3A_137 : memref<10000x128xf32, #tpu.memory_space<hbm>>) target(%dma_start3A_131 : memref<40x128xf32, #tpu.memory_space<vmem>>) offsets(%dma_start3A_134 : memref<40xi32, #tpu.memory_space<vmem>>) semaphore(%arg13 : memref<!tpu.dma_semaphore, #tpu.memory_space<semaphore_mem>>)
    %dma_start3A_138 = arith.constant 4 : i32
    %dma_start3A_139 = arith.constant 4 : i32
    %dma_start3A_140 = arith.constant 0 : i32
    %dma_start3A_141 = arith.constant 0 : i32
    %dma_start3A_142 = tpu.memref_slice %arg9[%dma_start3A_139, %dma_start3A_140, %dma_start3A_141] : memref<5x40x128xf32, #tpu.memory_space<vmem>> -> memref<1x40x128xf32, #tpu.memory_space<vmem>>
    %dma_start3A_143 = tpu.memref_squeeze %dma_start3A_142 : memref<1x40x128xf32, #tpu.memory_space<vmem>> -> memref<40x128xf32, #tpu.memory_space<vmem>>
    %dma_start3A_144 = arith.constant 0 : i32
    %dma_start3A_145 = tpu.memref_slice %arg7[%dma_start3A_138, %dma_start3A_144] : memref<50x40xi32, #tpu.memory_space<vmem>> -> memref<1x40xi32, #tpu.memory_space<vmem>>
    %dma_start3A_146 = tpu.memref_squeeze %dma_start3A_145 : memref<1x40xi32, #tpu.memory_space<vmem>> -> memref<40xi32, #tpu.memory_space<vmem>>
    %dma_start3A_147 = arith.constant 0 : i32
    %dma_start3A_148 = arith.constant 0 : i32
    %dma_start3A_149 = tpu.memref_slice %arg2[%dma_start3A_147, %dma_start3A_148] : memref<10000x128xf32, #tpu.memory_space<hbm>> -> memref<10000x128xf32, #tpu.memory_space<hbm>>
    tpu.enqueue_indirect_dma source(%dma_start3A_149 : memref<10000x128xf32, #tpu.memory_space<hbm>>) target(%dma_start3A_143 : memref<40x128xf32, #tpu.memory_space<vmem>>) offsets(%dma_start3A_146 : memref<40xi32, #tpu.memory_space<vmem>>) semaphore(%arg14 : memref<!tpu.dma_semaphore, #tpu.memory_space<semaphore_mem>>)
    %scan3A_150 = arith.constant 0 : i32
    %scan3A_151 = arith.constant 0 : i32
    %scan3A_152 = arith.constant 9 : i32
    %scan3A_153 = arith.addi %scan3A_151, %scan3A_152 : i32
    %scan3A_154 = arith.constant 1 : i32
    scf.for %scan3A_915 = %scan3A_151 to %scan3A_153 step %scan3A_154  : i32 {
      %mul3A_916 = arith.constant 5 : i32
      %mul3A_917 = arith.muli %scan3A_915, %mul3A_916 : i32
      %add3A_918 = arith.constant 0 : i32
      %add3A_919 = arith.addi %mul3A_917, %add3A_918 : i32
      %dma_wait3A_920 = arith.constant 0 : i32
      %dma_wait3A_921 = arith.constant 0 : i32
      %dma_wait3A_922 = arith.constant 0 : i32
      %dma_wait3A_923 = tpu.memref_slice %arg9[%dma_wait3A_920, %dma_wait3A_921, %dma_wait3A_922] : memref<5x40x128xf32, #tpu.memory_space<vmem>> -> memref<1x40x128xf32, #tpu.memory_space<vmem>>
      %dma_wait3A_924 = tpu.memref_squeeze %dma_wait3A_923 : memref<1x40x128xf32, #tpu.memory_space<vmem>> -> memref<40x128xf32, #tpu.memory_space<vmem>>
      %dma_wait3A_925 = arith.constant 0 : i32
      %dma_wait3A_926 = tpu.memref_slice %arg7[%add3A_919, %dma_wait3A_925] : memref<50x40xi32, #tpu.memory_space<vmem>> -> memref<1x40xi32, #tpu.memory_space<vmem>>
      %dma_wait3A_927 = tpu.memref_squeeze %dma_wait3A_926 : memref<1x40xi32, #tpu.memory_space<vmem>> -> memref<40xi32, #tpu.memory_space<vmem>>
      %dma_wait3A_928 = arith.constant 0 : i32
      %dma_wait3A_929 = arith.constant 0 : i32
      %dma_wait3A_930 = tpu.memref_slice %arg2[%dma_wait3A_928, %dma_wait3A_929] : memref<10000x128xf32, #tpu.memory_space<hbm>> -> memref<10000x128xf32, #tpu.memory_space<hbm>>
      tpu.wait_indirect_dma semaphore(%arg10 : memref<!tpu.dma_semaphore, #tpu.memory_space<semaphore_mem>>) src(%dma_wait3A_930 : memref<10000x128xf32, #tpu.memory_space<hbm>>) dst(%dma_wait3A_924 : memref<40x128xf32, #tpu.memory_space<vmem>>)
      %run_scoped3A_931 = arith.constant 0 : i32
      "tpu.region"() ({
        %run_scoped3A_1061 = tpu.sem_alloc : memref<!tpu.dma_semaphore, #tpu.memory_space<semaphore_mem>>
        %dma_start3A_1062 = arith.constant 0 : i32
        %dma_start3A_1063 = arith.constant 0 : i32
        %dma_start3A_1064 = tpu.memref_slice %arg9[%run_scoped3A_931, %dma_start3A_1062, %dma_start3A_1063] : memref<5x40x128xf32, #tpu.memory_space<vmem>> -> memref<1x40x128xf32, #tpu.memory_space<vmem>>
        %dma_start3A_1065 = tpu.memref_squeeze %dma_start3A_1064 : memref<1x40x128xf32, #tpu.memory_space<vmem>> -> memref<40x128xf32, #tpu.memory_space<vmem>>
        %dma_start3A_1066 = arith.constant 0 : i32
        %dma_start3A_1067 = tpu.memref_slice %arg8[%add3A_919, %dma_start3A_1066] : memref<50x40xi32, #tpu.memory_space<vmem>> -> memref<1x40xi32, #tpu.memory_space<vmem>>
        %dma_start3A_1068 = tpu.memref_squeeze %dma_start3A_1067 : memref<1x40xi32, #tpu.memory_space<vmem>> -> memref<40xi32, #tpu.memory_space<vmem>>
        %dma_start3A_1069 = arith.constant 0 : i32
        %dma_start3A_1070 = arith.constant 0 : i32
        %dma_start3A_1071 = tpu.memref_slice %arg6[%dma_start3A_1069, %dma_start3A_1070] : memref<10240x128xf32, #tpu.memory_space<vmem_shared>> -> memref<10240x128xf32, #tpu.memory_space<vmem_shared>>
        tpu.enqueue_indirect_dma source(%dma_start3A_1065 : memref<40x128xf32, #tpu.memory_space<vmem>>) target(%dma_start3A_1071 : memref<10240x128xf32, #tpu.memory_space<vmem_shared>>) offsets(%dma_start3A_1068 : memref<40xi32, #tpu.memory_space<vmem>>) semaphore(%run_scoped3A_1061 : memref<!tpu.dma_semaphore, #tpu.memory_space<semaphore_mem>>) {add = true}
        %dma_wait3A_1072 = arith.constant 0 : i32
        %dma_wait3A_1073 = arith.constant 0 : i32
        %dma_wait3A_1074 = tpu.memref_slice %arg9[%run_scoped3A_931, %dma_wait3A_1072, %dma_wait3A_1073] : memref<5x40x128xf32, #tpu.memory_space<vmem>> -> memref<1x40x128xf32, #tpu.memory_space<vmem>>
        %dma_wait3A_1075 = tpu.memref_squeeze %dma_wait3A_1074 : memref<1x40x128xf32, #tpu.memory_space<vmem>> -> memref<40x128xf32, #tpu.memory_space<vmem>>
        %dma_wait3A_1076 = arith.constant 0 : i32
        %dma_wait3A_1077 = tpu.memref_slice %arg8[%add3A_919, %dma_wait3A_1076] : memref<50x40xi32, #tpu.memory_space<vmem>> -> memref<1x40xi32, #tpu.memory_space<vmem>>
        %dma_wait3A_1078 = tpu.memref_squeeze %dma_wait3A_1077 : memref<1x40xi32, #tpu.memory_space<vmem>> -> memref<40xi32, #tpu.memory_space<vmem>>
        %dma_wait3A_1079 = arith.constant 0 : i32
        %dma_wait3A_1080 = arith.constant 0 : i32
        %dma_wait3A_1081 = tpu.memref_slice %arg6[%dma_wait3A_1079, %dma_wait3A_1080] : memref<10240x128xf32, #tpu.memory_space<vmem_shared>> -> memref<10240x128xf32, #tpu.memory_space<vmem_shared>>
        tpu.wait_indirect_dma semaphore(%run_scoped3A_1061 : memref<!tpu.dma_semaphore, #tpu.memory_space<semaphore_mem>>) src(%dma_wait3A_1075 : memref<40x128xf32, #tpu.memory_space<vmem>>) dst(%dma_wait3A_1081 : memref<10240x128xf32, #tpu.memory_space<vmem_shared>>)
        tpu.yield
      }) : () -> ()
      %add3A_932 = arith.constant 5 : i32
      %add3A_933 = arith.addi %add3A_919, %add3A_932 : i32
      %dma_start3A_934 = arith.constant 0 : i32
      %dma_start3A_935 = arith.constant 0 : i32
      %dma_start3A_936 = arith.constant 0 : i32
      %dma_start3A_937 = tpu.memref_slice %arg9[%dma_start3A_934, %dma_start3A_935, %dma_start3A_936] : memref<5x40x128xf32, #tpu.memory_space<vmem>> -> memref<1x40x128xf32, #tpu.memory_space<vmem>>
      %dma_start3A_938 = tpu.memref_squeeze %dma_start3A_937 : memref<1x40x128xf32, #tpu.memory_space<vmem>> -> memref<40x128xf32, #tpu.memory_space<vmem>>
      %dma_start3A_939 = arith.constant 0 : i32
      %dma_start3A_940 = tpu.memref_slice %arg7[%add3A_933, %dma_start3A_939] : memref<50x40xi32, #tpu.memory_space<vmem>> -> memref<1x40xi32, #tpu.memory_space<vmem>>
      %dma_start3A_941 = tpu.memref_squeeze %dma_start3A_940 : memref<1x40xi32, #tpu.memory_space<vmem>> -> memref<40xi32, #tpu.memory_space<vmem>>
      %dma_start3A_942 = arith.constant 0 : i32
      %dma_start3A_943 = arith.constant 0 : i32
      %dma_start3A_944 = tpu.memref_slice %arg2[%dma_start3A_942, %dma_start3A_943] : memref<10000x128xf32, #tpu.memory_space<hbm>> -> memref<10000x128xf32, #tpu.memory_space<hbm>>
      tpu.enqueue_indirect_dma source(%dma_start3A_944 : memref<10000x128xf32, #tpu.memory_space<hbm>>) target(%dma_start3A_938 : memref<40x128xf32, #tpu.memory_space<vmem>>) offsets(%dma_start3A_941 : memref<40xi32, #tpu.memory_space<vmem>>) semaphore(%arg10 : memref<!tpu.dma_semaphore, #tpu.memory_space<semaphore_mem>>)
      %mul3A_945 = arith.constant 5 : i32
      %mul3A_946 = arith.muli %scan3A_915, %mul3A_945 : i32
      %add3A_947 = arith.constant 1 : i32
      %add3A_948 = arith.addi %mul3A_946, %add3A_947 : i32
      %dma_wait3A_949 = arith.constant 1 : i32
      %dma_wait3A_950 = arith.constant 0 : i32
      %dma_wait3A_951 = arith.constant 0 : i32
      %dma_wait3A_952 = tpu.memref_slice %arg9[%dma_wait3A_949, %dma_wait3A_950, %dma_wait3A_951] : memref<5x40x128xf32, #tpu.memory_space<vmem>> -> memref<1x40x128xf32, #tpu.memory_space<vmem>>
      %dma_wait3A_953 = tpu.memref_squeeze %dma_wait3A_952 : memref<1x40x128xf32, #tpu.memory_space<vmem>> -> memref<40x128xf32, #tpu.memory_space<vmem>>
      %dma_wait3A_954 = arith.constant 0 : i32
      %dma_wait3A_955 = tpu.memref_slice %arg7[%add3A_948, %dma_wait3A_954] : memref<50x40xi32, #tpu.memory_space<vmem>> -> memref<1x40xi32, #tpu.memory_space<vmem>>
      %dma_wait3A_956 = tpu.memref_squeeze %dma_wait3A_955 : memref<1x40xi32, #tpu.memory_space<vmem>> -> memref<40xi32, #tpu.memory_space<vmem>>
      %dma_wait3A_957 = arith.constant 0 : i32
      %dma_wait3A_958 = arith.constant 0 : i32
      %dma_wait3A_959 = tpu.memref_slice %arg2[%dma_wait3A_957, %dma_wait3A_958] : memref<10000x128xf32, #tpu.memory_space<hbm>> -> memref<10000x128xf32, #tpu.memory_space<hbm>>
      tpu.wait_indirect_dma semaphore(%arg11 : memref<!tpu.dma_semaphore, #tpu.memory_space<semaphore_mem>>) src(%dma_wait3A_959 : memref<10000x128xf32, #tpu.memory_space<hbm>>) dst(%dma_wait3A_953 : memref<40x128xf32, #tpu.memory_space<vmem>>)
      %run_scoped3A_960 = arith.constant 1 : i32
      "tpu.region"() ({
        %run_scoped3A_1061 = tpu.sem_alloc : memref<!tpu.dma_semaphore, #tpu.memory_space<semaphore_mem>>
        %dma_start3A_1062 = arith.constant 0 : i32
        %dma_start3A_1063 = arith.constant 0 : i32
        %dma_start3A_1064 = tpu.memref_slice %arg9[%run_scoped3A_960, %dma_start3A_1062, %dma_start3A_1063] : memref<5x40x128xf32, #tpu.memory_space<vmem>> -> memref<1x40x128xf32, #tpu.memory_space<vmem>>
        %dma_start3A_1065 = tpu.memref_squeeze %dma_start3A_1064 : memref<1x40x128xf32, #tpu.memory_space<vmem>> -> memref<40x128xf32, #tpu.memory_space<vmem>>
        %dma_start3A_1066 = arith.constant 0 : i32
        %dma_start3A_1067 = tpu.memref_slice %arg8[%add3A_948, %dma_start3A_1066] : memref<50x40xi32, #tpu.memory_space<vmem>> -> memref<1x40xi32, #tpu.memory_space<vmem>>
        %dma_start3A_1068 = tpu.memref_squeeze %dma_start3A_1067 : memref<1x40xi32, #tpu.memory_space<vmem>> -> memref<40xi32, #tpu.memory_space<vmem>>
        %dma_start3A_1069 = arith.constant 0 : i32
        %dma_start3A_1070 = arith.constant 0 : i32
        %dma_start3A_1071 = tpu.memref_slice %arg6[%dma_start3A_1069, %dma_start3A_1070] : memref<10240x128xf32, #tpu.memory_space<vmem_shared>> -> memref<10240x128xf32, #tpu.memory_space<vmem_shared>>
        tpu.enqueue_indirect_dma source(%dma_start3A_1065 : memref<40x128xf32, #tpu.memory_space<vmem>>) target(%dma_start3A_1071 : memref<10240x128xf32, #tpu.memory_space<vmem_shared>>) offsets(%dma_start3A_1068 : memref<40xi32, #tpu.memory_space<vmem>>) semaphore(%run_scoped3A_1061 : memref<!tpu.dma_semaphore, #tpu.memory_space<semaphore_mem>>) {add = true}
        %dma_wait3A_1072 = arith.constant 0 : i32
        %dma_wait3A_1073 = arith.constant 0 : i32
        %dma_wait3A_1074 = tpu.memref_slice %arg9[%run_scoped3A_960, %dma_wait3A_1072, %dma_wait3A_1073] : memref<5x40x128xf32, #tpu.memory_space<vmem>> -> memref<1x40x128xf32, #tpu.memory_space<vmem>>
        %dma_wait3A_1075 = tpu.memref_squeeze %dma_wait3A_1074 : memref<1x40x128xf32, #tpu.memory_space<vmem>> -> memref<40x128xf32, #tpu.memory_space<vmem>>
        %dma_wait3A_1076 = arith.constant 0 : i32
        %dma_wait3A_1077 = tpu.memref_slice %arg8[%add3A_948, %dma_wait3A_1076] : memref<50x40xi32, #tpu.memory_space<vmem>> -> memref<1x40xi32, #tpu.memory_space<vmem>>
        %dma_wait3A_1078 = tpu.memref_squeeze %dma_wait3A_1077 : memref<1x40xi32, #tpu.memory_space<vmem>> -> memref<40xi32, #tpu.memory_space<vmem>>
        %dma_wait3A_1079 = arith.constant 0 : i32
        %dma_wait3A_1080 = arith.constant 0 : i32
        %dma_wait3A_1081 = tpu.memref_slice %arg6[%dma_wait3A_1079, %dma_wait3A_1080] : memref<10240x128xf32, #tpu.memory_space<vmem_shared>> -> memref<10240x128xf32, #tpu.memory_space<vmem_shared>>
        tpu.wait_indirect_dma semaphore(%run_scoped3A_1061 : memref<!tpu.dma_semaphore, #tpu.memory_space<semaphore_mem>>) src(%dma_wait3A_1075 : memref<40x128xf32, #tpu.memory_space<vmem>>) dst(%dma_wait3A_1081 : memref<10240x128xf32, #tpu.memory_space<vmem_shared>>)
        tpu.yield
      }) : () -> ()
      %add3A_961 = arith.constant 5 : i32
      %add3A_962 = arith.addi %add3A_948, %add3A_961 : i32
      %dma_start3A_963 = arith.constant 1 : i32
      %dma_start3A_964 = arith.constant 0 : i32
      %dma_start3A_965 = arith.constant 0 : i32
      %dma_start3A_966 = tpu.memref_slice %arg9[%dma_start3A_963, %dma_start3A_964, %dma_start3A_965] : memref<5x40x128xf32, #tpu.memory_space<vmem>> -> memref<1x40x128xf32, #tpu.memory_space<vmem>>
      %dma_start3A_967 = tpu.memref_squeeze %dma_start3A_966 : memref<1x40x128xf32, #tpu.memory_space<vmem>> -> memref<40x128xf32, #tpu.memory_space<vmem>>
      %dma_start3A_968 = arith.constant 0 : i32
      %dma_start3A_969 = tpu.memref_slice %arg7[%add3A_962, %dma_start3A_968] : memref<50x40xi32, #tpu.memory_space<vmem>> -> memref<1x40xi32, #tpu.memory_space<vmem>>
      %dma_start3A_970 = tpu.memref_squeeze %dma_start3A_969 : memref<1x40xi32, #tpu.memory_space<vmem>> -> memref<40xi32, #tpu.memory_space<vmem>>
      %dma_start3A_971 = arith.constant 0 : i32
      %dma_start3A_972 = arith.constant 0 : i32
      %dma_start3A_973 = tpu.memref_slice %arg2[%dma_start3A_971, %dma_start3A_972] : memref<10000x128xf32, #tpu.memory_space<hbm>> -> memref<10000x128xf32, #tpu.memory_space<hbm>>
      tpu.enqueue_indirect_dma source(%dma_start3A_973 : memref<10000x128xf32, #tpu.memory_space<hbm>>) target(%dma_start3A_967 : memref<40x128xf32, #tpu.memory_space<vmem>>) offsets(%dma_start3A_970 : memref<40xi32, #tpu.memory_space<vmem>>) semaphore(%arg11 : memref<!tpu.dma_semaphore, #tpu.memory_space<semaphore_mem>>)
      %mul3A_974 = arith.constant 5 : i32
      %mul3A_975 = arith.muli %scan3A_915, %mul3A_974 : i32
      %add3A_976 = arith.constant 2 : i32
      %add3A_977 = arith.addi %mul3A_975, %add3A_976 : i32
      %dma_wait3A_978 = arith.constant 2 : i32
      %dma_wait3A_979 = arith.constant 0 : i32
      %dma_wait3A_980 = arith.constant 0 : i32
      %dma_wait3A_981 = tpu.memref_slice %arg9[%dma_wait3A_978, %dma_wait3A_979, %dma_wait3A_980] : memref<5x40x128xf32, #tpu.memory_space<vmem>> -> memref<1x40x128xf32, #tpu.memory_space<vmem>>
      %dma_wait3A_982 = tpu.memref_squeeze %dma_wait3A_981 : memref<1x40x128xf32, #tpu.memory_space<vmem>> -> memref<40x128xf32, #tpu.memory_space<vmem>>
      %dma_wait3A_983 = arith.constant 0 : i32
      %dma_wait3A_984 = tpu.memref_slice %arg7[%add3A_977, %dma_wait3A_983] : memref<50x40xi32, #tpu.memory_space<vmem>> -> memref<1x40xi32, #tpu.memory_space<vmem>>
      %dma_wait3A_985 = tpu.memref_squeeze %dma_wait3A_984 : memref<1x40xi32, #tpu.memory_space<vmem>> -> memref<40xi32, #tpu.memory_space<vmem>>
      %dma_wait3A_986 = arith.constant 0 : i32
      %dma_wait3A_987 = arith.constant 0 : i32
      %dma_wait3A_988 = tpu.memref_slice %arg2[%dma_wait3A_986, %dma_wait3A_987] : memref<10000x128xf32, #tpu.memory_space<hbm>> -> memref<10000x128xf32, #tpu.memory_space<hbm>>
      tpu.wait_indirect_dma semaphore(%arg12 : memref<!tpu.dma_semaphore, #tpu.memory_space<semaphore_mem>>) src(%dma_wait3A_988 : memref<10000x128xf32, #tpu.memory_space<hbm>>) dst(%dma_wait3A_982 : memref<40x128xf32, #tpu.memory_space<vmem>>)
      %run_scoped3A_989 = arith.constant 2 : i32
      "tpu.region"() ({
        %run_scoped3A_1061 = tpu.sem_alloc : memref<!tpu.dma_semaphore, #tpu.memory_space<semaphore_mem>>
        %dma_start3A_1062 = arith.constant 0 : i32
        %dma_start3A_1063 = arith.constant 0 : i32
        %dma_start3A_1064 = tpu.memref_slice %arg9[%run_scoped3A_989, %dma_start3A_1062, %dma_start3A_1063] : memref<5x40x128xf32, #tpu.memory_space<vmem>> -> memref<1x40x128xf32, #tpu.memory_space<vmem>>
        %dma_start3A_1065 = tpu.memref_squeeze %dma_start3A_1064 : memref<1x40x128xf32, #tpu.memory_space<vmem>> -> memref<40x128xf32, #tpu.memory_space<vmem>>
        %dma_start3A_1066 = arith.constant 0 : i32
        %dma_start3A_1067 = tpu.memref_slice %arg8[%add3A_977, %dma_start3A_1066] : memref<50x40xi32, #tpu.memory_space<vmem>> -> memref<1x40xi32, #tpu.memory_space<vmem>>
        %dma_start3A_1068 = tpu.memref_squeeze %dma_start3A_1067 : memref<1x40xi32, #tpu.memory_space<vmem>> -> memref<40xi32, #tpu.memory_space<vmem>>
        %dma_start3A_1069 = arith.constant 0 : i32
        %dma_start3A_1070 = arith.constant 0 : i32
        %dma_start3A_1071 = tpu.memref_slice %arg6[%dma_start3A_1069, %dma_start3A_1070] : memref<10240x128xf32, #tpu.memory_space<vmem_shared>> -> memref<10240x128xf32, #tpu.memory_space<vmem_shared>>
        tpu.enqueue_indirect_dma source(%dma_start3A_1065 : memref<40x128xf32, #tpu.memory_space<vmem>>) target(%dma_start3A_1071 : memref<10240x128xf32, #tpu.memory_space<vmem_shared>>) offsets(%dma_start3A_1068 : memref<40xi32, #tpu.memory_space<vmem>>) semaphore(%run_scoped3A_1061 : memref<!tpu.dma_semaphore, #tpu.memory_space<semaphore_mem>>) {add = true}
        %dma_wait3A_1072 = arith.constant 0 : i32
        %dma_wait3A_1073 = arith.constant 0 : i32
        %dma_wait3A_1074 = tpu.memref_slice %arg9[%run_scoped3A_989, %dma_wait3A_1072, %dma_wait3A_1073] : memref<5x40x128xf32, #tpu.memory_space<vmem>> -> memref<1x40x128xf32, #tpu.memory_space<vmem>>
        %dma_wait3A_1075 = tpu.memref_squeeze %dma_wait3A_1074 : memref<1x40x128xf32, #tpu.memory_space<vmem>> -> memref<40x128xf32, #tpu.memory_space<vmem>>
        %dma_wait3A_1076 = arith.constant 0 : i32
        %dma_wait3A_1077 = tpu.memref_slice %arg8[%add3A_977, %dma_wait3A_1076] : memref<50x40xi32, #tpu.memory_space<vmem>> -> memref<1x40xi32, #tpu.memory_space<vmem>>
        %dma_wait3A_1078 = tpu.memref_squeeze %dma_wait3A_1077 : memref<1x40xi32, #tpu.memory_space<vmem>> -> memref<40xi32, #tpu.memory_space<vmem>>
        %dma_wait3A_1079 = arith.constant 0 : i32
        %dma_wait3A_1080 = arith.constant 0 : i32
        %dma_wait3A_1081 = tpu.memref_slice %arg6[%dma_wait3A_1079, %dma_wait3A_1080] : memref<10240x128xf32, #tpu.memory_space<vmem_shared>> -> memref<10240x128xf32, #tpu.memory_space<vmem_shared>>
        tpu.wait_indirect_dma semaphore(%run_scoped3A_1061 : memref<!tpu.dma_semaphore, #tpu.memory_space<semaphore_mem>>) src(%dma_wait3A_1075 : memref<40x128xf32, #tpu.memory_space<vmem>>) dst(%dma_wait3A_1081 : memref<10240x128xf32, #tpu.memory_space<vmem_shared>>)
        tpu.yield
      }) : () -> ()
      %add3A_990 = arith.constant 5 : i32
      %add3A_991 = arith.addi %add3A_977, %add3A_990 : i32
      %dma_start3A_992 = arith.constant 2 : i32
      %dma_start3A_993 = arith.constant 0 : i32
      %dma_start3A_994 = arith.constant 0 : i32
      %dma_start3A_995 = tpu.memref_slice %arg9[%dma_start3A_992, %dma_start3A_993, %dma_start3A_994] : memref<5x40x128xf32, #tpu.memory_space<vmem>> -> memref<1x40x128xf32, #tpu.memory_space<vmem>>
      %dma_start3A_996 = tpu.memref_squeeze %dma_start3A_995 : memref<1x40x128xf32, #tpu.memory_space<vmem>> -> memref<40x128xf32, #tpu.memory_space<vmem>>
      %dma_start3A_997 = arith.constant 0 : i32
      %dma_start3A_998 = tpu.memref_slice %arg7[%add3A_991, %dma_start3A_997] : memref<50x40xi32, #tpu.memory_space<vmem>> -> memref<1x40xi32, #tpu.memory_space<vmem>>
      %dma_start3A_999 = tpu.memref_squeeze %dma_start3A_998 : memref<1x40xi32, #tpu.memory_space<vmem>> -> memref<40xi32, #tpu.memory_space<vmem>>
      %dma_start3A_1000 = arith.constant 0 : i32
      %dma_start3A_1001 = arith.constant 0 : i32
      %dma_start3A_1002 = tpu.memref_slice %arg2[%dma_start3A_1000, %dma_start3A_1001] : memref<10000x128xf32, #tpu.memory_space<hbm>> -> memref<10000x128xf32, #tpu.memory_space<hbm>>
      tpu.enqueue_indirect_dma source(%dma_start3A_1002 : memref<10000x128xf32, #tpu.memory_space<hbm>>) target(%dma_start3A_996 : memref<40x128xf32, #tpu.memory_space<vmem>>) offsets(%dma_start3A_999 : memref<40xi32, #tpu.memory_space<vmem>>) semaphore(%arg12 : memref<!tpu.dma_semaphore, #tpu.memory_space<semaphore_mem>>)
      %mul3A_1003 = arith.constant 5 : i32
      %mul3A_1004 = arith.muli %scan3A_915, %mul3A_1003 : i32
      %add3A_1005 = arith.constant 3 : i32
      %add3A_1006 = arith.addi %mul3A_1004, %add3A_1005 : i32
      %dma_wait3A_1007 = arith.constant 3 : i32
      %dma_wait3A_1008 = arith.constant 0 : i32
      %dma_wait3A_1009 = arith.constant 0 : i32
      %dma_wait3A_1010 = tpu.memref_slice %arg9[%dma_wait3A_1007, %dma_wait3A_1008, %dma_wait3A_1009] : memref<5x40x128xf32, #tpu.memory_space<vmem>> -> memref<1x40x128xf32, #tpu.memory_space<vmem>>
      %dma_wait3A_1011 = tpu.memref_squeeze %dma_wait3A_1010 : memref<1x40x128xf32, #tpu.memory_space<vmem>> -> memref<40x128xf32, #tpu.memory_space<vmem>>
      %dma_wait3A_1012 = arith.constant 0 : i32
      %dma_wait3A_1013 = tpu.memref_slice %arg7[%add3A_1006, %dma_wait3A_1012] : memref<50x40xi32, #tpu.memory_space<vmem>> -> memref<1x40xi32, #tpu.memory_space<vmem>>
      %dma_wait3A_1014 = tpu.memref_squeeze %dma_wait3A_1013 : memref<1x40xi32, #tpu.memory_space<vmem>> -> memref<40xi32, #tpu.memory_space<vmem>>
      %dma_wait3A_1015 = arith.constant 0 : i32
      %dma_wait3A_1016 = arith.constant 0 : i32
      %dma_wait3A_1017 = tpu.memref_slice %arg2[%dma_wait3A_1015, %dma_wait3A_1016] : memref<10000x128xf32, #tpu.memory_space<hbm>> -> memref<10000x128xf32, #tpu.memory_space<hbm>>
      tpu.wait_indirect_dma semaphore(%arg13 : memref<!tpu.dma_semaphore, #tpu.memory_space<semaphore_mem>>) src(%dma_wait3A_1017 : memref<10000x128xf32, #tpu.memory_space<hbm>>) dst(%dma_wait3A_1011 : memref<40x128xf32, #tpu.memory_space<vmem>>)
      %run_scoped3A_1018 = arith.constant 3 : i32
      "tpu.region"() ({
        %run_scoped3A_1061 = tpu.sem_alloc : memref<!tpu.dma_semaphore, #tpu.memory_space<semaphore_mem>>
        %dma_start3A_1062 = arith.constant 0 : i32
        %dma_start3A_1063 = arith.constant 0 : i32
        %dma_start3A_1064 = tpu.memref_slice %arg9[%run_scoped3A_1018, %dma_start3A_1062, %dma_start3A_1063] : memref<5x40x128xf32, #tpu.memory_space<vmem>> -> memref<1x40x128xf32, #tpu.memory_space<vmem>>
        %dma_start3A_1065 = tpu.memref_squeeze %dma_start3A_1064 : memref<1x40x128xf32, #tpu.memory_space<vmem>> -> memref<40x128xf32, #tpu.memory_space<vmem>>
        %dma_start3A_1066 = arith.constant 0 : i32
        %dma_start3A_1067 = tpu.memref_slice %arg8[%add3A_1006, %dma_start3A_1066] : memref<50x40xi32, #tpu.memory_space<vmem>> -> memref<1x40xi32, #tpu.memory_space<vmem>>
        %dma_start3A_1068 = tpu.memref_squeeze %dma_start3A_1067 : memref<1x40xi32, #tpu.memory_space<vmem>> -> memref<40xi32, #tpu.memory_space<vmem>>
        %dma_start3A_1069 = arith.constant 0 : i32
        %dma_start3A_1070 = arith.constant 0 : i32
        %dma_start3A_1071 = tpu.memref_slice %arg6[%dma_start3A_1069, %dma_start3A_1070] : memref<10240x128xf32, #tpu.memory_space<vmem_shared>> -> memref<10240x128xf32, #tpu.memory_space<vmem_shared>>
        tpu.enqueue_indirect_dma source(%dma_start3A_1065 : memref<40x128xf32, #tpu.memory_space<vmem>>) target(%dma_start3A_1071 : memref<10240x128xf32, #tpu.memory_space<vmem_shared>>) offsets(%dma_start3A_1068 : memref<40xi32, #tpu.memory_space<vmem>>) semaphore(%run_scoped3A_1061 : memref<!tpu.dma_semaphore, #tpu.memory_space<semaphore_mem>>) {add = true}
        %dma_wait3A_1072 = arith.constant 0 : i32
        %dma_wait3A_1073 = arith.constant 0 : i32
        %dma_wait3A_1074 = tpu.memref_slice %arg9[%run_scoped3A_1018, %dma_wait3A_1072, %dma_wait3A_1073] : memref<5x40x128xf32, #tpu.memory_space<vmem>> -> memref<1x40x128xf32, #tpu.memory_space<vmem>>
        %dma_wait3A_1075 = tpu.memref_squeeze %dma_wait3A_1074 : memref<1x40x128xf32, #tpu.memory_space<vmem>> -> memref<40x128xf32, #tpu.memory_space<vmem>>
        %dma_wait3A_1076 = arith.constant 0 : i32
        %dma_wait3A_1077 = tpu.memref_slice %arg8[%add3A_1006, %dma_wait3A_1076] : memref<50x40xi32, #tpu.memory_space<vmem>> -> memref<1x40xi32, #tpu.memory_space<vmem>>
        %dma_wait3A_1078 = tpu.memref_squeeze %dma_wait3A_1077 : memref<1x40xi32, #tpu.memory_space<vmem>> -> memref<40xi32, #tpu.memory_space<vmem>>
        %dma_wait3A_1079 = arith.constant 0 : i32
        %dma_wait3A_1080 = arith.constant 0 : i32
        %dma_wait3A_1081 = tpu.memref_slice %arg6[%dma_wait3A_1079, %dma_wait3A_1080] : memref<10240x128xf32, #tpu.memory_space<vmem_shared>> -> memref<10240x128xf32, #tpu.memory_space<vmem_shared>>
        tpu.wait_indirect_dma semaphore(%run_scoped3A_1061 : memref<!tpu.dma_semaphore, #tpu.memory_space<semaphore_mem>>) src(%dma_wait3A_1075 : memref<40x128xf32, #tpu.memory_space<vmem>>) dst(%dma_wait3A_1081 : memref<10240x128xf32, #tpu.memory_space<vmem_shared>>)
        tpu.yield
      }) : () -> ()
      %add3A_1019 = arith.constant 5 : i32
      %add3A_1020 = arith.addi %add3A_1006, %add3A_1019 : i32
      %dma_start3A_1021 = arith.constant 3 : i32
      %dma_start3A_1022 = arith.constant 0 : i32
      %dma_start3A_1023 = arith.constant 0 : i32
      %dma_start3A_1024 = tpu.memref_slice %arg9[%dma_start3A_1021, %dma_start3A_1022, %dma_start3A_1023] : memref<5x40x128xf32, #tpu.memory_space<vmem>> -> memref<1x40x128xf32, #tpu.memory_space<vmem>>
      %dma_start3A_1025 = tpu.memref_squeeze %dma_start3A_1024 : memref<1x40x128xf32, #tpu.memory_space<vmem>> -> memref<40x128xf32, #tpu.memory_space<vmem>>
      %dma_start3A_1026 = arith.constant 0 : i32
      %dma_start3A_1027 = tpu.memref_slice %arg7[%add3A_1020, %dma_start3A_1026] : memref<50x40xi32, #tpu.memory_space<vmem>> -> memref<1x40xi32, #tpu.memory_space<vmem>>
      %dma_start3A_1028 = tpu.memref_squeeze %dma_start3A_1027 : memref<1x40xi32, #tpu.memory_space<vmem>> -> memref<40xi32, #tpu.memory_space<vmem>>
      %dma_start3A_1029 = arith.constant 0 : i32
      %dma_start3A_1030 = arith.constant 0 : i32
      %dma_start3A_1031 = tpu.memref_slice %arg2[%dma_start3A_1029, %dma_start3A_1030] : memref<10000x128xf32, #tpu.memory_space<hbm>> -> memref<10000x128xf32, #tpu.memory_space<hbm>>
      tpu.enqueue_indirect_dma source(%dma_start3A_1031 : memref<10000x128xf32, #tpu.memory_space<hbm>>) target(%dma_start3A_1025 : memref<40x128xf32, #tpu.memory_space<vmem>>) offsets(%dma_start3A_1028 : memref<40xi32, #tpu.memory_space<vmem>>) semaphore(%arg13 : memref<!tpu.dma_semaphore, #tpu.memory_space<semaphore_mem>>)
      %mul3A_1032 = arith.constant 5 : i32
      %mul3A_1033 = arith.muli %scan3A_915, %mul3A_1032 : i32
      %add3A_1034 = arith.constant 4 : i32
      %add3A_1035 = arith.addi %mul3A_1033, %add3A_1034 : i32
      %dma_wait3A_1036 = arith.constant 4 : i32
      %dma_wait3A_1037 = arith.constant 0 : i32
      %dma_wait3A_1038 = arith.constant 0 : i32
      %dma_wait3A_1039 = tpu.memref_slice %arg9[%dma_wait3A_1036, %dma_wait3A_1037, %dma_wait3A_1038] : memref<5x40x128xf32, #tpu.memory_space<vmem>> -> memref<1x40x128xf32, #tpu.memory_space<vmem>>
      %dma_wait3A_1040 = tpu.memref_squeeze %dma_wait3A_1039 : memref<1x40x128xf32, #tpu.memory_space<vmem>> -> memref<40x128xf32, #tpu.memory_space<vmem>>
      %dma_wait3A_1041 = arith.constant 0 : i32
      %dma_wait3A_1042 = tpu.memref_slice %arg7[%add3A_1035, %dma_wait3A_1041] : memref<50x40xi32, #tpu.memory_space<vmem>> -> memref<1x40xi32, #tpu.memory_space<vmem>>
      %dma_wait3A_1043 = tpu.memref_squeeze %dma_wait3A_1042 : memref<1x40xi32, #tpu.memory_space<vmem>> -> memref<40xi32, #tpu.memory_space<vmem>>
      %dma_wait3A_1044 = arith.constant 0 : i32
      %dma_wait3A_1045 = arith.constant 0 : i32
      %dma_wait3A_1046 = tpu.memref_slice %arg2[%dma_wait3A_1044, %dma_wait3A_1045] : memref<10000x128xf32, #tpu.memory_space<hbm>> -> memref<10000x128xf32, #tpu.memory_space<hbm>>
      tpu.wait_indirect_dma semaphore(%arg14 : memref<!tpu.dma_semaphore, #tpu.memory_space<semaphore_mem>>) src(%dma_wait3A_1046 : memref<10000x128xf32, #tpu.memory_space<hbm>>) dst(%dma_wait3A_1040 : memref<40x128xf32, #tpu.memory_space<vmem>>)
      %run_scoped3A_1047 = arith.constant 4 : i32
      "tpu.region"() ({
        %run_scoped3A_1061 = tpu.sem_alloc : memref<!tpu.dma_semaphore, #tpu.memory_space<semaphore_mem>>
        %dma_start3A_1062 = arith.constant 0 : i32
        %dma_start3A_1063 = arith.constant 0 : i32
        %dma_start3A_1064 = tpu.memref_slice %arg9[%run_scoped3A_1047, %dma_start3A_1062, %dma_start3A_1063] : memref<5x40x128xf32, #tpu.memory_space<vmem>> -> memref<1x40x128xf32, #tpu.memory_space<vmem>>
        %dma_start3A_1065 = tpu.memref_squeeze %dma_start3A_1064 : memref<1x40x128xf32, #tpu.memory_space<vmem>> -> memref<40x128xf32, #tpu.memory_space<vmem>>
        %dma_start3A_1066 = arith.constant 0 : i32
        %dma_start3A_1067 = tpu.memref_slice %arg8[%add3A_1035, %dma_start3A_1066] : memref<50x40xi32, #tpu.memory_space<vmem>> -> memref<1x40xi32, #tpu.memory_space<vmem>>
        %dma_start3A_1068 = tpu.memref_squeeze %dma_start3A_1067 : memref<1x40xi32, #tpu.memory_space<vmem>> -> memref<40xi32, #tpu.memory_space<vmem>>
        %dma_start3A_1069 = arith.constant 0 : i32
        %dma_start3A_1070 = arith.constant 0 : i32
        %dma_start3A_1071 = tpu.memref_slice %arg6[%dma_start3A_1069, %dma_start3A_1070] : memref<10240x128xf32, #tpu.memory_space<vmem_shared>> -> memref<10240x128xf32, #tpu.memory_space<vmem_shared>>
        tpu.enqueue_indirect_dma source(%dma_start3A_1065 : memref<40x128xf32, #tpu.memory_space<vmem>>) target(%dma_start3A_1071 : memref<10240x128xf32, #tpu.memory_space<vmem_shared>>) offsets(%dma_start3A_1068 : memref<40xi32, #tpu.memory_space<vmem>>) semaphore(%run_scoped3A_1061 : memref<!tpu.dma_semaphore, #tpu.memory_space<semaphore_mem>>) {add = true}
        %dma_wait3A_1072 = arith.constant 0 : i32
        %dma_wait3A_1073 = arith.constant 0 : i32
        %dma_wait3A_1074 = tpu.memref_slice %arg9[%run_scoped3A_1047, %dma_wait3A_1072, %dma_wait3A_1073] : memref<5x40x128xf32, #tpu.memory_space<vmem>> -> memref<1x40x128xf32, #tpu.memory_space<vmem>>
        %dma_wait3A_1075 = tpu.memref_squeeze %dma_wait3A_1074 : memref<1x40x128xf32, #tpu.memory_space<vmem>> -> memref<40x128xf32, #tpu.memory_space<vmem>>
        %dma_wait3A_1076 = arith.constant 0 : i32
        %dma_wait3A_1077 = tpu.memref_slice %arg8[%add3A_1035, %dma_wait3A_1076] : memref<50x40xi32, #tpu.memory_space<vmem>> -> memref<1x40xi32, #tpu.memory_space<vmem>>
        %dma_wait3A_1078 = tpu.memref_squeeze %dma_wait3A_1077 : memref<1x40xi32, #tpu.memory_space<vmem>> -> memref<40xi32, #tpu.memory_space<vmem>>
        %dma_wait3A_1079 = arith.constant 0 : i32
        %dma_wait3A_1080 = arith.constant 0 : i32
        %dma_wait3A_1081 = tpu.memref_slice %arg6[%dma_wait3A_1079, %dma_wait3A_1080] : memref<10240x128xf32, #tpu.memory_space<vmem_shared>> -> memref<10240x128xf32, #tpu.memory_space<vmem_shared>>
        tpu.wait_indirect_dma semaphore(%run_scoped3A_1061 : memref<!tpu.dma_semaphore, #tpu.memory_space<semaphore_mem>>) src(%dma_wait3A_1075 : memref<40x128xf32, #tpu.memory_space<vmem>>) dst(%dma_wait3A_1081 : memref<10240x128xf32, #tpu.memory_space<vmem_shared>>)
        tpu.yield
      }) : () -> ()
      %add3A_1048 = arith.constant 5 : i32
      %add3A_1049 = arith.addi %add3A_1035, %add3A_1048 : i32
      %dma_start3A_1050 = arith.constant 4 : i32
      %dma_start3A_1051 = arith.constant 0 : i32
      %dma_start3A_1052 = arith.constant 0 : i32
      %dma_start3A_1053 = tpu.memref_slice %arg9[%dma_start3A_1050, %dma_start3A_1051, %dma_start3A_1052] : memref<5x40x128xf32, #tpu.memory_space<vmem>> -> memref<1x40x128xf32, #tpu.memory_space<vmem>>
      %dma_start3A_1054 = tpu.memref_squeeze %dma_start3A_1053 : memref<1x40x128xf32, #tpu.memory_space<vmem>> -> memref<40x128xf32, #tpu.memory_space<vmem>>
      %dma_start3A_1055 = arith.constant 0 : i32
      %dma_start3A_1056 = tpu.memref_slice %arg7[%add3A_1049, %dma_start3A_1055] : memref<50x40xi32, #tpu.memory_space<vmem>> -> memref<1x40xi32, #tpu.memory_space<vmem>>
      %dma_start3A_1057 = tpu.memref_squeeze %dma_start3A_1056 : memref<1x40xi32, #tpu.memory_space<vmem>> -> memref<40xi32, #tpu.memory_space<vmem>>
      %dma_start3A_1058 = arith.constant 0 : i32
      %dma_start3A_1059 = arith.constant 0 : i32
      %dma_start3A_1060 = tpu.memref_slice %arg2[%dma_start3A_1058, %dma_start3A_1059] : memref<10000x128xf32, #tpu.memory_space<hbm>> -> memref<10000x128xf32, #tpu.memory_space<hbm>>
      tpu.enqueue_indirect_dma source(%dma_start3A_1060 : memref<10000x128xf32, #tpu.memory_space<hbm>>) target(%dma_start3A_1054 : memref<40x128xf32, #tpu.memory_space<vmem>>) offsets(%dma_start3A_1057 : memref<40xi32, #tpu.memory_space<vmem>>) semaphore(%arg14 : memref<!tpu.dma_semaphore, #tpu.memory_space<semaphore_mem>>)
    }
    %scan3A_155 = arith.constant 9 : i32
    %dma_wait3A_156 = arith.constant 45 : i32
    %dma_wait3A_157 = arith.constant 0 : i32
    %dma_wait3A_158 = arith.constant 0 : i32
    %dma_wait3A_159 = arith.constant 0 : i32
    %dma_wait3A_160 = tpu.memref_slice %arg9[%dma_wait3A_157, %dma_wait3A_158, %dma_wait3A_159] : memref<5x40x128xf32, #tpu.memory_space<vmem>> -> memref<1x40x128xf32, #tpu.memory_space<vmem>>
    %dma_wait3A_161 = tpu.memref_squeeze %dma_wait3A_160 : memref<1x40x128xf32, #tpu.memory_space<vmem>> -> memref<40x128xf32, #tpu.memory_space<vmem>>
    %dma_wait3A_162 = arith.constant 0 : i32
    %dma_wait3A_163 = tpu.memref_slice %arg7[%dma_wait3A_156, %dma_wait3A_162] : memref<50x40xi32, #tpu.memory_space<vmem>> -> memref<1x40xi32, #tpu.memory_space<vmem>>
    %dma_wait3A_164 = tpu.memref_squeeze %dma_wait3A_163 : memref<1x40xi32, #tpu.memory_space<vmem>> -> memref<40xi32, #tpu.memory_space<vmem>>
    %dma_wait3A_165 = arith.constant 0 : i32
    %dma_wait3A_166 = arith.constant 0 : i32
    %dma_wait3A_167 = tpu.memref_slice %arg2[%dma_wait3A_165, %dma_wait3A_166] : memref<10000x128xf32, #tpu.memory_space<hbm>> -> memref<10000x128xf32, #tpu.memory_space<hbm>>
    tpu.wait_indirect_dma semaphore(%arg10 : memref<!tpu.dma_semaphore, #tpu.memory_space<semaphore_mem>>) src(%dma_wait3A_167 : memref<10000x128xf32, #tpu.memory_space<hbm>>) dst(%dma_wait3A_161 : memref<40x128xf32, #tpu.memory_space<vmem>>)
    %run_scoped3A_168 = arith.constant 0 : i32
    %run_scoped3A_169 = arith.constant 45 : i32
    "tpu.region"() ({
      %run_scoped3A_915 = tpu.sem_alloc : memref<!tpu.dma_semaphore, #tpu.memory_space<semaphore_mem>>
      %dma_start3A_916 = arith.constant 0 : i32
      %dma_start3A_917 = arith.constant 0 : i32
      %dma_start3A_918 = tpu.memref_slice %arg9[%run_scoped3A_168, %dma_start3A_916, %dma_start3A_917] : memref<5x40x128xf32, #tpu.memory_space<vmem>> -> memref<1x40x128xf32, #tpu.memory_space<vmem>>
      %dma_start3A_919 = tpu.memref_squeeze %dma_start3A_918 : memref<1x40x128xf32, #tpu.memory_space<vmem>> -> memref<40x128xf32, #tpu.memory_space<vmem>>
      %dma_start3A_920 = arith.constant 0 : i32
      %dma_start3A_921 = tpu.memref_slice %arg8[%run_scoped3A_169, %dma_start3A_920] : memref<50x40xi32, #tpu.memory_space<vmem>> -> memref<1x40xi32, #tpu.memory_space<vmem>>
      %dma_start3A_922 = tpu.memref_squeeze %dma_start3A_921 : memref<1x40xi32, #tpu.memory_space<vmem>> -> memref<40xi32, #tpu.memory_space<vmem>>
      %dma_start3A_923 = arith.constant 0 : i32
      %dma_start3A_924 = arith.constant 0 : i32
      %dma_start3A_925 = tpu.memref_slice %arg6[%dma_start3A_923, %dma_start3A_924] : memref<10240x128xf32, #tpu.memory_space<vmem_shared>> -> memref<10240x128xf32, #tpu.memory_space<vmem_shared>>
      tpu.enqueue_indirect_dma source(%dma_start3A_919 : memref<40x128xf32, #tpu.memory_space<vmem>>) target(%dma_start3A_925 : memref<10240x128xf32, #tpu.memory_space<vmem_shared>>) offsets(%dma_start3A_922 : memref<40xi32, #tpu.memory_space<vmem>>) semaphore(%run_scoped3A_915 : memref<!tpu.dma_semaphore, #tpu.memory_space<semaphore_mem>>) {add = true}
      %dma_wait3A_926 = arith.constant 0 : i32
      %dma_wait3A_927 = arith.constant 0 : i32
      %dma_wait3A_928 = tpu.memref_slice %arg9[%run_scoped3A_168, %dma_wait3A_926, %dma_wait3A_927] : memref<5x40x128xf32, #tpu.memory_space<vmem>> -> memref<1x40x128xf32, #tpu.memory_space<vmem>>
      %dma_wait3A_929 = tpu.memref_squeeze %dma_wait3A_928 : memref<1x40x128xf32, #tpu.memory_space<vmem>> -> memref<40x128xf32, #tpu.memory_space<vmem>>
      %dma_wait3A_930 = arith.constant 0 : i32
      %dma_wait3A_931 = tpu.memref_slice %arg8[%run_scoped3A_169, %dma_wait3A_930] : memref<50x40xi32, #tpu.memory_space<vmem>> -> memref<1x40xi32, #tpu.memory_space<vmem>>
      %dma_wait3A_932 = tpu.memref_squeeze %dma_wait3A_931 : memref<1x40xi32, #tpu.memory_space<vmem>> -> memref<40xi32, #tpu.memory_space<vmem>>
      %dma_wait3A_933 = arith.constant 0 : i32
      %dma_wait3A_934 = arith.constant 0 : i32
      %dma_wait3A_935 = tpu.memref_slice %arg6[%dma_wait3A_933, %dma_wait3A_934] : memref<10240x128xf32, #tpu.memory_space<vmem_shared>> -> memref<10240x128xf32, #tpu.memory_space<vmem_shared>>
      tpu.wait_indirect_dma semaphore(%run_scoped3A_915 : memref<!tpu.dma_semaphore, #tpu.memory_space<semaphore_mem>>) src(%dma_wait3A_929 : memref<40x128xf32, #tpu.memory_space<vmem>>) dst(%dma_wait3A_935 : memref<10240x128xf32, #tpu.memory_space<vmem_shared>>)
      tpu.yield
    }) : () -> ()
    %dma_wait3A_170 = arith.constant 46 : i32
    %dma_wait3A_171 = arith.constant 1 : i32
    %dma_wait3A_172 = arith.constant 0 : i32
    %dma_wait3A_173 = arith.constant 0 : i32
    %dma_wait3A_174 = tpu.memref_slice %arg9[%dma_wait3A_171, %dma_wait3A_172, %dma_wait3A_173] : memref<5x40x128xf32, #tpu.memory_space<vmem>> -> memref<1x40x128xf32, #tpu.memory_space<vmem>>
    %dma_wait3A_175 = tpu.memref_squeeze %dma_wait3A_174 : memref<1x40x128xf32, #tpu.memory_space<vmem>> -> memref<40x128xf32, #tpu.memory_space<vmem>>
    %dma_wait3A_176 = arith.constant 0 : i32
    %dma_wait3A_177 = tpu.memref_slice %arg7[%dma_wait3A_170, %dma_wait3A_176] : memref<50x40xi32, #tpu.memory_space<vmem>> -> memref<1x40xi32, #tpu.memory_space<vmem>>
    %dma_wait3A_178 = tpu.memref_squeeze %dma_wait3A_177 : memref<1x40xi32, #tpu.memory_space<vmem>> -> memref<40xi32, #tpu.memory_space<vmem>>
    %dma_wait3A_179 = arith.constant 0 : i32
    %dma_wait3A_180 = arith.constant 0 : i32
    %dma_wait3A_181 = tpu.memref_slice %arg2[%dma_wait3A_179, %dma_wait3A_180] : memref<10000x128xf32, #tpu.memory_space<hbm>> -> memref<10000x128xf32, #tpu.memory_space<hbm>>
    tpu.wait_indirect_dma semaphore(%arg11 : memref<!tpu.dma_semaphore, #tpu.memory_space<semaphore_mem>>) src(%dma_wait3A_181 : memref<10000x128xf32, #tpu.memory_space<hbm>>) dst(%dma_wait3A_175 : memref<40x128xf32, #tpu.memory_space<vmem>>)
    %run_scoped3A_182 = arith.constant 1 : i32
    %run_scoped3A_183 = arith.constant 46 : i32
    "tpu.region"() ({
      %run_scoped3A_915 = tpu.sem_alloc : memref<!tpu.dma_semaphore, #tpu.memory_space<semaphore_mem>>
      %dma_start3A_916 = arith.constant 0 : i32
      %dma_start3A_917 = arith.constant 0 : i32
      %dma_start3A_918 = tpu.memref_slice %arg9[%run_scoped3A_182, %dma_start3A_916, %dma_start3A_917] : memref<5x40x128xf32, #tpu.memory_space<vmem>> -> memref<1x40x128xf32, #tpu.memory_space<vmem>>
      %dma_start3A_919 = tpu.memref_squeeze %dma_start3A_918 : memref<1x40x128xf32, #tpu.memory_space<vmem>> -> memref<40x128xf32, #tpu.memory_space<vmem>>
      %dma_start3A_920 = arith.constant 0 : i32
      %dma_start3A_921 = tpu.memref_slice %arg8[%run_scoped3A_183, %dma_start3A_920] : memref<50x40xi32, #tpu.memory_space<vmem>> -> memref<1x40xi32, #tpu.memory_space<vmem>>
      %dma_start3A_922 = tpu.memref_squeeze %dma_start3A_921 : memref<1x40xi32, #tpu.memory_space<vmem>> -> memref<40xi32, #tpu.memory_space<vmem>>
      %dma_start3A_923 = arith.constant 0 : i32
      %dma_start3A_924 = arith.constant 0 : i32
      %dma_start3A_925 = tpu.memref_slice %arg6[%dma_start3A_923, %dma_start3A_924] : memref<10240x128xf32, #tpu.memory_space<vmem_shared>> -> memref<10240x128xf32, #tpu.memory_space<vmem_shared>>
      tpu.enqueue_indirect_dma source(%dma_start3A_919 : memref<40x128xf32, #tpu.memory_space<vmem>>) target(%dma_start3A_925 : memref<10240x128xf32, #tpu.memory_space<vmem_shared>>) offsets(%dma_start3A_922 : memref<40xi32, #tpu.memory_space<vmem>>) semaphore(%run_scoped3A_915 : memref<!tpu.dma_semaphore, #tpu.memory_space<semaphore_mem>>) {add = true}
      %dma_wait3A_926 = arith.constant 0 : i32
      %dma_wait3A_927 = arith.constant 0 : i32
      %dma_wait3A_928 = tpu.memref_slice %arg9[%run_scoped3A_182, %dma_wait3A_926, %dma_wait3A_927] : memref<5x40x128xf32, #tpu.memory_space<vmem>> -> memref<1x40x128xf32, #tpu.memory_space<vmem>>
      %dma_wait3A_929 = tpu.memref_squeeze %dma_wait3A_928 : memref<1x40x128xf32, #tpu.memory_space<vmem>> -> memref<40x128xf32, #tpu.memory_space<vmem>>
      %dma_wait3A_930 = arith.constant 0 : i32
      %dma_wait3A_931 = tpu.memref_slice %arg8[%run_scoped3A_183, %dma_wait3A_930] : memref<50x40xi32, #tpu.memory_space<vmem>> -> memref<1x40xi32, #tpu.memory_space<vmem>>
      %dma_wait3A_932 = tpu.memref_squeeze %dma_wait3A_931 : memref<1x40xi32, #tpu.memory_space<vmem>> -> memref<40xi32, #tpu.memory_space<vmem>>
      %dma_wait3A_933 = arith.constant 0 : i32
      %dma_wait3A_934 = arith.constant 0 : i32
      %dma_wait3A_935 = tpu.memref_slice %arg6[%dma_wait3A_933, %dma_wait3A_934] : memref<10240x128xf32, #tpu.memory_space<vmem_shared>> -> memref<10240x128xf32, #tpu.memory_space<vmem_shared>>
      tpu.wait_indirect_dma semaphore(%run_scoped3A_915 : memref<!tpu.dma_semaphore, #tpu.memory_space<semaphore_mem>>) src(%dma_wait3A_929 : memref<40x128xf32, #tpu.memory_space<vmem>>) dst(%dma_wait3A_935 : memref<10240x128xf32, #tpu.memory_space<vmem_shared>>)
      tpu.yield
    }) : () -> ()
    %dma_wait3A_184 = arith.constant 47 : i32
    %dma_wait3A_185 = arith.constant 2 : i32
    %dma_wait3A_186 = arith.constant 0 : i32
    %dma_wait3A_187 = arith.constant 0 : i32
    %dma_wait3A_188 = tpu.memref_slice %arg9[%dma_wait3A_185, %dma_wait3A_186, %dma_wait3A_187] : memref<5x40x128xf32, #tpu.memory_space<vmem>> -> memref<1x40x128xf32, #tpu.memory_space<vmem>>
    %dma_wait3A_189 = tpu.memref_squeeze %dma_wait3A_188 : memref<1x40x128xf32, #tpu.memory_space<vmem>> -> memref<40x128xf32, #tpu.memory_space<vmem>>
    %dma_wait3A_190 = arith.constant 0 : i32
    %dma_wait3A_191 = tpu.memref_slice %arg7[%dma_wait3A_184, %dma_wait3A_190] : memref<50x40xi32, #tpu.memory_space<vmem>> -> memref<1x40xi32, #tpu.memory_space<vmem>>
    %dma_wait3A_192 = tpu.memref_squeeze %dma_wait3A_191 : memref<1x40xi32, #tpu.memory_space<vmem>> -> memref<40xi32, #tpu.memory_space<vmem>>
    %dma_wait3A_193 = arith.constant 0 : i32
    %dma_wait3A_194 = arith.constant 0 : i32
    %dma_wait3A_195 = tpu.memref_slice %arg2[%dma_wait3A_193, %dma_wait3A_194] : memref<10000x128xf32, #tpu.memory_space<hbm>> -> memref<10000x128xf32, #tpu.memory_space<hbm>>
    tpu.wait_indirect_dma semaphore(%arg12 : memref<!tpu.dma_semaphore, #tpu.memory_space<semaphore_mem>>) src(%dma_wait3A_195 : memref<10000x128xf32, #tpu.memory_space<hbm>>) dst(%dma_wait3A_189 : memref<40x128xf32, #tpu.memory_space<vmem>>)
    %run_scoped3A_196 = arith.constant 2 : i32
    %run_scoped3A_197 = arith.constant 47 : i32
    "tpu.region"() ({
      %run_scoped3A_915 = tpu.sem_alloc : memref<!tpu.dma_semaphore, #tpu.memory_space<semaphore_mem>>
      %dma_start3A_916 = arith.constant 0 : i32
      %dma_start3A_917 = arith.constant 0 : i32
      %dma_start3A_918 = tpu.memref_slice %arg9[%run_scoped3A_196, %dma_start3A_916, %dma_start3A_917] : memref<5x40x128xf32, #tpu.memory_space<vmem>> -> memref<1x40x128xf32, #tpu.memory_space<vmem>>
      %dma_start3A_919 = tpu.memref_squeeze %dma_start3A_918 : memref<1x40x128xf32, #tpu.memory_space<vmem>> -> memref<40x128xf32, #tpu.memory_space<vmem>>
      %dma_start3A_920 = arith.constant 0 : i32
      %dma_start3A_921 = tpu.memref_slice %arg8[%run_scoped3A_197, %dma_start3A_920] : memref<50x40xi32, #tpu.memory_space<vmem>> -> memref<1x40xi32, #tpu.memory_space<vmem>>
      %dma_start3A_922 = tpu.memref_squeeze %dma_start3A_921 : memref<1x40xi32, #tpu.memory_space<vmem>> -> memref<40xi32, #tpu.memory_space<vmem>>
      %dma_start3A_923 = arith.constant 0 : i32
      %dma_start3A_924 = arith.constant 0 : i32
      %dma_start3A_925 = tpu.memref_slice %arg6[%dma_start3A_923, %dma_start3A_924] : memref<10240x128xf32, #tpu.memory_space<vmem_shared>> -> memref<10240x128xf32, #tpu.memory_space<vmem_shared>>
      tpu.enqueue_indirect_dma source(%dma_start3A_919 : memref<40x128xf32, #tpu.memory_space<vmem>>) target(%dma_start3A_925 : memref<10240x128xf32, #tpu.memory_space<vmem_shared>>) offsets(%dma_start3A_922 : memref<40xi32, #tpu.memory_space<vmem>>) semaphore(%run_scoped3A_915 : memref<!tpu.dma_semaphore, #tpu.memory_space<semaphore_mem>>) {add = true}
      %dma_wait3A_926 = arith.constant 0 : i32
      %dma_wait3A_927 = arith.constant 0 : i32
      %dma_wait3A_928 = tpu.memref_slice %arg9[%run_scoped3A_196, %dma_wait3A_926, %dma_wait3A_927] : memref<5x40x128xf32, #tpu.memory_space<vmem>> -> memref<1x40x128xf32, #tpu.memory_space<vmem>>
      %dma_wait3A_929 = tpu.memref_squeeze %dma_wait3A_928 : memref<1x40x128xf32, #tpu.memory_space<vmem>> -> memref<40x128xf32, #tpu.memory_space<vmem>>
      %dma_wait3A_930 = arith.constant 0 : i32
      %dma_wait3A_931 = tpu.memref_slice %arg8[%run_scoped3A_197, %dma_wait3A_930] : memref<50x40xi32, #tpu.memory_space<vmem>> -> memref<1x40xi32, #tpu.memory_space<vmem>>
      %dma_wait3A_932 = tpu.memref_squeeze %dma_wait3A_931 : memref<1x40xi32, #tpu.memory_space<vmem>> -> memref<40xi32, #tpu.memory_space<vmem>>
      %dma_wait3A_933 = arith.constant 0 : i32
      %dma_wait3A_934 = arith.constant 0 : i32
      %dma_wait3A_935 = tpu.memref_slice %arg6[%dma_wait3A_933, %dma_wait3A_934] : memref<10240x128xf32, #tpu.memory_space<vmem_shared>> -> memref<10240x128xf32, #tpu.memory_space<vmem_shared>>
      tpu.wait_indirect_dma semaphore(%run_scoped3A_915 : memref<!tpu.dma_semaphore, #tpu.memory_space<semaphore_mem>>) src(%dma_wait3A_929 : memref<40x128xf32, #tpu.memory_space<vmem>>) dst(%dma_wait3A_935 : memref<10240x128xf32, #tpu.memory_space<vmem_shared>>)
      tpu.yield
    }) : () -> ()
    %dma_wait3A_198 = arith.constant 48 : i32
    %dma_wait3A_199 = arith.constant 3 : i32
    %dma_wait3A_200 = arith.constant 0 : i32
    %dma_wait3A_201 = arith.constant 0 : i32
    %dma_wait3A_202 = tpu.memref_slice %arg9[%dma_wait3A_199, %dma_wait3A_200, %dma_wait3A_201] : memref<5x40x128xf32, #tpu.memory_space<vmem>> -> memref<1x40x128xf32, #tpu.memory_space<vmem>>
    %dma_wait3A_203 = tpu.memref_squeeze %dma_wait3A_202 : memref<1x40x128xf32, #tpu.memory_space<vmem>> -> memref<40x128xf32, #tpu.memory_space<vmem>>
    %dma_wait3A_204 = arith.constant 0 : i32
    %dma_wait3A_205 = tpu.memref_slice %arg7[%dma_wait3A_198, %dma_wait3A_204] : memref<50x40xi32, #tpu.memory_space<vmem>> -> memref<1x40xi32, #tpu.memory_space<vmem>>
    %dma_wait3A_206 = tpu.memref_squeeze %dma_wait3A_205 : memref<1x40xi32, #tpu.memory_space<vmem>> -> memref<40xi32, #tpu.memory_space<vmem>>
    %dma_wait3A_207 = arith.constant 0 : i32
    %dma_wait3A_208 = arith.constant 0 : i32
    %dma_wait3A_209 = tpu.memref_slice %arg2[%dma_wait3A_207, %dma_wait3A_208] : memref<10000x128xf32, #tpu.memory_space<hbm>> -> memref<10000x128xf32, #tpu.memory_space<hbm>>
    tpu.wait_indirect_dma semaphore(%arg13 : memref<!tpu.dma_semaphore, #tpu.memory_space<semaphore_mem>>) src(%dma_wait3A_209 : memref<10000x128xf32, #tpu.memory_space<hbm>>) dst(%dma_wait3A_203 : memref<40x128xf32, #tpu.memory_space<vmem>>)
    %run_scoped3A_210 = arith.constant 3 : i32
    %run_scoped3A_211 = arith.constant 48 : i32
    "tpu.region"() ({
      %run_scoped3A_915 = tpu.sem_alloc : memref<!tpu.dma_semaphore, #tpu.memory_space<semaphore_mem>>
      %dma_start3A_916 = arith.constant 0 : i32
      %dma_start3A_917 = arith.constant 0 : i32
      %dma_start3A_918 = tpu.memref_slice %arg9[%run_scoped3A_210, %dma_start3A_916, %dma_start3A_917] : memref<5x40x128xf32, #tpu.memory_space<vmem>> -> memref<1x40x128xf32, #tpu.memory_space<vmem>>
      %dma_start3A_919 = tpu.memref_squeeze %dma_start3A_918 : memref<1x40x128xf32, #tpu.memory_space<vmem>> -> memref<40x128xf32, #tpu.memory_space<vmem>>
      %dma_start3A_920 = arith.constant 0 : i32
      %dma_start3A_921 = tpu.memref_slice %arg8[%run_scoped3A_211, %dma_start3A_920] : memref<50x40xi32, #tpu.memory_space<vmem>> -> memref<1x40xi32, #tpu.memory_space<vmem>>
      %dma_start3A_922 = tpu.memref_squeeze %dma_start3A_921 : memref<1x40xi32, #tpu.memory_space<vmem>> -> memref<40xi32, #tpu.memory_space<vmem>>
      %dma_start3A_923 = arith.constant 0 : i32
      %dma_start3A_924 = arith.constant 0 : i32
      %dma_start3A_925 = tpu.memref_slice %arg6[%dma_start3A_923, %dma_start3A_924] : memref<10240x128xf32, #tpu.memory_space<vmem_shared>> -> memref<10240x128xf32, #tpu.memory_space<vmem_shared>>
      tpu.enqueue_indirect_dma source(%dma_start3A_919 : memref<40x128xf32, #tpu.memory_space<vmem>>) target(%dma_start3A_925 : memref<10240x128xf32, #tpu.memory_space<vmem_shared>>) offsets(%dma_start3A_922 : memref<40xi32, #tpu.memory_space<vmem>>) semaphore(%run_scoped3A_915 : memref<!tpu.dma_semaphore, #tpu.memory_space<semaphore_mem>>) {add = true}
      %dma_wait3A_926 = arith.constant 0 : i32
      %dma_wait3A_927 = arith.constant 0 : i32
      %dma_wait3A_928 = tpu.memref_slice %arg9[%run_scoped3A_210, %dma_wait3A_926, %dma_wait3A_927] : memref<5x40x128xf32, #tpu.memory_space<vmem>> -> memref<1x40x128xf32, #tpu.memory_space<vmem>>
      %dma_wait3A_929 = tpu.memref_squeeze %dma_wait3A_928 : memref<1x40x128xf32, #tpu.memory_space<vmem>> -> memref<40x128xf32, #tpu.memory_space<vmem>>
      %dma_wait3A_930 = arith.constant 0 : i32
      %dma_wait3A_931 = tpu.memref_slice %arg8[%run_scoped3A_211, %dma_wait3A_930] : memref<50x40xi32, #tpu.memory_space<vmem>> -> memref<1x40xi32, #tpu.memory_space<vmem>>
      %dma_wait3A_932 = tpu.memref_squeeze %dma_wait3A_931 : memref<1x40xi32, #tpu.memory_space<vmem>> -> memref<40xi32, #tpu.memory_space<vmem>>
      %dma_wait3A_933 = arith.constant 0 : i32
      %dma_wait3A_934 = arith.constant 0 : i32
      %dma_wait3A_935 = tpu.memref_slice %arg6[%dma_wait3A_933, %dma_wait3A_934] : memref<10240x128xf32, #tpu.memory_space<vmem_shared>> -> memref<10240x128xf32, #tpu.memory_space<vmem_shared>>
      tpu.wait_indirect_dma semaphore(%run_scoped3A_915 : memref<!tpu.dma_semaphore, #tpu.memory_space<semaphore_mem>>) src(%dma_wait3A_929 : memref<40x128xf32, #tpu.memory_space<vmem>>) dst(%dma_wait3A_935 : memref<10240x128xf32, #tpu.memory_space<vmem_shared>>)
      tpu.yield
    }) : () -> ()
    %dma_wait3A_212 = arith.constant 49 : i32
    %dma_wait3A_213 = arith.constant 4 : i32
    %dma_wait3A_214 = arith.constant 0 : i32
    %dma_wait3A_215 = arith.constant 0 : i32
    %dma_wait3A_216 = tpu.memref_slice %arg9[%dma_wait3A_213, %dma_wait3A_214, %dma_wait3A_215] : memref<5x40x128xf32, #tpu.memory_space<vmem>> -> memref<1x40x128xf32, #tpu.memory_space<vmem>>
    %dma_wait3A_217 = tpu.memref_squeeze %dma_wait3A_216 : memref<1x40x128xf32, #tpu.memory_space<vmem>> -> memref<40x128xf32, #tpu.memory_space<vmem>>
    %dma_wait3A_218 = arith.constant 0 : i32
    %dma_wait3A_219 = tpu.memref_slice %arg7[%dma_wait3A_212, %dma_wait3A_218] : memref<50x40xi32, #tpu.memory_space<vmem>> -> memref<1x40xi32, #tpu.memory_space<vmem>>
    %dma_wait3A_220 = tpu.memref_squeeze %dma_wait3A_219 : memref<1x40xi32, #tpu.memory_space<vmem>> -> memref<40xi32, #tpu.memory_space<vmem>>
    %dma_wait3A_221 = arith.constant 0 : i32
    %dma_wait3A_222 = arith.constant 0 : i32
    %dma_wait3A_223 = tpu.memref_slice %arg2[%dma_wait3A_221, %dma_wait3A_222] : memref<10000x128xf32, #tpu.memory_space<hbm>> -> memref<10000x128xf32, #tpu.memory_space<hbm>>
    tpu.wait_indirect_dma semaphore(%arg14 : memref<!tpu.dma_semaphore, #tpu.memory_space<semaphore_mem>>) src(%dma_wait3A_223 : memref<10000x128xf32, #tpu.memory_space<hbm>>) dst(%dma_wait3A_217 : memref<40x128xf32, #tpu.memory_space<vmem>>)
    %run_scoped3A_224 = arith.constant 4 : i32
    %run_scoped3A_225 = arith.constant 49 : i32
    "tpu.region"() ({
      %run_scoped3A_915 = tpu.sem_alloc : memref<!tpu.dma_semaphore, #tpu.memory_space<semaphore_mem>>
      %dma_start3A_916 = arith.constant 0 : i32
      %dma_start3A_917 = arith.constant 0 : i32
      %dma_start3A_918 = tpu.memref_slice %arg9[%run_scoped3A_224, %dma_start3A_916, %dma_start3A_917] : memref<5x40x128xf32, #tpu.memory_space<vmem>> -> memref<1x40x128xf32, #tpu.memory_space<vmem>>
      %dma_start3A_919 = tpu.memref_squeeze %dma_start3A_918 : memref<1x40x128xf32, #tpu.memory_space<vmem>> -> memref<40x128xf32, #tpu.memory_space<vmem>>
      %dma_start3A_920 = arith.constant 0 : i32
      %dma_start3A_921 = tpu.memref_slice %arg8[%run_scoped3A_225, %dma_start3A_920] : memref<50x40xi32, #tpu.memory_space<vmem>> -> memref<1x40xi32, #tpu.memory_space<vmem>>
      %dma_start3A_922 = tpu.memref_squeeze %dma_start3A_921 : memref<1x40xi32, #tpu.memory_space<vmem>> -> memref<40xi32, #tpu.memory_space<vmem>>
      %dma_start3A_923 = arith.constant 0 : i32
      %dma_start3A_924 = arith.constant 0 : i32
      %dma_start3A_925 = tpu.memref_slice %arg6[%dma_start3A_923, %dma_start3A_924] : memref<10240x128xf32, #tpu.memory_space<vmem_shared>> -> memref<10240x128xf32, #tpu.memory_space<vmem_shared>>
      tpu.enqueue_indirect_dma source(%dma_start3A_919 : memref<40x128xf32, #tpu.memory_space<vmem>>) target(%dma_start3A_925 : memref<10240x128xf32, #tpu.memory_space<vmem_shared>>) offsets(%dma_start3A_922 : memref<40xi32, #tpu.memory_space<vmem>>) semaphore(%run_scoped3A_915 : memref<!tpu.dma_semaphore, #tpu.memory_space<semaphore_mem>>) {add = true}
      %dma_wait3A_926 = arith.constant 0 : i32
      %dma_wait3A_927 = arith.constant 0 : i32
      %dma_wait3A_928 = tpu.memref_slice %arg9[%run_scoped3A_224, %dma_wait3A_926, %dma_wait3A_927] : memref<5x40x128xf32, #tpu.memory_space<vmem>> -> memref<1x40x128xf32, #tpu.memory_space<vmem>>
      %dma_wait3A_929 = tpu.memref_squeeze %dma_wait3A_928 : memref<1x40x128xf32, #tpu.memory_space<vmem>> -> memref<40x128xf32, #tpu.memory_space<vmem>>
      %dma_wait3A_930 = arith.constant 0 : i32
      %dma_wait3A_931 = tpu.memref_slice %arg8[%run_scoped3A_225, %dma_wait3A_930] : memref<50x40xi32, #tpu.memory_space<vmem>> -> memref<1x40xi32, #tpu.memory_space<vmem>>
      %dma_wait3A_932 = tpu.memref_squeeze %dma_wait3A_931 : memref<1x40xi32, #tpu.memory_space<vmem>> -> memref<40xi32, #tpu.memory_space<vmem>>
      %dma_wait3A_933 = arith.constant 0 : i32
      %dma_wait3A_934 = arith.constant 0 : i32
      %dma_wait3A_935 = tpu.memref_slice %arg6[%dma_wait3A_933, %dma_wait3A_934] : memref<10240x128xf32, #tpu.memory_space<vmem_shared>> -> memref<10240x128xf32, #tpu.memory_space<vmem_shared>>
      tpu.wait_indirect_dma semaphore(%run_scoped3A_915 : memref<!tpu.dma_semaphore, #tpu.memory_space<semaphore_mem>>) src(%dma_wait3A_929 : memref<40x128xf32, #tpu.memory_space<vmem>>) dst(%dma_wait3A_935 : memref<10240x128xf32, #tpu.memory_space<vmem_shared>>)
      tpu.yield
    }) : () -> ()
    %dma_start3A_226 = arith.constant 1 : i32
    %dma_start3A_227 = arith.constant 0 : i32
    %dma_start3A_228 = arith.constant 0 : i32
    %dma_start3A_229 = tpu.memref_slice %arg3[%add3A, %dma_start3A_226, %dma_start3A_227, %dma_start3A_228] : memref<32x5x50x40xi32, #tpu.memory_space<hbm>> -> memref<1x1x50x40xi32, #tpu.memory_space<hbm>>
    %dma_start3A_230 = tpu.memref_squeeze %dma_start3A_229 : memref<1x1x50x40xi32, #tpu.memory_space<hbm>> -> memref<50x40xi32, #tpu.memory_space<hbm>>
    %dma_start3A_231 = arith.constant 0 : i32
    %dma_start3A_232 = arith.constant 0 : i32
    %dma_start3A_233 = tpu.memref_slice %arg3[%add3A, %dma_start3A_226, %dma_start3A_231, %dma_start3A_232] : memref<32x5x50x40xi32, #tpu.memory_space<hbm>> -> memref<1x1x50x40xi32, #tpu.memory_space<hbm>>
    %dma_start3A_234 = tpu.memref_squeeze %dma_start3A_233 : memref<1x1x50x40xi32, #tpu.memory_space<hbm>> -> memref<50x40xi32, #tpu.memory_space<hbm>>
    tpu.enqueue_dma source(%dma_start3A_234 : memref<50x40xi32, #tpu.memory_space<hbm>>) target(%arg7 : memref<50x40xi32, #tpu.memory_space<vmem>>) target_semaphore(%arg15 : memref<!tpu.dma_semaphore, #tpu.memory_space<semaphore_mem>>)
    %dma_start3A_235 = arith.constant 1 : i32
    %dma_start3A_236 = arith.constant 0 : i32
    %dma_start3A_237 = arith.constant 0 : i32
    %dma_start3A_238 = tpu.memref_slice %arg4[%add3A, %dma_start3A_235, %dma_start3A_236, %dma_start3A_237] : memref<32x5x50x40xi32, #tpu.memory_space<hbm>> -> memref<1x1x50x40xi32, #tpu.memory_space<hbm>>
    %dma_start3A_239 = tpu.memref_squeeze %dma_start3A_238 : memref<1x1x50x40xi32, #tpu.memory_space<hbm>> -> memref<50x40xi32, #tpu.memory_space<hbm>>
    %dma_start3A_240 = arith.constant 0 : i32
    %dma_start3A_241 = arith.constant 0 : i32
    %dma_start3A_242 = tpu.memref_slice %arg4[%add3A, %dma_start3A_235, %dma_start3A_240, %dma_start3A_241] : memref<32x5x50x40xi32, #tpu.memory_space<hbm>> -> memref<1x1x50x40xi32, #tpu.memory_space<hbm>>
    %dma_start3A_243 = tpu.memref_squeeze %dma_start3A_242 : memref<1x1x50x40xi32, #tpu.memory_space<hbm>> -> memref<50x40xi32, #tpu.memory_space<hbm>>
    tpu.enqueue_dma source(%dma_start3A_243 : memref<50x40xi32, #tpu.memory_space<hbm>>) target(%arg8 : memref<50x40xi32, #tpu.memory_space<vmem>>) target_semaphore(%arg15 : memref<!tpu.dma_semaphore, #tpu.memory_space<semaphore_mem>>)
    %dma_wait3A_244 = arith.constant 1 : i32
    %dma_wait3A_245 = arith.constant 0 : i32
    %dma_wait3A_246 = arith.constant 0 : i32
    %dma_wait3A_247 = tpu.memref_slice %arg3[%add3A, %dma_wait3A_244, %dma_wait3A_245, %dma_wait3A_246] : memref<32x5x50x40xi32, #tpu.memory_space<hbm>> -> memref<1x1x50x40xi32, #tpu.memory_space<hbm>>
    %dma_wait3A_248 = tpu.memref_squeeze %dma_wait3A_247 : memref<1x1x50x40xi32, #tpu.memory_space<hbm>> -> memref<50x40xi32, #tpu.memory_space<hbm>>
    %dma_wait3A_249 = arith.constant 0 : i32
    %dma_wait3A_250 = arith.constant 0 : i32
    %dma_wait3A_251 = tpu.memref_slice %arg3[%add3A, %dma_wait3A_244, %dma_wait3A_249, %dma_wait3A_250] : memref<32x5x50x40xi32, #tpu.memory_space<hbm>> -> memref<1x1x50x40xi32, #tpu.memory_space<hbm>>
    %dma_wait3A_252 = tpu.memref_squeeze %dma_wait3A_251 : memref<1x1x50x40xi32, #tpu.memory_space<hbm>> -> memref<50x40xi32, #tpu.memory_space<hbm>>
    tpu.wait_dma2 semaphore(%arg15 : memref<!tpu.dma_semaphore, #tpu.memory_space<semaphore_mem>>) src(%dma_wait3A_252 : memref<50x40xi32, #tpu.memory_space<hbm>>) dst(%arg7 : memref<50x40xi32, #tpu.memory_space<vmem>>)
    %dma_wait3A_253 = arith.constant 1 : i32
    %dma_wait3A_254 = arith.constant 0 : i32
    %dma_wait3A_255 = arith.constant 0 : i32
    %dma_wait3A_256 = tpu.memref_slice %arg4[%add3A, %dma_wait3A_253, %dma_wait3A_254, %dma_wait3A_255] : memref<32x5x50x40xi32, #tpu.memory_space<hbm>> -> memref<1x1x50x40xi32, #tpu.memory_space<hbm>>
    %dma_wait3A_257 = tpu.memref_squeeze %dma_wait3A_256 : memref<1x1x50x40xi32, #tpu.memory_space<hbm>> -> memref<50x40xi32, #tpu.memory_space<hbm>>
    %dma_wait3A_258 = arith.constant 0 : i32
    %dma_wait3A_259 = arith.constant 0 : i32
    %dma_wait3A_260 = tpu.memref_slice %arg4[%add3A, %dma_wait3A_253, %dma_wait3A_258, %dma_wait3A_259] : memref<32x5x50x40xi32, #tpu.memory_space<hbm>> -> memref<1x1x50x40xi32, #tpu.memory_space<hbm>>
    %dma_wait3A_261 = tpu.memref_squeeze %dma_wait3A_260 : memref<1x1x50x40xi32, #tpu.memory_space<hbm>> -> memref<50x40xi32, #tpu.memory_space<hbm>>
    tpu.wait_dma2 semaphore(%arg15 : memref<!tpu.dma_semaphore, #tpu.memory_space<semaphore_mem>>) src(%dma_wait3A_261 : memref<50x40xi32, #tpu.memory_space<hbm>>) dst(%arg8 : memref<50x40xi32, #tpu.memory_space<vmem>>)
    %dma_start3A_262 = arith.constant 0 : i32
    %dma_start3A_263 = arith.constant 0 : i32
    %dma_start3A_264 = arith.constant 0 : i32
    %dma_start3A_265 = arith.constant 0 : i32
    %dma_start3A_266 = tpu.memref_slice %arg9[%dma_start3A_263, %dma_start3A_264, %dma_start3A_265] : memref<5x40x128xf32, #tpu.memory_space<vmem>> -> memref<1x40x128xf32, #tpu.memory_space<vmem>>
    %dma_start3A_267 = tpu.memref_squeeze %dma_start3A_266 : memref<1x40x128xf32, #tpu.memory_space<vmem>> -> memref<40x128xf32, #tpu.memory_space<vmem>>
    %dma_start3A_268 = arith.constant 0 : i32
    %dma_start3A_269 = tpu.memref_slice %arg7[%dma_start3A_262, %dma_start3A_268] : memref<50x40xi32, #tpu.memory_space<vmem>> -> memref<1x40xi32, #tpu.memory_space<vmem>>
    %dma_start3A_270 = tpu.memref_squeeze %dma_start3A_269 : memref<1x40xi32, #tpu.memory_space<vmem>> -> memref<40xi32, #tpu.memory_space<vmem>>
    %dma_start3A_271 = arith.constant 0 : i32
    %dma_start3A_272 = arith.constant 0 : i32
    %dma_start3A_273 = tpu.memref_slice %arg2[%dma_start3A_271, %dma_start3A_272] : memref<10000x128xf32, #tpu.memory_space<hbm>> -> memref<10000x128xf32, #tpu.memory_space<hbm>>
    tpu.enqueue_indirect_dma source(%dma_start3A_273 : memref<10000x128xf32, #tpu.memory_space<hbm>>) target(%dma_start3A_267 : memref<40x128xf32, #tpu.memory_space<vmem>>) offsets(%dma_start3A_270 : memref<40xi32, #tpu.memory_space<vmem>>) semaphore(%arg10 : memref<!tpu.dma_semaphore, #tpu.memory_space<semaphore_mem>>)
    %dma_start3A_274 = arith.constant 1 : i32
    %dma_start3A_275 = arith.constant 1 : i32
    %dma_start3A_276 = arith.constant 0 : i32
    %dma_start3A_277 = arith.constant 0 : i32
    %dma_start3A_278 = tpu.memref_slice %arg9[%dma_start3A_275, %dma_start3A_276, %dma_start3A_277] : memref<5x40x128xf32, #tpu.memory_space<vmem>> -> memref<1x40x128xf32, #tpu.memory_space<vmem>>
    %dma_start3A_279 = tpu.memref_squeeze %dma_start3A_278 : memref<1x40x128xf32, #tpu.memory_space<vmem>> -> memref<40x128xf32, #tpu.memory_space<vmem>>
    %dma_start3A_280 = arith.constant 0 : i32
    %dma_start3A_281 = tpu.memref_slice %arg7[%dma_start3A_274, %dma_start3A_280] : memref<50x40xi32, #tpu.memory_space<vmem>> -> memref<1x40xi32, #tpu.memory_space<vmem>>
    %dma_start3A_282 = tpu.memref_squeeze %dma_start3A_281 : memref<1x40xi32, #tpu.memory_space<vmem>> -> memref<40xi32, #tpu.memory_space<vmem>>
    %dma_start3A_283 = arith.constant 0 : i32
    %dma_start3A_284 = arith.constant 0 : i32
    %dma_start3A_285 = tpu.memref_slice %arg2[%dma_start3A_283, %dma_start3A_284] : memref<10000x128xf32, #tpu.memory_space<hbm>> -> memref<10000x128xf32, #tpu.memory_space<hbm>>
    tpu.enqueue_indirect_dma source(%dma_start3A_285 : memref<10000x128xf32, #tpu.memory_space<hbm>>) target(%dma_start3A_279 : memref<40x128xf32, #tpu.memory_space<vmem>>) offsets(%dma_start3A_282 : memref<40xi32, #tpu.memory_space<vmem>>) semaphore(%arg11 : memref<!tpu.dma_semaphore, #tpu.memory_space<semaphore_mem>>)
    %dma_start3A_286 = arith.constant 2 : i32
    %dma_start3A_287 = arith.constant 2 : i32
    %dma_start3A_288 = arith.constant 0 : i32
    %dma_start3A_289 = arith.constant 0 : i32
    %dma_start3A_290 = tpu.memref_slice %arg9[%dma_start3A_287, %dma_start3A_288, %dma_start3A_289] : memref<5x40x128xf32, #tpu.memory_space<vmem>> -> memref<1x40x128xf32, #tpu.memory_space<vmem>>
    %dma_start3A_291 = tpu.memref_squeeze %dma_start3A_290 : memref<1x40x128xf32, #tpu.memory_space<vmem>> -> memref<40x128xf32, #tpu.memory_space<vmem>>
    %dma_start3A_292 = arith.constant 0 : i32
    %dma_start3A_293 = tpu.memref_slice %arg7[%dma_start3A_286, %dma_start3A_292] : memref<50x40xi32, #tpu.memory_space<vmem>> -> memref<1x40xi32, #tpu.memory_space<vmem>>
    %dma_start3A_294 = tpu.memref_squeeze %dma_start3A_293 : memref<1x40xi32, #tpu.memory_space<vmem>> -> memref<40xi32, #tpu.memory_space<vmem>>
    %dma_start3A_295 = arith.constant 0 : i32
    %dma_start3A_296 = arith.constant 0 : i32
    %dma_start3A_297 = tpu.memref_slice %arg2[%dma_start3A_295, %dma_start3A_296] : memref<10000x128xf32, #tpu.memory_space<hbm>> -> memref<10000x128xf32, #tpu.memory_space<hbm>>
    tpu.enqueue_indirect_dma source(%dma_start3A_297 : memref<10000x128xf32, #tpu.memory_space<hbm>>) target(%dma_start3A_291 : memref<40x128xf32, #tpu.memory_space<vmem>>) offsets(%dma_start3A_294 : memref<40xi32, #tpu.memory_space<vmem>>) semaphore(%arg12 : memref<!tpu.dma_semaphore, #tpu.memory_space<semaphore_mem>>)
    %dma_start3A_298 = arith.constant 3 : i32
    %dma_start3A_299 = arith.constant 3 : i32
    %dma_start3A_300 = arith.constant 0 : i32
    %dma_start3A_301 = arith.constant 0 : i32
    %dma_start3A_302 = tpu.memref_slice %arg9[%dma_start3A_299, %dma_start3A_300, %dma_start3A_301] : memref<5x40x128xf32, #tpu.memory_space<vmem>> -> memref<1x40x128xf32, #tpu.memory_space<vmem>>
    %dma_start3A_303 = tpu.memref_squeeze %dma_start3A_302 : memref<1x40x128xf32, #tpu.memory_space<vmem>> -> memref<40x128xf32, #tpu.memory_space<vmem>>
    %dma_start3A_304 = arith.constant 0 : i32
    %dma_start3A_305 = tpu.memref_slice %arg7[%dma_start3A_298, %dma_start3A_304] : memref<50x40xi32, #tpu.memory_space<vmem>> -> memref<1x40xi32, #tpu.memory_space<vmem>>
    %dma_start3A_306 = tpu.memref_squeeze %dma_start3A_305 : memref<1x40xi32, #tpu.memory_space<vmem>> -> memref<40xi32, #tpu.memory_space<vmem>>
    %dma_start3A_307 = arith.constant 0 : i32
    %dma_start3A_308 = arith.constant 0 : i32
    %dma_start3A_309 = tpu.memref_slice %arg2[%dma_start3A_307, %dma_start3A_308] : memref<10000x128xf32, #tpu.memory_space<hbm>> -> memref<10000x128xf32, #tpu.memory_space<hbm>>
    tpu.enqueue_indirect_dma source(%dma_start3A_309 : memref<10000x128xf32, #tpu.memory_space<hbm>>) target(%dma_start3A_303 : memref<40x128xf32, #tpu.memory_space<vmem>>) offsets(%dma_start3A_306 : memref<40xi32, #tpu.memory_space<vmem>>) semaphore(%arg13 : memref<!tpu.dma_semaphore, #tpu.memory_space<semaphore_mem>>)
    %dma_start3A_310 = arith.constant 4 : i32
    %dma_start3A_311 = arith.constant 4 : i32
    %dma_start3A_312 = arith.constant 0 : i32
    %dma_start3A_313 = arith.constant 0 : i32
    %dma_start3A_314 = tpu.memref_slice %arg9[%dma_start3A_311, %dma_start3A_312, %dma_start3A_313] : memref<5x40x128xf32, #tpu.memory_space<vmem>> -> memref<1x40x128xf32, #tpu.memory_space<vmem>>
    %dma_start3A_315 = tpu.memref_squeeze %dma_start3A_314 : memref<1x40x128xf32, #tpu.memory_space<vmem>> -> memref<40x128xf32, #tpu.memory_space<vmem>>
    %dma_start3A_316 = arith.constant 0 : i32
    %dma_start3A_317 = tpu.memref_slice %arg7[%dma_start3A_310, %dma_start3A_316] : memref<50x40xi32, #tpu.memory_space<vmem>> -> memref<1x40xi32, #tpu.memory_space<vmem>>
    %dma_start3A_318 = tpu.memref_squeeze %dma_start3A_317 : memref<1x40xi32, #tpu.memory_space<vmem>> -> memref<40xi32, #tpu.memory_space<vmem>>
    %dma_start3A_319 = arith.constant 0 : i32
    %dma_start3A_320 = arith.constant 0 : i32
    %dma_start3A_321 = tpu.memref_slice %arg2[%dma_start3A_319, %dma_start3A_320] : memref<10000x128xf32, #tpu.memory_space<hbm>> -> memref<10000x128xf32, #tpu.memory_space<hbm>>
    tpu.enqueue_indirect_dma source(%dma_start3A_321 : memref<10000x128xf32, #tpu.memory_space<hbm>>) target(%dma_start3A_315 : memref<40x128xf32, #tpu.memory_space<vmem>>) offsets(%dma_start3A_318 : memref<40xi32, #tpu.memory_space<vmem>>) semaphore(%arg14 : memref<!tpu.dma_semaphore, #tpu.memory_space<semaphore_mem>>)
    %scan3A_322 = arith.constant 0 : i32
    %scan3A_323 = arith.constant 0 : i32
    %scan3A_324 = arith.constant 9 : i32
    %scan3A_325 = arith.addi %scan3A_323, %scan3A_324 : i32
    %scan3A_326 = arith.constant 1 : i32
    scf.for %scan3A_915 = %scan3A_323 to %scan3A_325 step %scan3A_326  : i32 {
      %mul3A_916 = arith.constant 5 : i32
      %mul3A_917 = arith.muli %scan3A_915, %mul3A_916 : i32
      %add3A_918 = arith.constant 0 : i32
      %add3A_919 = arith.addi %mul3A_917, %add3A_918 : i32
      %dma_wait3A_920 = arith.constant 0 : i32
      %dma_wait3A_921 = arith.constant 0 : i32
      %dma_wait3A_922 = arith.constant 0 : i32
      %dma_wait3A_923 = tpu.memref_slice %arg9[%dma_wait3A_920, %dma_wait3A_921, %dma_wait3A_922] : memref<5x40x128xf32, #tpu.memory_space<vmem>> -> memref<1x40x128xf32, #tpu.memory_space<vmem>>
      %dma_wait3A_924 = tpu.memref_squeeze %dma_wait3A_923 : memref<1x40x128xf32, #tpu.memory_space<vmem>> -> memref<40x128xf32, #tpu.memory_space<vmem>>
      %dma_wait3A_925 = arith.constant 0 : i32
      %dma_wait3A_926 = tpu.memref_slice %arg7[%add3A_919, %dma_wait3A_925] : memref<50x40xi32, #tpu.memory_space<vmem>> -> memref<1x40xi32, #tpu.memory_space<vmem>>
      %dma_wait3A_927 = tpu.memref_squeeze %dma_wait3A_926 : memref<1x40xi32, #tpu.memory_space<vmem>> -> memref<40xi32, #tpu.memory_space<vmem>>
      %dma_wait3A_928 = arith.constant 0 : i32
      %dma_wait3A_929 = arith.constant 0 : i32
      %dma_wait3A_930 = tpu.memref_slice %arg2[%dma_wait3A_928, %dma_wait3A_929] : memref<10000x128xf32, #tpu.memory_space<hbm>> -> memref<10000x128xf32, #tpu.memory_space<hbm>>
      tpu.wait_indirect_dma semaphore(%arg10 : memref<!tpu.dma_semaphore, #tpu.memory_space<semaphore_mem>>) src(%dma_wait3A_930 : memref<10000x128xf32, #tpu.memory_space<hbm>>) dst(%dma_wait3A_924 : memref<40x128xf32, #tpu.memory_space<vmem>>)
      %run_scoped3A_931 = arith.constant 0 : i32
      "tpu.region"() ({
        %run_scoped3A_1061 = tpu.sem_alloc : memref<!tpu.dma_semaphore, #tpu.memory_space<semaphore_mem>>
        %dma_start3A_1062 = arith.constant 0 : i32
        %dma_start3A_1063 = arith.constant 0 : i32
        %dma_start3A_1064 = tpu.memref_slice %arg9[%run_scoped3A_931, %dma_start3A_1062, %dma_start3A_1063] : memref<5x40x128xf32, #tpu.memory_space<vmem>> -> memref<1x40x128xf32, #tpu.memory_space<vmem>>
        %dma_start3A_1065 = tpu.memref_squeeze %dma_start3A_1064 : memref<1x40x128xf32, #tpu.memory_space<vmem>> -> memref<40x128xf32, #tpu.memory_space<vmem>>
        %dma_start3A_1066 = arith.constant 0 : i32
        %dma_start3A_1067 = tpu.memref_slice %arg8[%add3A_919, %dma_start3A_1066] : memref<50x40xi32, #tpu.memory_space<vmem>> -> memref<1x40xi32, #tpu.memory_space<vmem>>
        %dma_start3A_1068 = tpu.memref_squeeze %dma_start3A_1067 : memref<1x40xi32, #tpu.memory_space<vmem>> -> memref<40xi32, #tpu.memory_space<vmem>>
        %dma_start3A_1069 = arith.constant 0 : i32
        %dma_start3A_1070 = arith.constant 0 : i32
        %dma_start3A_1071 = tpu.memref_slice %arg6[%dma_start3A_1069, %dma_start3A_1070] : memref<10240x128xf32, #tpu.memory_space<vmem_shared>> -> memref<10240x128xf32, #tpu.memory_space<vmem_shared>>
        tpu.enqueue_indirect_dma source(%dma_start3A_1065 : memref<40x128xf32, #tpu.memory_space<vmem>>) target(%dma_start3A_1071 : memref<10240x128xf32, #tpu.memory_space<vmem_shared>>) offsets(%dma_start3A_1068 : memref<40xi32, #tpu.memory_space<vmem>>) semaphore(%run_scoped3A_1061 : memref<!tpu.dma_semaphore, #tpu.memory_space<semaphore_mem>>) {add = true}
        %dma_wait3A_1072 = arith.constant 0 : i32
        %dma_wait3A_1073 = arith.constant 0 : i32
        %dma_wait3A_1074 = tpu.memref_slice %arg9[%run_scoped3A_931, %dma_wait3A_1072, %dma_wait3A_1073] : memref<5x40x128xf32, #tpu.memory_space<vmem>> -> memref<1x40x128xf32, #tpu.memory_space<vmem>>
        %dma_wait3A_1075 = tpu.memref_squeeze %dma_wait3A_1074 : memref<1x40x128xf32, #tpu.memory_space<vmem>> -> memref<40x128xf32, #tpu.memory_space<vmem>>
        %dma_wait3A_1076 = arith.constant 0 : i32
        %dma_wait3A_1077 = tpu.memref_slice %arg8[%add3A_919, %dma_wait3A_1076] : memref<50x40xi32, #tpu.memory_space<vmem>> -> memref<1x40xi32, #tpu.memory_space<vmem>>
        %dma_wait3A_1078 = tpu.memref_squeeze %dma_wait3A_1077 : memref<1x40xi32, #tpu.memory_space<vmem>> -> memref<40xi32, #tpu.memory_space<vmem>>
        %dma_wait3A_1079 = arith.constant 0 : i32
        %dma_wait3A_1080 = arith.constant 0 : i32
        %dma_wait3A_1081 = tpu.memref_slice %arg6[%dma_wait3A_1079, %dma_wait3A_1080] : memref<10240x128xf32, #tpu.memory_space<vmem_shared>> -> memref<10240x128xf32, #tpu.memory_space<vmem_shared>>
        tpu.wait_indirect_dma semaphore(%run_scoped3A_1061 : memref<!tpu.dma_semaphore, #tpu.memory_space<semaphore_mem>>) src(%dma_wait3A_1075 : memref<40x128xf32, #tpu.memory_space<vmem>>) dst(%dma_wait3A_1081 : memref<10240x128xf32, #tpu.memory_space<vmem_shared>>)
        tpu.yield
      }) : () -> ()
      %add3A_932 = arith.constant 5 : i32
      %add3A_933 = arith.addi %add3A_919, %add3A_932 : i32
      %dma_start3A_934 = arith.constant 0 : i32
      %dma_start3A_935 = arith.constant 0 : i32
      %dma_start3A_936 = arith.constant 0 : i32
      %dma_start3A_937 = tpu.memref_slice %arg9[%dma_start3A_934, %dma_start3A_935, %dma_start3A_936] : memref<5x40x128xf32, #tpu.memory_space<vmem>> -> memref<1x40x128xf32, #tpu.memory_space<vmem>>
      %dma_start3A_938 = tpu.memref_squeeze %dma_start3A_937 : memref<1x40x128xf32, #tpu.memory_space<vmem>> -> memref<40x128xf32, #tpu.memory_space<vmem>>
      %dma_start3A_939 = arith.constant 0 : i32
      %dma_start3A_940 = tpu.memref_slice %arg7[%add3A_933, %dma_start3A_939] : memref<50x40xi32, #tpu.memory_space<vmem>> -> memref<1x40xi32, #tpu.memory_space<vmem>>
      %dma_start3A_941 = tpu.memref_squeeze %dma_start3A_940 : memref<1x40xi32, #tpu.memory_space<vmem>> -> memref<40xi32, #tpu.memory_space<vmem>>
      %dma_start3A_942 = arith.constant 0 : i32
      %dma_start3A_943 = arith.constant 0 : i32
      %dma_start3A_944 = tpu.memref_slice %arg2[%dma_start3A_942, %dma_start3A_943] : memref<10000x128xf32, #tpu.memory_space<hbm>> -> memref<10000x128xf32, #tpu.memory_space<hbm>>
      tpu.enqueue_indirect_dma source(%dma_start3A_944 : memref<10000x128xf32, #tpu.memory_space<hbm>>) target(%dma_start3A_938 : memref<40x128xf32, #tpu.memory_space<vmem>>) offsets(%dma_start3A_941 : memref<40xi32, #tpu.memory_space<vmem>>) semaphore(%arg10 : memref<!tpu.dma_semaphore, #tpu.memory_space<semaphore_mem>>)
      %mul3A_945 = arith.constant 5 : i32
      %mul3A_946 = arith.muli %scan3A_915, %mul3A_945 : i32
      %add3A_947 = arith.constant 1 : i32
      %add3A_948 = arith.addi %mul3A_946, %add3A_947 : i32
      %dma_wait3A_949 = arith.constant 1 : i32
      %dma_wait3A_950 = arith.constant 0 : i32
      %dma_wait3A_951 = arith.constant 0 : i32
      %dma_wait3A_952 = tpu.memref_slice %arg9[%dma_wait3A_949, %dma_wait3A_950, %dma_wait3A_951] : memref<5x40x128xf32, #tpu.memory_space<vmem>> -> memref<1x40x128xf32, #tpu.memory_space<vmem>>
      %dma_wait3A_953 = tpu.memref_squeeze %dma_wait3A_952 : memref<1x40x128xf32, #tpu.memory_space<vmem>> -> memref<40x128xf32, #tpu.memory_space<vmem>>
      %dma_wait3A_954 = arith.constant 0 : i32
      %dma_wait3A_955 = tpu.memref_slice %arg7[%add3A_948, %dma_wait3A_954] : memref<50x40xi32, #tpu.memory_space<vmem>> -> memref<1x40xi32, #tpu.memory_space<vmem>>
      %dma_wait3A_956 = tpu.memref_squeeze %dma_wait3A_955 : memref<1x40xi32, #tpu.memory_space<vmem>> -> memref<40xi32, #tpu.memory_space<vmem>>
      %dma_wait3A_957 = arith.constant 0 : i32
      %dma_wait3A_958 = arith.constant 0 : i32
      %dma_wait3A_959 = tpu.memref_slice %arg2[%dma_wait3A_957, %dma_wait3A_958] : memref<10000x128xf32, #tpu.memory_space<hbm>> -> memref<10000x128xf32, #tpu.memory_space<hbm>>
      tpu.wait_indirect_dma semaphore(%arg11 : memref<!tpu.dma_semaphore, #tpu.memory_space<semaphore_mem>>) src(%dma_wait3A_959 : memref<10000x128xf32, #tpu.memory_space<hbm>>) dst(%dma_wait3A_953 : memref<40x128xf32, #tpu.memory_space<vmem>>)
      %run_scoped3A_960 = arith.constant 1 : i32
      "tpu.region"() ({
        %run_scoped3A_1061 = tpu.sem_alloc : memref<!tpu.dma_semaphore, #tpu.memory_space<semaphore_mem>>
        %dma_start3A_1062 = arith.constant 0 : i32
        %dma_start3A_1063 = arith.constant 0 : i32
        %dma_start3A_1064 = tpu.memref_slice %arg9[%run_scoped3A_960, %dma_start3A_1062, %dma_start3A_1063] : memref<5x40x128xf32, #tpu.memory_space<vmem>> -> memref<1x40x128xf32, #tpu.memory_space<vmem>>
        %dma_start3A_1065 = tpu.memref_squeeze %dma_start3A_1064 : memref<1x40x128xf32, #tpu.memory_space<vmem>> -> memref<40x128xf32, #tpu.memory_space<vmem>>
        %dma_start3A_1066 = arith.constant 0 : i32
        %dma_start3A_1067 = tpu.memref_slice %arg8[%add3A_948, %dma_start3A_1066] : memref<50x40xi32, #tpu.memory_space<vmem>> -> memref<1x40xi32, #tpu.memory_space<vmem>>
        %dma_start3A_1068 = tpu.memref_squeeze %dma_start3A_1067 : memref<1x40xi32, #tpu.memory_space<vmem>> -> memref<40xi32, #tpu.memory_space<vmem>>
        %dma_start3A_1069 = arith.constant 0 : i32
        %dma_start3A_1070 = arith.constant 0 : i32
        %dma_start3A_1071 = tpu.memref_slice %arg6[%dma_start3A_1069, %dma_start3A_1070] : memref<10240x128xf32, #tpu.memory_space<vmem_shared>> -> memref<10240x128xf32, #tpu.memory_space<vmem_shared>>
        tpu.enqueue_indirect_dma source(%dma_start3A_1065 : memref<40x128xf32, #tpu.memory_space<vmem>>) target(%dma_start3A_1071 : memref<10240x128xf32, #tpu.memory_space<vmem_shared>>) offsets(%dma_start3A_1068 : memref<40xi32, #tpu.memory_space<vmem>>) semaphore(%run_scoped3A_1061 : memref<!tpu.dma_semaphore, #tpu.memory_space<semaphore_mem>>) {add = true}
        %dma_wait3A_1072 = arith.constant 0 : i32
        %dma_wait3A_1073 = arith.constant 0 : i32
        %dma_wait3A_1074 = tpu.memref_slice %arg9[%run_scoped3A_960, %dma_wait3A_1072, %dma_wait3A_1073] : memref<5x40x128xf32, #tpu.memory_space<vmem>> -> memref<1x40x128xf32, #tpu.memory_space<vmem>>
        %dma_wait3A_1075 = tpu.memref_squeeze %dma_wait3A_1074 : memref<1x40x128xf32, #tpu.memory_space<vmem>> -> memref<40x128xf32, #tpu.memory_space<vmem>>
        %dma_wait3A_1076 = arith.constant 0 : i32
        %dma_wait3A_1077 = tpu.memref_slice %arg8[%add3A_948, %dma_wait3A_1076] : memref<50x40xi32, #tpu.memory_space<vmem>> -> memref<1x40xi32, #tpu.memory_space<vmem>>
        %dma_wait3A_1078 = tpu.memref_squeeze %dma_wait3A_1077 : memref<1x40xi32, #tpu.memory_space<vmem>> -> memref<40xi32, #tpu.memory_space<vmem>>
        %dma_wait3A_1079 = arith.constant 0 : i32
        %dma_wait3A_1080 = arith.constant 0 : i32
        %dma_wait3A_1081 = tpu.memref_slice %arg6[%dma_wait3A_1079, %dma_wait3A_1080] : memref<10240x128xf32, #tpu.memory_space<vmem_shared>> -> memref<10240x128xf32, #tpu.memory_space<vmem_shared>>
        tpu.wait_indirect_dma semaphore(%run_scoped3A_1061 : memref<!tpu.dma_semaphore, #tpu.memory_space<semaphore_mem>>) src(%dma_wait3A_1075 : memref<40x128xf32, #tpu.memory_space<vmem>>) dst(%dma_wait3A_1081 : memref<10240x128xf32, #tpu.memory_space<vmem_shared>>)
        tpu.yield
      }) : () -> ()
      %add3A_961 = arith.constant 5 : i32
      %add3A_962 = arith.addi %add3A_948, %add3A_961 : i32
      %dma_start3A_963 = arith.constant 1 : i32
      %dma_start3A_964 = arith.constant 0 : i32
      %dma_start3A_965 = arith.constant 0 : i32
      %dma_start3A_966 = tpu.memref_slice %arg9[%dma_start3A_963, %dma_start3A_964, %dma_start3A_965] : memref<5x40x128xf32, #tpu.memory_space<vmem>> -> memref<1x40x128xf32, #tpu.memory_space<vmem>>
      %dma_start3A_967 = tpu.memref_squeeze %dma_start3A_966 : memref<1x40x128xf32, #tpu.memory_space<vmem>> -> memref<40x128xf32, #tpu.memory_space<vmem>>
      %dma_start3A_968 = arith.constant 0 : i32
      %dma_start3A_969 = tpu.memref_slice %arg7[%add3A_962, %dma_start3A_968] : memref<50x40xi32, #tpu.memory_space<vmem>> -> memref<1x40xi32, #tpu.memory_space<vmem>>
      %dma_start3A_970 = tpu.memref_squeeze %dma_start3A_969 : memref<1x40xi32, #tpu.memory_space<vmem>> -> memref<40xi32, #tpu.memory_space<vmem>>
      %dma_start3A_971 = arith.constant 0 : i32
      %dma_start3A_972 = arith.constant 0 : i32
      %dma_start3A_973 = tpu.memref_slice %arg2[%dma_start3A_971, %dma_start3A_972] : memref<10000x128xf32, #tpu.memory_space<hbm>> -> memref<10000x128xf32, #tpu.memory_space<hbm>>
      tpu.enqueue_indirect_dma source(%dma_start3A_973 : memref<10000x128xf32, #tpu.memory_space<hbm>>) target(%dma_start3A_967 : memref<40x128xf32, #tpu.memory_space<vmem>>) offsets(%dma_start3A_970 : memref<40xi32, #tpu.memory_space<vmem>>) semaphore(%arg11 : memref<!tpu.dma_semaphore, #tpu.memory_space<semaphore_mem>>)
      %mul3A_974 = arith.constant 5 : i32
      %mul3A_975 = arith.muli %scan3A_915, %mul3A_974 : i32
      %add3A_976 = arith.constant 2 : i32
      %add3A_977 = arith.addi %mul3A_975, %add3A_976 : i32
      %dma_wait3A_978 = arith.constant 2 : i32
      %dma_wait3A_979 = arith.constant 0 : i32
      %dma_wait3A_980 = arith.constant 0 : i32
      %dma_wait3A_981 = tpu.memref_slice %arg9[%dma_wait3A_978, %dma_wait3A_979, %dma_wait3A_980] : memref<5x40x128xf32, #tpu.memory_space<vmem>> -> memref<1x40x128xf32, #tpu.memory_space<vmem>>
      %dma_wait3A_982 = tpu.memref_squeeze %dma_wait3A_981 : memref<1x40x128xf32, #tpu.memory_space<vmem>> -> memref<40x128xf32, #tpu.memory_space<vmem>>
      %dma_wait3A_983 = arith.constant 0 : i32
      %dma_wait3A_984 = tpu.memref_slice %arg7[%add3A_977, %dma_wait3A_983] : memref<50x40xi32, #tpu.memory_space<vmem>> -> memref<1x40xi32, #tpu.memory_space<vmem>>
      %dma_wait3A_985 = tpu.memref_squeeze %dma_wait3A_984 : memref<1x40xi32, #tpu.memory_space<vmem>> -> memref<40xi32, #tpu.memory_space<vmem>>
      %dma_wait3A_986 = arith.constant 0 : i32
      %dma_wait3A_987 = arith.constant 0 : i32
      %dma_wait3A_988 = tpu.memref_slice %arg2[%dma_wait3A_986, %dma_wait3A_987] : memref<10000x128xf32, #tpu.memory_space<hbm>> -> memref<10000x128xf32, #tpu.memory_space<hbm>>
      tpu.wait_indirect_dma semaphore(%arg12 : memref<!tpu.dma_semaphore, #tpu.memory_space<semaphore_mem>>) src(%dma_wait3A_988 : memref<10000x128xf32, #tpu.memory_space<hbm>>) dst(%dma_wait3A_982 : memref<40x128xf32, #tpu.memory_space<vmem>>)
      %run_scoped3A_989 = arith.constant 2 : i32
      "tpu.region"() ({
        %run_scoped3A_1061 = tpu.sem_alloc : memref<!tpu.dma_semaphore, #tpu.memory_space<semaphore_mem>>
        %dma_start3A_1062 = arith.constant 0 : i32
        %dma_start3A_1063 = arith.constant 0 : i32
        %dma_start3A_1064 = tpu.memref_slice %arg9[%run_scoped3A_989, %dma_start3A_1062, %dma_start3A_1063] : memref<5x40x128xf32, #tpu.memory_space<vmem>> -> memref<1x40x128xf32, #tpu.memory_space<vmem>>
        %dma_start3A_1065 = tpu.memref_squeeze %dma_start3A_1064 : memref<1x40x128xf32, #tpu.memory_space<vmem>> -> memref<40x128xf32, #tpu.memory_space<vmem>>
        %dma_start3A_1066 = arith.constant 0 : i32
        %dma_start3A_1067 = tpu.memref_slice %arg8[%add3A_977, %dma_start3A_1066] : memref<50x40xi32, #tpu.memory_space<vmem>> -> memref<1x40xi32, #tpu.memory_space<vmem>>
        %dma_start3A_1068 = tpu.memref_squeeze %dma_start3A_1067 : memref<1x40xi32, #tpu.memory_space<vmem>> -> memref<40xi32, #tpu.memory_space<vmem>>
        %dma_start3A_1069 = arith.constant 0 : i32
        %dma_start3A_1070 = arith.constant 0 : i32
        %dma_start3A_1071 = tpu.memref_slice %arg6[%dma_start3A_1069, %dma_start3A_1070] : memref<10240x128xf32, #tpu.memory_space<vmem_shared>> -> memref<10240x128xf32, #tpu.memory_space<vmem_shared>>
        tpu.enqueue_indirect_dma source(%dma_start3A_1065 : memref<40x128xf32, #tpu.memory_space<vmem>>) target(%dma_start3A_1071 : memref<10240x128xf32, #tpu.memory_space<vmem_shared>>) offsets(%dma_start3A_1068 : memref<40xi32, #tpu.memory_space<vmem>>) semaphore(%run_scoped3A_1061 : memref<!tpu.dma_semaphore, #tpu.memory_space<semaphore_mem>>) {add = true}
        %dma_wait3A_1072 = arith.constant 0 : i32
        %dma_wait3A_1073 = arith.constant 0 : i32
        %dma_wait3A_1074 = tpu.memref_slice %arg9[%run_scoped3A_989, %dma_wait3A_1072, %dma_wait3A_1073] : memref<5x40x128xf32, #tpu.memory_space<vmem>> -> memref<1x40x128xf32, #tpu.memory_space<vmem>>
        %dma_wait3A_1075 = tpu.memref_squeeze %dma_wait3A_1074 : memref<1x40x128xf32, #tpu.memory_space<vmem>> -> memref<40x128xf32, #tpu.memory_space<vmem>>
        %dma_wait3A_1076 = arith.constant 0 : i32
        %dma_wait3A_1077 = tpu.memref_slice %arg8[%add3A_977, %dma_wait3A_1076] : memref<50x40xi32, #tpu.memory_space<vmem>> -> memref<1x40xi32, #tpu.memory_space<vmem>>
        %dma_wait3A_1078 = tpu.memref_squeeze %dma_wait3A_1077 : memref<1x40xi32, #tpu.memory_space<vmem>> -> memref<40xi32, #tpu.memory_space<vmem>>
        %dma_wait3A_1079 = arith.constant 0 : i32
        %dma_wait3A_1080 = arith.constant 0 : i32
        %dma_wait3A_1081 = tpu.memref_slice %arg6[%dma_wait3A_1079, %dma_wait3A_1080] : memref<10240x128xf32, #tpu.memory_space<vmem_shared>> -> memref<10240x128xf32, #tpu.memory_space<vmem_shared>>
        tpu.wait_indirect_dma semaphore(%run_scoped3A_1061 : memref<!tpu.dma_semaphore, #tpu.memory_space<semaphore_mem>>) src(%dma_wait3A_1075 : memref<40x128xf32, #tpu.memory_space<vmem>>) dst(%dma_wait3A_1081 : memref<10240x128xf32, #tpu.memory_space<vmem_shared>>)
        tpu.yield
      }) : () -> ()
      %add3A_990 = arith.constant 5 : i32
      %add3A_991 = arith.addi %add3A_977, %add3A_990 : i32
      %dma_start3A_992 = arith.constant 2 : i32
      %dma_start3A_993 = arith.constant 0 : i32
      %dma_start3A_994 = arith.constant 0 : i32
      %dma_start3A_995 = tpu.memref_slice %arg9[%dma_start3A_992, %dma_start3A_993, %dma_start3A_994] : memref<5x40x128xf32, #tpu.memory_space<vmem>> -> memref<1x40x128xf32, #tpu.memory_space<vmem>>
      %dma_start3A_996 = tpu.memref_squeeze %dma_start3A_995 : memref<1x40x128xf32, #tpu.memory_space<vmem>> -> memref<40x128xf32, #tpu.memory_space<vmem>>
      %dma_start3A_997 = arith.constant 0 : i32
      %dma_start3A_998 = tpu.memref_slice %arg7[%add3A_991, %dma_start3A_997] : memref<50x40xi32, #tpu.memory_space<vmem>> -> memref<1x40xi32, #tpu.memory_space<vmem>>
      %dma_start3A_999 = tpu.memref_squeeze %dma_start3A_998 : memref<1x40xi32, #tpu.memory_space<vmem>> -> memref<40xi32, #tpu.memory_space<vmem>>
      %dma_start3A_1000 = arith.constant 0 : i32
      %dma_start3A_1001 = arith.constant 0 : i32
      %dma_start3A_1002 = tpu.memref_slice %arg2[%dma_start3A_1000, %dma_start3A_1001] : memref<10000x128xf32, #tpu.memory_space<hbm>> -> memref<10000x128xf32, #tpu.memory_space<hbm>>
      tpu.enqueue_indirect_dma source(%dma_start3A_1002 : memref<10000x128xf32, #tpu.memory_space<hbm>>) target(%dma_start3A_996 : memref<40x128xf32, #tpu.memory_space<vmem>>) offsets(%dma_start3A_999 : memref<40xi32, #tpu.memory_space<vmem>>) semaphore(%arg12 : memref<!tpu.dma_semaphore, #tpu.memory_space<semaphore_mem>>)
      %mul3A_1003 = arith.constant 5 : i32
      %mul3A_1004 = arith.muli %scan3A_915, %mul3A_1003 : i32
      %add3A_1005 = arith.constant 3 : i32
      %add3A_1006 = arith.addi %mul3A_1004, %add3A_1005 : i32
      %dma_wait3A_1007 = arith.constant 3 : i32
      %dma_wait3A_1008 = arith.constant 0 : i32
      %dma_wait3A_1009 = arith.constant 0 : i32
      %dma_wait3A_1010 = tpu.memref_slice %arg9[%dma_wait3A_1007, %dma_wait3A_1008, %dma_wait3A_1009] : memref<5x40x128xf32, #tpu.memory_space<vmem>> -> memref<1x40x128xf32, #tpu.memory_space<vmem>>
      %dma_wait3A_1011 = tpu.memref_squeeze %dma_wait3A_1010 : memref<1x40x128xf32, #tpu.memory_space<vmem>> -> memref<40x128xf32, #tpu.memory_space<vmem>>
      %dma_wait3A_1012 = arith.constant 0 : i32
      %dma_wait3A_1013 = tpu.memref_slice %arg7[%add3A_1006, %dma_wait3A_1012] : memref<50x40xi32, #tpu.memory_space<vmem>> -> memref<1x40xi32, #tpu.memory_space<vmem>>
      %dma_wait3A_1014 = tpu.memref_squeeze %dma_wait3A_1013 : memref<1x40xi32, #tpu.memory_space<vmem>> -> memref<40xi32, #tpu.memory_space<vmem>>
      %dma_wait3A_1015 = arith.constant 0 : i32
      %dma_wait3A_1016 = arith.constant 0 : i32
      %dma_wait3A_1017 = tpu.memref_slice %arg2[%dma_wait3A_1015, %dma_wait3A_1016] : memref<10000x128xf32, #tpu.memory_space<hbm>> -> memref<10000x128xf32, #tpu.memory_space<hbm>>
      tpu.wait_indirect_dma semaphore(%arg13 : memref<!tpu.dma_semaphore, #tpu.memory_space<semaphore_mem>>) src(%dma_wait3A_1017 : memref<10000x128xf32, #tpu.memory_space<hbm>>) dst(%dma_wait3A_1011 : memref<40x128xf32, #tpu.memory_space<vmem>>)
      %run_scoped3A_1018 = arith.constant 3 : i32
      "tpu.region"() ({
        %run_scoped3A_1061 = tpu.sem_alloc : memref<!tpu.dma_semaphore, #tpu.memory_space<semaphore_mem>>
        %dma_start3A_1062 = arith.constant 0 : i32
        %dma_start3A_1063 = arith.constant 0 : i32
        %dma_start3A_1064 = tpu.memref_slice %arg9[%run_scoped3A_1018, %dma_start3A_1062, %dma_start3A_1063] : memref<5x40x128xf32, #tpu.memory_space<vmem>> -> memref<1x40x128xf32, #tpu.memory_space<vmem>>
        %dma_start3A_1065 = tpu.memref_squeeze %dma_start3A_1064 : memref<1x40x128xf32, #tpu.memory_space<vmem>> -> memref<40x128xf32, #tpu.memory_space<vmem>>
        %dma_start3A_1066 = arith.constant 0 : i32
        %dma_start3A_1067 = tpu.memref_slice %arg8[%add3A_1006, %dma_start3A_1066] : memref<50x40xi32, #tpu.memory_space<vmem>> -> memref<1x40xi32, #tpu.memory_space<vmem>>
        %dma_start3A_1068 = tpu.memref_squeeze %dma_start3A_1067 : memref<1x40xi32, #tpu.memory_space<vmem>> -> memref<40xi32, #tpu.memory_space<vmem>>
        %dma_start3A_1069 = arith.constant 0 : i32
        %dma_start3A_1070 = arith.constant 0 : i32
        %dma_start3A_1071 = tpu.memref_slice %arg6[%dma_start3A_1069, %dma_start3A_1070] : memref<10240x128xf32, #tpu.memory_space<vmem_shared>> -> memref<10240x128xf32, #tpu.memory_space<vmem_shared>>
        tpu.enqueue_indirect_dma source(%dma_start3A_1065 : memref<40x128xf32, #tpu.memory_space<vmem>>) target(%dma_start3A_1071 : memref<10240x128xf32, #tpu.memory_space<vmem_shared>>) offsets(%dma_start3A_1068 : memref<40xi32, #tpu.memory_space<vmem>>) semaphore(%run_scoped3A_1061 : memref<!tpu.dma_semaphore, #tpu.memory_space<semaphore_mem>>) {add = true}
        %dma_wait3A_1072 = arith.constant 0 : i32
        %dma_wait3A_1073 = arith.constant 0 : i32
        %dma_wait3A_1074 = tpu.memref_slice %arg9[%run_scoped3A_1018, %dma_wait3A_1072, %dma_wait3A_1073] : memref<5x40x128xf32, #tpu.memory_space<vmem>> -> memref<1x40x128xf32, #tpu.memory_space<vmem>>
        %dma_wait3A_1075 = tpu.memref_squeeze %dma_wait3A_1074 : memref<1x40x128xf32, #tpu.memory_space<vmem>> -> memref<40x128xf32, #tpu.memory_space<vmem>>
        %dma_wait3A_1076 = arith.constant 0 : i32
        %dma_wait3A_1077 = tpu.memref_slice %arg8[%add3A_1006, %dma_wait3A_1076] : memref<50x40xi32, #tpu.memory_space<vmem>> -> memref<1x40xi32, #tpu.memory_space<vmem>>
        %dma_wait3A_1078 = tpu.memref_squeeze %dma_wait3A_1077 : memref<1x40xi32, #tpu.memory_space<vmem>> -> memref<40xi32, #tpu.memory_space<vmem>>
        %dma_wait3A_1079 = arith.constant 0 : i32
        %dma_wait3A_1080 = arith.constant 0 : i32
        %dma_wait3A_1081 = tpu.memref_slice %arg6[%dma_wait3A_1079, %dma_wait3A_1080] : memref<10240x128xf32, #tpu.memory_space<vmem_shared>> -> memref<10240x128xf32, #tpu.memory_space<vmem_shared>>
        tpu.wait_indirect_dma semaphore(%run_scoped3A_1061 : memref<!tpu.dma_semaphore, #tpu.memory_space<semaphore_mem>>) src(%dma_wait3A_1075 : memref<40x128xf32, #tpu.memory_space<vmem>>) dst(%dma_wait3A_1081 : memref<10240x128xf32, #tpu.memory_space<vmem_shared>>)
        tpu.yield
      }) : () -> ()
      %add3A_1019 = arith.constant 5 : i32
      %add3A_1020 = arith.addi %add3A_1006, %add3A_1019 : i32
      %dma_start3A_1021 = arith.constant 3 : i32
      %dma_start3A_1022 = arith.constant 0 : i32
      %dma_start3A_1023 = arith.constant 0 : i32
      %dma_start3A_1024 = tpu.memref_slice %arg9[%dma_start3A_1021, %dma_start3A_1022, %dma_start3A_1023] : memref<5x40x128xf32, #tpu.memory_space<vmem>> -> memref<1x40x128xf32, #tpu.memory_space<vmem>>
      %dma_start3A_1025 = tpu.memref_squeeze %dma_start3A_1024 : memref<1x40x128xf32, #tpu.memory_space<vmem>> -> memref<40x128xf32, #tpu.memory_space<vmem>>
      %dma_start3A_1026 = arith.constant 0 : i32
      %dma_start3A_1027 = tpu.memref_slice %arg7[%add3A_1020, %dma_start3A_1026] : memref<50x40xi32, #tpu.memory_space<vmem>> -> memref<1x40xi32, #tpu.memory_space<vmem>>
      %dma_start3A_1028 = tpu.memref_squeeze %dma_start3A_1027 : memref<1x40xi32, #tpu.memory_space<vmem>> -> memref<40xi32, #tpu.memory_space<vmem>>
      %dma_start3A_1029 = arith.constant 0 : i32
      %dma_start3A_1030 = arith.constant 0 : i32
      %dma_start3A_1031 = tpu.memref_slice %arg2[%dma_start3A_1029, %dma_start3A_1030] : memref<10000x128xf32, #tpu.memory_space<hbm>> -> memref<10000x128xf32, #tpu.memory_space<hbm>>
      tpu.enqueue_indirect_dma source(%dma_start3A_1031 : memref<10000x128xf32, #tpu.memory_space<hbm>>) target(%dma_start3A_1025 : memref<40x128xf32, #tpu.memory_space<vmem>>) offsets(%dma_start3A_1028 : memref<40xi32, #tpu.memory_space<vmem>>) semaphore(%arg13 : memref<!tpu.dma_semaphore, #tpu.memory_space<semaphore_mem>>)
      %mul3A_1032 = arith.constant 5 : i32
      %mul3A_1033 = arith.muli %scan3A_915, %mul3A_1032 : i32
      %add3A_1034 = arith.constant 4 : i32
      %add3A_1035 = arith.addi %mul3A_1033, %add3A_1034 : i32
      %dma_wait3A_1036 = arith.constant 4 : i32
      %dma_wait3A_1037 = arith.constant 0 : i32
      %dma_wait3A_1038 = arith.constant 0 : i32
      %dma_wait3A_1039 = tpu.memref_slice %arg9[%dma_wait3A_1036, %dma_wait3A_1037, %dma_wait3A_1038] : memref<5x40x128xf32, #tpu.memory_space<vmem>> -> memref<1x40x128xf32, #tpu.memory_space<vmem>>
      %dma_wait3A_1040 = tpu.memref_squeeze %dma_wait3A_1039 : memref<1x40x128xf32, #tpu.memory_space<vmem>> -> memref<40x128xf32, #tpu.memory_space<vmem>>
      %dma_wait3A_1041 = arith.constant 0 : i32
      %dma_wait3A_1042 = tpu.memref_slice %arg7[%add3A_1035, %dma_wait3A_1041] : memref<50x40xi32, #tpu.memory_space<vmem>> -> memref<1x40xi32, #tpu.memory_space<vmem>>
      %dma_wait3A_1043 = tpu.memref_squeeze %dma_wait3A_1042 : memref<1x40xi32, #tpu.memory_space<vmem>> -> memref<40xi32, #tpu.memory_space<vmem>>
      %dma_wait3A_1044 = arith.constant 0 : i32
      %dma_wait3A_1045 = arith.constant 0 : i32
      %dma_wait3A_1046 = tpu.memref_slice %arg2[%dma_wait3A_1044, %dma_wait3A_1045] : memref<10000x128xf32, #tpu.memory_space<hbm>> -> memref<10000x128xf32, #tpu.memory_space<hbm>>
      tpu.wait_indirect_dma semaphore(%arg14 : memref<!tpu.dma_semaphore, #tpu.memory_space<semaphore_mem>>) src(%dma_wait3A_1046 : memref<10000x128xf32, #tpu.memory_space<hbm>>) dst(%dma_wait3A_1040 : memref<40x128xf32, #tpu.memory_space<vmem>>)
      %run_scoped3A_1047 = arith.constant 4 : i32
      "tpu.region"() ({
        %run_scoped3A_1061 = tpu.sem_alloc : memref<!tpu.dma_semaphore, #tpu.memory_space<semaphore_mem>>
        %dma_start3A_1062 = arith.constant 0 : i32
        %dma_start3A_1063 = arith.constant 0 : i32
        %dma_start3A_1064 = tpu.memref_slice %arg9[%run_scoped3A_1047, %dma_start3A_1062, %dma_start3A_1063] : memref<5x40x128xf32, #tpu.memory_space<vmem>> -> memref<1x40x128xf32, #tpu.memory_space<vmem>>
        %dma_start3A_1065 = tpu.memref_squeeze %dma_start3A_1064 : memref<1x40x128xf32, #tpu.memory_space<vmem>> -> memref<40x128xf32, #tpu.memory_space<vmem>>
        %dma_start3A_1066 = arith.constant 0 : i32
        %dma_start3A_1067 = tpu.memref_slice %arg8[%add3A_1035, %dma_start3A_1066] : memref<50x40xi32, #tpu.memory_space<vmem>> -> memref<1x40xi32, #tpu.memory_space<vmem>>
        %dma_start3A_1068 = tpu.memref_squeeze %dma_start3A_1067 : memref<1x40xi32, #tpu.memory_space<vmem>> -> memref<40xi32, #tpu.memory_space<vmem>>
        %dma_start3A_1069 = arith.constant 0 : i32
        %dma_start3A_1070 = arith.constant 0 : i32
        %dma_start3A_1071 = tpu.memref_slice %arg6[%dma_start3A_1069, %dma_start3A_1070] : memref<10240x128xf32, #tpu.memory_space<vmem_shared>> -> memref<10240x128xf32, #tpu.memory_space<vmem_shared>>
        tpu.enqueue_indirect_dma source(%dma_start3A_1065 : memref<40x128xf32, #tpu.memory_space<vmem>>) target(%dma_start3A_1071 : memref<10240x128xf32, #tpu.memory_space<vmem_shared>>) offsets(%dma_start3A_1068 : memref<40xi32, #tpu.memory_space<vmem>>) semaphore(%run_scoped3A_1061 : memref<!tpu.dma_semaphore, #tpu.memory_space<semaphore_mem>>) {add = true}
        %dma_wait3A_1072 = arith.constant 0 : i32
        %dma_wait3A_1073 = arith.constant 0 : i32
        %dma_wait3A_1074 = tpu.memref_slice %arg9[%run_scoped3A_1047, %dma_wait3A_1072, %dma_wait3A_1073] : memref<5x40x128xf32, #tpu.memory_space<vmem>> -> memref<1x40x128xf32, #tpu.memory_space<vmem>>
        %dma_wait3A_1075 = tpu.memref_squeeze %dma_wait3A_1074 : memref<1x40x128xf32, #tpu.memory_space<vmem>> -> memref<40x128xf32, #tpu.memory_space<vmem>>
        %dma_wait3A_1076 = arith.constant 0 : i32
        %dma_wait3A_1077 = tpu.memref_slice %arg8[%add3A_1035, %dma_wait3A_1076] : memref<50x40xi32, #tpu.memory_space<vmem>> -> memref<1x40xi32, #tpu.memory_space<vmem>>
        %dma_wait3A_1078 = tpu.memref_squeeze %dma_wait3A_1077 : memref<1x40xi32, #tpu.memory_space<vmem>> -> memref<40xi32, #tpu.memory_space<vmem>>
        %dma_wait3A_1079 = arith.constant 0 : i32
        %dma_wait3A_1080 = arith.constant 0 : i32
        %dma_wait3A_1081 = tpu.memref_slice %arg6[%dma_wait3A_1079, %dma_wait3A_1080] : memref<10240x128xf32, #tpu.memory_space<vmem_shared>> -> memref<10240x128xf32, #tpu.memory_space<vmem_shared>>
        tpu.wait_indirect_dma semaphore(%run_scoped3A_1061 : memref<!tpu.dma_semaphore, #tpu.memory_space<semaphore_mem>>) src(%dma_wait3A_1075 : memref<40x128xf32, #tpu.memory_space<vmem>>) dst(%dma_wait3A_1081 : memref<10240x128xf32, #tpu.memory_space<vmem_shared>>)
        tpu.yield
      }) : () -> ()
      %add3A_1048 = arith.constant 5 : i32
      %add3A_1049 = arith.addi %add3A_1035, %add3A_1048 : i32
      %dma_start3A_1050 = arith.constant 4 : i32
      %dma_start3A_1051 = arith.constant 0 : i32
      %dma_start3A_1052 = arith.constant 0 : i32
      %dma_start3A_1053 = tpu.memref_slice %arg9[%dma_start3A_1050, %dma_start3A_1051, %dma_start3A_1052] : memref<5x40x128xf32, #tpu.memory_space<vmem>> -> memref<1x40x128xf32, #tpu.memory_space<vmem>>
      %dma_start3A_1054 = tpu.memref_squeeze %dma_start3A_1053 : memref<1x40x128xf32, #tpu.memory_space<vmem>> -> memref<40x128xf32, #tpu.memory_space<vmem>>
      %dma_start3A_1055 = arith.constant 0 : i32
      %dma_start3A_1056 = tpu.memref_slice %arg7[%add3A_1049, %dma_start3A_1055] : memref<50x40xi32, #tpu.memory_space<vmem>> -> memref<1x40xi32, #tpu.memory_space<vmem>>
      %dma_start3A_1057 = tpu.memref_squeeze %dma_start3A_1056 : memref<1x40xi32, #tpu.memory_space<vmem>> -> memref<40xi32, #tpu.memory_space<vmem>>
      %dma_start3A_1058 = arith.constant 0 : i32
      %dma_start3A_1059 = arith.constant 0 : i32
      %dma_start3A_1060 = tpu.memref_slice %arg2[%dma_start3A_1058, %dma_start3A_1059] : memref<10000x128xf32, #tpu.memory_space<hbm>> -> memref<10000x128xf32, #tpu.memory_space<hbm>>
      tpu.enqueue_indirect_dma source(%dma_start3A_1060 : memref<10000x128xf32, #tpu.memory_space<hbm>>) target(%dma_start3A_1054 : memref<40x128xf32, #tpu.memory_space<vmem>>) offsets(%dma_start3A_1057 : memref<40xi32, #tpu.memory_space<vmem>>) semaphore(%arg14 : memref<!tpu.dma_semaphore, #tpu.memory_space<semaphore_mem>>)
    }
    %scan3A_327 = arith.constant 9 : i32
    %dma_wait3A_328 = arith.constant 45 : i32
    %dma_wait3A_329 = arith.constant 0 : i32
    %dma_wait3A_330 = arith.constant 0 : i32
    %dma_wait3A_331 = arith.constant 0 : i32
    %dma_wait3A_332 = tpu.memref_slice %arg9[%dma_wait3A_329, %dma_wait3A_330, %dma_wait3A_331] : memref<5x40x128xf32, #tpu.memory_space<vmem>> -> memref<1x40x128xf32, #tpu.memory_space<vmem>>
    %dma_wait3A_333 = tpu.memref_squeeze %dma_wait3A_332 : memref<1x40x128xf32, #tpu.memory_space<vmem>> -> memref<40x128xf32, #tpu.memory_space<vmem>>
    %dma_wait3A_334 = arith.constant 0 : i32
    %dma_wait3A_335 = tpu.memref_slice %arg7[%dma_wait3A_328, %dma_wait3A_334] : memref<50x40xi32, #tpu.memory_space<vmem>> -> memref<1x40xi32, #tpu.memory_space<vmem>>
    %dma_wait3A_336 = tpu.memref_squeeze %dma_wait3A_335 : memref<1x40xi32, #tpu.memory_space<vmem>> -> memref<40xi32, #tpu.memory_space<vmem>>
    %dma_wait3A_337 = arith.constant 0 : i32
    %dma_wait3A_338 = arith.constant 0 : i32
    %dma_wait3A_339 = tpu.memref_slice %arg2[%dma_wait3A_337, %dma_wait3A_338] : memref<10000x128xf32, #tpu.memory_space<hbm>> -> memref<10000x128xf32, #tpu.memory_space<hbm>>
    tpu.wait_indirect_dma semaphore(%arg10 : memref<!tpu.dma_semaphore, #tpu.memory_space<semaphore_mem>>) src(%dma_wait3A_339 : memref<10000x128xf32, #tpu.memory_space<hbm>>) dst(%dma_wait3A_333 : memref<40x128xf32, #tpu.memory_space<vmem>>)
    %run_scoped3A_340 = arith.constant 0 : i32
    %run_scoped3A_341 = arith.constant 45 : i32
    "tpu.region"() ({
      %run_scoped3A_915 = tpu.sem_alloc : memref<!tpu.dma_semaphore, #tpu.memory_space<semaphore_mem>>
      %dma_start3A_916 = arith.constant 0 : i32
      %dma_start3A_917 = arith.constant 0 : i32
      %dma_start3A_918 = tpu.memref_slice %arg9[%run_scoped3A_340, %dma_start3A_916, %dma_start3A_917] : memref<5x40x128xf32, #tpu.memory_space<vmem>> -> memref<1x40x128xf32, #tpu.memory_space<vmem>>
      %dma_start3A_919 = tpu.memref_squeeze %dma_start3A_918 : memref<1x40x128xf32, #tpu.memory_space<vmem>> -> memref<40x128xf32, #tpu.memory_space<vmem>>
      %dma_start3A_920 = arith.constant 0 : i32
      %dma_start3A_921 = tpu.memref_slice %arg8[%run_scoped3A_341, %dma_start3A_920] : memref<50x40xi32, #tpu.memory_space<vmem>> -> memref<1x40xi32, #tpu.memory_space<vmem>>
      %dma_start3A_922 = tpu.memref_squeeze %dma_start3A_921 : memref<1x40xi32, #tpu.memory_space<vmem>> -> memref<40xi32, #tpu.memory_space<vmem>>
      %dma_start3A_923 = arith.constant 0 : i32
      %dma_start3A_924 = arith.constant 0 : i32
      %dma_start3A_925 = tpu.memref_slice %arg6[%dma_start3A_923, %dma_start3A_924] : memref<10240x128xf32, #tpu.memory_space<vmem_shared>> -> memref<10240x128xf32, #tpu.memory_space<vmem_shared>>
      tpu.enqueue_indirect_dma source(%dma_start3A_919 : memref<40x128xf32, #tpu.memory_space<vmem>>) target(%dma_start3A_925 : memref<10240x128xf32, #tpu.memory_space<vmem_shared>>) offsets(%dma_start3A_922 : memref<40xi32, #tpu.memory_space<vmem>>) semaphore(%run_scoped3A_915 : memref<!tpu.dma_semaphore, #tpu.memory_space<semaphore_mem>>) {add = true}
      %dma_wait3A_926 = arith.constant 0 : i32
      %dma_wait3A_927 = arith.constant 0 : i32
      %dma_wait3A_928 = tpu.memref_slice %arg9[%run_scoped3A_340, %dma_wait3A_926, %dma_wait3A_927] : memref<5x40x128xf32, #tpu.memory_space<vmem>> -> memref<1x40x128xf32, #tpu.memory_space<vmem>>
      %dma_wait3A_929 = tpu.memref_squeeze %dma_wait3A_928 : memref<1x40x128xf32, #tpu.memory_space<vmem>> -> memref<40x128xf32, #tpu.memory_space<vmem>>
      %dma_wait3A_930 = arith.constant 0 : i32
      %dma_wait3A_931 = tpu.memref_slice %arg8[%run_scoped3A_341, %dma_wait3A_930] : memref<50x40xi32, #tpu.memory_space<vmem>> -> memref<1x40xi32, #tpu.memory_space<vmem>>
      %dma_wait3A_932 = tpu.memref_squeeze %dma_wait3A_931 : memref<1x40xi32, #tpu.memory_space<vmem>> -> memref<40xi32, #tpu.memory_space<vmem>>
      %dma_wait3A_933 = arith.constant 0 : i32
      %dma_wait3A_934 = arith.constant 0 : i32
      %dma_wait3A_935 = tpu.memref_slice %arg6[%dma_wait3A_933, %dma_wait3A_934] : memref<10240x128xf32, #tpu.memory_space<vmem_shared>> -> memref<10240x128xf32, #tpu.memory_space<vmem_shared>>
      tpu.wait_indirect_dma semaphore(%run_scoped3A_915 : memref<!tpu.dma_semaphore, #tpu.memory_space<semaphore_mem>>) src(%dma_wait3A_929 : memref<40x128xf32, #tpu.memory_space<vmem>>) dst(%dma_wait3A_935 : memref<10240x128xf32, #tpu.memory_space<vmem_shared>>)
      tpu.yield
    }) : () -> ()
    %dma_wait3A_342 = arith.constant 46 : i32
    %dma_wait3A_343 = arith.constant 1 : i32
    %dma_wait3A_344 = arith.constant 0 : i32
    %dma_wait3A_345 = arith.constant 0 : i32
    %dma_wait3A_346 = tpu.memref_slice %arg9[%dma_wait3A_343, %dma_wait3A_344, %dma_wait3A_345] : memref<5x40x128xf32, #tpu.memory_space<vmem>> -> memref<1x40x128xf32, #tpu.memory_space<vmem>>
    %dma_wait3A_347 = tpu.memref_squeeze %dma_wait3A_346 : memref<1x40x128xf32, #tpu.memory_space<vmem>> -> memref<40x128xf32, #tpu.memory_space<vmem>>
    %dma_wait3A_348 = arith.constant 0 : i32
    %dma_wait3A_349 = tpu.memref_slice %arg7[%dma_wait3A_342, %dma_wait3A_348] : memref<50x40xi32, #tpu.memory_space<vmem>> -> memref<1x40xi32, #tpu.memory_space<vmem>>
    %dma_wait3A_350 = tpu.memref_squeeze %dma_wait3A_349 : memref<1x40xi32, #tpu.memory_space<vmem>> -> memref<40xi32, #tpu.memory_space<vmem>>
    %dma_wait3A_351 = arith.constant 0 : i32
    %dma_wait3A_352 = arith.constant 0 : i32
    %dma_wait3A_353 = tpu.memref_slice %arg2[%dma_wait3A_351, %dma_wait3A_352] : memref<10000x128xf32, #tpu.memory_space<hbm>> -> memref<10000x128xf32, #tpu.memory_space<hbm>>
    tpu.wait_indirect_dma semaphore(%arg11 : memref<!tpu.dma_semaphore, #tpu.memory_space<semaphore_mem>>) src(%dma_wait3A_353 : memref<10000x128xf32, #tpu.memory_space<hbm>>) dst(%dma_wait3A_347 : memref<40x128xf32, #tpu.memory_space<vmem>>)
    %run_scoped3A_354 = arith.constant 1 : i32
    %run_scoped3A_355 = arith.constant 46 : i32
    "tpu.region"() ({
      %run_scoped3A_915 = tpu.sem_alloc : memref<!tpu.dma_semaphore, #tpu.memory_space<semaphore_mem>>
      %dma_start3A_916 = arith.constant 0 : i32
      %dma_start3A_917 = arith.constant 0 : i32
      %dma_start3A_918 = tpu.memref_slice %arg9[%run_scoped3A_354, %dma_start3A_916, %dma_start3A_917] : memref<5x40x128xf32, #tpu.memory_space<vmem>> -> memref<1x40x128xf32, #tpu.memory_space<vmem>>
      %dma_start3A_919 = tpu.memref_squeeze %dma_start3A_918 : memref<1x40x128xf32, #tpu.memory_space<vmem>> -> memref<40x128xf32, #tpu.memory_space<vmem>>
      %dma_start3A_920 = arith.constant 0 : i32
      %dma_start3A_921 = tpu.memref_slice %arg8[%run_scoped3A_355, %dma_start3A_920] : memref<50x40xi32, #tpu.memory_space<vmem>> -> memref<1x40xi32, #tpu.memory_space<vmem>>
      %dma_start3A_922 = tpu.memref_squeeze %dma_start3A_921 : memref<1x40xi32, #tpu.memory_space<vmem>> -> memref<40xi32, #tpu.memory_space<vmem>>
      %dma_start3A_923 = arith.constant 0 : i32
      %dma_start3A_924 = arith.constant 0 : i32
      %dma_start3A_925 = tpu.memref_slice %arg6[%dma_start3A_923, %dma_start3A_924] : memref<10240x128xf32, #tpu.memory_space<vmem_shared>> -> memref<10240x128xf32, #tpu.memory_space<vmem_shared>>
      tpu.enqueue_indirect_dma source(%dma_start3A_919 : memref<40x128xf32, #tpu.memory_space<vmem>>) target(%dma_start3A_925 : memref<10240x128xf32, #tpu.memory_space<vmem_shared>>) offsets(%dma_start3A_922 : memref<40xi32, #tpu.memory_space<vmem>>) semaphore(%run_scoped3A_915 : memref<!tpu.dma_semaphore, #tpu.memory_space<semaphore_mem>>) {add = true}
      %dma_wait3A_926 = arith.constant 0 : i32
      %dma_wait3A_927 = arith.constant 0 : i32
      %dma_wait3A_928 = tpu.memref_slice %arg9[%run_scoped3A_354, %dma_wait3A_926, %dma_wait3A_927] : memref<5x40x128xf32, #tpu.memory_space<vmem>> -> memref<1x40x128xf32, #tpu.memory_space<vmem>>
      %dma_wait3A_929 = tpu.memref_squeeze %dma_wait3A_928 : memref<1x40x128xf32, #tpu.memory_space<vmem>> -> memref<40x128xf32, #tpu.memory_space<vmem>>
      %dma_wait3A_930 = arith.constant 0 : i32
      %dma_wait3A_931 = tpu.memref_slice %arg8[%run_scoped3A_355, %dma_wait3A_930] : memref<50x40xi32, #tpu.memory_space<vmem>> -> memref<1x40xi32, #tpu.memory_space<vmem>>
      %dma_wait3A_932 = tpu.memref_squeeze %dma_wait3A_931 : memref<1x40xi32, #tpu.memory_space<vmem>> -> memref<40xi32, #tpu.memory_space<vmem>>
      %dma_wait3A_933 = arith.constant 0 : i32
      %dma_wait3A_934 = arith.constant 0 : i32
      %dma_wait3A_935 = tpu.memref_slice %arg6[%dma_wait3A_933, %dma_wait3A_934] : memref<10240x128xf32, #tpu.memory_space<vmem_shared>> -> memref<10240x128xf32, #tpu.memory_space<vmem_shared>>
      tpu.wait_indirect_dma semaphore(%run_scoped3A_915 : memref<!tpu.dma_semaphore, #tpu.memory_space<semaphore_mem>>) src(%dma_wait3A_929 : memref<40x128xf32, #tpu.memory_space<vmem>>) dst(%dma_wait3A_935 : memref<10240x128xf32, #tpu.memory_space<vmem_shared>>)
      tpu.yield
    }) : () -> ()
    %dma_wait3A_356 = arith.constant 47 : i32
    %dma_wait3A_357 = arith.constant 2 : i32
    %dma_wait3A_358 = arith.constant 0 : i32
    %dma_wait3A_359 = arith.constant 0 : i32
    %dma_wait3A_360 = tpu.memref_slice %arg9[%dma_wait3A_357, %dma_wait3A_358, %dma_wait3A_359] : memref<5x40x128xf32, #tpu.memory_space<vmem>> -> memref<1x40x128xf32, #tpu.memory_space<vmem>>
    %dma_wait3A_361 = tpu.memref_squeeze %dma_wait3A_360 : memref<1x40x128xf32, #tpu.memory_space<vmem>> -> memref<40x128xf32, #tpu.memory_space<vmem>>
    %dma_wait3A_362 = arith.constant 0 : i32
    %dma_wait3A_363 = tpu.memref_slice %arg7[%dma_wait3A_356, %dma_wait3A_362] : memref<50x40xi32, #tpu.memory_space<vmem>> -> memref<1x40xi32, #tpu.memory_space<vmem>>
    %dma_wait3A_364 = tpu.memref_squeeze %dma_wait3A_363 : memref<1x40xi32, #tpu.memory_space<vmem>> -> memref<40xi32, #tpu.memory_space<vmem>>
    %dma_wait3A_365 = arith.constant 0 : i32
    %dma_wait3A_366 = arith.constant 0 : i32
    %dma_wait3A_367 = tpu.memref_slice %arg2[%dma_wait3A_365, %dma_wait3A_366] : memref<10000x128xf32, #tpu.memory_space<hbm>> -> memref<10000x128xf32, #tpu.memory_space<hbm>>
    tpu.wait_indirect_dma semaphore(%arg12 : memref<!tpu.dma_semaphore, #tpu.memory_space<semaphore_mem>>) src(%dma_wait3A_367 : memref<10000x128xf32, #tpu.memory_space<hbm>>) dst(%dma_wait3A_361 : memref<40x128xf32, #tpu.memory_space<vmem>>)
    %run_scoped3A_368 = arith.constant 2 : i32
    %run_scoped3A_369 = arith.constant 47 : i32
    "tpu.region"() ({
      %run_scoped3A_915 = tpu.sem_alloc : memref<!tpu.dma_semaphore, #tpu.memory_space<semaphore_mem>>
      %dma_start3A_916 = arith.constant 0 : i32
      %dma_start3A_917 = arith.constant 0 : i32
      %dma_start3A_918 = tpu.memref_slice %arg9[%run_scoped3A_368, %dma_start3A_916, %dma_start3A_917] : memref<5x40x128xf32, #tpu.memory_space<vmem>> -> memref<1x40x128xf32, #tpu.memory_space<vmem>>
      %dma_start3A_919 = tpu.memref_squeeze %dma_start3A_918 : memref<1x40x128xf32, #tpu.memory_space<vmem>> -> memref<40x128xf32, #tpu.memory_space<vmem>>
      %dma_start3A_920 = arith.constant 0 : i32
      %dma_start3A_921 = tpu.memref_slice %arg8[%run_scoped3A_369, %dma_start3A_920] : memref<50x40xi32, #tpu.memory_space<vmem>> -> memref<1x40xi32, #tpu.memory_space<vmem>>
      %dma_start3A_922 = tpu.memref_squeeze %dma_start3A_921 : memref<1x40xi32, #tpu.memory_space<vmem>> -> memref<40xi32, #tpu.memory_space<vmem>>
      %dma_start3A_923 = arith.constant 0 : i32
      %dma_start3A_924 = arith.constant 0 : i32
      %dma_start3A_925 = tpu.memref_slice %arg6[%dma_start3A_923, %dma_start3A_924] : memref<10240x128xf32, #tpu.memory_space<vmem_shared>> -> memref<10240x128xf32, #tpu.memory_space<vmem_shared>>
      tpu.enqueue_indirect_dma source(%dma_start3A_919 : memref<40x128xf32, #tpu.memory_space<vmem>>) target(%dma_start3A_925 : memref<10240x128xf32, #tpu.memory_space<vmem_shared>>) offsets(%dma_start3A_922 : memref<40xi32, #tpu.memory_space<vmem>>) semaphore(%run_scoped3A_915 : memref<!tpu.dma_semaphore, #tpu.memory_space<semaphore_mem>>) {add = true}
      %dma_wait3A_926 = arith.constant 0 : i32
      %dma_wait3A_927 = arith.constant 0 : i32
      %dma_wait3A_928 = tpu.memref_slice %arg9[%run_scoped3A_368, %dma_wait3A_926, %dma_wait3A_927] : memref<5x40x128xf32, #tpu.memory_space<vmem>> -> memref<1x40x128xf32, #tpu.memory_space<vmem>>
      %dma_wait3A_929 = tpu.memref_squeeze %dma_wait3A_928 : memref<1x40x128xf32, #tpu.memory_space<vmem>> -> memref<40x128xf32, #tpu.memory_space<vmem>>
      %dma_wait3A_930 = arith.constant 0 : i32
      %dma_wait3A_931 = tpu.memref_slice %arg8[%run_scoped3A_369, %dma_wait3A_930] : memref<50x40xi32, #tpu.memory_space<vmem>> -> memref<1x40xi32, #tpu.memory_space<vmem>>
      %dma_wait3A_932 = tpu.memref_squeeze %dma_wait3A_931 : memref<1x40xi32, #tpu.memory_space<vmem>> -> memref<40xi32, #tpu.memory_space<vmem>>
      %dma_wait3A_933 = arith.constant 0 : i32
      %dma_wait3A_934 = arith.constant 0 : i32
      %dma_wait3A_935 = tpu.memref_slice %arg6[%dma_wait3A_933, %dma_wait3A_934] : memref<10240x128xf32, #tpu.memory_space<vmem_shared>> -> memref<10240x128xf32, #tpu.memory_space<vmem_shared>>
      tpu.wait_indirect_dma semaphore(%run_scoped3A_915 : memref<!tpu.dma_semaphore, #tpu.memory_space<semaphore_mem>>) src(%dma_wait3A_929 : memref<40x128xf32, #tpu.memory_space<vmem>>) dst(%dma_wait3A_935 : memref<10240x128xf32, #tpu.memory_space<vmem_shared>>)
      tpu.yield
    }) : () -> ()
    %dma_wait3A_370 = arith.constant 48 : i32
    %dma_wait3A_371 = arith.constant 3 : i32
    %dma_wait3A_372 = arith.constant 0 : i32
    %dma_wait3A_373 = arith.constant 0 : i32
    %dma_wait3A_374 = tpu.memref_slice %arg9[%dma_wait3A_371, %dma_wait3A_372, %dma_wait3A_373] : memref<5x40x128xf32, #tpu.memory_space<vmem>> -> memref<1x40x128xf32, #tpu.memory_space<vmem>>
    %dma_wait3A_375 = tpu.memref_squeeze %dma_wait3A_374 : memref<1x40x128xf32, #tpu.memory_space<vmem>> -> memref<40x128xf32, #tpu.memory_space<vmem>>
    %dma_wait3A_376 = arith.constant 0 : i32
    %dma_wait3A_377 = tpu.memref_slice %arg7[%dma_wait3A_370, %dma_wait3A_376] : memref<50x40xi32, #tpu.memory_space<vmem>> -> memref<1x40xi32, #tpu.memory_space<vmem>>
    %dma_wait3A_378 = tpu.memref_squeeze %dma_wait3A_377 : memref<1x40xi32, #tpu.memory_space<vmem>> -> memref<40xi32, #tpu.memory_space<vmem>>
    %dma_wait3A_379 = arith.constant 0 : i32
    %dma_wait3A_380 = arith.constant 0 : i32
    %dma_wait3A_381 = tpu.memref_slice %arg2[%dma_wait3A_379, %dma_wait3A_380] : memref<10000x128xf32, #tpu.memory_space<hbm>> -> memref<10000x128xf32, #tpu.memory_space<hbm>>
    tpu.wait_indirect_dma semaphore(%arg13 : memref<!tpu.dma_semaphore, #tpu.memory_space<semaphore_mem>>) src(%dma_wait3A_381 : memref<10000x128xf32, #tpu.memory_space<hbm>>) dst(%dma_wait3A_375 : memref<40x128xf32, #tpu.memory_space<vmem>>)
    %run_scoped3A_382 = arith.constant 3 : i32
    %run_scoped3A_383 = arith.constant 48 : i32
    "tpu.region"() ({
      %run_scoped3A_915 = tpu.sem_alloc : memref<!tpu.dma_semaphore, #tpu.memory_space<semaphore_mem>>
      %dma_start3A_916 = arith.constant 0 : i32
      %dma_start3A_917 = arith.constant 0 : i32
      %dma_start3A_918 = tpu.memref_slice %arg9[%run_scoped3A_382, %dma_start3A_916, %dma_start3A_917] : memref<5x40x128xf32, #tpu.memory_space<vmem>> -> memref<1x40x128xf32, #tpu.memory_space<vmem>>
      %dma_start3A_919 = tpu.memref_squeeze %dma_start3A_918 : memref<1x40x128xf32, #tpu.memory_space<vmem>> -> memref<40x128xf32, #tpu.memory_space<vmem>>
      %dma_start3A_920 = arith.constant 0 : i32
      %dma_start3A_921 = tpu.memref_slice %arg8[%run_scoped3A_383, %dma_start3A_920] : memref<50x40xi32, #tpu.memory_space<vmem>> -> memref<1x40xi32, #tpu.memory_space<vmem>>
      %dma_start3A_922 = tpu.memref_squeeze %dma_start3A_921 : memref<1x40xi32, #tpu.memory_space<vmem>> -> memref<40xi32, #tpu.memory_space<vmem>>
      %dma_start3A_923 = arith.constant 0 : i32
      %dma_start3A_924 = arith.constant 0 : i32
      %dma_start3A_925 = tpu.memref_slice %arg6[%dma_start3A_923, %dma_start3A_924] : memref<10240x128xf32, #tpu.memory_space<vmem_shared>> -> memref<10240x128xf32, #tpu.memory_space<vmem_shared>>
      tpu.enqueue_indirect_dma source(%dma_start3A_919 : memref<40x128xf32, #tpu.memory_space<vmem>>) target(%dma_start3A_925 : memref<10240x128xf32, #tpu.memory_space<vmem_shared>>) offsets(%dma_start3A_922 : memref<40xi32, #tpu.memory_space<vmem>>) semaphore(%run_scoped3A_915 : memref<!tpu.dma_semaphore, #tpu.memory_space<semaphore_mem>>) {add = true}
      %dma_wait3A_926 = arith.constant 0 : i32
      %dma_wait3A_927 = arith.constant 0 : i32
      %dma_wait3A_928 = tpu.memref_slice %arg9[%run_scoped3A_382, %dma_wait3A_926, %dma_wait3A_927] : memref<5x40x128xf32, #tpu.memory_space<vmem>> -> memref<1x40x128xf32, #tpu.memory_space<vmem>>
      %dma_wait3A_929 = tpu.memref_squeeze %dma_wait3A_928 : memref<1x40x128xf32, #tpu.memory_space<vmem>> -> memref<40x128xf32, #tpu.memory_space<vmem>>
      %dma_wait3A_930 = arith.constant 0 : i32
      %dma_wait3A_931 = tpu.memref_slice %arg8[%run_scoped3A_383, %dma_wait3A_930] : memref<50x40xi32, #tpu.memory_space<vmem>> -> memref<1x40xi32, #tpu.memory_space<vmem>>
      %dma_wait3A_932 = tpu.memref_squeeze %dma_wait3A_931 : memref<1x40xi32, #tpu.memory_space<vmem>> -> memref<40xi32, #tpu.memory_space<vmem>>
      %dma_wait3A_933 = arith.constant 0 : i32
      %dma_wait3A_934 = arith.constant 0 : i32
      %dma_wait3A_935 = tpu.memref_slice %arg6[%dma_wait3A_933, %dma_wait3A_934] : memref<10240x128xf32, #tpu.memory_space<vmem_shared>> -> memref<10240x128xf32, #tpu.memory_space<vmem_shared>>
      tpu.wait_indirect_dma semaphore(%run_scoped3A_915 : memref<!tpu.dma_semaphore, #tpu.memory_space<semaphore_mem>>) src(%dma_wait3A_929 : memref<40x128xf32, #tpu.memory_space<vmem>>) dst(%dma_wait3A_935 : memref<10240x128xf32, #tpu.memory_space<vmem_shared>>)
      tpu.yield
    }) : () -> ()
    %dma_wait3A_384 = arith.constant 49 : i32
    %dma_wait3A_385 = arith.constant 4 : i32
    %dma_wait3A_386 = arith.constant 0 : i32
    %dma_wait3A_387 = arith.constant 0 : i32
    %dma_wait3A_388 = tpu.memref_slice %arg9[%dma_wait3A_385, %dma_wait3A_386, %dma_wait3A_387] : memref<5x40x128xf32, #tpu.memory_space<vmem>> -> memref<1x40x128xf32, #tpu.memory_space<vmem>>
    %dma_wait3A_389 = tpu.memref_squeeze %dma_wait3A_388 : memref<1x40x128xf32, #tpu.memory_space<vmem>> -> memref<40x128xf32, #tpu.memory_space<vmem>>
    %dma_wait3A_390 = arith.constant 0 : i32
    %dma_wait3A_391 = tpu.memref_slice %arg7[%dma_wait3A_384, %dma_wait3A_390] : memref<50x40xi32, #tpu.memory_space<vmem>> -> memref<1x40xi32, #tpu.memory_space<vmem>>
    %dma_wait3A_392 = tpu.memref_squeeze %dma_wait3A_391 : memref<1x40xi32, #tpu.memory_space<vmem>> -> memref<40xi32, #tpu.memory_space<vmem>>
    %dma_wait3A_393 = arith.constant 0 : i32
    %dma_wait3A_394 = arith.constant 0 : i32
    %dma_wait3A_395 = tpu.memref_slice %arg2[%dma_wait3A_393, %dma_wait3A_394] : memref<10000x128xf32, #tpu.memory_space<hbm>> -> memref<10000x128xf32, #tpu.memory_space<hbm>>
    tpu.wait_indirect_dma semaphore(%arg14 : memref<!tpu.dma_semaphore, #tpu.memory_space<semaphore_mem>>) src(%dma_wait3A_395 : memref<10000x128xf32, #tpu.memory_space<hbm>>) dst(%dma_wait3A_389 : memref<40x128xf32, #tpu.memory_space<vmem>>)
    %run_scoped3A_396 = arith.constant 4 : i32
    %run_scoped3A_397 = arith.constant 49 : i32
    "tpu.region"() ({
      %run_scoped3A_915 = tpu.sem_alloc : memref<!tpu.dma_semaphore, #tpu.memory_space<semaphore_mem>>
      %dma_start3A_916 = arith.constant 0 : i32
      %dma_start3A_917 = arith.constant 0 : i32
      %dma_start3A_918 = tpu.memref_slice %arg9[%run_scoped3A_396, %dma_start3A_916, %dma_start3A_917] : memref<5x40x128xf32, #tpu.memory_space<vmem>> -> memref<1x40x128xf32, #tpu.memory_space<vmem>>
      %dma_start3A_919 = tpu.memref_squeeze %dma_start3A_918 : memref<1x40x128xf32, #tpu.memory_space<vmem>> -> memref<40x128xf32, #tpu.memory_space<vmem>>
      %dma_start3A_920 = arith.constant 0 : i32
      %dma_start3A_921 = tpu.memref_slice %arg8[%run_scoped3A_397, %dma_start3A_920] : memref<50x40xi32, #tpu.memory_space<vmem>> -> memref<1x40xi32, #tpu.memory_space<vmem>>
      %dma_start3A_922 = tpu.memref_squeeze %dma_start3A_921 : memref<1x40xi32, #tpu.memory_space<vmem>> -> memref<40xi32, #tpu.memory_space<vmem>>
      %dma_start3A_923 = arith.constant 0 : i32
      %dma_start3A_924 = arith.constant 0 : i32
      %dma_start3A_925 = tpu.memref_slice %arg6[%dma_start3A_923, %dma_start3A_924] : memref<10240x128xf32, #tpu.memory_space<vmem_shared>> -> memref<10240x128xf32, #tpu.memory_space<vmem_shared>>
      tpu.enqueue_indirect_dma source(%dma_start3A_919 : memref<40x128xf32, #tpu.memory_space<vmem>>) target(%dma_start3A_925 : memref<10240x128xf32, #tpu.memory_space<vmem_shared>>) offsets(%dma_start3A_922 : memref<40xi32, #tpu.memory_space<vmem>>) semaphore(%run_scoped3A_915 : memref<!tpu.dma_semaphore, #tpu.memory_space<semaphore_mem>>) {add = true}
      %dma_wait3A_926 = arith.constant 0 : i32
      %dma_wait3A_927 = arith.constant 0 : i32
      %dma_wait3A_928 = tpu.memref_slice %arg9[%run_scoped3A_396, %dma_wait3A_926, %dma_wait3A_927] : memref<5x40x128xf32, #tpu.memory_space<vmem>> -> memref<1x40x128xf32, #tpu.memory_space<vmem>>
      %dma_wait3A_929 = tpu.memref_squeeze %dma_wait3A_928 : memref<1x40x128xf32, #tpu.memory_space<vmem>> -> memref<40x128xf32, #tpu.memory_space<vmem>>
      %dma_wait3A_930 = arith.constant 0 : i32
      %dma_wait3A_931 = tpu.memref_slice %arg8[%run_scoped3A_397, %dma_wait3A_930] : memref<50x40xi32, #tpu.memory_space<vmem>> -> memref<1x40xi32, #tpu.memory_space<vmem>>
      %dma_wait3A_932 = tpu.memref_squeeze %dma_wait3A_931 : memref<1x40xi32, #tpu.memory_space<vmem>> -> memref<40xi32, #tpu.memory_space<vmem>>
      %dma_wait3A_933 = arith.constant 0 : i32
      %dma_wait3A_934 = arith.constant 0 : i32
      %dma_wait3A_935 = tpu.memref_slice %arg6[%dma_wait3A_933, %dma_wait3A_934] : memref<10240x128xf32, #tpu.memory_space<vmem_shared>> -> memref<10240x128xf32, #tpu.memory_space<vmem_shared>>
      tpu.wait_indirect_dma semaphore(%run_scoped3A_915 : memref<!tpu.dma_semaphore, #tpu.memory_space<semaphore_mem>>) src(%dma_wait3A_929 : memref<40x128xf32, #tpu.memory_space<vmem>>) dst(%dma_wait3A_935 : memref<10240x128xf32, #tpu.memory_space<vmem_shared>>)
      tpu.yield
    }) : () -> ()
    %dma_start3A_398 = arith.constant 2 : i32
    %dma_start3A_399 = arith.constant 0 : i32
    %dma_start3A_400 = arith.constant 0 : i32
    %dma_start3A_401 = tpu.memref_slice %arg3[%add3A, %dma_start3A_398, %dma_start3A_399, %dma_start3A_400] : memref<32x5x50x40xi32, #tpu.memory_space<hbm>> -> memref<1x1x50x40xi32, #tpu.memory_space<hbm>>
    %dma_start3A_402 = tpu.memref_squeeze %dma_start3A_401 : memref<1x1x50x40xi32, #tpu.memory_space<hbm>> -> memref<50x40xi32, #tpu.memory_space<hbm>>
    %dma_start3A_403 = arith.constant 0 : i32
    %dma_start3A_404 = arith.constant 0 : i32
    %dma_start3A_405 = tpu.memref_slice %arg3[%add3A, %dma_start3A_398, %dma_start3A_403, %dma_start3A_404] : memref<32x5x50x40xi32, #tpu.memory_space<hbm>> -> memref<1x1x50x40xi32, #tpu.memory_space<hbm>>
    %dma_start3A_406 = tpu.memref_squeeze %dma_start3A_405 : memref<1x1x50x40xi32, #tpu.memory_space<hbm>> -> memref<50x40xi32, #tpu.memory_space<hbm>>
    tpu.enqueue_dma source(%dma_start3A_406 : memref<50x40xi32, #tpu.memory_space<hbm>>) target(%arg7 : memref<50x40xi32, #tpu.memory_space<vmem>>) target_semaphore(%arg15 : memref<!tpu.dma_semaphore, #tpu.memory_space<semaphore_mem>>)
    %dma_start3A_407 = arith.constant 2 : i32
    %dma_start3A_408 = arith.constant 0 : i32
    %dma_start3A_409 = arith.constant 0 : i32
    %dma_start3A_410 = tpu.memref_slice %arg4[%add3A, %dma_start3A_407, %dma_start3A_408, %dma_start3A_409] : memref<32x5x50x40xi32, #tpu.memory_space<hbm>> -> memref<1x1x50x40xi32, #tpu.memory_space<hbm>>
    %dma_start3A_411 = tpu.memref_squeeze %dma_start3A_410 : memref<1x1x50x40xi32, #tpu.memory_space<hbm>> -> memref<50x40xi32, #tpu.memory_space<hbm>>
    %dma_start3A_412 = arith.constant 0 : i32
    %dma_start3A_413 = arith.constant 0 : i32
    %dma_start3A_414 = tpu.memref_slice %arg4[%add3A, %dma_start3A_407, %dma_start3A_412, %dma_start3A_413] : memref<32x5x50x40xi32, #tpu.memory_space<hbm>> -> memref<1x1x50x40xi32, #tpu.memory_space<hbm>>
    %dma_start3A_415 = tpu.memref_squeeze %dma_start3A_414 : memref<1x1x50x40xi32, #tpu.memory_space<hbm>> -> memref<50x40xi32, #tpu.memory_space<hbm>>
    tpu.enqueue_dma source(%dma_start3A_415 : memref<50x40xi32, #tpu.memory_space<hbm>>) target(%arg8 : memref<50x40xi32, #tpu.memory_space<vmem>>) target_semaphore(%arg15 : memref<!tpu.dma_semaphore, #tpu.memory_space<semaphore_mem>>)
    %dma_wait3A_416 = arith.constant 2 : i32
    %dma_wait3A_417 = arith.constant 0 : i32
    %dma_wait3A_418 = arith.constant 0 : i32
    %dma_wait3A_419 = tpu.memref_slice %arg3[%add3A, %dma_wait3A_416, %dma_wait3A_417, %dma_wait3A_418] : memref<32x5x50x40xi32, #tpu.memory_space<hbm>> -> memref<1x1x50x40xi32, #tpu.memory_space<hbm>>
    %dma_wait3A_420 = tpu.memref_squeeze %dma_wait3A_419 : memref<1x1x50x40xi32, #tpu.memory_space<hbm>> -> memref<50x40xi32, #tpu.memory_space<hbm>>
    %dma_wait3A_421 = arith.constant 0 : i32
    %dma_wait3A_422 = arith.constant 0 : i32
    %dma_wait3A_423 = tpu.memref_slice %arg3[%add3A, %dma_wait3A_416, %dma_wait3A_421, %dma_wait3A_422] : memref<32x5x50x40xi32, #tpu.memory_space<hbm>> -> memref<1x1x50x40xi32, #tpu.memory_space<hbm>>
    %dma_wait3A_424 = tpu.memref_squeeze %dma_wait3A_423 : memref<1x1x50x40xi32, #tpu.memory_space<hbm>> -> memref<50x40xi32, #tpu.memory_space<hbm>>
    tpu.wait_dma2 semaphore(%arg15 : memref<!tpu.dma_semaphore, #tpu.memory_space<semaphore_mem>>) src(%dma_wait3A_424 : memref<50x40xi32, #tpu.memory_space<hbm>>) dst(%arg7 : memref<50x40xi32, #tpu.memory_space<vmem>>)
    %dma_wait3A_425 = arith.constant 2 : i32
    %dma_wait3A_426 = arith.constant 0 : i32
    %dma_wait3A_427 = arith.constant 0 : i32
    %dma_wait3A_428 = tpu.memref_slice %arg4[%add3A, %dma_wait3A_425, %dma_wait3A_426, %dma_wait3A_427] : memref<32x5x50x40xi32, #tpu.memory_space<hbm>> -> memref<1x1x50x40xi32, #tpu.memory_space<hbm>>
    %dma_wait3A_429 = tpu.memref_squeeze %dma_wait3A_428 : memref<1x1x50x40xi32, #tpu.memory_space<hbm>> -> memref<50x40xi32, #tpu.memory_space<hbm>>
    %dma_wait3A_430 = arith.constant 0 : i32
    %dma_wait3A_431 = arith.constant 0 : i32
    %dma_wait3A_432 = tpu.memref_slice %arg4[%add3A, %dma_wait3A_425, %dma_wait3A_430, %dma_wait3A_431] : memref<32x5x50x40xi32, #tpu.memory_space<hbm>> -> memref<1x1x50x40xi32, #tpu.memory_space<hbm>>
    %dma_wait3A_433 = tpu.memref_squeeze %dma_wait3A_432 : memref<1x1x50x40xi32, #tpu.memory_space<hbm>> -> memref<50x40xi32, #tpu.memory_space<hbm>>
    tpu.wait_dma2 semaphore(%arg15 : memref<!tpu.dma_semaphore, #tpu.memory_space<semaphore_mem>>) src(%dma_wait3A_433 : memref<50x40xi32, #tpu.memory_space<hbm>>) dst(%arg8 : memref<50x40xi32, #tpu.memory_space<vmem>>)
    %dma_start3A_434 = arith.constant 0 : i32
    %dma_start3A_435 = arith.constant 0 : i32
    %dma_start3A_436 = arith.constant 0 : i32
    %dma_start3A_437 = arith.constant 0 : i32
    %dma_start3A_438 = tpu.memref_slice %arg9[%dma_start3A_435, %dma_start3A_436, %dma_start3A_437] : memref<5x40x128xf32, #tpu.memory_space<vmem>> -> memref<1x40x128xf32, #tpu.memory_space<vmem>>
    %dma_start3A_439 = tpu.memref_squeeze %dma_start3A_438 : memref<1x40x128xf32, #tpu.memory_space<vmem>> -> memref<40x128xf32, #tpu.memory_space<vmem>>
    %dma_start3A_440 = arith.constant 0 : i32
    %dma_start3A_441 = tpu.memref_slice %arg7[%dma_start3A_434, %dma_start3A_440] : memref<50x40xi32, #tpu.memory_space<vmem>> -> memref<1x40xi32, #tpu.memory_space<vmem>>
    %dma_start3A_442 = tpu.memref_squeeze %dma_start3A_441 : memref<1x40xi32, #tpu.memory_space<vmem>> -> memref<40xi32, #tpu.memory_space<vmem>>
    %dma_start3A_443 = arith.constant 0 : i32
    %dma_start3A_444 = arith.constant 0 : i32
    %dma_start3A_445 = tpu.memref_slice %arg2[%dma_start3A_443, %dma_start3A_444] : memref<10000x128xf32, #tpu.memory_space<hbm>> -> memref<10000x128xf32, #tpu.memory_space<hbm>>
    tpu.enqueue_indirect_dma source(%dma_start3A_445 : memref<10000x128xf32, #tpu.memory_space<hbm>>) target(%dma_start3A_439 : memref<40x128xf32, #tpu.memory_space<vmem>>) offsets(%dma_start3A_442 : memref<40xi32, #tpu.memory_space<vmem>>) semaphore(%arg10 : memref<!tpu.dma_semaphore, #tpu.memory_space<semaphore_mem>>)
    %dma_start3A_446 = arith.constant 1 : i32
    %dma_start3A_447 = arith.constant 1 : i32
    %dma_start3A_448 = arith.constant 0 : i32
    %dma_start3A_449 = arith.constant 0 : i32
    %dma_start3A_450 = tpu.memref_slice %arg9[%dma_start3A_447, %dma_start3A_448, %dma_start3A_449] : memref<5x40x128xf32, #tpu.memory_space<vmem>> -> memref<1x40x128xf32, #tpu.memory_space<vmem>>
    %dma_start3A_451 = tpu.memref_squeeze %dma_start3A_450 : memref<1x40x128xf32, #tpu.memory_space<vmem>> -> memref<40x128xf32, #tpu.memory_space<vmem>>
    %dma_start3A_452 = arith.constant 0 : i32
    %dma_start3A_453 = tpu.memref_slice %arg7[%dma_start3A_446, %dma_start3A_452] : memref<50x40xi32, #tpu.memory_space<vmem>> -> memref<1x40xi32, #tpu.memory_space<vmem>>
    %dma_start3A_454 = tpu.memref_squeeze %dma_start3A_453 : memref<1x40xi32, #tpu.memory_space<vmem>> -> memref<40xi32, #tpu.memory_space<vmem>>
    %dma_start3A_455 = arith.constant 0 : i32
    %dma_start3A_456 = arith.constant 0 : i32
    %dma_start3A_457 = tpu.memref_slice %arg2[%dma_start3A_455, %dma_start3A_456] : memref<10000x128xf32, #tpu.memory_space<hbm>> -> memref<10000x128xf32, #tpu.memory_space<hbm>>
    tpu.enqueue_indirect_dma source(%dma_start3A_457 : memref<10000x128xf32, #tpu.memory_space<hbm>>) target(%dma_start3A_451 : memref<40x128xf32, #tpu.memory_space<vmem>>) offsets(%dma_start3A_454 : memref<40xi32, #tpu.memory_space<vmem>>) semaphore(%arg11 : memref<!tpu.dma_semaphore, #tpu.memory_space<semaphore_mem>>)
    %dma_start3A_458 = arith.constant 2 : i32
    %dma_start3A_459 = arith.constant 2 : i32
    %dma_start3A_460 = arith.constant 0 : i32
    %dma_start3A_461 = arith.constant 0 : i32
    %dma_start3A_462 = tpu.memref_slice %arg9[%dma_start3A_459, %dma_start3A_460, %dma_start3A_461] : memref<5x40x128xf32, #tpu.memory_space<vmem>> -> memref<1x40x128xf32, #tpu.memory_space<vmem>>
    %dma_start3A_463 = tpu.memref_squeeze %dma_start3A_462 : memref<1x40x128xf32, #tpu.memory_space<vmem>> -> memref<40x128xf32, #tpu.memory_space<vmem>>
    %dma_start3A_464 = arith.constant 0 : i32
    %dma_start3A_465 = tpu.memref_slice %arg7[%dma_start3A_458, %dma_start3A_464] : memref<50x40xi32, #tpu.memory_space<vmem>> -> memref<1x40xi32, #tpu.memory_space<vmem>>
    %dma_start3A_466 = tpu.memref_squeeze %dma_start3A_465 : memref<1x40xi32, #tpu.memory_space<vmem>> -> memref<40xi32, #tpu.memory_space<vmem>>
    %dma_start3A_467 = arith.constant 0 : i32
    %dma_start3A_468 = arith.constant 0 : i32
    %dma_start3A_469 = tpu.memref_slice %arg2[%dma_start3A_467, %dma_start3A_468] : memref<10000x128xf32, #tpu.memory_space<hbm>> -> memref<10000x128xf32, #tpu.memory_space<hbm>>
    tpu.enqueue_indirect_dma source(%dma_start3A_469 : memref<10000x128xf32, #tpu.memory_space<hbm>>) target(%dma_start3A_463 : memref<40x128xf32, #tpu.memory_space<vmem>>) offsets(%dma_start3A_466 : memref<40xi32, #tpu.memory_space<vmem>>) semaphore(%arg12 : memref<!tpu.dma_semaphore, #tpu.memory_space<semaphore_mem>>)
    %dma_start3A_470 = arith.constant 3 : i32
    %dma_start3A_471 = arith.constant 3 : i32
    %dma_start3A_472 = arith.constant 0 : i32
    %dma_start3A_473 = arith.constant 0 : i32
    %dma_start3A_474 = tpu.memref_slice %arg9[%dma_start3A_471, %dma_start3A_472, %dma_start3A_473] : memref<5x40x128xf32, #tpu.memory_space<vmem>> -> memref<1x40x128xf32, #tpu.memory_space<vmem>>
    %dma_start3A_475 = tpu.memref_squeeze %dma_start3A_474 : memref<1x40x128xf32, #tpu.memory_space<vmem>> -> memref<40x128xf32, #tpu.memory_space<vmem>>
    %dma_start3A_476 = arith.constant 0 : i32
    %dma_start3A_477 = tpu.memref_slice %arg7[%dma_start3A_470, %dma_start3A_476] : memref<50x40xi32, #tpu.memory_space<vmem>> -> memref<1x40xi32, #tpu.memory_space<vmem>>
    %dma_start3A_478 = tpu.memref_squeeze %dma_start3A_477 : memref<1x40xi32, #tpu.memory_space<vmem>> -> memref<40xi32, #tpu.memory_space<vmem>>
    %dma_start3A_479 = arith.constant 0 : i32
    %dma_start3A_480 = arith.constant 0 : i32
    %dma_start3A_481 = tpu.memref_slice %arg2[%dma_start3A_479, %dma_start3A_480] : memref<10000x128xf32, #tpu.memory_space<hbm>> -> memref<10000x128xf32, #tpu.memory_space<hbm>>
    tpu.enqueue_indirect_dma source(%dma_start3A_481 : memref<10000x128xf32, #tpu.memory_space<hbm>>) target(%dma_start3A_475 : memref<40x128xf32, #tpu.memory_space<vmem>>) offsets(%dma_start3A_478 : memref<40xi32, #tpu.memory_space<vmem>>) semaphore(%arg13 : memref<!tpu.dma_semaphore, #tpu.memory_space<semaphore_mem>>)
    %dma_start3A_482 = arith.constant 4 : i32
    %dma_start3A_483 = arith.constant 4 : i32
    %dma_start3A_484 = arith.constant 0 : i32
    %dma_start3A_485 = arith.constant 0 : i32
    %dma_start3A_486 = tpu.memref_slice %arg9[%dma_start3A_483, %dma_start3A_484, %dma_start3A_485] : memref<5x40x128xf32, #tpu.memory_space<vmem>> -> memref<1x40x128xf32, #tpu.memory_space<vmem>>
    %dma_start3A_487 = tpu.memref_squeeze %dma_start3A_486 : memref<1x40x128xf32, #tpu.memory_space<vmem>> -> memref<40x128xf32, #tpu.memory_space<vmem>>
    %dma_start3A_488 = arith.constant 0 : i32
    %dma_start3A_489 = tpu.memref_slice %arg7[%dma_start3A_482, %dma_start3A_488] : memref<50x40xi32, #tpu.memory_space<vmem>> -> memref<1x40xi32, #tpu.memory_space<vmem>>
    %dma_start3A_490 = tpu.memref_squeeze %dma_start3A_489 : memref<1x40xi32, #tpu.memory_space<vmem>> -> memref<40xi32, #tpu.memory_space<vmem>>
    %dma_start3A_491 = arith.constant 0 : i32
    %dma_start3A_492 = arith.constant 0 : i32
    %dma_start3A_493 = tpu.memref_slice %arg2[%dma_start3A_491, %dma_start3A_492] : memref<10000x128xf32, #tpu.memory_space<hbm>> -> memref<10000x128xf32, #tpu.memory_space<hbm>>
    tpu.enqueue_indirect_dma source(%dma_start3A_493 : memref<10000x128xf32, #tpu.memory_space<hbm>>) target(%dma_start3A_487 : memref<40x128xf32, #tpu.memory_space<vmem>>) offsets(%dma_start3A_490 : memref<40xi32, #tpu.memory_space<vmem>>) semaphore(%arg14 : memref<!tpu.dma_semaphore, #tpu.memory_space<semaphore_mem>>)
    %scan3A_494 = arith.constant 0 : i32
    %scan3A_495 = arith.constant 0 : i32
    %scan3A_496 = arith.constant 9 : i32
    %scan3A_497 = arith.addi %scan3A_495, %scan3A_496 : i32
    %scan3A_498 = arith.constant 1 : i32
    scf.for %scan3A_915 = %scan3A_495 to %scan3A_497 step %scan3A_498  : i32 {
      %mul3A_916 = arith.constant 5 : i32
      %mul3A_917 = arith.muli %scan3A_915, %mul3A_916 : i32
      %add3A_918 = arith.constant 0 : i32
      %add3A_919 = arith.addi %mul3A_917, %add3A_918 : i32
      %dma_wait3A_920 = arith.constant 0 : i32
      %dma_wait3A_921 = arith.constant 0 : i32
      %dma_wait3A_922 = arith.constant 0 : i32
      %dma_wait3A_923 = tpu.memref_slice %arg9[%dma_wait3A_920, %dma_wait3A_921, %dma_wait3A_922] : memref<5x40x128xf32, #tpu.memory_space<vmem>> -> memref<1x40x128xf32, #tpu.memory_space<vmem>>
      %dma_wait3A_924 = tpu.memref_squeeze %dma_wait3A_923 : memref<1x40x128xf32, #tpu.memory_space<vmem>> -> memref<40x128xf32, #tpu.memory_space<vmem>>
      %dma_wait3A_925 = arith.constant 0 : i32
      %dma_wait3A_926 = tpu.memref_slice %arg7[%add3A_919, %dma_wait3A_925] : memref<50x40xi32, #tpu.memory_space<vmem>> -> memref<1x40xi32, #tpu.memory_space<vmem>>
      %dma_wait3A_927 = tpu.memref_squeeze %dma_wait3A_926 : memref<1x40xi32, #tpu.memory_space<vmem>> -> memref<40xi32, #tpu.memory_space<vmem>>
      %dma_wait3A_928 = arith.constant 0 : i32
      %dma_wait3A_929 = arith.constant 0 : i32
      %dma_wait3A_930 = tpu.memref_slice %arg2[%dma_wait3A_928, %dma_wait3A_929] : memref<10000x128xf32, #tpu.memory_space<hbm>> -> memref<10000x128xf32, #tpu.memory_space<hbm>>
      tpu.wait_indirect_dma semaphore(%arg10 : memref<!tpu.dma_semaphore, #tpu.memory_space<semaphore_mem>>) src(%dma_wait3A_930 : memref<10000x128xf32, #tpu.memory_space<hbm>>) dst(%dma_wait3A_924 : memref<40x128xf32, #tpu.memory_space<vmem>>)
      %run_scoped3A_931 = arith.constant 0 : i32
      "tpu.region"() ({
        %run_scoped3A_1061 = tpu.sem_alloc : memref<!tpu.dma_semaphore, #tpu.memory_space<semaphore_mem>>
        %dma_start3A_1062 = arith.constant 0 : i32
        %dma_start3A_1063 = arith.constant 0 : i32
        %dma_start3A_1064 = tpu.memref_slice %arg9[%run_scoped3A_931, %dma_start3A_1062, %dma_start3A_1063] : memref<5x40x128xf32, #tpu.memory_space<vmem>> -> memref<1x40x128xf32, #tpu.memory_space<vmem>>
        %dma_start3A_1065 = tpu.memref_squeeze %dma_start3A_1064 : memref<1x40x128xf32, #tpu.memory_space<vmem>> -> memref<40x128xf32, #tpu.memory_space<vmem>>
        %dma_start3A_1066 = arith.constant 0 : i32
        %dma_start3A_1067 = tpu.memref_slice %arg8[%add3A_919, %dma_start3A_1066] : memref<50x40xi32, #tpu.memory_space<vmem>> -> memref<1x40xi32, #tpu.memory_space<vmem>>
        %dma_start3A_1068 = tpu.memref_squeeze %dma_start3A_1067 : memref<1x40xi32, #tpu.memory_space<vmem>> -> memref<40xi32, #tpu.memory_space<vmem>>
        %dma_start3A_1069 = arith.constant 0 : i32
        %dma_start3A_1070 = arith.constant 0 : i32
        %dma_start3A_1071 = tpu.memref_slice %arg6[%dma_start3A_1069, %dma_start3A_1070] : memref<10240x128xf32, #tpu.memory_space<vmem_shared>> -> memref<10240x128xf32, #tpu.memory_space<vmem_shared>>
        tpu.enqueue_indirect_dma source(%dma_start3A_1065 : memref<40x128xf32, #tpu.memory_space<vmem>>) target(%dma_start3A_1071 : memref<10240x128xf32, #tpu.memory_space<vmem_shared>>) offsets(%dma_start3A_1068 : memref<40xi32, #tpu.memory_space<vmem>>) semaphore(%run_scoped3A_1061 : memref<!tpu.dma_semaphore, #tpu.memory_space<semaphore_mem>>) {add = true}
        %dma_wait3A_1072 = arith.constant 0 : i32
        %dma_wait3A_1073 = arith.constant 0 : i32
        %dma_wait3A_1074 = tpu.memref_slice %arg9[%run_scoped3A_931, %dma_wait3A_1072, %dma_wait3A_1073] : memref<5x40x128xf32, #tpu.memory_space<vmem>> -> memref<1x40x128xf32, #tpu.memory_space<vmem>>
        %dma_wait3A_1075 = tpu.memref_squeeze %dma_wait3A_1074 : memref<1x40x128xf32, #tpu.memory_space<vmem>> -> memref<40x128xf32, #tpu.memory_space<vmem>>
        %dma_wait3A_1076 = arith.constant 0 : i32
        %dma_wait3A_1077 = tpu.memref_slice %arg8[%add3A_919, %dma_wait3A_1076] : memref<50x40xi32, #tpu.memory_space<vmem>> -> memref<1x40xi32, #tpu.memory_space<vmem>>
        %dma_wait3A_1078 = tpu.memref_squeeze %dma_wait3A_1077 : memref<1x40xi32, #tpu.memory_space<vmem>> -> memref<40xi32, #tpu.memory_space<vmem>>
        %dma_wait3A_1079 = arith.constant 0 : i32
        %dma_wait3A_1080 = arith.constant 0 : i32
        %dma_wait3A_1081 = tpu.memref_slice %arg6[%dma_wait3A_1079, %dma_wait3A_1080] : memref<10240x128xf32, #tpu.memory_space<vmem_shared>> -> memref<10240x128xf32, #tpu.memory_space<vmem_shared>>
        tpu.wait_indirect_dma semaphore(%run_scoped3A_1061 : memref<!tpu.dma_semaphore, #tpu.memory_space<semaphore_mem>>) src(%dma_wait3A_1075 : memref<40x128xf32, #tpu.memory_space<vmem>>) dst(%dma_wait3A_1081 : memref<10240x128xf32, #tpu.memory_space<vmem_shared>>)
        tpu.yield
      }) : () -> ()
      %add3A_932 = arith.constant 5 : i32
      %add3A_933 = arith.addi %add3A_919, %add3A_932 : i32
      %dma_start3A_934 = arith.constant 0 : i32
      %dma_start3A_935 = arith.constant 0 : i32
      %dma_start3A_936 = arith.constant 0 : i32
      %dma_start3A_937 = tpu.memref_slice %arg9[%dma_start3A_934, %dma_start3A_935, %dma_start3A_936] : memref<5x40x128xf32, #tpu.memory_space<vmem>> -> memref<1x40x128xf32, #tpu.memory_space<vmem>>
      %dma_start3A_938 = tpu.memref_squeeze %dma_start3A_937 : memref<1x40x128xf32, #tpu.memory_space<vmem>> -> memref<40x128xf32, #tpu.memory_space<vmem>>
      %dma_start3A_939 = arith.constant 0 : i32
      %dma_start3A_940 = tpu.memref_slice %arg7[%add3A_933, %dma_start3A_939] : memref<50x40xi32, #tpu.memory_space<vmem>> -> memref<1x40xi32, #tpu.memory_space<vmem>>
      %dma_start3A_941 = tpu.memref_squeeze %dma_start3A_940 : memref<1x40xi32, #tpu.memory_space<vmem>> -> memref<40xi32, #tpu.memory_space<vmem>>
      %dma_start3A_942 = arith.constant 0 : i32
      %dma_start3A_943 = arith.constant 0 : i32
      %dma_start3A_944 = tpu.memref_slice %arg2[%dma_start3A_942, %dma_start3A_943] : memref<10000x128xf32, #tpu.memory_space<hbm>> -> memref<10000x128xf32, #tpu.memory_space<hbm>>
      tpu.enqueue_indirect_dma source(%dma_start3A_944 : memref<10000x128xf32, #tpu.memory_space<hbm>>) target(%dma_start3A_938 : memref<40x128xf32, #tpu.memory_space<vmem>>) offsets(%dma_start3A_941 : memref<40xi32, #tpu.memory_space<vmem>>) semaphore(%arg10 : memref<!tpu.dma_semaphore, #tpu.memory_space<semaphore_mem>>)
      %mul3A_945 = arith.constant 5 : i32
      %mul3A_946 = arith.muli %scan3A_915, %mul3A_945 : i32
      %add3A_947 = arith.constant 1 : i32
      %add3A_948 = arith.addi %mul3A_946, %add3A_947 : i32
      %dma_wait3A_949 = arith.constant 1 : i32
      %dma_wait3A_950 = arith.constant 0 : i32
      %dma_wait3A_951 = arith.constant 0 : i32
      %dma_wait3A_952 = tpu.memref_slice %arg9[%dma_wait3A_949, %dma_wait3A_950, %dma_wait3A_951] : memref<5x40x128xf32, #tpu.memory_space<vmem>> -> memref<1x40x128xf32, #tpu.memory_space<vmem>>
      %dma_wait3A_953 = tpu.memref_squeeze %dma_wait3A_952 : memref<1x40x128xf32, #tpu.memory_space<vmem>> -> memref<40x128xf32, #tpu.memory_space<vmem>>
      %dma_wait3A_954 = arith.constant 0 : i32
      %dma_wait3A_955 = tpu.memref_slice %arg7[%add3A_948, %dma_wait3A_954] : memref<50x40xi32, #tpu.memory_space<vmem>> -> memref<1x40xi32, #tpu.memory_space<vmem>>
      %dma_wait3A_956 = tpu.memref_squeeze %dma_wait3A_955 : memref<1x40xi32, #tpu.memory_space<vmem>> -> memref<40xi32, #tpu.memory_space<vmem>>
      %dma_wait3A_957 = arith.constant 0 : i32
      %dma_wait3A_958 = arith.constant 0 : i32
      %dma_wait3A_959 = tpu.memref_slice %arg2[%dma_wait3A_957, %dma_wait3A_958] : memref<10000x128xf32, #tpu.memory_space<hbm>> -> memref<10000x128xf32, #tpu.memory_space<hbm>>
      tpu.wait_indirect_dma semaphore(%arg11 : memref<!tpu.dma_semaphore, #tpu.memory_space<semaphore_mem>>) src(%dma_wait3A_959 : memref<10000x128xf32, #tpu.memory_space<hbm>>) dst(%dma_wait3A_953 : memref<40x128xf32, #tpu.memory_space<vmem>>)
      %run_scoped3A_960 = arith.constant 1 : i32
      "tpu.region"() ({
        %run_scoped3A_1061 = tpu.sem_alloc : memref<!tpu.dma_semaphore, #tpu.memory_space<semaphore_mem>>
        %dma_start3A_1062 = arith.constant 0 : i32
        %dma_start3A_1063 = arith.constant 0 : i32
        %dma_start3A_1064 = tpu.memref_slice %arg9[%run_scoped3A_960, %dma_start3A_1062, %dma_start3A_1063] : memref<5x40x128xf32, #tpu.memory_space<vmem>> -> memref<1x40x128xf32, #tpu.memory_space<vmem>>
        %dma_start3A_1065 = tpu.memref_squeeze %dma_start3A_1064 : memref<1x40x128xf32, #tpu.memory_space<vmem>> -> memref<40x128xf32, #tpu.memory_space<vmem>>
        %dma_start3A_1066 = arith.constant 0 : i32
        %dma_start3A_1067 = tpu.memref_slice %arg8[%add3A_948, %dma_start3A_1066] : memref<50x40xi32, #tpu.memory_space<vmem>> -> memref<1x40xi32, #tpu.memory_space<vmem>>
        %dma_start3A_1068 = tpu.memref_squeeze %dma_start3A_1067 : memref<1x40xi32, #tpu.memory_space<vmem>> -> memref<40xi32, #tpu.memory_space<vmem>>
        %dma_start3A_1069 = arith.constant 0 : i32
        %dma_start3A_1070 = arith.constant 0 : i32
        %dma_start3A_1071 = tpu.memref_slice %arg6[%dma_start3A_1069, %dma_start3A_1070] : memref<10240x128xf32, #tpu.memory_space<vmem_shared>> -> memref<10240x128xf32, #tpu.memory_space<vmem_shared>>
        tpu.enqueue_indirect_dma source(%dma_start3A_1065 : memref<40x128xf32, #tpu.memory_space<vmem>>) target(%dma_start3A_1071 : memref<10240x128xf32, #tpu.memory_space<vmem_shared>>) offsets(%dma_start3A_1068 : memref<40xi32, #tpu.memory_space<vmem>>) semaphore(%run_scoped3A_1061 : memref<!tpu.dma_semaphore, #tpu.memory_space<semaphore_mem>>) {add = true}
        %dma_wait3A_1072 = arith.constant 0 : i32
        %dma_wait3A_1073 = arith.constant 0 : i32
        %dma_wait3A_1074 = tpu.memref_slice %arg9[%run_scoped3A_960, %dma_wait3A_1072, %dma_wait3A_1073] : memref<5x40x128xf32, #tpu.memory_space<vmem>> -> memref<1x40x128xf32, #tpu.memory_space<vmem>>
        %dma_wait3A_1075 = tpu.memref_squeeze %dma_wait3A_1074 : memref<1x40x128xf32, #tpu.memory_space<vmem>> -> memref<40x128xf32, #tpu.memory_space<vmem>>
        %dma_wait3A_1076 = arith.constant 0 : i32
        %dma_wait3A_1077 = tpu.memref_slice %arg8[%add3A_948, %dma_wait3A_1076] : memref<50x40xi32, #tpu.memory_space<vmem>> -> memref<1x40xi32, #tpu.memory_space<vmem>>
        %dma_wait3A_1078 = tpu.memref_squeeze %dma_wait3A_1077 : memref<1x40xi32, #tpu.memory_space<vmem>> -> memref<40xi32, #tpu.memory_space<vmem>>
        %dma_wait3A_1079 = arith.constant 0 : i32
        %dma_wait3A_1080 = arith.constant 0 : i32
        %dma_wait3A_1081 = tpu.memref_slice %arg6[%dma_wait3A_1079, %dma_wait3A_1080] : memref<10240x128xf32, #tpu.memory_space<vmem_shared>> -> memref<10240x128xf32, #tpu.memory_space<vmem_shared>>
        tpu.wait_indirect_dma semaphore(%run_scoped3A_1061 : memref<!tpu.dma_semaphore, #tpu.memory_space<semaphore_mem>>) src(%dma_wait3A_1075 : memref<40x128xf32, #tpu.memory_space<vmem>>) dst(%dma_wait3A_1081 : memref<10240x128xf32, #tpu.memory_space<vmem_shared>>)
        tpu.yield
      }) : () -> ()
      %add3A_961 = arith.constant 5 : i32
      %add3A_962 = arith.addi %add3A_948, %add3A_961 : i32
      %dma_start3A_963 = arith.constant 1 : i32
      %dma_start3A_964 = arith.constant 0 : i32
      %dma_start3A_965 = arith.constant 0 : i32
      %dma_start3A_966 = tpu.memref_slice %arg9[%dma_start3A_963, %dma_start3A_964, %dma_start3A_965] : memref<5x40x128xf32, #tpu.memory_space<vmem>> -> memref<1x40x128xf32, #tpu.memory_space<vmem>>
      %dma_start3A_967 = tpu.memref_squeeze %dma_start3A_966 : memref<1x40x128xf32, #tpu.memory_space<vmem>> -> memref<40x128xf32, #tpu.memory_space<vmem>>
      %dma_start3A_968 = arith.constant 0 : i32
      %dma_start3A_969 = tpu.memref_slice %arg7[%add3A_962, %dma_start3A_968] : memref<50x40xi32, #tpu.memory_space<vmem>> -> memref<1x40xi32, #tpu.memory_space<vmem>>
      %dma_start3A_970 = tpu.memref_squeeze %dma_start3A_969 : memref<1x40xi32, #tpu.memory_space<vmem>> -> memref<40xi32, #tpu.memory_space<vmem>>
      %dma_start3A_971 = arith.constant 0 : i32
      %dma_start3A_972 = arith.constant 0 : i32
      %dma_start3A_973 = tpu.memref_slice %arg2[%dma_start3A_971, %dma_start3A_972] : memref<10000x128xf32, #tpu.memory_space<hbm>> -> memref<10000x128xf32, #tpu.memory_space<hbm>>
      tpu.enqueue_indirect_dma source(%dma_start3A_973 : memref<10000x128xf32, #tpu.memory_space<hbm>>) target(%dma_start3A_967 : memref<40x128xf32, #tpu.memory_space<vmem>>) offsets(%dma_start3A_970 : memref<40xi32, #tpu.memory_space<vmem>>) semaphore(%arg11 : memref<!tpu.dma_semaphore, #tpu.memory_space<semaphore_mem>>)
      %mul3A_974 = arith.constant 5 : i32
      %mul3A_975 = arith.muli %scan3A_915, %mul3A_974 : i32
      %add3A_976 = arith.constant 2 : i32
      %add3A_977 = arith.addi %mul3A_975, %add3A_976 : i32
      %dma_wait3A_978 = arith.constant 2 : i32
      %dma_wait3A_979 = arith.constant 0 : i32
      %dma_wait3A_980 = arith.constant 0 : i32
      %dma_wait3A_981 = tpu.memref_slice %arg9[%dma_wait3A_978, %dma_wait3A_979, %dma_wait3A_980] : memref<5x40x128xf32, #tpu.memory_space<vmem>> -> memref<1x40x128xf32, #tpu.memory_space<vmem>>
      %dma_wait3A_982 = tpu.memref_squeeze %dma_wait3A_981 : memref<1x40x128xf32, #tpu.memory_space<vmem>> -> memref<40x128xf32, #tpu.memory_space<vmem>>
      %dma_wait3A_983 = arith.constant 0 : i32
      %dma_wait3A_984 = tpu.memref_slice %arg7[%add3A_977, %dma_wait3A_983] : memref<50x40xi32, #tpu.memory_space<vmem>> -> memref<1x40xi32, #tpu.memory_space<vmem>>
      %dma_wait3A_985 = tpu.memref_squeeze %dma_wait3A_984 : memref<1x40xi32, #tpu.memory_space<vmem>> -> memref<40xi32, #tpu.memory_space<vmem>>
      %dma_wait3A_986 = arith.constant 0 : i32
      %dma_wait3A_987 = arith.constant 0 : i32
      %dma_wait3A_988 = tpu.memref_slice %arg2[%dma_wait3A_986, %dma_wait3A_987] : memref<10000x128xf32, #tpu.memory_space<hbm>> -> memref<10000x128xf32, #tpu.memory_space<hbm>>
      tpu.wait_indirect_dma semaphore(%arg12 : memref<!tpu.dma_semaphore, #tpu.memory_space<semaphore_mem>>) src(%dma_wait3A_988 : memref<10000x128xf32, #tpu.memory_space<hbm>>) dst(%dma_wait3A_982 : memref<40x128xf32, #tpu.memory_space<vmem>>)
      %run_scoped3A_989 = arith.constant 2 : i32
      "tpu.region"() ({
        %run_scoped3A_1061 = tpu.sem_alloc : memref<!tpu.dma_semaphore, #tpu.memory_space<semaphore_mem>>
        %dma_start3A_1062 = arith.constant 0 : i32
        %dma_start3A_1063 = arith.constant 0 : i32
        %dma_start3A_1064 = tpu.memref_slice %arg9[%run_scoped3A_989, %dma_start3A_1062, %dma_start3A_1063] : memref<5x40x128xf32, #tpu.memory_space<vmem>> -> memref<1x40x128xf32, #tpu.memory_space<vmem>>
        %dma_start3A_1065 = tpu.memref_squeeze %dma_start3A_1064 : memref<1x40x128xf32, #tpu.memory_space<vmem>> -> memref<40x128xf32, #tpu.memory_space<vmem>>
        %dma_start3A_1066 = arith.constant 0 : i32
        %dma_start3A_1067 = tpu.memref_slice %arg8[%add3A_977, %dma_start3A_1066] : memref<50x40xi32, #tpu.memory_space<vmem>> -> memref<1x40xi32, #tpu.memory_space<vmem>>
        %dma_start3A_1068 = tpu.memref_squeeze %dma_start3A_1067 : memref<1x40xi32, #tpu.memory_space<vmem>> -> memref<40xi32, #tpu.memory_space<vmem>>
        %dma_start3A_1069 = arith.constant 0 : i32
        %dma_start3A_1070 = arith.constant 0 : i32
        %dma_start3A_1071 = tpu.memref_slice %arg6[%dma_start3A_1069, %dma_start3A_1070] : memref<10240x128xf32, #tpu.memory_space<vmem_shared>> -> memref<10240x128xf32, #tpu.memory_space<vmem_shared>>
        tpu.enqueue_indirect_dma source(%dma_start3A_1065 : memref<40x128xf32, #tpu.memory_space<vmem>>) target(%dma_start3A_1071 : memref<10240x128xf32, #tpu.memory_space<vmem_shared>>) offsets(%dma_start3A_1068 : memref<40xi32, #tpu.memory_space<vmem>>) semaphore(%run_scoped3A_1061 : memref<!tpu.dma_semaphore, #tpu.memory_space<semaphore_mem>>) {add = true}
        %dma_wait3A_1072 = arith.constant 0 : i32
        %dma_wait3A_1073 = arith.constant 0 : i32
        %dma_wait3A_1074 = tpu.memref_slice %arg9[%run_scoped3A_989, %dma_wait3A_1072, %dma_wait3A_1073] : memref<5x40x128xf32, #tpu.memory_space<vmem>> -> memref<1x40x128xf32, #tpu.memory_space<vmem>>
        %dma_wait3A_1075 = tpu.memref_squeeze %dma_wait3A_1074 : memref<1x40x128xf32, #tpu.memory_space<vmem>> -> memref<40x128xf32, #tpu.memory_space<vmem>>
        %dma_wait3A_1076 = arith.constant 0 : i32
        %dma_wait3A_1077 = tpu.memref_slice %arg8[%add3A_977, %dma_wait3A_1076] : memref<50x40xi32, #tpu.memory_space<vmem>> -> memref<1x40xi32, #tpu.memory_space<vmem>>
        %dma_wait3A_1078 = tpu.memref_squeeze %dma_wait3A_1077 : memref<1x40xi32, #tpu.memory_space<vmem>> -> memref<40xi32, #tpu.memory_space<vmem>>
        %dma_wait3A_1079 = arith.constant 0 : i32
        %dma_wait3A_1080 = arith.constant 0 : i32
        %dma_wait3A_1081 = tpu.memref_slice %arg6[%dma_wait3A_1079, %dma_wait3A_1080] : memref<10240x128xf32, #tpu.memory_space<vmem_shared>> -> memref<10240x128xf32, #tpu.memory_space<vmem_shared>>
        tpu.wait_indirect_dma semaphore(%run_scoped3A_1061 : memref<!tpu.dma_semaphore, #tpu.memory_space<semaphore_mem>>) src(%dma_wait3A_1075 : memref<40x128xf32, #tpu.memory_space<vmem>>) dst(%dma_wait3A_1081 : memref<10240x128xf32, #tpu.memory_space<vmem_shared>>)
        tpu.yield
      }) : () -> ()
      %add3A_990 = arith.constant 5 : i32
      %add3A_991 = arith.addi %add3A_977, %add3A_990 : i32
      %dma_start3A_992 = arith.constant 2 : i32
      %dma_start3A_993 = arith.constant 0 : i32
      %dma_start3A_994 = arith.constant 0 : i32
      %dma_start3A_995 = tpu.memref_slice %arg9[%dma_start3A_992, %dma_start3A_993, %dma_start3A_994] : memref<5x40x128xf32, #tpu.memory_space<vmem>> -> memref<1x40x128xf32, #tpu.memory_space<vmem>>
      %dma_start3A_996 = tpu.memref_squeeze %dma_start3A_995 : memref<1x40x128xf32, #tpu.memory_space<vmem>> -> memref<40x128xf32, #tpu.memory_space<vmem>>
      %dma_start3A_997 = arith.constant 0 : i32
      %dma_start3A_998 = tpu.memref_slice %arg7[%add3A_991, %dma_start3A_997] : memref<50x40xi32, #tpu.memory_space<vmem>> -> memref<1x40xi32, #tpu.memory_space<vmem>>
      %dma_start3A_999 = tpu.memref_squeeze %dma_start3A_998 : memref<1x40xi32, #tpu.memory_space<vmem>> -> memref<40xi32, #tpu.memory_space<vmem>>
      %dma_start3A_1000 = arith.constant 0 : i32
      %dma_start3A_1001 = arith.constant 0 : i32
      %dma_start3A_1002 = tpu.memref_slice %arg2[%dma_start3A_1000, %dma_start3A_1001] : memref<10000x128xf32, #tpu.memory_space<hbm>> -> memref<10000x128xf32, #tpu.memory_space<hbm>>
      tpu.enqueue_indirect_dma source(%dma_start3A_1002 : memref<10000x128xf32, #tpu.memory_space<hbm>>) target(%dma_start3A_996 : memref<40x128xf32, #tpu.memory_space<vmem>>) offsets(%dma_start3A_999 : memref<40xi32, #tpu.memory_space<vmem>>) semaphore(%arg12 : memref<!tpu.dma_semaphore, #tpu.memory_space<semaphore_mem>>)
      %mul3A_1003 = arith.constant 5 : i32
      %mul3A_1004 = arith.muli %scan3A_915, %mul3A_1003 : i32
      %add3A_1005 = arith.constant 3 : i32
      %add3A_1006 = arith.addi %mul3A_1004, %add3A_1005 : i32
      %dma_wait3A_1007 = arith.constant 3 : i32
      %dma_wait3A_1008 = arith.constant 0 : i32
      %dma_wait3A_1009 = arith.constant 0 : i32
      %dma_wait3A_1010 = tpu.memref_slice %arg9[%dma_wait3A_1007, %dma_wait3A_1008, %dma_wait3A_1009] : memref<5x40x128xf32, #tpu.memory_space<vmem>> -> memref<1x40x128xf32, #tpu.memory_space<vmem>>
      %dma_wait3A_1011 = tpu.memref_squeeze %dma_wait3A_1010 : memref<1x40x128xf32, #tpu.memory_space<vmem>> -> memref<40x128xf32, #tpu.memory_space<vmem>>
      %dma_wait3A_1012 = arith.constant 0 : i32
      %dma_wait3A_1013 = tpu.memref_slice %arg7[%add3A_1006, %dma_wait3A_1012] : memref<50x40xi32, #tpu.memory_space<vmem>> -> memref<1x40xi32, #tpu.memory_space<vmem>>
      %dma_wait3A_1014 = tpu.memref_squeeze %dma_wait3A_1013 : memref<1x40xi32, #tpu.memory_space<vmem>> -> memref<40xi32, #tpu.memory_space<vmem>>
      %dma_wait3A_1015 = arith.constant 0 : i32
      %dma_wait3A_1016 = arith.constant 0 : i32
      %dma_wait3A_1017 = tpu.memref_slice %arg2[%dma_wait3A_1015, %dma_wait3A_1016] : memref<10000x128xf32, #tpu.memory_space<hbm>> -> memref<10000x128xf32, #tpu.memory_space<hbm>>
      tpu.wait_indirect_dma semaphore(%arg13 : memref<!tpu.dma_semaphore, #tpu.memory_space<semaphore_mem>>) src(%dma_wait3A_1017 : memref<10000x128xf32, #tpu.memory_space<hbm>>) dst(%dma_wait3A_1011 : memref<40x128xf32, #tpu.memory_space<vmem>>)
      %run_scoped3A_1018 = arith.constant 3 : i32
      "tpu.region"() ({
        %run_scoped3A_1061 = tpu.sem_alloc : memref<!tpu.dma_semaphore, #tpu.memory_space<semaphore_mem>>
        %dma_start3A_1062 = arith.constant 0 : i32
        %dma_start3A_1063 = arith.constant 0 : i32
        %dma_start3A_1064 = tpu.memref_slice %arg9[%run_scoped3A_1018, %dma_start3A_1062, %dma_start3A_1063] : memref<5x40x128xf32, #tpu.memory_space<vmem>> -> memref<1x40x128xf32, #tpu.memory_space<vmem>>
        %dma_start3A_1065 = tpu.memref_squeeze %dma_start3A_1064 : memref<1x40x128xf32, #tpu.memory_space<vmem>> -> memref<40x128xf32, #tpu.memory_space<vmem>>
        %dma_start3A_1066 = arith.constant 0 : i32
        %dma_start3A_1067 = tpu.memref_slice %arg8[%add3A_1006, %dma_start3A_1066] : memref<50x40xi32, #tpu.memory_space<vmem>> -> memref<1x40xi32, #tpu.memory_space<vmem>>
        %dma_start3A_1068 = tpu.memref_squeeze %dma_start3A_1067 : memref<1x40xi32, #tpu.memory_space<vmem>> -> memref<40xi32, #tpu.memory_space<vmem>>
        %dma_start3A_1069 = arith.constant 0 : i32
        %dma_start3A_1070 = arith.constant 0 : i32
        %dma_start3A_1071 = tpu.memref_slice %arg6[%dma_start3A_1069, %dma_start3A_1070] : memref<10240x128xf32, #tpu.memory_space<vmem_shared>> -> memref<10240x128xf32, #tpu.memory_space<vmem_shared>>
        tpu.enqueue_indirect_dma source(%dma_start3A_1065 : memref<40x128xf32, #tpu.memory_space<vmem>>) target(%dma_start3A_1071 : memref<10240x128xf32, #tpu.memory_space<vmem_shared>>) offsets(%dma_start3A_1068 : memref<40xi32, #tpu.memory_space<vmem>>) semaphore(%run_scoped3A_1061 : memref<!tpu.dma_semaphore, #tpu.memory_space<semaphore_mem>>) {add = true}
        %dma_wait3A_1072 = arith.constant 0 : i32
        %dma_wait3A_1073 = arith.constant 0 : i32
        %dma_wait3A_1074 = tpu.memref_slice %arg9[%run_scoped3A_1018, %dma_wait3A_1072, %dma_wait3A_1073] : memref<5x40x128xf32, #tpu.memory_space<vmem>> -> memref<1x40x128xf32, #tpu.memory_space<vmem>>
        %dma_wait3A_1075 = tpu.memref_squeeze %dma_wait3A_1074 : memref<1x40x128xf32, #tpu.memory_space<vmem>> -> memref<40x128xf32, #tpu.memory_space<vmem>>
        %dma_wait3A_1076 = arith.constant 0 : i32
        %dma_wait3A_1077 = tpu.memref_slice %arg8[%add3A_1006, %dma_wait3A_1076] : memref<50x40xi32, #tpu.memory_space<vmem>> -> memref<1x40xi32, #tpu.memory_space<vmem>>
        %dma_wait3A_1078 = tpu.memref_squeeze %dma_wait3A_1077 : memref<1x40xi32, #tpu.memory_space<vmem>> -> memref<40xi32, #tpu.memory_space<vmem>>
        %dma_wait3A_1079 = arith.constant 0 : i32
        %dma_wait3A_1080 = arith.constant 0 : i32
        %dma_wait3A_1081 = tpu.memref_slice %arg6[%dma_wait3A_1079, %dma_wait3A_1080] : memref<10240x128xf32, #tpu.memory_space<vmem_shared>> -> memref<10240x128xf32, #tpu.memory_space<vmem_shared>>
        tpu.wait_indirect_dma semaphore(%run_scoped3A_1061 : memref<!tpu.dma_semaphore, #tpu.memory_space<semaphore_mem>>) src(%dma_wait3A_1075 : memref<40x128xf32, #tpu.memory_space<vmem>>) dst(%dma_wait3A_1081 : memref<10240x128xf32, #tpu.memory_space<vmem_shared>>)
        tpu.yield
      }) : () -> ()
      %add3A_1019 = arith.constant 5 : i32
      %add3A_1020 = arith.addi %add3A_1006, %add3A_1019 : i32
      %dma_start3A_1021 = arith.constant 3 : i32
      %dma_start3A_1022 = arith.constant 0 : i32
      %dma_start3A_1023 = arith.constant 0 : i32
      %dma_start3A_1024 = tpu.memref_slice %arg9[%dma_start3A_1021, %dma_start3A_1022, %dma_start3A_1023] : memref<5x40x128xf32, #tpu.memory_space<vmem>> -> memref<1x40x128xf32, #tpu.memory_space<vmem>>
      %dma_start3A_1025 = tpu.memref_squeeze %dma_start3A_1024 : memref<1x40x128xf32, #tpu.memory_space<vmem>> -> memref<40x128xf32, #tpu.memory_space<vmem>>
      %dma_start3A_1026 = arith.constant 0 : i32
      %dma_start3A_1027 = tpu.memref_slice %arg7[%add3A_1020, %dma_start3A_1026] : memref<50x40xi32, #tpu.memory_space<vmem>> -> memref<1x40xi32, #tpu.memory_space<vmem>>
      %dma_start3A_1028 = tpu.memref_squeeze %dma_start3A_1027 : memref<1x40xi32, #tpu.memory_space<vmem>> -> memref<40xi32, #tpu.memory_space<vmem>>
      %dma_start3A_1029 = arith.constant 0 : i32
      %dma_start3A_1030 = arith.constant 0 : i32
      %dma_start3A_1031 = tpu.memref_slice %arg2[%dma_start3A_1029, %dma_start3A_1030] : memref<10000x128xf32, #tpu.memory_space<hbm>> -> memref<10000x128xf32, #tpu.memory_space<hbm>>
      tpu.enqueue_indirect_dma source(%dma_start3A_1031 : memref<10000x128xf32, #tpu.memory_space<hbm>>) target(%dma_start3A_1025 : memref<40x128xf32, #tpu.memory_space<vmem>>) offsets(%dma_start3A_1028 : memref<40xi32, #tpu.memory_space<vmem>>) semaphore(%arg13 : memref<!tpu.dma_semaphore, #tpu.memory_space<semaphore_mem>>)
      %mul3A_1032 = arith.constant 5 : i32
      %mul3A_1033 = arith.muli %scan3A_915, %mul3A_1032 : i32
      %add3A_1034 = arith.constant 4 : i32
      %add3A_1035 = arith.addi %mul3A_1033, %add3A_1034 : i32
      %dma_wait3A_1036 = arith.constant 4 : i32
      %dma_wait3A_1037 = arith.constant 0 : i32
      %dma_wait3A_1038 = arith.constant 0 : i32
      %dma_wait3A_1039 = tpu.memref_slice %arg9[%dma_wait3A_1036, %dma_wait3A_1037, %dma_wait3A_1038] : memref<5x40x128xf32, #tpu.memory_space<vmem>> -> memref<1x40x128xf32, #tpu.memory_space<vmem>>
      %dma_wait3A_1040 = tpu.memref_squeeze %dma_wait3A_1039 : memref<1x40x128xf32, #tpu.memory_space<vmem>> -> memref<40x128xf32, #tpu.memory_space<vmem>>
      %dma_wait3A_1041 = arith.constant 0 : i32
      %dma_wait3A_1042 = tpu.memref_slice %arg7[%add3A_1035, %dma_wait3A_1041] : memref<50x40xi32, #tpu.memory_space<vmem>> -> memref<1x40xi32, #tpu.memory_space<vmem>>
      %dma_wait3A_1043 = tpu.memref_squeeze %dma_wait3A_1042 : memref<1x40xi32, #tpu.memory_space<vmem>> -> memref<40xi32, #tpu.memory_space<vmem>>
      %dma_wait3A_1044 = arith.constant 0 : i32
      %dma_wait3A_1045 = arith.constant 0 : i32
      %dma_wait3A_1046 = tpu.memref_slice %arg2[%dma_wait3A_1044, %dma_wait3A_1045] : memref<10000x128xf32, #tpu.memory_space<hbm>> -> memref<10000x128xf32, #tpu.memory_space<hbm>>
      tpu.wait_indirect_dma semaphore(%arg14 : memref<!tpu.dma_semaphore, #tpu.memory_space<semaphore_mem>>) src(%dma_wait3A_1046 : memref<10000x128xf32, #tpu.memory_space<hbm>>) dst(%dma_wait3A_1040 : memref<40x128xf32, #tpu.memory_space<vmem>>)
      %run_scoped3A_1047 = arith.constant 4 : i32
      "tpu.region"() ({
        %run_scoped3A_1061 = tpu.sem_alloc : memref<!tpu.dma_semaphore, #tpu.memory_space<semaphore_mem>>
        %dma_start3A_1062 = arith.constant 0 : i32
        %dma_start3A_1063 = arith.constant 0 : i32
        %dma_start3A_1064 = tpu.memref_slice %arg9[%run_scoped3A_1047, %dma_start3A_1062, %dma_start3A_1063] : memref<5x40x128xf32, #tpu.memory_space<vmem>> -> memref<1x40x128xf32, #tpu.memory_space<vmem>>
        %dma_start3A_1065 = tpu.memref_squeeze %dma_start3A_1064 : memref<1x40x128xf32, #tpu.memory_space<vmem>> -> memref<40x128xf32, #tpu.memory_space<vmem>>
        %dma_start3A_1066 = arith.constant 0 : i32
        %dma_start3A_1067 = tpu.memref_slice %arg8[%add3A_1035, %dma_start3A_1066] : memref<50x40xi32, #tpu.memory_space<vmem>> -> memref<1x40xi32, #tpu.memory_space<vmem>>
        %dma_start3A_1068 = tpu.memref_squeeze %dma_start3A_1067 : memref<1x40xi32, #tpu.memory_space<vmem>> -> memref<40xi32, #tpu.memory_space<vmem>>
        %dma_start3A_1069 = arith.constant 0 : i32
        %dma_start3A_1070 = arith.constant 0 : i32
        %dma_start3A_1071 = tpu.memref_slice %arg6[%dma_start3A_1069, %dma_start3A_1070] : memref<10240x128xf32, #tpu.memory_space<vmem_shared>> -> memref<10240x128xf32, #tpu.memory_space<vmem_shared>>
        tpu.enqueue_indirect_dma source(%dma_start3A_1065 : memref<40x128xf32, #tpu.memory_space<vmem>>) target(%dma_start3A_1071 : memref<10240x128xf32, #tpu.memory_space<vmem_shared>>) offsets(%dma_start3A_1068 : memref<40xi32, #tpu.memory_space<vmem>>) semaphore(%run_scoped3A_1061 : memref<!tpu.dma_semaphore, #tpu.memory_space<semaphore_mem>>) {add = true}
        %dma_wait3A_1072 = arith.constant 0 : i32
        %dma_wait3A_1073 = arith.constant 0 : i32
        %dma_wait3A_1074 = tpu.memref_slice %arg9[%run_scoped3A_1047, %dma_wait3A_1072, %dma_wait3A_1073] : memref<5x40x128xf32, #tpu.memory_space<vmem>> -> memref<1x40x128xf32, #tpu.memory_space<vmem>>
        %dma_wait3A_1075 = tpu.memref_squeeze %dma_wait3A_1074 : memref<1x40x128xf32, #tpu.memory_space<vmem>> -> memref<40x128xf32, #tpu.memory_space<vmem>>
        %dma_wait3A_1076 = arith.constant 0 : i32
        %dma_wait3A_1077 = tpu.memref_slice %arg8[%add3A_1035, %dma_wait3A_1076] : memref<50x40xi32, #tpu.memory_space<vmem>> -> memref<1x40xi32, #tpu.memory_space<vmem>>
        %dma_wait3A_1078 = tpu.memref_squeeze %dma_wait3A_1077 : memref<1x40xi32, #tpu.memory_space<vmem>> -> memref<40xi32, #tpu.memory_space<vmem>>
        %dma_wait3A_1079 = arith.constant 0 : i32
        %dma_wait3A_1080 = arith.constant 0 : i32
        %dma_wait3A_1081 = tpu.memref_slice %arg6[%dma_wait3A_1079, %dma_wait3A_1080] : memref<10240x128xf32, #tpu.memory_space<vmem_shared>> -> memref<10240x128xf32, #tpu.memory_space<vmem_shared>>
        tpu.wait_indirect_dma semaphore(%run_scoped3A_1061 : memref<!tpu.dma_semaphore, #tpu.memory_space<semaphore_mem>>) src(%dma_wait3A_1075 : memref<40x128xf32, #tpu.memory_space<vmem>>) dst(%dma_wait3A_1081 : memref<10240x128xf32, #tpu.memory_space<vmem_shared>>)
        tpu.yield
      }) : () -> ()
      %add3A_1048 = arith.constant 5 : i32
      %add3A_1049 = arith.addi %add3A_1035, %add3A_1048 : i32
      %dma_start3A_1050 = arith.constant 4 : i32
      %dma_start3A_1051 = arith.constant 0 : i32
      %dma_start3A_1052 = arith.constant 0 : i32
      %dma_start3A_1053 = tpu.memref_slice %arg9[%dma_start3A_1050, %dma_start3A_1051, %dma_start3A_1052] : memref<5x40x128xf32, #tpu.memory_space<vmem>> -> memref<1x40x128xf32, #tpu.memory_space<vmem>>
      %dma_start3A_1054 = tpu.memref_squeeze %dma_start3A_1053 : memref<1x40x128xf32, #tpu.memory_space<vmem>> -> memref<40x128xf32, #tpu.memory_space<vmem>>
      %dma_start3A_1055 = arith.constant 0 : i32
      %dma_start3A_1056 = tpu.memref_slice %arg7[%add3A_1049, %dma_start3A_1055] : memref<50x40xi32, #tpu.memory_space<vmem>> -> memref<1x40xi32, #tpu.memory_space<vmem>>
      %dma_start3A_1057 = tpu.memref_squeeze %dma_start3A_1056 : memref<1x40xi32, #tpu.memory_space<vmem>> -> memref<40xi32, #tpu.memory_space<vmem>>
      %dma_start3A_1058 = arith.constant 0 : i32
      %dma_start3A_1059 = arith.constant 0 : i32
      %dma_start3A_1060 = tpu.memref_slice %arg2[%dma_start3A_1058, %dma_start3A_1059] : memref<10000x128xf32, #tpu.memory_space<hbm>> -> memref<10000x128xf32, #tpu.memory_space<hbm>>
      tpu.enqueue_indirect_dma source(%dma_start3A_1060 : memref<10000x128xf32, #tpu.memory_space<hbm>>) target(%dma_start3A_1054 : memref<40x128xf32, #tpu.memory_space<vmem>>) offsets(%dma_start3A_1057 : memref<40xi32, #tpu.memory_space<vmem>>) semaphore(%arg14 : memref<!tpu.dma_semaphore, #tpu.memory_space<semaphore_mem>>)
    }
    %scan3A_499 = arith.constant 9 : i32
    %dma_wait3A_500 = arith.constant 45 : i32
    %dma_wait3A_501 = arith.constant 0 : i32
    %dma_wait3A_502 = arith.constant 0 : i32
    %dma_wait3A_503 = arith.constant 0 : i32
    %dma_wait3A_504 = tpu.memref_slice %arg9[%dma_wait3A_501, %dma_wait3A_502, %dma_wait3A_503] : memref<5x40x128xf32, #tpu.memory_space<vmem>> -> memref<1x40x128xf32, #tpu.memory_space<vmem>>
    %dma_wait3A_505 = tpu.memref_squeeze %dma_wait3A_504 : memref<1x40x128xf32, #tpu.memory_space<vmem>> -> memref<40x128xf32, #tpu.memory_space<vmem>>
    %dma_wait3A_506 = arith.constant 0 : i32
    %dma_wait3A_507 = tpu.memref_slice %arg7[%dma_wait3A_500, %dma_wait3A_506] : memref<50x40xi32, #tpu.memory_space<vmem>> -> memref<1x40xi32, #tpu.memory_space<vmem>>
    %dma_wait3A_508 = tpu.memref_squeeze %dma_wait3A_507 : memref<1x40xi32, #tpu.memory_space<vmem>> -> memref<40xi32, #tpu.memory_space<vmem>>
    %dma_wait3A_509 = arith.constant 0 : i32
    %dma_wait3A_510 = arith.constant 0 : i32
    %dma_wait3A_511 = tpu.memref_slice %arg2[%dma_wait3A_509, %dma_wait3A_510] : memref<10000x128xf32, #tpu.memory_space<hbm>> -> memref<10000x128xf32, #tpu.memory_space<hbm>>
    tpu.wait_indirect_dma semaphore(%arg10 : memref<!tpu.dma_semaphore, #tpu.memory_space<semaphore_mem>>) src(%dma_wait3A_511 : memref<10000x128xf32, #tpu.memory_space<hbm>>) dst(%dma_wait3A_505 : memref<40x128xf32, #tpu.memory_space<vmem>>)
    %run_scoped3A_512 = arith.constant 0 : i32
    %run_scoped3A_513 = arith.constant 45 : i32
    "tpu.region"() ({
      %run_scoped3A_915 = tpu.sem_alloc : memref<!tpu.dma_semaphore, #tpu.memory_space<semaphore_mem>>
      %dma_start3A_916 = arith.constant 0 : i32
      %dma_start3A_917 = arith.constant 0 : i32
      %dma_start3A_918 = tpu.memref_slice %arg9[%run_scoped3A_512, %dma_start3A_916, %dma_start3A_917] : memref<5x40x128xf32, #tpu.memory_space<vmem>> -> memref<1x40x128xf32, #tpu.memory_space<vmem>>
      %dma_start3A_919 = tpu.memref_squeeze %dma_start3A_918 : memref<1x40x128xf32, #tpu.memory_space<vmem>> -> memref<40x128xf32, #tpu.memory_space<vmem>>
      %dma_start3A_920 = arith.constant 0 : i32
      %dma_start3A_921 = tpu.memref_slice %arg8[%run_scoped3A_513, %dma_start3A_920] : memref<50x40xi32, #tpu.memory_space<vmem>> -> memref<1x40xi32, #tpu.memory_space<vmem>>
      %dma_start3A_922 = tpu.memref_squeeze %dma_start3A_921 : memref<1x40xi32, #tpu.memory_space<vmem>> -> memref<40xi32, #tpu.memory_space<vmem>>
      %dma_start3A_923 = arith.constant 0 : i32
      %dma_start3A_924 = arith.constant 0 : i32
      %dma_start3A_925 = tpu.memref_slice %arg6[%dma_start3A_923, %dma_start3A_924] : memref<10240x128xf32, #tpu.memory_space<vmem_shared>> -> memref<10240x128xf32, #tpu.memory_space<vmem_shared>>
      tpu.enqueue_indirect_dma source(%dma_start3A_919 : memref<40x128xf32, #tpu.memory_space<vmem>>) target(%dma_start3A_925 : memref<10240x128xf32, #tpu.memory_space<vmem_shared>>) offsets(%dma_start3A_922 : memref<40xi32, #tpu.memory_space<vmem>>) semaphore(%run_scoped3A_915 : memref<!tpu.dma_semaphore, #tpu.memory_space<semaphore_mem>>) {add = true}
      %dma_wait3A_926 = arith.constant 0 : i32
      %dma_wait3A_927 = arith.constant 0 : i32
      %dma_wait3A_928 = tpu.memref_slice %arg9[%run_scoped3A_512, %dma_wait3A_926, %dma_wait3A_927] : memref<5x40x128xf32, #tpu.memory_space<vmem>> -> memref<1x40x128xf32, #tpu.memory_space<vmem>>
      %dma_wait3A_929 = tpu.memref_squeeze %dma_wait3A_928 : memref<1x40x128xf32, #tpu.memory_space<vmem>> -> memref<40x128xf32, #tpu.memory_space<vmem>>
      %dma_wait3A_930 = arith.constant 0 : i32
      %dma_wait3A_931 = tpu.memref_slice %arg8[%run_scoped3A_513, %dma_wait3A_930] : memref<50x40xi32, #tpu.memory_space<vmem>> -> memref<1x40xi32, #tpu.memory_space<vmem>>
      %dma_wait3A_932 = tpu.memref_squeeze %dma_wait3A_931 : memref<1x40xi32, #tpu.memory_space<vmem>> -> memref<40xi32, #tpu.memory_space<vmem>>
      %dma_wait3A_933 = arith.constant 0 : i32
      %dma_wait3A_934 = arith.constant 0 : i32
      %dma_wait3A_935 = tpu.memref_slice %arg6[%dma_wait3A_933, %dma_wait3A_934] : memref<10240x128xf32, #tpu.memory_space<vmem_shared>> -> memref<10240x128xf32, #tpu.memory_space<vmem_shared>>
      tpu.wait_indirect_dma semaphore(%run_scoped3A_915 : memref<!tpu.dma_semaphore, #tpu.memory_space<semaphore_mem>>) src(%dma_wait3A_929 : memref<40x128xf32, #tpu.memory_space<vmem>>) dst(%dma_wait3A_935 : memref<10240x128xf32, #tpu.memory_space<vmem_shared>>)
      tpu.yield
    }) : () -> ()
    %dma_wait3A_514 = arith.constant 46 : i32
    %dma_wait3A_515 = arith.constant 1 : i32
    %dma_wait3A_516 = arith.constant 0 : i32
    %dma_wait3A_517 = arith.constant 0 : i32
    %dma_wait3A_518 = tpu.memref_slice %arg9[%dma_wait3A_515, %dma_wait3A_516, %dma_wait3A_517] : memref<5x40x128xf32, #tpu.memory_space<vmem>> -> memref<1x40x128xf32, #tpu.memory_space<vmem>>
    %dma_wait3A_519 = tpu.memref_squeeze %dma_wait3A_518 : memref<1x40x128xf32, #tpu.memory_space<vmem>> -> memref<40x128xf32, #tpu.memory_space<vmem>>
    %dma_wait3A_520 = arith.constant 0 : i32
    %dma_wait3A_521 = tpu.memref_slice %arg7[%dma_wait3A_514, %dma_wait3A_520] : memref<50x40xi32, #tpu.memory_space<vmem>> -> memref<1x40xi32, #tpu.memory_space<vmem>>
    %dma_wait3A_522 = tpu.memref_squeeze %dma_wait3A_521 : memref<1x40xi32, #tpu.memory_space<vmem>> -> memref<40xi32, #tpu.memory_space<vmem>>
    %dma_wait3A_523 = arith.constant 0 : i32
    %dma_wait3A_524 = arith.constant 0 : i32
    %dma_wait3A_525 = tpu.memref_slice %arg2[%dma_wait3A_523, %dma_wait3A_524] : memref<10000x128xf32, #tpu.memory_space<hbm>> -> memref<10000x128xf32, #tpu.memory_space<hbm>>
    tpu.wait_indirect_dma semaphore(%arg11 : memref<!tpu.dma_semaphore, #tpu.memory_space<semaphore_mem>>) src(%dma_wait3A_525 : memref<10000x128xf32, #tpu.memory_space<hbm>>) dst(%dma_wait3A_519 : memref<40x128xf32, #tpu.memory_space<vmem>>)
    %run_scoped3A_526 = arith.constant 1 : i32
    %run_scoped3A_527 = arith.constant 46 : i32
    "tpu.region"() ({
      %run_scoped3A_915 = tpu.sem_alloc : memref<!tpu.dma_semaphore, #tpu.memory_space<semaphore_mem>>
      %dma_start3A_916 = arith.constant 0 : i32
      %dma_start3A_917 = arith.constant 0 : i32
      %dma_start3A_918 = tpu.memref_slice %arg9[%run_scoped3A_526, %dma_start3A_916, %dma_start3A_917] : memref<5x40x128xf32, #tpu.memory_space<vmem>> -> memref<1x40x128xf32, #tpu.memory_space<vmem>>
      %dma_start3A_919 = tpu.memref_squeeze %dma_start3A_918 : memref<1x40x128xf32, #tpu.memory_space<vmem>> -> memref<40x128xf32, #tpu.memory_space<vmem>>
      %dma_start3A_920 = arith.constant 0 : i32
      %dma_start3A_921 = tpu.memref_slice %arg8[%run_scoped3A_527, %dma_start3A_920] : memref<50x40xi32, #tpu.memory_space<vmem>> -> memref<1x40xi32, #tpu.memory_space<vmem>>
      %dma_start3A_922 = tpu.memref_squeeze %dma_start3A_921 : memref<1x40xi32, #tpu.memory_space<vmem>> -> memref<40xi32, #tpu.memory_space<vmem>>
      %dma_start3A_923 = arith.constant 0 : i32
      %dma_start3A_924 = arith.constant 0 : i32
      %dma_start3A_925 = tpu.memref_slice %arg6[%dma_start3A_923, %dma_start3A_924] : memref<10240x128xf32, #tpu.memory_space<vmem_shared>> -> memref<10240x128xf32, #tpu.memory_space<vmem_shared>>
      tpu.enqueue_indirect_dma source(%dma_start3A_919 : memref<40x128xf32, #tpu.memory_space<vmem>>) target(%dma_start3A_925 : memref<10240x128xf32, #tpu.memory_space<vmem_shared>>) offsets(%dma_start3A_922 : memref<40xi32, #tpu.memory_space<vmem>>) semaphore(%run_scoped3A_915 : memref<!tpu.dma_semaphore, #tpu.memory_space<semaphore_mem>>) {add = true}
      %dma_wait3A_926 = arith.constant 0 : i32
      %dma_wait3A_927 = arith.constant 0 : i32
      %dma_wait3A_928 = tpu.memref_slice %arg9[%run_scoped3A_526, %dma_wait3A_926, %dma_wait3A_927] : memref<5x40x128xf32, #tpu.memory_space<vmem>> -> memref<1x40x128xf32, #tpu.memory_space<vmem>>
      %dma_wait3A_929 = tpu.memref_squeeze %dma_wait3A_928 : memref<1x40x128xf32, #tpu.memory_space<vmem>> -> memref<40x128xf32, #tpu.memory_space<vmem>>
      %dma_wait3A_930 = arith.constant 0 : i32
      %dma_wait3A_931 = tpu.memref_slice %arg8[%run_scoped3A_527, %dma_wait3A_930] : memref<50x40xi32, #tpu.memory_space<vmem>> -> memref<1x40xi32, #tpu.memory_space<vmem>>
      %dma_wait3A_932 = tpu.memref_squeeze %dma_wait3A_931 : memref<1x40xi32, #tpu.memory_space<vmem>> -> memref<40xi32, #tpu.memory_space<vmem>>
      %dma_wait3A_933 = arith.constant 0 : i32
      %dma_wait3A_934 = arith.constant 0 : i32
      %dma_wait3A_935 = tpu.memref_slice %arg6[%dma_wait3A_933, %dma_wait3A_934] : memref<10240x128xf32, #tpu.memory_space<vmem_shared>> -> memref<10240x128xf32, #tpu.memory_space<vmem_shared>>
      tpu.wait_indirect_dma semaphore(%run_scoped3A_915 : memref<!tpu.dma_semaphore, #tpu.memory_space<semaphore_mem>>) src(%dma_wait3A_929 : memref<40x128xf32, #tpu.memory_space<vmem>>) dst(%dma_wait3A_935 : memref<10240x128xf32, #tpu.memory_space<vmem_shared>>)
      tpu.yield
    }) : () -> ()
    %dma_wait3A_528 = arith.constant 47 : i32
    %dma_wait3A_529 = arith.constant 2 : i32
    %dma_wait3A_530 = arith.constant 0 : i32
    %dma_wait3A_531 = arith.constant 0 : i32
    %dma_wait3A_532 = tpu.memref_slice %arg9[%dma_wait3A_529, %dma_wait3A_530, %dma_wait3A_531] : memref<5x40x128xf32, #tpu.memory_space<vmem>> -> memref<1x40x128xf32, #tpu.memory_space<vmem>>
    %dma_wait3A_533 = tpu.memref_squeeze %dma_wait3A_532 : memref<1x40x128xf32, #tpu.memory_space<vmem>> -> memref<40x128xf32, #tpu.memory_space<vmem>>
    %dma_wait3A_534 = arith.constant 0 : i32
    %dma_wait3A_535 = tpu.memref_slice %arg7[%dma_wait3A_528, %dma_wait3A_534] : memref<50x40xi32, #tpu.memory_space<vmem>> -> memref<1x40xi32, #tpu.memory_space<vmem>>
    %dma_wait3A_536 = tpu.memref_squeeze %dma_wait3A_535 : memref<1x40xi32, #tpu.memory_space<vmem>> -> memref<40xi32, #tpu.memory_space<vmem>>
    %dma_wait3A_537 = arith.constant 0 : i32
    %dma_wait3A_538 = arith.constant 0 : i32
    %dma_wait3A_539 = tpu.memref_slice %arg2[%dma_wait3A_537, %dma_wait3A_538] : memref<10000x128xf32, #tpu.memory_space<hbm>> -> memref<10000x128xf32, #tpu.memory_space<hbm>>
    tpu.wait_indirect_dma semaphore(%arg12 : memref<!tpu.dma_semaphore, #tpu.memory_space<semaphore_mem>>) src(%dma_wait3A_539 : memref<10000x128xf32, #tpu.memory_space<hbm>>) dst(%dma_wait3A_533 : memref<40x128xf32, #tpu.memory_space<vmem>>)
    %run_scoped3A_540 = arith.constant 2 : i32
    %run_scoped3A_541 = arith.constant 47 : i32
    "tpu.region"() ({
      %run_scoped3A_915 = tpu.sem_alloc : memref<!tpu.dma_semaphore, #tpu.memory_space<semaphore_mem>>
      %dma_start3A_916 = arith.constant 0 : i32
      %dma_start3A_917 = arith.constant 0 : i32
      %dma_start3A_918 = tpu.memref_slice %arg9[%run_scoped3A_540, %dma_start3A_916, %dma_start3A_917] : memref<5x40x128xf32, #tpu.memory_space<vmem>> -> memref<1x40x128xf32, #tpu.memory_space<vmem>>
      %dma_start3A_919 = tpu.memref_squeeze %dma_start3A_918 : memref<1x40x128xf32, #tpu.memory_space<vmem>> -> memref<40x128xf32, #tpu.memory_space<vmem>>
      %dma_start3A_920 = arith.constant 0 : i32
      %dma_start3A_921 = tpu.memref_slice %arg8[%run_scoped3A_541, %dma_start3A_920] : memref<50x40xi32, #tpu.memory_space<vmem>> -> memref<1x40xi32, #tpu.memory_space<vmem>>
      %dma_start3A_922 = tpu.memref_squeeze %dma_start3A_921 : memref<1x40xi32, #tpu.memory_space<vmem>> -> memref<40xi32, #tpu.memory_space<vmem>>
      %dma_start3A_923 = arith.constant 0 : i32
      %dma_start3A_924 = arith.constant 0 : i32
      %dma_start3A_925 = tpu.memref_slice %arg6[%dma_start3A_923, %dma_start3A_924] : memref<10240x128xf32, #tpu.memory_space<vmem_shared>> -> memref<10240x128xf32, #tpu.memory_space<vmem_shared>>
      tpu.enqueue_indirect_dma source(%dma_start3A_919 : memref<40x128xf32, #tpu.memory_space<vmem>>) target(%dma_start3A_925 : memref<10240x128xf32, #tpu.memory_space<vmem_shared>>) offsets(%dma_start3A_922 : memref<40xi32, #tpu.memory_space<vmem>>) semaphore(%run_scoped3A_915 : memref<!tpu.dma_semaphore, #tpu.memory_space<semaphore_mem>>) {add = true}
      %dma_wait3A_926 = arith.constant 0 : i32
      %dma_wait3A_927 = arith.constant 0 : i32
      %dma_wait3A_928 = tpu.memref_slice %arg9[%run_scoped3A_540, %dma_wait3A_926, %dma_wait3A_927] : memref<5x40x128xf32, #tpu.memory_space<vmem>> -> memref<1x40x128xf32, #tpu.memory_space<vmem>>
      %dma_wait3A_929 = tpu.memref_squeeze %dma_wait3A_928 : memref<1x40x128xf32, #tpu.memory_space<vmem>> -> memref<40x128xf32, #tpu.memory_space<vmem>>
      %dma_wait3A_930 = arith.constant 0 : i32
      %dma_wait3A_931 = tpu.memref_slice %arg8[%run_scoped3A_541, %dma_wait3A_930] : memref<50x40xi32, #tpu.memory_space<vmem>> -> memref<1x40xi32, #tpu.memory_space<vmem>>
      %dma_wait3A_932 = tpu.memref_squeeze %dma_wait3A_931 : memref<1x40xi32, #tpu.memory_space<vmem>> -> memref<40xi32, #tpu.memory_space<vmem>>
      %dma_wait3A_933 = arith.constant 0 : i32
      %dma_wait3A_934 = arith.constant 0 : i32
      %dma_wait3A_935 = tpu.memref_slice %arg6[%dma_wait3A_933, %dma_wait3A_934] : memref<10240x128xf32, #tpu.memory_space<vmem_shared>> -> memref<10240x128xf32, #tpu.memory_space<vmem_shared>>
      tpu.wait_indirect_dma semaphore(%run_scoped3A_915 : memref<!tpu.dma_semaphore, #tpu.memory_space<semaphore_mem>>) src(%dma_wait3A_929 : memref<40x128xf32, #tpu.memory_space<vmem>>) dst(%dma_wait3A_935 : memref<10240x128xf32, #tpu.memory_space<vmem_shared>>)
      tpu.yield
    }) : () -> ()
    %dma_wait3A_542 = arith.constant 48 : i32
    %dma_wait3A_543 = arith.constant 3 : i32
    %dma_wait3A_544 = arith.constant 0 : i32
    %dma_wait3A_545 = arith.constant 0 : i32
    %dma_wait3A_546 = tpu.memref_slice %arg9[%dma_wait3A_543, %dma_wait3A_544, %dma_wait3A_545] : memref<5x40x128xf32, #tpu.memory_space<vmem>> -> memref<1x40x128xf32, #tpu.memory_space<vmem>>
    %dma_wait3A_547 = tpu.memref_squeeze %dma_wait3A_546 : memref<1x40x128xf32, #tpu.memory_space<vmem>> -> memref<40x128xf32, #tpu.memory_space<vmem>>
    %dma_wait3A_548 = arith.constant 0 : i32
    %dma_wait3A_549 = tpu.memref_slice %arg7[%dma_wait3A_542, %dma_wait3A_548] : memref<50x40xi32, #tpu.memory_space<vmem>> -> memref<1x40xi32, #tpu.memory_space<vmem>>
    %dma_wait3A_550 = tpu.memref_squeeze %dma_wait3A_549 : memref<1x40xi32, #tpu.memory_space<vmem>> -> memref<40xi32, #tpu.memory_space<vmem>>
    %dma_wait3A_551 = arith.constant 0 : i32
    %dma_wait3A_552 = arith.constant 0 : i32
    %dma_wait3A_553 = tpu.memref_slice %arg2[%dma_wait3A_551, %dma_wait3A_552] : memref<10000x128xf32, #tpu.memory_space<hbm>> -> memref<10000x128xf32, #tpu.memory_space<hbm>>
    tpu.wait_indirect_dma semaphore(%arg13 : memref<!tpu.dma_semaphore, #tpu.memory_space<semaphore_mem>>) src(%dma_wait3A_553 : memref<10000x128xf32, #tpu.memory_space<hbm>>) dst(%dma_wait3A_547 : memref<40x128xf32, #tpu.memory_space<vmem>>)
    %run_scoped3A_554 = arith.constant 3 : i32
    %run_scoped3A_555 = arith.constant 48 : i32
    "tpu.region"() ({
      %run_scoped3A_915 = tpu.sem_alloc : memref<!tpu.dma_semaphore, #tpu.memory_space<semaphore_mem>>
      %dma_start3A_916 = arith.constant 0 : i32
      %dma_start3A_917 = arith.constant 0 : i32
      %dma_start3A_918 = tpu.memref_slice %arg9[%run_scoped3A_554, %dma_start3A_916, %dma_start3A_917] : memref<5x40x128xf32, #tpu.memory_space<vmem>> -> memref<1x40x128xf32, #tpu.memory_space<vmem>>
      %dma_start3A_919 = tpu.memref_squeeze %dma_start3A_918 : memref<1x40x128xf32, #tpu.memory_space<vmem>> -> memref<40x128xf32, #tpu.memory_space<vmem>>
      %dma_start3A_920 = arith.constant 0 : i32
      %dma_start3A_921 = tpu.memref_slice %arg8[%run_scoped3A_555, %dma_start3A_920] : memref<50x40xi32, #tpu.memory_space<vmem>> -> memref<1x40xi32, #tpu.memory_space<vmem>>
      %dma_start3A_922 = tpu.memref_squeeze %dma_start3A_921 : memref<1x40xi32, #tpu.memory_space<vmem>> -> memref<40xi32, #tpu.memory_space<vmem>>
      %dma_start3A_923 = arith.constant 0 : i32
      %dma_start3A_924 = arith.constant 0 : i32
      %dma_start3A_925 = tpu.memref_slice %arg6[%dma_start3A_923, %dma_start3A_924] : memref<10240x128xf32, #tpu.memory_space<vmem_shared>> -> memref<10240x128xf32, #tpu.memory_space<vmem_shared>>
      tpu.enqueue_indirect_dma source(%dma_start3A_919 : memref<40x128xf32, #tpu.memory_space<vmem>>) target(%dma_start3A_925 : memref<10240x128xf32, #tpu.memory_space<vmem_shared>>) offsets(%dma_start3A_922 : memref<40xi32, #tpu.memory_space<vmem>>) semaphore(%run_scoped3A_915 : memref<!tpu.dma_semaphore, #tpu.memory_space<semaphore_mem>>) {add = true}
      %dma_wait3A_926 = arith.constant 0 : i32
      %dma_wait3A_927 = arith.constant 0 : i32
      %dma_wait3A_928 = tpu.memref_slice %arg9[%run_scoped3A_554, %dma_wait3A_926, %dma_wait3A_927] : memref<5x40x128xf32, #tpu.memory_space<vmem>> -> memref<1x40x128xf32, #tpu.memory_space<vmem>>
      %dma_wait3A_929 = tpu.memref_squeeze %dma_wait3A_928 : memref<1x40x128xf32, #tpu.memory_space<vmem>> -> memref<40x128xf32, #tpu.memory_space<vmem>>
      %dma_wait3A_930 = arith.constant 0 : i32
      %dma_wait3A_931 = tpu.memref_slice %arg8[%run_scoped3A_555, %dma_wait3A_930] : memref<50x40xi32, #tpu.memory_space<vmem>> -> memref<1x40xi32, #tpu.memory_space<vmem>>
      %dma_wait3A_932 = tpu.memref_squeeze %dma_wait3A_931 : memref<1x40xi32, #tpu.memory_space<vmem>> -> memref<40xi32, #tpu.memory_space<vmem>>
      %dma_wait3A_933 = arith.constant 0 : i32
      %dma_wait3A_934 = arith.constant 0 : i32
      %dma_wait3A_935 = tpu.memref_slice %arg6[%dma_wait3A_933, %dma_wait3A_934] : memref<10240x128xf32, #tpu.memory_space<vmem_shared>> -> memref<10240x128xf32, #tpu.memory_space<vmem_shared>>
      tpu.wait_indirect_dma semaphore(%run_scoped3A_915 : memref<!tpu.dma_semaphore, #tpu.memory_space<semaphore_mem>>) src(%dma_wait3A_929 : memref<40x128xf32, #tpu.memory_space<vmem>>) dst(%dma_wait3A_935 : memref<10240x128xf32, #tpu.memory_space<vmem_shared>>)
      tpu.yield
    }) : () -> ()
    %dma_wait3A_556 = arith.constant 49 : i32
    %dma_wait3A_557 = arith.constant 4 : i32
    %dma_wait3A_558 = arith.constant 0 : i32
    %dma_wait3A_559 = arith.constant 0 : i32
    %dma_wait3A_560 = tpu.memref_slice %arg9[%dma_wait3A_557, %dma_wait3A_558, %dma_wait3A_559] : memref<5x40x128xf32, #tpu.memory_space<vmem>> -> memref<1x40x128xf32, #tpu.memory_space<vmem>>
    %dma_wait3A_561 = tpu.memref_squeeze %dma_wait3A_560 : memref<1x40x128xf32, #tpu.memory_space<vmem>> -> memref<40x128xf32, #tpu.memory_space<vmem>>
    %dma_wait3A_562 = arith.constant 0 : i32
    %dma_wait3A_563 = tpu.memref_slice %arg7[%dma_wait3A_556, %dma_wait3A_562] : memref<50x40xi32, #tpu.memory_space<vmem>> -> memref<1x40xi32, #tpu.memory_space<vmem>>
    %dma_wait3A_564 = tpu.memref_squeeze %dma_wait3A_563 : memref<1x40xi32, #tpu.memory_space<vmem>> -> memref<40xi32, #tpu.memory_space<vmem>>
    %dma_wait3A_565 = arith.constant 0 : i32
    %dma_wait3A_566 = arith.constant 0 : i32
    %dma_wait3A_567 = tpu.memref_slice %arg2[%dma_wait3A_565, %dma_wait3A_566] : memref<10000x128xf32, #tpu.memory_space<hbm>> -> memref<10000x128xf32, #tpu.memory_space<hbm>>
    tpu.wait_indirect_dma semaphore(%arg14 : memref<!tpu.dma_semaphore, #tpu.memory_space<semaphore_mem>>) src(%dma_wait3A_567 : memref<10000x128xf32, #tpu.memory_space<hbm>>) dst(%dma_wait3A_561 : memref<40x128xf32, #tpu.memory_space<vmem>>)
    %run_scoped3A_568 = arith.constant 4 : i32
    %run_scoped3A_569 = arith.constant 49 : i32
    "tpu.region"() ({
      %run_scoped3A_915 = tpu.sem_alloc : memref<!tpu.dma_semaphore, #tpu.memory_space<semaphore_mem>>
      %dma_start3A_916 = arith.constant 0 : i32
      %dma_start3A_917 = arith.constant 0 : i32
      %dma_start3A_918 = tpu.memref_slice %arg9[%run_scoped3A_568, %dma_start3A_916, %dma_start3A_917] : memref<5x40x128xf32, #tpu.memory_space<vmem>> -> memref<1x40x128xf32, #tpu.memory_space<vmem>>
      %dma_start3A_919 = tpu.memref_squeeze %dma_start3A_918 : memref<1x40x128xf32, #tpu.memory_space<vmem>> -> memref<40x128xf32, #tpu.memory_space<vmem>>
      %dma_start3A_920 = arith.constant 0 : i32
      %dma_start3A_921 = tpu.memref_slice %arg8[%run_scoped3A_569, %dma_start3A_920] : memref<50x40xi32, #tpu.memory_space<vmem>> -> memref<1x40xi32, #tpu.memory_space<vmem>>
      %dma_start3A_922 = tpu.memref_squeeze %dma_start3A_921 : memref<1x40xi32, #tpu.memory_space<vmem>> -> memref<40xi32, #tpu.memory_space<vmem>>
      %dma_start3A_923 = arith.constant 0 : i32
      %dma_start3A_924 = arith.constant 0 : i32
      %dma_start3A_925 = tpu.memref_slice %arg6[%dma_start3A_923, %dma_start3A_924] : memref<10240x128xf32, #tpu.memory_space<vmem_shared>> -> memref<10240x128xf32, #tpu.memory_space<vmem_shared>>
      tpu.enqueue_indirect_dma source(%dma_start3A_919 : memref<40x128xf32, #tpu.memory_space<vmem>>) target(%dma_start3A_925 : memref<10240x128xf32, #tpu.memory_space<vmem_shared>>) offsets(%dma_start3A_922 : memref<40xi32, #tpu.memory_space<vmem>>) semaphore(%run_scoped3A_915 : memref<!tpu.dma_semaphore, #tpu.memory_space<semaphore_mem>>) {add = true}
      %dma_wait3A_926 = arith.constant 0 : i32
      %dma_wait3A_927 = arith.constant 0 : i32
      %dma_wait3A_928 = tpu.memref_slice %arg9[%run_scoped3A_568, %dma_wait3A_926, %dma_wait3A_927] : memref<5x40x128xf32, #tpu.memory_space<vmem>> -> memref<1x40x128xf32, #tpu.memory_space<vmem>>
      %dma_wait3A_929 = tpu.memref_squeeze %dma_wait3A_928 : memref<1x40x128xf32, #tpu.memory_space<vmem>> -> memref<40x128xf32, #tpu.memory_space<vmem>>
      %dma_wait3A_930 = arith.constant 0 : i32
      %dma_wait3A_931 = tpu.memref_slice %arg8[%run_scoped3A_569, %dma_wait3A_930] : memref<50x40xi32, #tpu.memory_space<vmem>> -> memref<1x40xi32, #tpu.memory_space<vmem>>
      %dma_wait3A_932 = tpu.memref_squeeze %dma_wait3A_931 : memref<1x40xi32, #tpu.memory_space<vmem>> -> memref<40xi32, #tpu.memory_space<vmem>>
      %dma_wait3A_933 = arith.constant 0 : i32
      %dma_wait3A_934 = arith.constant 0 : i32
      %dma_wait3A_935 = tpu.memref_slice %arg6[%dma_wait3A_933, %dma_wait3A_934] : memref<10240x128xf32, #tpu.memory_space<vmem_shared>> -> memref<10240x128xf32, #tpu.memory_space<vmem_shared>>
      tpu.wait_indirect_dma semaphore(%run_scoped3A_915 : memref<!tpu.dma_semaphore, #tpu.memory_space<semaphore_mem>>) src(%dma_wait3A_929 : memref<40x128xf32, #tpu.memory_space<vmem>>) dst(%dma_wait3A_935 : memref<10240x128xf32, #tpu.memory_space<vmem_shared>>)
      tpu.yield
    }) : () -> ()
    %dma_start3A_570 = arith.constant 3 : i32
    %dma_start3A_571 = arith.constant 0 : i32
    %dma_start3A_572 = arith.constant 0 : i32
    %dma_start3A_573 = tpu.memref_slice %arg3[%add3A, %dma_start3A_570, %dma_start3A_571, %dma_start3A_572] : memref<32x5x50x40xi32, #tpu.memory_space<hbm>> -> memref<1x1x50x40xi32, #tpu.memory_space<hbm>>
    %dma_start3A_574 = tpu.memref_squeeze %dma_start3A_573 : memref<1x1x50x40xi32, #tpu.memory_space<hbm>> -> memref<50x40xi32, #tpu.memory_space<hbm>>
    %dma_start3A_575 = arith.constant 0 : i32
    %dma_start3A_576 = arith.constant 0 : i32
    %dma_start3A_577 = tpu.memref_slice %arg3[%add3A, %dma_start3A_570, %dma_start3A_575, %dma_start3A_576] : memref<32x5x50x40xi32, #tpu.memory_space<hbm>> -> memref<1x1x50x40xi32, #tpu.memory_space<hbm>>
    %dma_start3A_578 = tpu.memref_squeeze %dma_start3A_577 : memref<1x1x50x40xi32, #tpu.memory_space<hbm>> -> memref<50x40xi32, #tpu.memory_space<hbm>>
    tpu.enqueue_dma source(%dma_start3A_578 : memref<50x40xi32, #tpu.memory_space<hbm>>) target(%arg7 : memref<50x40xi32, #tpu.memory_space<vmem>>) target_semaphore(%arg15 : memref<!tpu.dma_semaphore, #tpu.memory_space<semaphore_mem>>)
    %dma_start3A_579 = arith.constant 3 : i32
    %dma_start3A_580 = arith.constant 0 : i32
    %dma_start3A_581 = arith.constant 0 : i32
    %dma_start3A_582 = tpu.memref_slice %arg4[%add3A, %dma_start3A_579, %dma_start3A_580, %dma_start3A_581] : memref<32x5x50x40xi32, #tpu.memory_space<hbm>> -> memref<1x1x50x40xi32, #tpu.memory_space<hbm>>
    %dma_start3A_583 = tpu.memref_squeeze %dma_start3A_582 : memref<1x1x50x40xi32, #tpu.memory_space<hbm>> -> memref<50x40xi32, #tpu.memory_space<hbm>>
    %dma_start3A_584 = arith.constant 0 : i32
    %dma_start3A_585 = arith.constant 0 : i32
    %dma_start3A_586 = tpu.memref_slice %arg4[%add3A, %dma_start3A_579, %dma_start3A_584, %dma_start3A_585] : memref<32x5x50x40xi32, #tpu.memory_space<hbm>> -> memref<1x1x50x40xi32, #tpu.memory_space<hbm>>
    %dma_start3A_587 = tpu.memref_squeeze %dma_start3A_586 : memref<1x1x50x40xi32, #tpu.memory_space<hbm>> -> memref<50x40xi32, #tpu.memory_space<hbm>>
    tpu.enqueue_dma source(%dma_start3A_587 : memref<50x40xi32, #tpu.memory_space<hbm>>) target(%arg8 : memref<50x40xi32, #tpu.memory_space<vmem>>) target_semaphore(%arg15 : memref<!tpu.dma_semaphore, #tpu.memory_space<semaphore_mem>>)
    %dma_wait3A_588 = arith.constant 3 : i32
    %dma_wait3A_589 = arith.constant 0 : i32
    %dma_wait3A_590 = arith.constant 0 : i32
    %dma_wait3A_591 = tpu.memref_slice %arg3[%add3A, %dma_wait3A_588, %dma_wait3A_589, %dma_wait3A_590] : memref<32x5x50x40xi32, #tpu.memory_space<hbm>> -> memref<1x1x50x40xi32, #tpu.memory_space<hbm>>
    %dma_wait3A_592 = tpu.memref_squeeze %dma_wait3A_591 : memref<1x1x50x40xi32, #tpu.memory_space<hbm>> -> memref<50x40xi32, #tpu.memory_space<hbm>>
    %dma_wait3A_593 = arith.constant 0 : i32
    %dma_wait3A_594 = arith.constant 0 : i32
    %dma_wait3A_595 = tpu.memref_slice %arg3[%add3A, %dma_wait3A_588, %dma_wait3A_593, %dma_wait3A_594] : memref<32x5x50x40xi32, #tpu.memory_space<hbm>> -> memref<1x1x50x40xi32, #tpu.memory_space<hbm>>
    %dma_wait3A_596 = tpu.memref_squeeze %dma_wait3A_595 : memref<1x1x50x40xi32, #tpu.memory_space<hbm>> -> memref<50x40xi32, #tpu.memory_space<hbm>>
    tpu.wait_dma2 semaphore(%arg15 : memref<!tpu.dma_semaphore, #tpu.memory_space<semaphore_mem>>) src(%dma_wait3A_596 : memref<50x40xi32, #tpu.memory_space<hbm>>) dst(%arg7 : memref<50x40xi32, #tpu.memory_space<vmem>>)
    %dma_wait3A_597 = arith.constant 3 : i32
    %dma_wait3A_598 = arith.constant 0 : i32
    %dma_wait3A_599 = arith.constant 0 : i32
    %dma_wait3A_600 = tpu.memref_slice %arg4[%add3A, %dma_wait3A_597, %dma_wait3A_598, %dma_wait3A_599] : memref<32x5x50x40xi32, #tpu.memory_space<hbm>> -> memref<1x1x50x40xi32, #tpu.memory_space<hbm>>
    %dma_wait3A_601 = tpu.memref_squeeze %dma_wait3A_600 : memref<1x1x50x40xi32, #tpu.memory_space<hbm>> -> memref<50x40xi32, #tpu.memory_space<hbm>>
    %dma_wait3A_602 = arith.constant 0 : i32
    %dma_wait3A_603 = arith.constant 0 : i32
    %dma_wait3A_604 = tpu.memref_slice %arg4[%add3A, %dma_wait3A_597, %dma_wait3A_602, %dma_wait3A_603] : memref<32x5x50x40xi32, #tpu.memory_space<hbm>> -> memref<1x1x50x40xi32, #tpu.memory_space<hbm>>
    %dma_wait3A_605 = tpu.memref_squeeze %dma_wait3A_604 : memref<1x1x50x40xi32, #tpu.memory_space<hbm>> -> memref<50x40xi32, #tpu.memory_space<hbm>>
    tpu.wait_dma2 semaphore(%arg15 : memref<!tpu.dma_semaphore, #tpu.memory_space<semaphore_mem>>) src(%dma_wait3A_605 : memref<50x40xi32, #tpu.memory_space<hbm>>) dst(%arg8 : memref<50x40xi32, #tpu.memory_space<vmem>>)
    %dma_start3A_606 = arith.constant 0 : i32
    %dma_start3A_607 = arith.constant 0 : i32
    %dma_start3A_608 = arith.constant 0 : i32
    %dma_start3A_609 = arith.constant 0 : i32
    %dma_start3A_610 = tpu.memref_slice %arg9[%dma_start3A_607, %dma_start3A_608, %dma_start3A_609] : memref<5x40x128xf32, #tpu.memory_space<vmem>> -> memref<1x40x128xf32, #tpu.memory_space<vmem>>
    %dma_start3A_611 = tpu.memref_squeeze %dma_start3A_610 : memref<1x40x128xf32, #tpu.memory_space<vmem>> -> memref<40x128xf32, #tpu.memory_space<vmem>>
    %dma_start3A_612 = arith.constant 0 : i32
    %dma_start3A_613 = tpu.memref_slice %arg7[%dma_start3A_606, %dma_start3A_612] : memref<50x40xi32, #tpu.memory_space<vmem>> -> memref<1x40xi32, #tpu.memory_space<vmem>>
    %dma_start3A_614 = tpu.memref_squeeze %dma_start3A_613 : memref<1x40xi32, #tpu.memory_space<vmem>> -> memref<40xi32, #tpu.memory_space<vmem>>
    %dma_start3A_615 = arith.constant 0 : i32
    %dma_start3A_616 = arith.constant 0 : i32
    %dma_start3A_617 = tpu.memref_slice %arg2[%dma_start3A_615, %dma_start3A_616] : memref<10000x128xf32, #tpu.memory_space<hbm>> -> memref<10000x128xf32, #tpu.memory_space<hbm>>
    tpu.enqueue_indirect_dma source(%dma_start3A_617 : memref<10000x128xf32, #tpu.memory_space<hbm>>) target(%dma_start3A_611 : memref<40x128xf32, #tpu.memory_space<vmem>>) offsets(%dma_start3A_614 : memref<40xi32, #tpu.memory_space<vmem>>) semaphore(%arg10 : memref<!tpu.dma_semaphore, #tpu.memory_space<semaphore_mem>>)
    %dma_start3A_618 = arith.constant 1 : i32
    %dma_start3A_619 = arith.constant 1 : i32
    %dma_start3A_620 = arith.constant 0 : i32
    %dma_start3A_621 = arith.constant 0 : i32
    %dma_start3A_622 = tpu.memref_slice %arg9[%dma_start3A_619, %dma_start3A_620, %dma_start3A_621] : memref<5x40x128xf32, #tpu.memory_space<vmem>> -> memref<1x40x128xf32, #tpu.memory_space<vmem>>
    %dma_start3A_623 = tpu.memref_squeeze %dma_start3A_622 : memref<1x40x128xf32, #tpu.memory_space<vmem>> -> memref<40x128xf32, #tpu.memory_space<vmem>>
    %dma_start3A_624 = arith.constant 0 : i32
    %dma_start3A_625 = tpu.memref_slice %arg7[%dma_start3A_618, %dma_start3A_624] : memref<50x40xi32, #tpu.memory_space<vmem>> -> memref<1x40xi32, #tpu.memory_space<vmem>>
    %dma_start3A_626 = tpu.memref_squeeze %dma_start3A_625 : memref<1x40xi32, #tpu.memory_space<vmem>> -> memref<40xi32, #tpu.memory_space<vmem>>
    %dma_start3A_627 = arith.constant 0 : i32
    %dma_start3A_628 = arith.constant 0 : i32
    %dma_start3A_629 = tpu.memref_slice %arg2[%dma_start3A_627, %dma_start3A_628] : memref<10000x128xf32, #tpu.memory_space<hbm>> -> memref<10000x128xf32, #tpu.memory_space<hbm>>
    tpu.enqueue_indirect_dma source(%dma_start3A_629 : memref<10000x128xf32, #tpu.memory_space<hbm>>) target(%dma_start3A_623 : memref<40x128xf32, #tpu.memory_space<vmem>>) offsets(%dma_start3A_626 : memref<40xi32, #tpu.memory_space<vmem>>) semaphore(%arg11 : memref<!tpu.dma_semaphore, #tpu.memory_space<semaphore_mem>>)
    %dma_start3A_630 = arith.constant 2 : i32
    %dma_start3A_631 = arith.constant 2 : i32
    %dma_start3A_632 = arith.constant 0 : i32
    %dma_start3A_633 = arith.constant 0 : i32
    %dma_start3A_634 = tpu.memref_slice %arg9[%dma_start3A_631, %dma_start3A_632, %dma_start3A_633] : memref<5x40x128xf32, #tpu.memory_space<vmem>> -> memref<1x40x128xf32, #tpu.memory_space<vmem>>
    %dma_start3A_635 = tpu.memref_squeeze %dma_start3A_634 : memref<1x40x128xf32, #tpu.memory_space<vmem>> -> memref<40x128xf32, #tpu.memory_space<vmem>>
    %dma_start3A_636 = arith.constant 0 : i32
    %dma_start3A_637 = tpu.memref_slice %arg7[%dma_start3A_630, %dma_start3A_636] : memref<50x40xi32, #tpu.memory_space<vmem>> -> memref<1x40xi32, #tpu.memory_space<vmem>>
    %dma_start3A_638 = tpu.memref_squeeze %dma_start3A_637 : memref<1x40xi32, #tpu.memory_space<vmem>> -> memref<40xi32, #tpu.memory_space<vmem>>
    %dma_start3A_639 = arith.constant 0 : i32
    %dma_start3A_640 = arith.constant 0 : i32
    %dma_start3A_641 = tpu.memref_slice %arg2[%dma_start3A_639, %dma_start3A_640] : memref<10000x128xf32, #tpu.memory_space<hbm>> -> memref<10000x128xf32, #tpu.memory_space<hbm>>
    tpu.enqueue_indirect_dma source(%dma_start3A_641 : memref<10000x128xf32, #tpu.memory_space<hbm>>) target(%dma_start3A_635 : memref<40x128xf32, #tpu.memory_space<vmem>>) offsets(%dma_start3A_638 : memref<40xi32, #tpu.memory_space<vmem>>) semaphore(%arg12 : memref<!tpu.dma_semaphore, #tpu.memory_space<semaphore_mem>>)
    %dma_start3A_642 = arith.constant 3 : i32
    %dma_start3A_643 = arith.constant 3 : i32
    %dma_start3A_644 = arith.constant 0 : i32
    %dma_start3A_645 = arith.constant 0 : i32
    %dma_start3A_646 = tpu.memref_slice %arg9[%dma_start3A_643, %dma_start3A_644, %dma_start3A_645] : memref<5x40x128xf32, #tpu.memory_space<vmem>> -> memref<1x40x128xf32, #tpu.memory_space<vmem>>
    %dma_start3A_647 = tpu.memref_squeeze %dma_start3A_646 : memref<1x40x128xf32, #tpu.memory_space<vmem>> -> memref<40x128xf32, #tpu.memory_space<vmem>>
    %dma_start3A_648 = arith.constant 0 : i32
    %dma_start3A_649 = tpu.memref_slice %arg7[%dma_start3A_642, %dma_start3A_648] : memref<50x40xi32, #tpu.memory_space<vmem>> -> memref<1x40xi32, #tpu.memory_space<vmem>>
    %dma_start3A_650 = tpu.memref_squeeze %dma_start3A_649 : memref<1x40xi32, #tpu.memory_space<vmem>> -> memref<40xi32, #tpu.memory_space<vmem>>
    %dma_start3A_651 = arith.constant 0 : i32
    %dma_start3A_652 = arith.constant 0 : i32
    %dma_start3A_653 = tpu.memref_slice %arg2[%dma_start3A_651, %dma_start3A_652] : memref<10000x128xf32, #tpu.memory_space<hbm>> -> memref<10000x128xf32, #tpu.memory_space<hbm>>
    tpu.enqueue_indirect_dma source(%dma_start3A_653 : memref<10000x128xf32, #tpu.memory_space<hbm>>) target(%dma_start3A_647 : memref<40x128xf32, #tpu.memory_space<vmem>>) offsets(%dma_start3A_650 : memref<40xi32, #tpu.memory_space<vmem>>) semaphore(%arg13 : memref<!tpu.dma_semaphore, #tpu.memory_space<semaphore_mem>>)
    %dma_start3A_654 = arith.constant 4 : i32
    %dma_start3A_655 = arith.constant 4 : i32
    %dma_start3A_656 = arith.constant 0 : i32
    %dma_start3A_657 = arith.constant 0 : i32
    %dma_start3A_658 = tpu.memref_slice %arg9[%dma_start3A_655, %dma_start3A_656, %dma_start3A_657] : memref<5x40x128xf32, #tpu.memory_space<vmem>> -> memref<1x40x128xf32, #tpu.memory_space<vmem>>
    %dma_start3A_659 = tpu.memref_squeeze %dma_start3A_658 : memref<1x40x128xf32, #tpu.memory_space<vmem>> -> memref<40x128xf32, #tpu.memory_space<vmem>>
    %dma_start3A_660 = arith.constant 0 : i32
    %dma_start3A_661 = tpu.memref_slice %arg7[%dma_start3A_654, %dma_start3A_660] : memref<50x40xi32, #tpu.memory_space<vmem>> -> memref<1x40xi32, #tpu.memory_space<vmem>>
    %dma_start3A_662 = tpu.memref_squeeze %dma_start3A_661 : memref<1x40xi32, #tpu.memory_space<vmem>> -> memref<40xi32, #tpu.memory_space<vmem>>
    %dma_start3A_663 = arith.constant 0 : i32
    %dma_start3A_664 = arith.constant 0 : i32
    %dma_start3A_665 = tpu.memref_slice %arg2[%dma_start3A_663, %dma_start3A_664] : memref<10000x128xf32, #tpu.memory_space<hbm>> -> memref<10000x128xf32, #tpu.memory_space<hbm>>
    tpu.enqueue_indirect_dma source(%dma_start3A_665 : memref<10000x128xf32, #tpu.memory_space<hbm>>) target(%dma_start3A_659 : memref<40x128xf32, #tpu.memory_space<vmem>>) offsets(%dma_start3A_662 : memref<40xi32, #tpu.memory_space<vmem>>) semaphore(%arg14 : memref<!tpu.dma_semaphore, #tpu.memory_space<semaphore_mem>>)
    %scan3A_666 = arith.constant 0 : i32
    %scan3A_667 = arith.constant 0 : i32
    %scan3A_668 = arith.constant 9 : i32
    %scan3A_669 = arith.addi %scan3A_667, %scan3A_668 : i32
    %scan3A_670 = arith.constant 1 : i32
    scf.for %scan3A_915 = %scan3A_667 to %scan3A_669 step %scan3A_670  : i32 {
      %mul3A_916 = arith.constant 5 : i32
      %mul3A_917 = arith.muli %scan3A_915, %mul3A_916 : i32
      %add3A_918 = arith.constant 0 : i32
      %add3A_919 = arith.addi %mul3A_917, %add3A_918 : i32
      %dma_wait3A_920 = arith.constant 0 : i32
      %dma_wait3A_921 = arith.constant 0 : i32
      %dma_wait3A_922 = arith.constant 0 : i32
      %dma_wait3A_923 = tpu.memref_slice %arg9[%dma_wait3A_920, %dma_wait3A_921, %dma_wait3A_922] : memref<5x40x128xf32, #tpu.memory_space<vmem>> -> memref<1x40x128xf32, #tpu.memory_space<vmem>>
      %dma_wait3A_924 = tpu.memref_squeeze %dma_wait3A_923 : memref<1x40x128xf32, #tpu.memory_space<vmem>> -> memref<40x128xf32, #tpu.memory_space<vmem>>
      %dma_wait3A_925 = arith.constant 0 : i32
      %dma_wait3A_926 = tpu.memref_slice %arg7[%add3A_919, %dma_wait3A_925] : memref<50x40xi32, #tpu.memory_space<vmem>> -> memref<1x40xi32, #tpu.memory_space<vmem>>
      %dma_wait3A_927 = tpu.memref_squeeze %dma_wait3A_926 : memref<1x40xi32, #tpu.memory_space<vmem>> -> memref<40xi32, #tpu.memory_space<vmem>>
      %dma_wait3A_928 = arith.constant 0 : i32
      %dma_wait3A_929 = arith.constant 0 : i32
      %dma_wait3A_930 = tpu.memref_slice %arg2[%dma_wait3A_928, %dma_wait3A_929] : memref<10000x128xf32, #tpu.memory_space<hbm>> -> memref<10000x128xf32, #tpu.memory_space<hbm>>
      tpu.wait_indirect_dma semaphore(%arg10 : memref<!tpu.dma_semaphore, #tpu.memory_space<semaphore_mem>>) src(%dma_wait3A_930 : memref<10000x128xf32, #tpu.memory_space<hbm>>) dst(%dma_wait3A_924 : memref<40x128xf32, #tpu.memory_space<vmem>>)
      %run_scoped3A_931 = arith.constant 0 : i32
      "tpu.region"() ({
        %run_scoped3A_1061 = tpu.sem_alloc : memref<!tpu.dma_semaphore, #tpu.memory_space<semaphore_mem>>
        %dma_start3A_1062 = arith.constant 0 : i32
        %dma_start3A_1063 = arith.constant 0 : i32
        %dma_start3A_1064 = tpu.memref_slice %arg9[%run_scoped3A_931, %dma_start3A_1062, %dma_start3A_1063] : memref<5x40x128xf32, #tpu.memory_space<vmem>> -> memref<1x40x128xf32, #tpu.memory_space<vmem>>
        %dma_start3A_1065 = tpu.memref_squeeze %dma_start3A_1064 : memref<1x40x128xf32, #tpu.memory_space<vmem>> -> memref<40x128xf32, #tpu.memory_space<vmem>>
        %dma_start3A_1066 = arith.constant 0 : i32
        %dma_start3A_1067 = tpu.memref_slice %arg8[%add3A_919, %dma_start3A_1066] : memref<50x40xi32, #tpu.memory_space<vmem>> -> memref<1x40xi32, #tpu.memory_space<vmem>>
        %dma_start3A_1068 = tpu.memref_squeeze %dma_start3A_1067 : memref<1x40xi32, #tpu.memory_space<vmem>> -> memref<40xi32, #tpu.memory_space<vmem>>
        %dma_start3A_1069 = arith.constant 0 : i32
        %dma_start3A_1070 = arith.constant 0 : i32
        %dma_start3A_1071 = tpu.memref_slice %arg6[%dma_start3A_1069, %dma_start3A_1070] : memref<10240x128xf32, #tpu.memory_space<vmem_shared>> -> memref<10240x128xf32, #tpu.memory_space<vmem_shared>>
        tpu.enqueue_indirect_dma source(%dma_start3A_1065 : memref<40x128xf32, #tpu.memory_space<vmem>>) target(%dma_start3A_1071 : memref<10240x128xf32, #tpu.memory_space<vmem_shared>>) offsets(%dma_start3A_1068 : memref<40xi32, #tpu.memory_space<vmem>>) semaphore(%run_scoped3A_1061 : memref<!tpu.dma_semaphore, #tpu.memory_space<semaphore_mem>>) {add = true}
        %dma_wait3A_1072 = arith.constant 0 : i32
        %dma_wait3A_1073 = arith.constant 0 : i32
        %dma_wait3A_1074 = tpu.memref_slice %arg9[%run_scoped3A_931, %dma_wait3A_1072, %dma_wait3A_1073] : memref<5x40x128xf32, #tpu.memory_space<vmem>> -> memref<1x40x128xf32, #tpu.memory_space<vmem>>
        %dma_wait3A_1075 = tpu.memref_squeeze %dma_wait3A_1074 : memref<1x40x128xf32, #tpu.memory_space<vmem>> -> memref<40x128xf32, #tpu.memory_space<vmem>>
        %dma_wait3A_1076 = arith.constant 0 : i32
        %dma_wait3A_1077 = tpu.memref_slice %arg8[%add3A_919, %dma_wait3A_1076] : memref<50x40xi32, #tpu.memory_space<vmem>> -> memref<1x40xi32, #tpu.memory_space<vmem>>
        %dma_wait3A_1078 = tpu.memref_squeeze %dma_wait3A_1077 : memref<1x40xi32, #tpu.memory_space<vmem>> -> memref<40xi32, #tpu.memory_space<vmem>>
        %dma_wait3A_1079 = arith.constant 0 : i32
        %dma_wait3A_1080 = arith.constant 0 : i32
        %dma_wait3A_1081 = tpu.memref_slice %arg6[%dma_wait3A_1079, %dma_wait3A_1080] : memref<10240x128xf32, #tpu.memory_space<vmem_shared>> -> memref<10240x128xf32, #tpu.memory_space<vmem_shared>>
        tpu.wait_indirect_dma semaphore(%run_scoped3A_1061 : memref<!tpu.dma_semaphore, #tpu.memory_space<semaphore_mem>>) src(%dma_wait3A_1075 : memref<40x128xf32, #tpu.memory_space<vmem>>) dst(%dma_wait3A_1081 : memref<10240x128xf32, #tpu.memory_space<vmem_shared>>)
        tpu.yield
      }) : () -> ()
      %add3A_932 = arith.constant 5 : i32
      %add3A_933 = arith.addi %add3A_919, %add3A_932 : i32
      %dma_start3A_934 = arith.constant 0 : i32
      %dma_start3A_935 = arith.constant 0 : i32
      %dma_start3A_936 = arith.constant 0 : i32
      %dma_start3A_937 = tpu.memref_slice %arg9[%dma_start3A_934, %dma_start3A_935, %dma_start3A_936] : memref<5x40x128xf32, #tpu.memory_space<vmem>> -> memref<1x40x128xf32, #tpu.memory_space<vmem>>
      %dma_start3A_938 = tpu.memref_squeeze %dma_start3A_937 : memref<1x40x128xf32, #tpu.memory_space<vmem>> -> memref<40x128xf32, #tpu.memory_space<vmem>>
      %dma_start3A_939 = arith.constant 0 : i32
      %dma_start3A_940 = tpu.memref_slice %arg7[%add3A_933, %dma_start3A_939] : memref<50x40xi32, #tpu.memory_space<vmem>> -> memref<1x40xi32, #tpu.memory_space<vmem>>
      %dma_start3A_941 = tpu.memref_squeeze %dma_start3A_940 : memref<1x40xi32, #tpu.memory_space<vmem>> -> memref<40xi32, #tpu.memory_space<vmem>>
      %dma_start3A_942 = arith.constant 0 : i32
      %dma_start3A_943 = arith.constant 0 : i32
      %dma_start3A_944 = tpu.memref_slice %arg2[%dma_start3A_942, %dma_start3A_943] : memref<10000x128xf32, #tpu.memory_space<hbm>> -> memref<10000x128xf32, #tpu.memory_space<hbm>>
      tpu.enqueue_indirect_dma source(%dma_start3A_944 : memref<10000x128xf32, #tpu.memory_space<hbm>>) target(%dma_start3A_938 : memref<40x128xf32, #tpu.memory_space<vmem>>) offsets(%dma_start3A_941 : memref<40xi32, #tpu.memory_space<vmem>>) semaphore(%arg10 : memref<!tpu.dma_semaphore, #tpu.memory_space<semaphore_mem>>)
      %mul3A_945 = arith.constant 5 : i32
      %mul3A_946 = arith.muli %scan3A_915, %mul3A_945 : i32
      %add3A_947 = arith.constant 1 : i32
      %add3A_948 = arith.addi %mul3A_946, %add3A_947 : i32
      %dma_wait3A_949 = arith.constant 1 : i32
      %dma_wait3A_950 = arith.constant 0 : i32
      %dma_wait3A_951 = arith.constant 0 : i32
      %dma_wait3A_952 = tpu.memref_slice %arg9[%dma_wait3A_949, %dma_wait3A_950, %dma_wait3A_951] : memref<5x40x128xf32, #tpu.memory_space<vmem>> -> memref<1x40x128xf32, #tpu.memory_space<vmem>>
      %dma_wait3A_953 = tpu.memref_squeeze %dma_wait3A_952 : memref<1x40x128xf32, #tpu.memory_space<vmem>> -> memref<40x128xf32, #tpu.memory_space<vmem>>
      %dma_wait3A_954 = arith.constant 0 : i32
      %dma_wait3A_955 = tpu.memref_slice %arg7[%add3A_948, %dma_wait3A_954] : memref<50x40xi32, #tpu.memory_space<vmem>> -> memref<1x40xi32, #tpu.memory_space<vmem>>
      %dma_wait3A_956 = tpu.memref_squeeze %dma_wait3A_955 : memref<1x40xi32, #tpu.memory_space<vmem>> -> memref<40xi32, #tpu.memory_space<vmem>>
      %dma_wait3A_957 = arith.constant 0 : i32
      %dma_wait3A_958 = arith.constant 0 : i32
      %dma_wait3A_959 = tpu.memref_slice %arg2[%dma_wait3A_957, %dma_wait3A_958] : memref<10000x128xf32, #tpu.memory_space<hbm>> -> memref<10000x128xf32, #tpu.memory_space<hbm>>
      tpu.wait_indirect_dma semaphore(%arg11 : memref<!tpu.dma_semaphore, #tpu.memory_space<semaphore_mem>>) src(%dma_wait3A_959 : memref<10000x128xf32, #tpu.memory_space<hbm>>) dst(%dma_wait3A_953 : memref<40x128xf32, #tpu.memory_space<vmem>>)
      %run_scoped3A_960 = arith.constant 1 : i32
      "tpu.region"() ({
        %run_scoped3A_1061 = tpu.sem_alloc : memref<!tpu.dma_semaphore, #tpu.memory_space<semaphore_mem>>
        %dma_start3A_1062 = arith.constant 0 : i32
        %dma_start3A_1063 = arith.constant 0 : i32
        %dma_start3A_1064 = tpu.memref_slice %arg9[%run_scoped3A_960, %dma_start3A_1062, %dma_start3A_1063] : memref<5x40x128xf32, #tpu.memory_space<vmem>> -> memref<1x40x128xf32, #tpu.memory_space<vmem>>
        %dma_start3A_1065 = tpu.memref_squeeze %dma_start3A_1064 : memref<1x40x128xf32, #tpu.memory_space<vmem>> -> memref<40x128xf32, #tpu.memory_space<vmem>>
        %dma_start3A_1066 = arith.constant 0 : i32
        %dma_start3A_1067 = tpu.memref_slice %arg8[%add3A_948, %dma_start3A_1066] : memref<50x40xi32, #tpu.memory_space<vmem>> -> memref<1x40xi32, #tpu.memory_space<vmem>>
        %dma_start3A_1068 = tpu.memref_squeeze %dma_start3A_1067 : memref<1x40xi32, #tpu.memory_space<vmem>> -> memref<40xi32, #tpu.memory_space<vmem>>
        %dma_start3A_1069 = arith.constant 0 : i32
        %dma_start3A_1070 = arith.constant 0 : i32
        %dma_start3A_1071 = tpu.memref_slice %arg6[%dma_start3A_1069, %dma_start3A_1070] : memref<10240x128xf32, #tpu.memory_space<vmem_shared>> -> memref<10240x128xf32, #tpu.memory_space<vmem_shared>>
        tpu.enqueue_indirect_dma source(%dma_start3A_1065 : memref<40x128xf32, #tpu.memory_space<vmem>>) target(%dma_start3A_1071 : memref<10240x128xf32, #tpu.memory_space<vmem_shared>>) offsets(%dma_start3A_1068 : memref<40xi32, #tpu.memory_space<vmem>>) semaphore(%run_scoped3A_1061 : memref<!tpu.dma_semaphore, #tpu.memory_space<semaphore_mem>>) {add = true}
        %dma_wait3A_1072 = arith.constant 0 : i32
        %dma_wait3A_1073 = arith.constant 0 : i32
        %dma_wait3A_1074 = tpu.memref_slice %arg9[%run_scoped3A_960, %dma_wait3A_1072, %dma_wait3A_1073] : memref<5x40x128xf32, #tpu.memory_space<vmem>> -> memref<1x40x128xf32, #tpu.memory_space<vmem>>
        %dma_wait3A_1075 = tpu.memref_squeeze %dma_wait3A_1074 : memref<1x40x128xf32, #tpu.memory_space<vmem>> -> memref<40x128xf32, #tpu.memory_space<vmem>>
        %dma_wait3A_1076 = arith.constant 0 : i32
        %dma_wait3A_1077 = tpu.memref_slice %arg8[%add3A_948, %dma_wait3A_1076] : memref<50x40xi32, #tpu.memory_space<vmem>> -> memref<1x40xi32, #tpu.memory_space<vmem>>
        %dma_wait3A_1078 = tpu.memref_squeeze %dma_wait3A_1077 : memref<1x40xi32, #tpu.memory_space<vmem>> -> memref<40xi32, #tpu.memory_space<vmem>>
        %dma_wait3A_1079 = arith.constant 0 : i32
        %dma_wait3A_1080 = arith.constant 0 : i32
        %dma_wait3A_1081 = tpu.memref_slice %arg6[%dma_wait3A_1079, %dma_wait3A_1080] : memref<10240x128xf32, #tpu.memory_space<vmem_shared>> -> memref<10240x128xf32, #tpu.memory_space<vmem_shared>>
        tpu.wait_indirect_dma semaphore(%run_scoped3A_1061 : memref<!tpu.dma_semaphore, #tpu.memory_space<semaphore_mem>>) src(%dma_wait3A_1075 : memref<40x128xf32, #tpu.memory_space<vmem>>) dst(%dma_wait3A_1081 : memref<10240x128xf32, #tpu.memory_space<vmem_shared>>)
        tpu.yield
      }) : () -> ()
      %add3A_961 = arith.constant 5 : i32
      %add3A_962 = arith.addi %add3A_948, %add3A_961 : i32
      %dma_start3A_963 = arith.constant 1 : i32
      %dma_start3A_964 = arith.constant 0 : i32
      %dma_start3A_965 = arith.constant 0 : i32
      %dma_start3A_966 = tpu.memref_slice %arg9[%dma_start3A_963, %dma_start3A_964, %dma_start3A_965] : memref<5x40x128xf32, #tpu.memory_space<vmem>> -> memref<1x40x128xf32, #tpu.memory_space<vmem>>
      %dma_start3A_967 = tpu.memref_squeeze %dma_start3A_966 : memref<1x40x128xf32, #tpu.memory_space<vmem>> -> memref<40x128xf32, #tpu.memory_space<vmem>>
      %dma_start3A_968 = arith.constant 0 : i32
      %dma_start3A_969 = tpu.memref_slice %arg7[%add3A_962, %dma_start3A_968] : memref<50x40xi32, #tpu.memory_space<vmem>> -> memref<1x40xi32, #tpu.memory_space<vmem>>
      %dma_start3A_970 = tpu.memref_squeeze %dma_start3A_969 : memref<1x40xi32, #tpu.memory_space<vmem>> -> memref<40xi32, #tpu.memory_space<vmem>>
      %dma_start3A_971 = arith.constant 0 : i32
      %dma_start3A_972 = arith.constant 0 : i32
      %dma_start3A_973 = tpu.memref_slice %arg2[%dma_start3A_971, %dma_start3A_972] : memref<10000x128xf32, #tpu.memory_space<hbm>> -> memref<10000x128xf32, #tpu.memory_space<hbm>>
      tpu.enqueue_indirect_dma source(%dma_start3A_973 : memref<10000x128xf32, #tpu.memory_space<hbm>>) target(%dma_start3A_967 : memref<40x128xf32, #tpu.memory_space<vmem>>) offsets(%dma_start3A_970 : memref<40xi32, #tpu.memory_space<vmem>>) semaphore(%arg11 : memref<!tpu.dma_semaphore, #tpu.memory_space<semaphore_mem>>)
      %mul3A_974 = arith.constant 5 : i32
      %mul3A_975 = arith.muli %scan3A_915, %mul3A_974 : i32
      %add3A_976 = arith.constant 2 : i32
      %add3A_977 = arith.addi %mul3A_975, %add3A_976 : i32
      %dma_wait3A_978 = arith.constant 2 : i32
      %dma_wait3A_979 = arith.constant 0 : i32
      %dma_wait3A_980 = arith.constant 0 : i32
      %dma_wait3A_981 = tpu.memref_slice %arg9[%dma_wait3A_978, %dma_wait3A_979, %dma_wait3A_980] : memref<5x40x128xf32, #tpu.memory_space<vmem>> -> memref<1x40x128xf32, #tpu.memory_space<vmem>>
      %dma_wait3A_982 = tpu.memref_squeeze %dma_wait3A_981 : memref<1x40x128xf32, #tpu.memory_space<vmem>> -> memref<40x128xf32, #tpu.memory_space<vmem>>
      %dma_wait3A_983 = arith.constant 0 : i32
      %dma_wait3A_984 = tpu.memref_slice %arg7[%add3A_977, %dma_wait3A_983] : memref<50x40xi32, #tpu.memory_space<vmem>> -> memref<1x40xi32, #tpu.memory_space<vmem>>
      %dma_wait3A_985 = tpu.memref_squeeze %dma_wait3A_984 : memref<1x40xi32, #tpu.memory_space<vmem>> -> memref<40xi32, #tpu.memory_space<vmem>>
      %dma_wait3A_986 = arith.constant 0 : i32
      %dma_wait3A_987 = arith.constant 0 : i32
      %dma_wait3A_988 = tpu.memref_slice %arg2[%dma_wait3A_986, %dma_wait3A_987] : memref<10000x128xf32, #tpu.memory_space<hbm>> -> memref<10000x128xf32, #tpu.memory_space<hbm>>
      tpu.wait_indirect_dma semaphore(%arg12 : memref<!tpu.dma_semaphore, #tpu.memory_space<semaphore_mem>>) src(%dma_wait3A_988 : memref<10000x128xf32, #tpu.memory_space<hbm>>) dst(%dma_wait3A_982 : memref<40x128xf32, #tpu.memory_space<vmem>>)
      %run_scoped3A_989 = arith.constant 2 : i32
      "tpu.region"() ({
        %run_scoped3A_1061 = tpu.sem_alloc : memref<!tpu.dma_semaphore, #tpu.memory_space<semaphore_mem>>
        %dma_start3A_1062 = arith.constant 0 : i32
        %dma_start3A_1063 = arith.constant 0 : i32
        %dma_start3A_1064 = tpu.memref_slice %arg9[%run_scoped3A_989, %dma_start3A_1062, %dma_start3A_1063] : memref<5x40x128xf32, #tpu.memory_space<vmem>> -> memref<1x40x128xf32, #tpu.memory_space<vmem>>
        %dma_start3A_1065 = tpu.memref_squeeze %dma_start3A_1064 : memref<1x40x128xf32, #tpu.memory_space<vmem>> -> memref<40x128xf32, #tpu.memory_space<vmem>>
        %dma_start3A_1066 = arith.constant 0 : i32
        %dma_start3A_1067 = tpu.memref_slice %arg8[%add3A_977, %dma_start3A_1066] : memref<50x40xi32, #tpu.memory_space<vmem>> -> memref<1x40xi32, #tpu.memory_space<vmem>>
        %dma_start3A_1068 = tpu.memref_squeeze %dma_start3A_1067 : memref<1x40xi32, #tpu.memory_space<vmem>> -> memref<40xi32, #tpu.memory_space<vmem>>
        %dma_start3A_1069 = arith.constant 0 : i32
        %dma_start3A_1070 = arith.constant 0 : i32
        %dma_start3A_1071 = tpu.memref_slice %arg6[%dma_start3A_1069, %dma_start3A_1070] : memref<10240x128xf32, #tpu.memory_space<vmem_shared>> -> memref<10240x128xf32, #tpu.memory_space<vmem_shared>>
        tpu.enqueue_indirect_dma source(%dma_start3A_1065 : memref<40x128xf32, #tpu.memory_space<vmem>>) target(%dma_start3A_1071 : memref<10240x128xf32, #tpu.memory_space<vmem_shared>>) offsets(%dma_start3A_1068 : memref<40xi32, #tpu.memory_space<vmem>>) semaphore(%run_scoped3A_1061 : memref<!tpu.dma_semaphore, #tpu.memory_space<semaphore_mem>>) {add = true}
        %dma_wait3A_1072 = arith.constant 0 : i32
        %dma_wait3A_1073 = arith.constant 0 : i32
        %dma_wait3A_1074 = tpu.memref_slice %arg9[%run_scoped3A_989, %dma_wait3A_1072, %dma_wait3A_1073] : memref<5x40x128xf32, #tpu.memory_space<vmem>> -> memref<1x40x128xf32, #tpu.memory_space<vmem>>
        %dma_wait3A_1075 = tpu.memref_squeeze %dma_wait3A_1074 : memref<1x40x128xf32, #tpu.memory_space<vmem>> -> memref<40x128xf32, #tpu.memory_space<vmem>>
        %dma_wait3A_1076 = arith.constant 0 : i32
        %dma_wait3A_1077 = tpu.memref_slice %arg8[%add3A_977, %dma_wait3A_1076] : memref<50x40xi32, #tpu.memory_space<vmem>> -> memref<1x40xi32, #tpu.memory_space<vmem>>
        %dma_wait3A_1078 = tpu.memref_squeeze %dma_wait3A_1077 : memref<1x40xi32, #tpu.memory_space<vmem>> -> memref<40xi32, #tpu.memory_space<vmem>>
        %dma_wait3A_1079 = arith.constant 0 : i32
        %dma_wait3A_1080 = arith.constant 0 : i32
        %dma_wait3A_1081 = tpu.memref_slice %arg6[%dma_wait3A_1079, %dma_wait3A_1080] : memref<10240x128xf32, #tpu.memory_space<vmem_shared>> -> memref<10240x128xf32, #tpu.memory_space<vmem_shared>>
        tpu.wait_indirect_dma semaphore(%run_scoped3A_1061 : memref<!tpu.dma_semaphore, #tpu.memory_space<semaphore_mem>>) src(%dma_wait3A_1075 : memref<40x128xf32, #tpu.memory_space<vmem>>) dst(%dma_wait3A_1081 : memref<10240x128xf32, #tpu.memory_space<vmem_shared>>)
        tpu.yield
      }) : () -> ()
      %add3A_990 = arith.constant 5 : i32
      %add3A_991 = arith.addi %add3A_977, %add3A_990 : i32
      %dma_start3A_992 = arith.constant 2 : i32
      %dma_start3A_993 = arith.constant 0 : i32
      %dma_start3A_994 = arith.constant 0 : i32
      %dma_start3A_995 = tpu.memref_slice %arg9[%dma_start3A_992, %dma_start3A_993, %dma_start3A_994] : memref<5x40x128xf32, #tpu.memory_space<vmem>> -> memref<1x40x128xf32, #tpu.memory_space<vmem>>
      %dma_start3A_996 = tpu.memref_squeeze %dma_start3A_995 : memref<1x40x128xf32, #tpu.memory_space<vmem>> -> memref<40x128xf32, #tpu.memory_space<vmem>>
      %dma_start3A_997 = arith.constant 0 : i32
      %dma_start3A_998 = tpu.memref_slice %arg7[%add3A_991, %dma_start3A_997] : memref<50x40xi32, #tpu.memory_space<vmem>> -> memref<1x40xi32, #tpu.memory_space<vmem>>
      %dma_start3A_999 = tpu.memref_squeeze %dma_start3A_998 : memref<1x40xi32, #tpu.memory_space<vmem>> -> memref<40xi32, #tpu.memory_space<vmem>>
      %dma_start3A_1000 = arith.constant 0 : i32
      %dma_start3A_1001 = arith.constant 0 : i32
      %dma_start3A_1002 = tpu.memref_slice %arg2[%dma_start3A_1000, %dma_start3A_1001] : memref<10000x128xf32, #tpu.memory_space<hbm>> -> memref<10000x128xf32, #tpu.memory_space<hbm>>
      tpu.enqueue_indirect_dma source(%dma_start3A_1002 : memref<10000x128xf32, #tpu.memory_space<hbm>>) target(%dma_start3A_996 : memref<40x128xf32, #tpu.memory_space<vmem>>) offsets(%dma_start3A_999 : memref<40xi32, #tpu.memory_space<vmem>>) semaphore(%arg12 : memref<!tpu.dma_semaphore, #tpu.memory_space<semaphore_mem>>)
      %mul3A_1003 = arith.constant 5 : i32
      %mul3A_1004 = arith.muli %scan3A_915, %mul3A_1003 : i32
      %add3A_1005 = arith.constant 3 : i32
      %add3A_1006 = arith.addi %mul3A_1004, %add3A_1005 : i32
      %dma_wait3A_1007 = arith.constant 3 : i32
      %dma_wait3A_1008 = arith.constant 0 : i32
      %dma_wait3A_1009 = arith.constant 0 : i32
      %dma_wait3A_1010 = tpu.memref_slice %arg9[%dma_wait3A_1007, %dma_wait3A_1008, %dma_wait3A_1009] : memref<5x40x128xf32, #tpu.memory_space<vmem>> -> memref<1x40x128xf32, #tpu.memory_space<vmem>>
      %dma_wait3A_1011 = tpu.memref_squeeze %dma_wait3A_1010 : memref<1x40x128xf32, #tpu.memory_space<vmem>> -> memref<40x128xf32, #tpu.memory_space<vmem>>
      %dma_wait3A_1012 = arith.constant 0 : i32
      %dma_wait3A_1013 = tpu.memref_slice %arg7[%add3A_1006, %dma_wait3A_1012] : memref<50x40xi32, #tpu.memory_space<vmem>> -> memref<1x40xi32, #tpu.memory_space<vmem>>
      %dma_wait3A_1014 = tpu.memref_squeeze %dma_wait3A_1013 : memref<1x40xi32, #tpu.memory_space<vmem>> -> memref<40xi32, #tpu.memory_space<vmem>>
      %dma_wait3A_1015 = arith.constant 0 : i32
      %dma_wait3A_1016 = arith.constant 0 : i32
      %dma_wait3A_1017 = tpu.memref_slice %arg2[%dma_wait3A_1015, %dma_wait3A_1016] : memref<10000x128xf32, #tpu.memory_space<hbm>> -> memref<10000x128xf32, #tpu.memory_space<hbm>>
      tpu.wait_indirect_dma semaphore(%arg13 : memref<!tpu.dma_semaphore, #tpu.memory_space<semaphore_mem>>) src(%dma_wait3A_1017 : memref<10000x128xf32, #tpu.memory_space<hbm>>) dst(%dma_wait3A_1011 : memref<40x128xf32, #tpu.memory_space<vmem>>)
      %run_scoped3A_1018 = arith.constant 3 : i32
      "tpu.region"() ({
        %run_scoped3A_1061 = tpu.sem_alloc : memref<!tpu.dma_semaphore, #tpu.memory_space<semaphore_mem>>
        %dma_start3A_1062 = arith.constant 0 : i32
        %dma_start3A_1063 = arith.constant 0 : i32
        %dma_start3A_1064 = tpu.memref_slice %arg9[%run_scoped3A_1018, %dma_start3A_1062, %dma_start3A_1063] : memref<5x40x128xf32, #tpu.memory_space<vmem>> -> memref<1x40x128xf32, #tpu.memory_space<vmem>>
        %dma_start3A_1065 = tpu.memref_squeeze %dma_start3A_1064 : memref<1x40x128xf32, #tpu.memory_space<vmem>> -> memref<40x128xf32, #tpu.memory_space<vmem>>
        %dma_start3A_1066 = arith.constant 0 : i32
        %dma_start3A_1067 = tpu.memref_slice %arg8[%add3A_1006, %dma_start3A_1066] : memref<50x40xi32, #tpu.memory_space<vmem>> -> memref<1x40xi32, #tpu.memory_space<vmem>>
        %dma_start3A_1068 = tpu.memref_squeeze %dma_start3A_1067 : memref<1x40xi32, #tpu.memory_space<vmem>> -> memref<40xi32, #tpu.memory_space<vmem>>
        %dma_start3A_1069 = arith.constant 0 : i32
        %dma_start3A_1070 = arith.constant 0 : i32
        %dma_start3A_1071 = tpu.memref_slice %arg6[%dma_start3A_1069, %dma_start3A_1070] : memref<10240x128xf32, #tpu.memory_space<vmem_shared>> -> memref<10240x128xf32, #tpu.memory_space<vmem_shared>>
        tpu.enqueue_indirect_dma source(%dma_start3A_1065 : memref<40x128xf32, #tpu.memory_space<vmem>>) target(%dma_start3A_1071 : memref<10240x128xf32, #tpu.memory_space<vmem_shared>>) offsets(%dma_start3A_1068 : memref<40xi32, #tpu.memory_space<vmem>>) semaphore(%run_scoped3A_1061 : memref<!tpu.dma_semaphore, #tpu.memory_space<semaphore_mem>>) {add = true}
        %dma_wait3A_1072 = arith.constant 0 : i32
        %dma_wait3A_1073 = arith.constant 0 : i32
        %dma_wait3A_1074 = tpu.memref_slice %arg9[%run_scoped3A_1018, %dma_wait3A_1072, %dma_wait3A_1073] : memref<5x40x128xf32, #tpu.memory_space<vmem>> -> memref<1x40x128xf32, #tpu.memory_space<vmem>>
        %dma_wait3A_1075 = tpu.memref_squeeze %dma_wait3A_1074 : memref<1x40x128xf32, #tpu.memory_space<vmem>> -> memref<40x128xf32, #tpu.memory_space<vmem>>
        %dma_wait3A_1076 = arith.constant 0 : i32
        %dma_wait3A_1077 = tpu.memref_slice %arg8[%add3A_1006, %dma_wait3A_1076] : memref<50x40xi32, #tpu.memory_space<vmem>> -> memref<1x40xi32, #tpu.memory_space<vmem>>
        %dma_wait3A_1078 = tpu.memref_squeeze %dma_wait3A_1077 : memref<1x40xi32, #tpu.memory_space<vmem>> -> memref<40xi32, #tpu.memory_space<vmem>>
        %dma_wait3A_1079 = arith.constant 0 : i32
        %dma_wait3A_1080 = arith.constant 0 : i32
        %dma_wait3A_1081 = tpu.memref_slice %arg6[%dma_wait3A_1079, %dma_wait3A_1080] : memref<10240x128xf32, #tpu.memory_space<vmem_shared>> -> memref<10240x128xf32, #tpu.memory_space<vmem_shared>>
        tpu.wait_indirect_dma semaphore(%run_scoped3A_1061 : memref<!tpu.dma_semaphore, #tpu.memory_space<semaphore_mem>>) src(%dma_wait3A_1075 : memref<40x128xf32, #tpu.memory_space<vmem>>) dst(%dma_wait3A_1081 : memref<10240x128xf32, #tpu.memory_space<vmem_shared>>)
        tpu.yield
      }) : () -> ()
      %add3A_1019 = arith.constant 5 : i32
      %add3A_1020 = arith.addi %add3A_1006, %add3A_1019 : i32
      %dma_start3A_1021 = arith.constant 3 : i32
      %dma_start3A_1022 = arith.constant 0 : i32
      %dma_start3A_1023 = arith.constant 0 : i32
      %dma_start3A_1024 = tpu.memref_slice %arg9[%dma_start3A_1021, %dma_start3A_1022, %dma_start3A_1023] : memref<5x40x128xf32, #tpu.memory_space<vmem>> -> memref<1x40x128xf32, #tpu.memory_space<vmem>>
      %dma_start3A_1025 = tpu.memref_squeeze %dma_start3A_1024 : memref<1x40x128xf32, #tpu.memory_space<vmem>> -> memref<40x128xf32, #tpu.memory_space<vmem>>
      %dma_start3A_1026 = arith.constant 0 : i32
      %dma_start3A_1027 = tpu.memref_slice %arg7[%add3A_1020, %dma_start3A_1026] : memref<50x40xi32, #tpu.memory_space<vmem>> -> memref<1x40xi32, #tpu.memory_space<vmem>>
      %dma_start3A_1028 = tpu.memref_squeeze %dma_start3A_1027 : memref<1x40xi32, #tpu.memory_space<vmem>> -> memref<40xi32, #tpu.memory_space<vmem>>
      %dma_start3A_1029 = arith.constant 0 : i32
      %dma_start3A_1030 = arith.constant 0 : i32
      %dma_start3A_1031 = tpu.memref_slice %arg2[%dma_start3A_1029, %dma_start3A_1030] : memref<10000x128xf32, #tpu.memory_space<hbm>> -> memref<10000x128xf32, #tpu.memory_space<hbm>>
      tpu.enqueue_indirect_dma source(%dma_start3A_1031 : memref<10000x128xf32, #tpu.memory_space<hbm>>) target(%dma_start3A_1025 : memref<40x128xf32, #tpu.memory_space<vmem>>) offsets(%dma_start3A_1028 : memref<40xi32, #tpu.memory_space<vmem>>) semaphore(%arg13 : memref<!tpu.dma_semaphore, #tpu.memory_space<semaphore_mem>>)
      %mul3A_1032 = arith.constant 5 : i32
      %mul3A_1033 = arith.muli %scan3A_915, %mul3A_1032 : i32
      %add3A_1034 = arith.constant 4 : i32
      %add3A_1035 = arith.addi %mul3A_1033, %add3A_1034 : i32
      %dma_wait3A_1036 = arith.constant 4 : i32
      %dma_wait3A_1037 = arith.constant 0 : i32
      %dma_wait3A_1038 = arith.constant 0 : i32
      %dma_wait3A_1039 = tpu.memref_slice %arg9[%dma_wait3A_1036, %dma_wait3A_1037, %dma_wait3A_1038] : memref<5x40x128xf32, #tpu.memory_space<vmem>> -> memref<1x40x128xf32, #tpu.memory_space<vmem>>
      %dma_wait3A_1040 = tpu.memref_squeeze %dma_wait3A_1039 : memref<1x40x128xf32, #tpu.memory_space<vmem>> -> memref<40x128xf32, #tpu.memory_space<vmem>>
      %dma_wait3A_1041 = arith.constant 0 : i32
      %dma_wait3A_1042 = tpu.memref_slice %arg7[%add3A_1035, %dma_wait3A_1041] : memref<50x40xi32, #tpu.memory_space<vmem>> -> memref<1x40xi32, #tpu.memory_space<vmem>>
      %dma_wait3A_1043 = tpu.memref_squeeze %dma_wait3A_1042 : memref<1x40xi32, #tpu.memory_space<vmem>> -> memref<40xi32, #tpu.memory_space<vmem>>
      %dma_wait3A_1044 = arith.constant 0 : i32
      %dma_wait3A_1045 = arith.constant 0 : i32
      %dma_wait3A_1046 = tpu.memref_slice %arg2[%dma_wait3A_1044, %dma_wait3A_1045] : memref<10000x128xf32, #tpu.memory_space<hbm>> -> memref<10000x128xf32, #tpu.memory_space<hbm>>
      tpu.wait_indirect_dma semaphore(%arg14 : memref<!tpu.dma_semaphore, #tpu.memory_space<semaphore_mem>>) src(%dma_wait3A_1046 : memref<10000x128xf32, #tpu.memory_space<hbm>>) dst(%dma_wait3A_1040 : memref<40x128xf32, #tpu.memory_space<vmem>>)
      %run_scoped3A_1047 = arith.constant 4 : i32
      "tpu.region"() ({
        %run_scoped3A_1061 = tpu.sem_alloc : memref<!tpu.dma_semaphore, #tpu.memory_space<semaphore_mem>>
        %dma_start3A_1062 = arith.constant 0 : i32
        %dma_start3A_1063 = arith.constant 0 : i32
        %dma_start3A_1064 = tpu.memref_slice %arg9[%run_scoped3A_1047, %dma_start3A_1062, %dma_start3A_1063] : memref<5x40x128xf32, #tpu.memory_space<vmem>> -> memref<1x40x128xf32, #tpu.memory_space<vmem>>
        %dma_start3A_1065 = tpu.memref_squeeze %dma_start3A_1064 : memref<1x40x128xf32, #tpu.memory_space<vmem>> -> memref<40x128xf32, #tpu.memory_space<vmem>>
        %dma_start3A_1066 = arith.constant 0 : i32
        %dma_start3A_1067 = tpu.memref_slice %arg8[%add3A_1035, %dma_start3A_1066] : memref<50x40xi32, #tpu.memory_space<vmem>> -> memref<1x40xi32, #tpu.memory_space<vmem>>
        %dma_start3A_1068 = tpu.memref_squeeze %dma_start3A_1067 : memref<1x40xi32, #tpu.memory_space<vmem>> -> memref<40xi32, #tpu.memory_space<vmem>>
        %dma_start3A_1069 = arith.constant 0 : i32
        %dma_start3A_1070 = arith.constant 0 : i32
        %dma_start3A_1071 = tpu.memref_slice %arg6[%dma_start3A_1069, %dma_start3A_1070] : memref<10240x128xf32, #tpu.memory_space<vmem_shared>> -> memref<10240x128xf32, #tpu.memory_space<vmem_shared>>
        tpu.enqueue_indirect_dma source(%dma_start3A_1065 : memref<40x128xf32, #tpu.memory_space<vmem>>) target(%dma_start3A_1071 : memref<10240x128xf32, #tpu.memory_space<vmem_shared>>) offsets(%dma_start3A_1068 : memref<40xi32, #tpu.memory_space<vmem>>) semaphore(%run_scoped3A_1061 : memref<!tpu.dma_semaphore, #tpu.memory_space<semaphore_mem>>) {add = true}
        %dma_wait3A_1072 = arith.constant 0 : i32
        %dma_wait3A_1073 = arith.constant 0 : i32
        %dma_wait3A_1074 = tpu.memref_slice %arg9[%run_scoped3A_1047, %dma_wait3A_1072, %dma_wait3A_1073] : memref<5x40x128xf32, #tpu.memory_space<vmem>> -> memref<1x40x128xf32, #tpu.memory_space<vmem>>
        %dma_wait3A_1075 = tpu.memref_squeeze %dma_wait3A_1074 : memref<1x40x128xf32, #tpu.memory_space<vmem>> -> memref<40x128xf32, #tpu.memory_space<vmem>>
        %dma_wait3A_1076 = arith.constant 0 : i32
        %dma_wait3A_1077 = tpu.memref_slice %arg8[%add3A_1035, %dma_wait3A_1076] : memref<50x40xi32, #tpu.memory_space<vmem>> -> memref<1x40xi32, #tpu.memory_space<vmem>>
        %dma_wait3A_1078 = tpu.memref_squeeze %dma_wait3A_1077 : memref<1x40xi32, #tpu.memory_space<vmem>> -> memref<40xi32, #tpu.memory_space<vmem>>
        %dma_wait3A_1079 = arith.constant 0 : i32
        %dma_wait3A_1080 = arith.constant 0 : i32
        %dma_wait3A_1081 = tpu.memref_slice %arg6[%dma_wait3A_1079, %dma_wait3A_1080] : memref<10240x128xf32, #tpu.memory_space<vmem_shared>> -> memref<10240x128xf32, #tpu.memory_space<vmem_shared>>
        tpu.wait_indirect_dma semaphore(%run_scoped3A_1061 : memref<!tpu.dma_semaphore, #tpu.memory_space<semaphore_mem>>) src(%dma_wait3A_1075 : memref<40x128xf32, #tpu.memory_space<vmem>>) dst(%dma_wait3A_1081 : memref<10240x128xf32, #tpu.memory_space<vmem_shared>>)
        tpu.yield
      }) : () -> ()
      %add3A_1048 = arith.constant 5 : i32
      %add3A_1049 = arith.addi %add3A_1035, %add3A_1048 : i32
      %dma_start3A_1050 = arith.constant 4 : i32
      %dma_start3A_1051 = arith.constant 0 : i32
      %dma_start3A_1052 = arith.constant 0 : i32
      %dma_start3A_1053 = tpu.memref_slice %arg9[%dma_start3A_1050, %dma_start3A_1051, %dma_start3A_1052] : memref<5x40x128xf32, #tpu.memory_space<vmem>> -> memref<1x40x128xf32, #tpu.memory_space<vmem>>
      %dma_start3A_1054 = tpu.memref_squeeze %dma_start3A_1053 : memref<1x40x128xf32, #tpu.memory_space<vmem>> -> memref<40x128xf32, #tpu.memory_space<vmem>>
      %dma_start3A_1055 = arith.constant 0 : i32
      %dma_start3A_1056 = tpu.memref_slice %arg7[%add3A_1049, %dma_start3A_1055] : memref<50x40xi32, #tpu.memory_space<vmem>> -> memref<1x40xi32, #tpu.memory_space<vmem>>
      %dma_start3A_1057 = tpu.memref_squeeze %dma_start3A_1056 : memref<1x40xi32, #tpu.memory_space<vmem>> -> memref<40xi32, #tpu.memory_space<vmem>>
      %dma_start3A_1058 = arith.constant 0 : i32
      %dma_start3A_1059 = arith.constant 0 : i32
      %dma_start3A_1060 = tpu.memref_slice %arg2[%dma_start3A_1058, %dma_start3A_1059] : memref<10000x128xf32, #tpu.memory_space<hbm>> -> memref<10000x128xf32, #tpu.memory_space<hbm>>
      tpu.enqueue_indirect_dma source(%dma_start3A_1060 : memref<10000x128xf32, #tpu.memory_space<hbm>>) target(%dma_start3A_1054 : memref<40x128xf32, #tpu.memory_space<vmem>>) offsets(%dma_start3A_1057 : memref<40xi32, #tpu.memory_space<vmem>>) semaphore(%arg14 : memref<!tpu.dma_semaphore, #tpu.memory_space<semaphore_mem>>)
    }
    %scan3A_671 = arith.constant 9 : i32
    %dma_wait3A_672 = arith.constant 45 : i32
    %dma_wait3A_673 = arith.constant 0 : i32
    %dma_wait3A_674 = arith.constant 0 : i32
    %dma_wait3A_675 = arith.constant 0 : i32
    %dma_wait3A_676 = tpu.memref_slice %arg9[%dma_wait3A_673, %dma_wait3A_674, %dma_wait3A_675] : memref<5x40x128xf32, #tpu.memory_space<vmem>> -> memref<1x40x128xf32, #tpu.memory_space<vmem>>
    %dma_wait3A_677 = tpu.memref_squeeze %dma_wait3A_676 : memref<1x40x128xf32, #tpu.memory_space<vmem>> -> memref<40x128xf32, #tpu.memory_space<vmem>>
    %dma_wait3A_678 = arith.constant 0 : i32
    %dma_wait3A_679 = tpu.memref_slice %arg7[%dma_wait3A_672, %dma_wait3A_678] : memref<50x40xi32, #tpu.memory_space<vmem>> -> memref<1x40xi32, #tpu.memory_space<vmem>>
    %dma_wait3A_680 = tpu.memref_squeeze %dma_wait3A_679 : memref<1x40xi32, #tpu.memory_space<vmem>> -> memref<40xi32, #tpu.memory_space<vmem>>
    %dma_wait3A_681 = arith.constant 0 : i32
    %dma_wait3A_682 = arith.constant 0 : i32
    %dma_wait3A_683 = tpu.memref_slice %arg2[%dma_wait3A_681, %dma_wait3A_682] : memref<10000x128xf32, #tpu.memory_space<hbm>> -> memref<10000x128xf32, #tpu.memory_space<hbm>>
    tpu.wait_indirect_dma semaphore(%arg10 : memref<!tpu.dma_semaphore, #tpu.memory_space<semaphore_mem>>) src(%dma_wait3A_683 : memref<10000x128xf32, #tpu.memory_space<hbm>>) dst(%dma_wait3A_677 : memref<40x128xf32, #tpu.memory_space<vmem>>)
    %run_scoped3A_684 = arith.constant 0 : i32
    %run_scoped3A_685 = arith.constant 45 : i32
    "tpu.region"() ({
      %run_scoped3A_915 = tpu.sem_alloc : memref<!tpu.dma_semaphore, #tpu.memory_space<semaphore_mem>>
      %dma_start3A_916 = arith.constant 0 : i32
      %dma_start3A_917 = arith.constant 0 : i32
      %dma_start3A_918 = tpu.memref_slice %arg9[%run_scoped3A_684, %dma_start3A_916, %dma_start3A_917] : memref<5x40x128xf32, #tpu.memory_space<vmem>> -> memref<1x40x128xf32, #tpu.memory_space<vmem>>
      %dma_start3A_919 = tpu.memref_squeeze %dma_start3A_918 : memref<1x40x128xf32, #tpu.memory_space<vmem>> -> memref<40x128xf32, #tpu.memory_space<vmem>>
      %dma_start3A_920 = arith.constant 0 : i32
      %dma_start3A_921 = tpu.memref_slice %arg8[%run_scoped3A_685, %dma_start3A_920] : memref<50x40xi32, #tpu.memory_space<vmem>> -> memref<1x40xi32, #tpu.memory_space<vmem>>
      %dma_start3A_922 = tpu.memref_squeeze %dma_start3A_921 : memref<1x40xi32, #tpu.memory_space<vmem>> -> memref<40xi32, #tpu.memory_space<vmem>>
      %dma_start3A_923 = arith.constant 0 : i32
      %dma_start3A_924 = arith.constant 0 : i32
      %dma_start3A_925 = tpu.memref_slice %arg6[%dma_start3A_923, %dma_start3A_924] : memref<10240x128xf32, #tpu.memory_space<vmem_shared>> -> memref<10240x128xf32, #tpu.memory_space<vmem_shared>>
      tpu.enqueue_indirect_dma source(%dma_start3A_919 : memref<40x128xf32, #tpu.memory_space<vmem>>) target(%dma_start3A_925 : memref<10240x128xf32, #tpu.memory_space<vmem_shared>>) offsets(%dma_start3A_922 : memref<40xi32, #tpu.memory_space<vmem>>) semaphore(%run_scoped3A_915 : memref<!tpu.dma_semaphore, #tpu.memory_space<semaphore_mem>>) {add = true}
      %dma_wait3A_926 = arith.constant 0 : i32
      %dma_wait3A_927 = arith.constant 0 : i32
      %dma_wait3A_928 = tpu.memref_slice %arg9[%run_scoped3A_684, %dma_wait3A_926, %dma_wait3A_927] : memref<5x40x128xf32, #tpu.memory_space<vmem>> -> memref<1x40x128xf32, #tpu.memory_space<vmem>>
      %dma_wait3A_929 = tpu.memref_squeeze %dma_wait3A_928 : memref<1x40x128xf32, #tpu.memory_space<vmem>> -> memref<40x128xf32, #tpu.memory_space<vmem>>
      %dma_wait3A_930 = arith.constant 0 : i32
      %dma_wait3A_931 = tpu.memref_slice %arg8[%run_scoped3A_685, %dma_wait3A_930] : memref<50x40xi32, #tpu.memory_space<vmem>> -> memref<1x40xi32, #tpu.memory_space<vmem>>
      %dma_wait3A_932 = tpu.memref_squeeze %dma_wait3A_931 : memref<1x40xi32, #tpu.memory_space<vmem>> -> memref<40xi32, #tpu.memory_space<vmem>>
      %dma_wait3A_933 = arith.constant 0 : i32
      %dma_wait3A_934 = arith.constant 0 : i32
      %dma_wait3A_935 = tpu.memref_slice %arg6[%dma_wait3A_933, %dma_wait3A_934] : memref<10240x128xf32, #tpu.memory_space<vmem_shared>> -> memref<10240x128xf32, #tpu.memory_space<vmem_shared>>
      tpu.wait_indirect_dma semaphore(%run_scoped3A_915 : memref<!tpu.dma_semaphore, #tpu.memory_space<semaphore_mem>>) src(%dma_wait3A_929 : memref<40x128xf32, #tpu.memory_space<vmem>>) dst(%dma_wait3A_935 : memref<10240x128xf32, #tpu.memory_space<vmem_shared>>)
      tpu.yield
    }) : () -> ()
    %dma_wait3A_686 = arith.constant 46 : i32
    %dma_wait3A_687 = arith.constant 1 : i32
    %dma_wait3A_688 = arith.constant 0 : i32
    %dma_wait3A_689 = arith.constant 0 : i32
    %dma_wait3A_690 = tpu.memref_slice %arg9[%dma_wait3A_687, %dma_wait3A_688, %dma_wait3A_689] : memref<5x40x128xf32, #tpu.memory_space<vmem>> -> memref<1x40x128xf32, #tpu.memory_space<vmem>>
    %dma_wait3A_691 = tpu.memref_squeeze %dma_wait3A_690 : memref<1x40x128xf32, #tpu.memory_space<vmem>> -> memref<40x128xf32, #tpu.memory_space<vmem>>
    %dma_wait3A_692 = arith.constant 0 : i32
    %dma_wait3A_693 = tpu.memref_slice %arg7[%dma_wait3A_686, %dma_wait3A_692] : memref<50x40xi32, #tpu.memory_space<vmem>> -> memref<1x40xi32, #tpu.memory_space<vmem>>
    %dma_wait3A_694 = tpu.memref_squeeze %dma_wait3A_693 : memref<1x40xi32, #tpu.memory_space<vmem>> -> memref<40xi32, #tpu.memory_space<vmem>>
    %dma_wait3A_695 = arith.constant 0 : i32
    %dma_wait3A_696 = arith.constant 0 : i32
    %dma_wait3A_697 = tpu.memref_slice %arg2[%dma_wait3A_695, %dma_wait3A_696] : memref<10000x128xf32, #tpu.memory_space<hbm>> -> memref<10000x128xf32, #tpu.memory_space<hbm>>
    tpu.wait_indirect_dma semaphore(%arg11 : memref<!tpu.dma_semaphore, #tpu.memory_space<semaphore_mem>>) src(%dma_wait3A_697 : memref<10000x128xf32, #tpu.memory_space<hbm>>) dst(%dma_wait3A_691 : memref<40x128xf32, #tpu.memory_space<vmem>>)
    %run_scoped3A_698 = arith.constant 1 : i32
    %run_scoped3A_699 = arith.constant 46 : i32
    "tpu.region"() ({
      %run_scoped3A_915 = tpu.sem_alloc : memref<!tpu.dma_semaphore, #tpu.memory_space<semaphore_mem>>
      %dma_start3A_916 = arith.constant 0 : i32
      %dma_start3A_917 = arith.constant 0 : i32
      %dma_start3A_918 = tpu.memref_slice %arg9[%run_scoped3A_698, %dma_start3A_916, %dma_start3A_917] : memref<5x40x128xf32, #tpu.memory_space<vmem>> -> memref<1x40x128xf32, #tpu.memory_space<vmem>>
      %dma_start3A_919 = tpu.memref_squeeze %dma_start3A_918 : memref<1x40x128xf32, #tpu.memory_space<vmem>> -> memref<40x128xf32, #tpu.memory_space<vmem>>
      %dma_start3A_920 = arith.constant 0 : i32
      %dma_start3A_921 = tpu.memref_slice %arg8[%run_scoped3A_699, %dma_start3A_920] : memref<50x40xi32, #tpu.memory_space<vmem>> -> memref<1x40xi32, #tpu.memory_space<vmem>>
      %dma_start3A_922 = tpu.memref_squeeze %dma_start3A_921 : memref<1x40xi32, #tpu.memory_space<vmem>> -> memref<40xi32, #tpu.memory_space<vmem>>
      %dma_start3A_923 = arith.constant 0 : i32
      %dma_start3A_924 = arith.constant 0 : i32
      %dma_start3A_925 = tpu.memref_slice %arg6[%dma_start3A_923, %dma_start3A_924] : memref<10240x128xf32, #tpu.memory_space<vmem_shared>> -> memref<10240x128xf32, #tpu.memory_space<vmem_shared>>
      tpu.enqueue_indirect_dma source(%dma_start3A_919 : memref<40x128xf32, #tpu.memory_space<vmem>>) target(%dma_start3A_925 : memref<10240x128xf32, #tpu.memory_space<vmem_shared>>) offsets(%dma_start3A_922 : memref<40xi32, #tpu.memory_space<vmem>>) semaphore(%run_scoped3A_915 : memref<!tpu.dma_semaphore, #tpu.memory_space<semaphore_mem>>) {add = true}
      %dma_wait3A_926 = arith.constant 0 : i32
      %dma_wait3A_927 = arith.constant 0 : i32
      %dma_wait3A_928 = tpu.memref_slice %arg9[%run_scoped3A_698, %dma_wait3A_926, %dma_wait3A_927] : memref<5x40x128xf32, #tpu.memory_space<vmem>> -> memref<1x40x128xf32, #tpu.memory_space<vmem>>
      %dma_wait3A_929 = tpu.memref_squeeze %dma_wait3A_928 : memref<1x40x128xf32, #tpu.memory_space<vmem>> -> memref<40x128xf32, #tpu.memory_space<vmem>>
      %dma_wait3A_930 = arith.constant 0 : i32
      %dma_wait3A_931 = tpu.memref_slice %arg8[%run_scoped3A_699, %dma_wait3A_930] : memref<50x40xi32, #tpu.memory_space<vmem>> -> memref<1x40xi32, #tpu.memory_space<vmem>>
      %dma_wait3A_932 = tpu.memref_squeeze %dma_wait3A_931 : memref<1x40xi32, #tpu.memory_space<vmem>> -> memref<40xi32, #tpu.memory_space<vmem>>
      %dma_wait3A_933 = arith.constant 0 : i32
      %dma_wait3A_934 = arith.constant 0 : i32
      %dma_wait3A_935 = tpu.memref_slice %arg6[%dma_wait3A_933, %dma_wait3A_934] : memref<10240x128xf32, #tpu.memory_space<vmem_shared>> -> memref<10240x128xf32, #tpu.memory_space<vmem_shared>>
      tpu.wait_indirect_dma semaphore(%run_scoped3A_915 : memref<!tpu.dma_semaphore, #tpu.memory_space<semaphore_mem>>) src(%dma_wait3A_929 : memref<40x128xf32, #tpu.memory_space<vmem>>) dst(%dma_wait3A_935 : memref<10240x128xf32, #tpu.memory_space<vmem_shared>>)
      tpu.yield
    }) : () -> ()
    %dma_wait3A_700 = arith.constant 47 : i32
    %dma_wait3A_701 = arith.constant 2 : i32
    %dma_wait3A_702 = arith.constant 0 : i32
    %dma_wait3A_703 = arith.constant 0 : i32
    %dma_wait3A_704 = tpu.memref_slice %arg9[%dma_wait3A_701, %dma_wait3A_702, %dma_wait3A_703] : memref<5x40x128xf32, #tpu.memory_space<vmem>> -> memref<1x40x128xf32, #tpu.memory_space<vmem>>
    %dma_wait3A_705 = tpu.memref_squeeze %dma_wait3A_704 : memref<1x40x128xf32, #tpu.memory_space<vmem>> -> memref<40x128xf32, #tpu.memory_space<vmem>>
    %dma_wait3A_706 = arith.constant 0 : i32
    %dma_wait3A_707 = tpu.memref_slice %arg7[%dma_wait3A_700, %dma_wait3A_706] : memref<50x40xi32, #tpu.memory_space<vmem>> -> memref<1x40xi32, #tpu.memory_space<vmem>>
    %dma_wait3A_708 = tpu.memref_squeeze %dma_wait3A_707 : memref<1x40xi32, #tpu.memory_space<vmem>> -> memref<40xi32, #tpu.memory_space<vmem>>
    %dma_wait3A_709 = arith.constant 0 : i32
    %dma_wait3A_710 = arith.constant 0 : i32
    %dma_wait3A_711 = tpu.memref_slice %arg2[%dma_wait3A_709, %dma_wait3A_710] : memref<10000x128xf32, #tpu.memory_space<hbm>> -> memref<10000x128xf32, #tpu.memory_space<hbm>>
    tpu.wait_indirect_dma semaphore(%arg12 : memref<!tpu.dma_semaphore, #tpu.memory_space<semaphore_mem>>) src(%dma_wait3A_711 : memref<10000x128xf32, #tpu.memory_space<hbm>>) dst(%dma_wait3A_705 : memref<40x128xf32, #tpu.memory_space<vmem>>)
    %run_scoped3A_712 = arith.constant 2 : i32
    %run_scoped3A_713 = arith.constant 47 : i32
    "tpu.region"() ({
      %run_scoped3A_915 = tpu.sem_alloc : memref<!tpu.dma_semaphore, #tpu.memory_space<semaphore_mem>>
      %dma_start3A_916 = arith.constant 0 : i32
      %dma_start3A_917 = arith.constant 0 : i32
      %dma_start3A_918 = tpu.memref_slice %arg9[%run_scoped3A_712, %dma_start3A_916, %dma_start3A_917] : memref<5x40x128xf32, #tpu.memory_space<vmem>> -> memref<1x40x128xf32, #tpu.memory_space<vmem>>
      %dma_start3A_919 = tpu.memref_squeeze %dma_start3A_918 : memref<1x40x128xf32, #tpu.memory_space<vmem>> -> memref<40x128xf32, #tpu.memory_space<vmem>>
      %dma_start3A_920 = arith.constant 0 : i32
      %dma_start3A_921 = tpu.memref_slice %arg8[%run_scoped3A_713, %dma_start3A_920] : memref<50x40xi32, #tpu.memory_space<vmem>> -> memref<1x40xi32, #tpu.memory_space<vmem>>
      %dma_start3A_922 = tpu.memref_squeeze %dma_start3A_921 : memref<1x40xi32, #tpu.memory_space<vmem>> -> memref<40xi32, #tpu.memory_space<vmem>>
      %dma_start3A_923 = arith.constant 0 : i32
      %dma_start3A_924 = arith.constant 0 : i32
      %dma_start3A_925 = tpu.memref_slice %arg6[%dma_start3A_923, %dma_start3A_924] : memref<10240x128xf32, #tpu.memory_space<vmem_shared>> -> memref<10240x128xf32, #tpu.memory_space<vmem_shared>>
      tpu.enqueue_indirect_dma source(%dma_start3A_919 : memref<40x128xf32, #tpu.memory_space<vmem>>) target(%dma_start3A_925 : memref<10240x128xf32, #tpu.memory_space<vmem_shared>>) offsets(%dma_start3A_922 : memref<40xi32, #tpu.memory_space<vmem>>) semaphore(%run_scoped3A_915 : memref<!tpu.dma_semaphore, #tpu.memory_space<semaphore_mem>>) {add = true}
      %dma_wait3A_926 = arith.constant 0 : i32
      %dma_wait3A_927 = arith.constant 0 : i32
      %dma_wait3A_928 = tpu.memref_slice %arg9[%run_scoped3A_712, %dma_wait3A_926, %dma_wait3A_927] : memref<5x40x128xf32, #tpu.memory_space<vmem>> -> memref<1x40x128xf32, #tpu.memory_space<vmem>>
      %dma_wait3A_929 = tpu.memref_squeeze %dma_wait3A_928 : memref<1x40x128xf32, #tpu.memory_space<vmem>> -> memref<40x128xf32, #tpu.memory_space<vmem>>
      %dma_wait3A_930 = arith.constant 0 : i32
      %dma_wait3A_931 = tpu.memref_slice %arg8[%run_scoped3A_713, %dma_wait3A_930] : memref<50x40xi32, #tpu.memory_space<vmem>> -> memref<1x40xi32, #tpu.memory_space<vmem>>
      %dma_wait3A_932 = tpu.memref_squeeze %dma_wait3A_931 : memref<1x40xi32, #tpu.memory_space<vmem>> -> memref<40xi32, #tpu.memory_space<vmem>>
      %dma_wait3A_933 = arith.constant 0 : i32
      %dma_wait3A_934 = arith.constant 0 : i32
      %dma_wait3A_935 = tpu.memref_slice %arg6[%dma_wait3A_933, %dma_wait3A_934] : memref<10240x128xf32, #tpu.memory_space<vmem_shared>> -> memref<10240x128xf32, #tpu.memory_space<vmem_shared>>
      tpu.wait_indirect_dma semaphore(%run_scoped3A_915 : memref<!tpu.dma_semaphore, #tpu.memory_space<semaphore_mem>>) src(%dma_wait3A_929 : memref<40x128xf32, #tpu.memory_space<vmem>>) dst(%dma_wait3A_935 : memref<10240x128xf32, #tpu.memory_space<vmem_shared>>)
      tpu.yield
    }) : () -> ()
    %dma_wait3A_714 = arith.constant 48 : i32
    %dma_wait3A_715 = arith.constant 3 : i32
    %dma_wait3A_716 = arith.constant 0 : i32
    %dma_wait3A_717 = arith.constant 0 : i32
    %dma_wait3A_718 = tpu.memref_slice %arg9[%dma_wait3A_715, %dma_wait3A_716, %dma_wait3A_717] : memref<5x40x128xf32, #tpu.memory_space<vmem>> -> memref<1x40x128xf32, #tpu.memory_space<vmem>>
    %dma_wait3A_719 = tpu.memref_squeeze %dma_wait3A_718 : memref<1x40x128xf32, #tpu.memory_space<vmem>> -> memref<40x128xf32, #tpu.memory_space<vmem>>
    %dma_wait3A_720 = arith.constant 0 : i32
    %dma_wait3A_721 = tpu.memref_slice %arg7[%dma_wait3A_714, %dma_wait3A_720] : memref<50x40xi32, #tpu.memory_space<vmem>> -> memref<1x40xi32, #tpu.memory_space<vmem>>
    %dma_wait3A_722 = tpu.memref_squeeze %dma_wait3A_721 : memref<1x40xi32, #tpu.memory_space<vmem>> -> memref<40xi32, #tpu.memory_space<vmem>>
    %dma_wait3A_723 = arith.constant 0 : i32
    %dma_wait3A_724 = arith.constant 0 : i32
    %dma_wait3A_725 = tpu.memref_slice %arg2[%dma_wait3A_723, %dma_wait3A_724] : memref<10000x128xf32, #tpu.memory_space<hbm>> -> memref<10000x128xf32, #tpu.memory_space<hbm>>
    tpu.wait_indirect_dma semaphore(%arg13 : memref<!tpu.dma_semaphore, #tpu.memory_space<semaphore_mem>>) src(%dma_wait3A_725 : memref<10000x128xf32, #tpu.memory_space<hbm>>) dst(%dma_wait3A_719 : memref<40x128xf32, #tpu.memory_space<vmem>>)
    %run_scoped3A_726 = arith.constant 3 : i32
    %run_scoped3A_727 = arith.constant 48 : i32
    "tpu.region"() ({
      %run_scoped3A_915 = tpu.sem_alloc : memref<!tpu.dma_semaphore, #tpu.memory_space<semaphore_mem>>
      %dma_start3A_916 = arith.constant 0 : i32
      %dma_start3A_917 = arith.constant 0 : i32
      %dma_start3A_918 = tpu.memref_slice %arg9[%run_scoped3A_726, %dma_start3A_916, %dma_start3A_917] : memref<5x40x128xf32, #tpu.memory_space<vmem>> -> memref<1x40x128xf32, #tpu.memory_space<vmem>>
      %dma_start3A_919 = tpu.memref_squeeze %dma_start3A_918 : memref<1x40x128xf32, #tpu.memory_space<vmem>> -> memref<40x128xf32, #tpu.memory_space<vmem>>
      %dma_start3A_920 = arith.constant 0 : i32
      %dma_start3A_921 = tpu.memref_slice %arg8[%run_scoped3A_727, %dma_start3A_920] : memref<50x40xi32, #tpu.memory_space<vmem>> -> memref<1x40xi32, #tpu.memory_space<vmem>>
      %dma_start3A_922 = tpu.memref_squeeze %dma_start3A_921 : memref<1x40xi32, #tpu.memory_space<vmem>> -> memref<40xi32, #tpu.memory_space<vmem>>
      %dma_start3A_923 = arith.constant 0 : i32
      %dma_start3A_924 = arith.constant 0 : i32
      %dma_start3A_925 = tpu.memref_slice %arg6[%dma_start3A_923, %dma_start3A_924] : memref<10240x128xf32, #tpu.memory_space<vmem_shared>> -> memref<10240x128xf32, #tpu.memory_space<vmem_shared>>
      tpu.enqueue_indirect_dma source(%dma_start3A_919 : memref<40x128xf32, #tpu.memory_space<vmem>>) target(%dma_start3A_925 : memref<10240x128xf32, #tpu.memory_space<vmem_shared>>) offsets(%dma_start3A_922 : memref<40xi32, #tpu.memory_space<vmem>>) semaphore(%run_scoped3A_915 : memref<!tpu.dma_semaphore, #tpu.memory_space<semaphore_mem>>) {add = true}
      %dma_wait3A_926 = arith.constant 0 : i32
      %dma_wait3A_927 = arith.constant 0 : i32
      %dma_wait3A_928 = tpu.memref_slice %arg9[%run_scoped3A_726, %dma_wait3A_926, %dma_wait3A_927] : memref<5x40x128xf32, #tpu.memory_space<vmem>> -> memref<1x40x128xf32, #tpu.memory_space<vmem>>
      %dma_wait3A_929 = tpu.memref_squeeze %dma_wait3A_928 : memref<1x40x128xf32, #tpu.memory_space<vmem>> -> memref<40x128xf32, #tpu.memory_space<vmem>>
      %dma_wait3A_930 = arith.constant 0 : i32
      %dma_wait3A_931 = tpu.memref_slice %arg8[%run_scoped3A_727, %dma_wait3A_930] : memref<50x40xi32, #tpu.memory_space<vmem>> -> memref<1x40xi32, #tpu.memory_space<vmem>>
      %dma_wait3A_932 = tpu.memref_squeeze %dma_wait3A_931 : memref<1x40xi32, #tpu.memory_space<vmem>> -> memref<40xi32, #tpu.memory_space<vmem>>
      %dma_wait3A_933 = arith.constant 0 : i32
      %dma_wait3A_934 = arith.constant 0 : i32
      %dma_wait3A_935 = tpu.memref_slice %arg6[%dma_wait3A_933, %dma_wait3A_934] : memref<10240x128xf32, #tpu.memory_space<vmem_shared>> -> memref<10240x128xf32, #tpu.memory_space<vmem_shared>>
      tpu.wait_indirect_dma semaphore(%run_scoped3A_915 : memref<!tpu.dma_semaphore, #tpu.memory_space<semaphore_mem>>) src(%dma_wait3A_929 : memref<40x128xf32, #tpu.memory_space<vmem>>) dst(%dma_wait3A_935 : memref<10240x128xf32, #tpu.memory_space<vmem_shared>>)
      tpu.yield
    }) : () -> ()
    %dma_wait3A_728 = arith.constant 49 : i32
    %dma_wait3A_729 = arith.constant 4 : i32
    %dma_wait3A_730 = arith.constant 0 : i32
    %dma_wait3A_731 = arith.constant 0 : i32
    %dma_wait3A_732 = tpu.memref_slice %arg9[%dma_wait3A_729, %dma_wait3A_730, %dma_wait3A_731] : memref<5x40x128xf32, #tpu.memory_space<vmem>> -> memref<1x40x128xf32, #tpu.memory_space<vmem>>
    %dma_wait3A_733 = tpu.memref_squeeze %dma_wait3A_732 : memref<1x40x128xf32, #tpu.memory_space<vmem>> -> memref<40x128xf32, #tpu.memory_space<vmem>>
    %dma_wait3A_734 = arith.constant 0 : i32
    %dma_wait3A_735 = tpu.memref_slice %arg7[%dma_wait3A_728, %dma_wait3A_734] : memref<50x40xi32, #tpu.memory_space<vmem>> -> memref<1x40xi32, #tpu.memory_space<vmem>>
    %dma_wait3A_736 = tpu.memref_squeeze %dma_wait3A_735 : memref<1x40xi32, #tpu.memory_space<vmem>> -> memref<40xi32, #tpu.memory_space<vmem>>
    %dma_wait3A_737 = arith.constant 0 : i32
    %dma_wait3A_738 = arith.constant 0 : i32
    %dma_wait3A_739 = tpu.memref_slice %arg2[%dma_wait3A_737, %dma_wait3A_738] : memref<10000x128xf32, #tpu.memory_space<hbm>> -> memref<10000x128xf32, #tpu.memory_space<hbm>>
    tpu.wait_indirect_dma semaphore(%arg14 : memref<!tpu.dma_semaphore, #tpu.memory_space<semaphore_mem>>) src(%dma_wait3A_739 : memref<10000x128xf32, #tpu.memory_space<hbm>>) dst(%dma_wait3A_733 : memref<40x128xf32, #tpu.memory_space<vmem>>)
    %run_scoped3A_740 = arith.constant 4 : i32
    %run_scoped3A_741 = arith.constant 49 : i32
    "tpu.region"() ({
      %run_scoped3A_915 = tpu.sem_alloc : memref<!tpu.dma_semaphore, #tpu.memory_space<semaphore_mem>>
      %dma_start3A_916 = arith.constant 0 : i32
      %dma_start3A_917 = arith.constant 0 : i32
      %dma_start3A_918 = tpu.memref_slice %arg9[%run_scoped3A_740, %dma_start3A_916, %dma_start3A_917] : memref<5x40x128xf32, #tpu.memory_space<vmem>> -> memref<1x40x128xf32, #tpu.memory_space<vmem>>
      %dma_start3A_919 = tpu.memref_squeeze %dma_start3A_918 : memref<1x40x128xf32, #tpu.memory_space<vmem>> -> memref<40x128xf32, #tpu.memory_space<vmem>>
      %dma_start3A_920 = arith.constant 0 : i32
      %dma_start3A_921 = tpu.memref_slice %arg8[%run_scoped3A_741, %dma_start3A_920] : memref<50x40xi32, #tpu.memory_space<vmem>> -> memref<1x40xi32, #tpu.memory_space<vmem>>
      %dma_start3A_922 = tpu.memref_squeeze %dma_start3A_921 : memref<1x40xi32, #tpu.memory_space<vmem>> -> memref<40xi32, #tpu.memory_space<vmem>>
      %dma_start3A_923 = arith.constant 0 : i32
      %dma_start3A_924 = arith.constant 0 : i32
      %dma_start3A_925 = tpu.memref_slice %arg6[%dma_start3A_923, %dma_start3A_924] : memref<10240x128xf32, #tpu.memory_space<vmem_shared>> -> memref<10240x128xf32, #tpu.memory_space<vmem_shared>>
      tpu.enqueue_indirect_dma source(%dma_start3A_919 : memref<40x128xf32, #tpu.memory_space<vmem>>) target(%dma_start3A_925 : memref<10240x128xf32, #tpu.memory_space<vmem_shared>>) offsets(%dma_start3A_922 : memref<40xi32, #tpu.memory_space<vmem>>) semaphore(%run_scoped3A_915 : memref<!tpu.dma_semaphore, #tpu.memory_space<semaphore_mem>>) {add = true}
      %dma_wait3A_926 = arith.constant 0 : i32
      %dma_wait3A_927 = arith.constant 0 : i32
      %dma_wait3A_928 = tpu.memref_slice %arg9[%run_scoped3A_740, %dma_wait3A_926, %dma_wait3A_927] : memref<5x40x128xf32, #tpu.memory_space<vmem>> -> memref<1x40x128xf32, #tpu.memory_space<vmem>>
      %dma_wait3A_929 = tpu.memref_squeeze %dma_wait3A_928 : memref<1x40x128xf32, #tpu.memory_space<vmem>> -> memref<40x128xf32, #tpu.memory_space<vmem>>
      %dma_wait3A_930 = arith.constant 0 : i32
      %dma_wait3A_931 = tpu.memref_slice %arg8[%run_scoped3A_741, %dma_wait3A_930] : memref<50x40xi32, #tpu.memory_space<vmem>> -> memref<1x40xi32, #tpu.memory_space<vmem>>
      %dma_wait3A_932 = tpu.memref_squeeze %dma_wait3A_931 : memref<1x40xi32, #tpu.memory_space<vmem>> -> memref<40xi32, #tpu.memory_space<vmem>>
      %dma_wait3A_933 = arith.constant 0 : i32
      %dma_wait3A_934 = arith.constant 0 : i32
      %dma_wait3A_935 = tpu.memref_slice %arg6[%dma_wait3A_933, %dma_wait3A_934] : memref<10240x128xf32, #tpu.memory_space<vmem_shared>> -> memref<10240x128xf32, #tpu.memory_space<vmem_shared>>
      tpu.wait_indirect_dma semaphore(%run_scoped3A_915 : memref<!tpu.dma_semaphore, #tpu.memory_space<semaphore_mem>>) src(%dma_wait3A_929 : memref<40x128xf32, #tpu.memory_space<vmem>>) dst(%dma_wait3A_935 : memref<10240x128xf32, #tpu.memory_space<vmem_shared>>)
      tpu.yield
    }) : () -> ()
    %dma_start3A_742 = arith.constant 4 : i32
    %dma_start3A_743 = arith.constant 0 : i32
    %dma_start3A_744 = arith.constant 0 : i32
    %dma_start3A_745 = tpu.memref_slice %arg3[%add3A, %dma_start3A_742, %dma_start3A_743, %dma_start3A_744] : memref<32x5x50x40xi32, #tpu.memory_space<hbm>> -> memref<1x1x50x40xi32, #tpu.memory_space<hbm>>
    %dma_start3A_746 = tpu.memref_squeeze %dma_start3A_745 : memref<1x1x50x40xi32, #tpu.memory_space<hbm>> -> memref<50x40xi32, #tpu.memory_space<hbm>>
    %dma_start3A_747 = arith.constant 0 : i32
    %dma_start3A_748 = arith.constant 0 : i32
    %dma_start3A_749 = tpu.memref_slice %arg3[%add3A, %dma_start3A_742, %dma_start3A_747, %dma_start3A_748] : memref<32x5x50x40xi32, #tpu.memory_space<hbm>> -> memref<1x1x50x40xi32, #tpu.memory_space<hbm>>
    %dma_start3A_750 = tpu.memref_squeeze %dma_start3A_749 : memref<1x1x50x40xi32, #tpu.memory_space<hbm>> -> memref<50x40xi32, #tpu.memory_space<hbm>>
    tpu.enqueue_dma source(%dma_start3A_750 : memref<50x40xi32, #tpu.memory_space<hbm>>) target(%arg7 : memref<50x40xi32, #tpu.memory_space<vmem>>) target_semaphore(%arg15 : memref<!tpu.dma_semaphore, #tpu.memory_space<semaphore_mem>>)
    %dma_start3A_751 = arith.constant 4 : i32
    %dma_start3A_752 = arith.constant 0 : i32
    %dma_start3A_753 = arith.constant 0 : i32
    %dma_start3A_754 = tpu.memref_slice %arg4[%add3A, %dma_start3A_751, %dma_start3A_752, %dma_start3A_753] : memref<32x5x50x40xi32, #tpu.memory_space<hbm>> -> memref<1x1x50x40xi32, #tpu.memory_space<hbm>>
    %dma_start3A_755 = tpu.memref_squeeze %dma_start3A_754 : memref<1x1x50x40xi32, #tpu.memory_space<hbm>> -> memref<50x40xi32, #tpu.memory_space<hbm>>
    %dma_start3A_756 = arith.constant 0 : i32
    %dma_start3A_757 = arith.constant 0 : i32
    %dma_start3A_758 = tpu.memref_slice %arg4[%add3A, %dma_start3A_751, %dma_start3A_756, %dma_start3A_757] : memref<32x5x50x40xi32, #tpu.memory_space<hbm>> -> memref<1x1x50x40xi32, #tpu.memory_space<hbm>>
    %dma_start3A_759 = tpu.memref_squeeze %dma_start3A_758 : memref<1x1x50x40xi32, #tpu.memory_space<hbm>> -> memref<50x40xi32, #tpu.memory_space<hbm>>
    tpu.enqueue_dma source(%dma_start3A_759 : memref<50x40xi32, #tpu.memory_space<hbm>>) target(%arg8 : memref<50x40xi32, #tpu.memory_space<vmem>>) target_semaphore(%arg15 : memref<!tpu.dma_semaphore, #tpu.memory_space<semaphore_mem>>)
    %dma_wait3A_760 = arith.constant 4 : i32
    %dma_wait3A_761 = arith.constant 0 : i32
    %dma_wait3A_762 = arith.constant 0 : i32
    %dma_wait3A_763 = tpu.memref_slice %arg3[%add3A, %dma_wait3A_760, %dma_wait3A_761, %dma_wait3A_762] : memref<32x5x50x40xi32, #tpu.memory_space<hbm>> -> memref<1x1x50x40xi32, #tpu.memory_space<hbm>>
    %dma_wait3A_764 = tpu.memref_squeeze %dma_wait3A_763 : memref<1x1x50x40xi32, #tpu.memory_space<hbm>> -> memref<50x40xi32, #tpu.memory_space<hbm>>
    %dma_wait3A_765 = arith.constant 0 : i32
    %dma_wait3A_766 = arith.constant 0 : i32
    %dma_wait3A_767 = tpu.memref_slice %arg3[%add3A, %dma_wait3A_760, %dma_wait3A_765, %dma_wait3A_766] : memref<32x5x50x40xi32, #tpu.memory_space<hbm>> -> memref<1x1x50x40xi32, #tpu.memory_space<hbm>>
    %dma_wait3A_768 = tpu.memref_squeeze %dma_wait3A_767 : memref<1x1x50x40xi32, #tpu.memory_space<hbm>> -> memref<50x40xi32, #tpu.memory_space<hbm>>
    tpu.wait_dma2 semaphore(%arg15 : memref<!tpu.dma_semaphore, #tpu.memory_space<semaphore_mem>>) src(%dma_wait3A_768 : memref<50x40xi32, #tpu.memory_space<hbm>>) dst(%arg7 : memref<50x40xi32, #tpu.memory_space<vmem>>)
    %dma_wait3A_769 = arith.constant 4 : i32
    %dma_wait3A_770 = arith.constant 0 : i32
    %dma_wait3A_771 = arith.constant 0 : i32
    %dma_wait3A_772 = tpu.memref_slice %arg4[%add3A, %dma_wait3A_769, %dma_wait3A_770, %dma_wait3A_771] : memref<32x5x50x40xi32, #tpu.memory_space<hbm>> -> memref<1x1x50x40xi32, #tpu.memory_space<hbm>>
    %dma_wait3A_773 = tpu.memref_squeeze %dma_wait3A_772 : memref<1x1x50x40xi32, #tpu.memory_space<hbm>> -> memref<50x40xi32, #tpu.memory_space<hbm>>
    %dma_wait3A_774 = arith.constant 0 : i32
    %dma_wait3A_775 = arith.constant 0 : i32
    %dma_wait3A_776 = tpu.memref_slice %arg4[%add3A, %dma_wait3A_769, %dma_wait3A_774, %dma_wait3A_775] : memref<32x5x50x40xi32, #tpu.memory_space<hbm>> -> memref<1x1x50x40xi32, #tpu.memory_space<hbm>>
    %dma_wait3A_777 = tpu.memref_squeeze %dma_wait3A_776 : memref<1x1x50x40xi32, #tpu.memory_space<hbm>> -> memref<50x40xi32, #tpu.memory_space<hbm>>
    tpu.wait_dma2 semaphore(%arg15 : memref<!tpu.dma_semaphore, #tpu.memory_space<semaphore_mem>>) src(%dma_wait3A_777 : memref<50x40xi32, #tpu.memory_space<hbm>>) dst(%arg8 : memref<50x40xi32, #tpu.memory_space<vmem>>)
    %dma_start3A_778 = arith.constant 0 : i32
    %dma_start3A_779 = arith.constant 0 : i32
    %dma_start3A_780 = arith.constant 0 : i32
    %dma_start3A_781 = arith.constant 0 : i32
    %dma_start3A_782 = tpu.memref_slice %arg9[%dma_start3A_779, %dma_start3A_780, %dma_start3A_781] : memref<5x40x128xf32, #tpu.memory_space<vmem>> -> memref<1x40x128xf32, #tpu.memory_space<vmem>>
    %dma_start3A_783 = tpu.memref_squeeze %dma_start3A_782 : memref<1x40x128xf32, #tpu.memory_space<vmem>> -> memref<40x128xf32, #tpu.memory_space<vmem>>
    %dma_start3A_784 = arith.constant 0 : i32
    %dma_start3A_785 = tpu.memref_slice %arg7[%dma_start3A_778, %dma_start3A_784] : memref<50x40xi32, #tpu.memory_space<vmem>> -> memref<1x40xi32, #tpu.memory_space<vmem>>
    %dma_start3A_786 = tpu.memref_squeeze %dma_start3A_785 : memref<1x40xi32, #tpu.memory_space<vmem>> -> memref<40xi32, #tpu.memory_space<vmem>>
    %dma_start3A_787 = arith.constant 0 : i32
    %dma_start3A_788 = arith.constant 0 : i32
    %dma_start3A_789 = tpu.memref_slice %arg2[%dma_start3A_787, %dma_start3A_788] : memref<10000x128xf32, #tpu.memory_space<hbm>> -> memref<10000x128xf32, #tpu.memory_space<hbm>>
    tpu.enqueue_indirect_dma source(%dma_start3A_789 : memref<10000x128xf32, #tpu.memory_space<hbm>>) target(%dma_start3A_783 : memref<40x128xf32, #tpu.memory_space<vmem>>) offsets(%dma_start3A_786 : memref<40xi32, #tpu.memory_space<vmem>>) semaphore(%arg10 : memref<!tpu.dma_semaphore, #tpu.memory_space<semaphore_mem>>)
    %dma_start3A_790 = arith.constant 1 : i32
    %dma_start3A_791 = arith.constant 1 : i32
    %dma_start3A_792 = arith.constant 0 : i32
    %dma_start3A_793 = arith.constant 0 : i32
    %dma_start3A_794 = tpu.memref_slice %arg9[%dma_start3A_791, %dma_start3A_792, %dma_start3A_793] : memref<5x40x128xf32, #tpu.memory_space<vmem>> -> memref<1x40x128xf32, #tpu.memory_space<vmem>>
    %dma_start3A_795 = tpu.memref_squeeze %dma_start3A_794 : memref<1x40x128xf32, #tpu.memory_space<vmem>> -> memref<40x128xf32, #tpu.memory_space<vmem>>
    %dma_start3A_796 = arith.constant 0 : i32
    %dma_start3A_797 = tpu.memref_slice %arg7[%dma_start3A_790, %dma_start3A_796] : memref<50x40xi32, #tpu.memory_space<vmem>> -> memref<1x40xi32, #tpu.memory_space<vmem>>
    %dma_start3A_798 = tpu.memref_squeeze %dma_start3A_797 : memref<1x40xi32, #tpu.memory_space<vmem>> -> memref<40xi32, #tpu.memory_space<vmem>>
    %dma_start3A_799 = arith.constant 0 : i32
    %dma_start3A_800 = arith.constant 0 : i32
    %dma_start3A_801 = tpu.memref_slice %arg2[%dma_start3A_799, %dma_start3A_800] : memref<10000x128xf32, #tpu.memory_space<hbm>> -> memref<10000x128xf32, #tpu.memory_space<hbm>>
    tpu.enqueue_indirect_dma source(%dma_start3A_801 : memref<10000x128xf32, #tpu.memory_space<hbm>>) target(%dma_start3A_795 : memref<40x128xf32, #tpu.memory_space<vmem>>) offsets(%dma_start3A_798 : memref<40xi32, #tpu.memory_space<vmem>>) semaphore(%arg11 : memref<!tpu.dma_semaphore, #tpu.memory_space<semaphore_mem>>)
    %dma_start3A_802 = arith.constant 2 : i32
    %dma_start3A_803 = arith.constant 2 : i32
    %dma_start3A_804 = arith.constant 0 : i32
    %dma_start3A_805 = arith.constant 0 : i32
    %dma_start3A_806 = tpu.memref_slice %arg9[%dma_start3A_803, %dma_start3A_804, %dma_start3A_805] : memref<5x40x128xf32, #tpu.memory_space<vmem>> -> memref<1x40x128xf32, #tpu.memory_space<vmem>>
    %dma_start3A_807 = tpu.memref_squeeze %dma_start3A_806 : memref<1x40x128xf32, #tpu.memory_space<vmem>> -> memref<40x128xf32, #tpu.memory_space<vmem>>
    %dma_start3A_808 = arith.constant 0 : i32
    %dma_start3A_809 = tpu.memref_slice %arg7[%dma_start3A_802, %dma_start3A_808] : memref<50x40xi32, #tpu.memory_space<vmem>> -> memref<1x40xi32, #tpu.memory_space<vmem>>
    %dma_start3A_810 = tpu.memref_squeeze %dma_start3A_809 : memref<1x40xi32, #tpu.memory_space<vmem>> -> memref<40xi32, #tpu.memory_space<vmem>>
    %dma_start3A_811 = arith.constant 0 : i32
    %dma_start3A_812 = arith.constant 0 : i32
    %dma_start3A_813 = tpu.memref_slice %arg2[%dma_start3A_811, %dma_start3A_812] : memref<10000x128xf32, #tpu.memory_space<hbm>> -> memref<10000x128xf32, #tpu.memory_space<hbm>>
    tpu.enqueue_indirect_dma source(%dma_start3A_813 : memref<10000x128xf32, #tpu.memory_space<hbm>>) target(%dma_start3A_807 : memref<40x128xf32, #tpu.memory_space<vmem>>) offsets(%dma_start3A_810 : memref<40xi32, #tpu.memory_space<vmem>>) semaphore(%arg12 : memref<!tpu.dma_semaphore, #tpu.memory_space<semaphore_mem>>)
    %dma_start3A_814 = arith.constant 3 : i32
    %dma_start3A_815 = arith.constant 3 : i32
    %dma_start3A_816 = arith.constant 0 : i32
    %dma_start3A_817 = arith.constant 0 : i32
    %dma_start3A_818 = tpu.memref_slice %arg9[%dma_start3A_815, %dma_start3A_816, %dma_start3A_817] : memref<5x40x128xf32, #tpu.memory_space<vmem>> -> memref<1x40x128xf32, #tpu.memory_space<vmem>>
    %dma_start3A_819 = tpu.memref_squeeze %dma_start3A_818 : memref<1x40x128xf32, #tpu.memory_space<vmem>> -> memref<40x128xf32, #tpu.memory_space<vmem>>
    %dma_start3A_820 = arith.constant 0 : i32
    %dma_start3A_821 = tpu.memref_slice %arg7[%dma_start3A_814, %dma_start3A_820] : memref<50x40xi32, #tpu.memory_space<vmem>> -> memref<1x40xi32, #tpu.memory_space<vmem>>
    %dma_start3A_822 = tpu.memref_squeeze %dma_start3A_821 : memref<1x40xi32, #tpu.memory_space<vmem>> -> memref<40xi32, #tpu.memory_space<vmem>>
    %dma_start3A_823 = arith.constant 0 : i32
    %dma_start3A_824 = arith.constant 0 : i32
    %dma_start3A_825 = tpu.memref_slice %arg2[%dma_start3A_823, %dma_start3A_824] : memref<10000x128xf32, #tpu.memory_space<hbm>> -> memref<10000x128xf32, #tpu.memory_space<hbm>>
    tpu.enqueue_indirect_dma source(%dma_start3A_825 : memref<10000x128xf32, #tpu.memory_space<hbm>>) target(%dma_start3A_819 : memref<40x128xf32, #tpu.memory_space<vmem>>) offsets(%dma_start3A_822 : memref<40xi32, #tpu.memory_space<vmem>>) semaphore(%arg13 : memref<!tpu.dma_semaphore, #tpu.memory_space<semaphore_mem>>)
    %dma_start3A_826 = arith.constant 4 : i32
    %dma_start3A_827 = arith.constant 4 : i32
    %dma_start3A_828 = arith.constant 0 : i32
    %dma_start3A_829 = arith.constant 0 : i32
    %dma_start3A_830 = tpu.memref_slice %arg9[%dma_start3A_827, %dma_start3A_828, %dma_start3A_829] : memref<5x40x128xf32, #tpu.memory_space<vmem>> -> memref<1x40x128xf32, #tpu.memory_space<vmem>>
    %dma_start3A_831 = tpu.memref_squeeze %dma_start3A_830 : memref<1x40x128xf32, #tpu.memory_space<vmem>> -> memref<40x128xf32, #tpu.memory_space<vmem>>
    %dma_start3A_832 = arith.constant 0 : i32
    %dma_start3A_833 = tpu.memref_slice %arg7[%dma_start3A_826, %dma_start3A_832] : memref<50x40xi32, #tpu.memory_space<vmem>> -> memref<1x40xi32, #tpu.memory_space<vmem>>
    %dma_start3A_834 = tpu.memref_squeeze %dma_start3A_833 : memref<1x40xi32, #tpu.memory_space<vmem>> -> memref<40xi32, #tpu.memory_space<vmem>>
    %dma_start3A_835 = arith.constant 0 : i32
    %dma_start3A_836 = arith.constant 0 : i32
    %dma_start3A_837 = tpu.memref_slice %arg2[%dma_start3A_835, %dma_start3A_836] : memref<10000x128xf32, #tpu.memory_space<hbm>> -> memref<10000x128xf32, #tpu.memory_space<hbm>>
    tpu.enqueue_indirect_dma source(%dma_start3A_837 : memref<10000x128xf32, #tpu.memory_space<hbm>>) target(%dma_start3A_831 : memref<40x128xf32, #tpu.memory_space<vmem>>) offsets(%dma_start3A_834 : memref<40xi32, #tpu.memory_space<vmem>>) semaphore(%arg14 : memref<!tpu.dma_semaphore, #tpu.memory_space<semaphore_mem>>)
    %scan3A_838 = arith.constant 0 : i32
    %scan3A_839 = arith.constant 0 : i32
    %scan3A_840 = arith.constant 9 : i32
    %scan3A_841 = arith.addi %scan3A_839, %scan3A_840 : i32
    %scan3A_842 = arith.constant 1 : i32
    scf.for %scan3A_915 = %scan3A_839 to %scan3A_841 step %scan3A_842  : i32 {
      %mul3A_916 = arith.constant 5 : i32
      %mul3A_917 = arith.muli %scan3A_915, %mul3A_916 : i32
      %add3A_918 = arith.constant 0 : i32
      %add3A_919 = arith.addi %mul3A_917, %add3A_918 : i32
      %dma_wait3A_920 = arith.constant 0 : i32
      %dma_wait3A_921 = arith.constant 0 : i32
      %dma_wait3A_922 = arith.constant 0 : i32
      %dma_wait3A_923 = tpu.memref_slice %arg9[%dma_wait3A_920, %dma_wait3A_921, %dma_wait3A_922] : memref<5x40x128xf32, #tpu.memory_space<vmem>> -> memref<1x40x128xf32, #tpu.memory_space<vmem>>
      %dma_wait3A_924 = tpu.memref_squeeze %dma_wait3A_923 : memref<1x40x128xf32, #tpu.memory_space<vmem>> -> memref<40x128xf32, #tpu.memory_space<vmem>>
      %dma_wait3A_925 = arith.constant 0 : i32
      %dma_wait3A_926 = tpu.memref_slice %arg7[%add3A_919, %dma_wait3A_925] : memref<50x40xi32, #tpu.memory_space<vmem>> -> memref<1x40xi32, #tpu.memory_space<vmem>>
      %dma_wait3A_927 = tpu.memref_squeeze %dma_wait3A_926 : memref<1x40xi32, #tpu.memory_space<vmem>> -> memref<40xi32, #tpu.memory_space<vmem>>
      %dma_wait3A_928 = arith.constant 0 : i32
      %dma_wait3A_929 = arith.constant 0 : i32
      %dma_wait3A_930 = tpu.memref_slice %arg2[%dma_wait3A_928, %dma_wait3A_929] : memref<10000x128xf32, #tpu.memory_space<hbm>> -> memref<10000x128xf32, #tpu.memory_space<hbm>>
      tpu.wait_indirect_dma semaphore(%arg10 : memref<!tpu.dma_semaphore, #tpu.memory_space<semaphore_mem>>) src(%dma_wait3A_930 : memref<10000x128xf32, #tpu.memory_space<hbm>>) dst(%dma_wait3A_924 : memref<40x128xf32, #tpu.memory_space<vmem>>)
      %run_scoped3A_931 = arith.constant 0 : i32
      "tpu.region"() ({
        %run_scoped3A_1061 = tpu.sem_alloc : memref<!tpu.dma_semaphore, #tpu.memory_space<semaphore_mem>>
        %dma_start3A_1062 = arith.constant 0 : i32
        %dma_start3A_1063 = arith.constant 0 : i32
        %dma_start3A_1064 = tpu.memref_slice %arg9[%run_scoped3A_931, %dma_start3A_1062, %dma_start3A_1063] : memref<5x40x128xf32, #tpu.memory_space<vmem>> -> memref<1x40x128xf32, #tpu.memory_space<vmem>>
        %dma_start3A_1065 = tpu.memref_squeeze %dma_start3A_1064 : memref<1x40x128xf32, #tpu.memory_space<vmem>> -> memref<40x128xf32, #tpu.memory_space<vmem>>
        %dma_start3A_1066 = arith.constant 0 : i32
        %dma_start3A_1067 = tpu.memref_slice %arg8[%add3A_919, %dma_start3A_1066] : memref<50x40xi32, #tpu.memory_space<vmem>> -> memref<1x40xi32, #tpu.memory_space<vmem>>
        %dma_start3A_1068 = tpu.memref_squeeze %dma_start3A_1067 : memref<1x40xi32, #tpu.memory_space<vmem>> -> memref<40xi32, #tpu.memory_space<vmem>>
        %dma_start3A_1069 = arith.constant 0 : i32
        %dma_start3A_1070 = arith.constant 0 : i32
        %dma_start3A_1071 = tpu.memref_slice %arg6[%dma_start3A_1069, %dma_start3A_1070] : memref<10240x128xf32, #tpu.memory_space<vmem_shared>> -> memref<10240x128xf32, #tpu.memory_space<vmem_shared>>
        tpu.enqueue_indirect_dma source(%dma_start3A_1065 : memref<40x128xf32, #tpu.memory_space<vmem>>) target(%dma_start3A_1071 : memref<10240x128xf32, #tpu.memory_space<vmem_shared>>) offsets(%dma_start3A_1068 : memref<40xi32, #tpu.memory_space<vmem>>) semaphore(%run_scoped3A_1061 : memref<!tpu.dma_semaphore, #tpu.memory_space<semaphore_mem>>) {add = true}
        %dma_wait3A_1072 = arith.constant 0 : i32
        %dma_wait3A_1073 = arith.constant 0 : i32
        %dma_wait3A_1074 = tpu.memref_slice %arg9[%run_scoped3A_931, %dma_wait3A_1072, %dma_wait3A_1073] : memref<5x40x128xf32, #tpu.memory_space<vmem>> -> memref<1x40x128xf32, #tpu.memory_space<vmem>>
        %dma_wait3A_1075 = tpu.memref_squeeze %dma_wait3A_1074 : memref<1x40x128xf32, #tpu.memory_space<vmem>> -> memref<40x128xf32, #tpu.memory_space<vmem>>
        %dma_wait3A_1076 = arith.constant 0 : i32
        %dma_wait3A_1077 = tpu.memref_slice %arg8[%add3A_919, %dma_wait3A_1076] : memref<50x40xi32, #tpu.memory_space<vmem>> -> memref<1x40xi32, #tpu.memory_space<vmem>>
        %dma_wait3A_1078 = tpu.memref_squeeze %dma_wait3A_1077 : memref<1x40xi32, #tpu.memory_space<vmem>> -> memref<40xi32, #tpu.memory_space<vmem>>
        %dma_wait3A_1079 = arith.constant 0 : i32
        %dma_wait3A_1080 = arith.constant 0 : i32
        %dma_wait3A_1081 = tpu.memref_slice %arg6[%dma_wait3A_1079, %dma_wait3A_1080] : memref<10240x128xf32, #tpu.memory_space<vmem_shared>> -> memref<10240x128xf32, #tpu.memory_space<vmem_shared>>
        tpu.wait_indirect_dma semaphore(%run_scoped3A_1061 : memref<!tpu.dma_semaphore, #tpu.memory_space<semaphore_mem>>) src(%dma_wait3A_1075 : memref<40x128xf32, #tpu.memory_space<vmem>>) dst(%dma_wait3A_1081 : memref<10240x128xf32, #tpu.memory_space<vmem_shared>>)
        tpu.yield
      }) : () -> ()
      %add3A_932 = arith.constant 5 : i32
      %add3A_933 = arith.addi %add3A_919, %add3A_932 : i32
      %dma_start3A_934 = arith.constant 0 : i32
      %dma_start3A_935 = arith.constant 0 : i32
      %dma_start3A_936 = arith.constant 0 : i32
      %dma_start3A_937 = tpu.memref_slice %arg9[%dma_start3A_934, %dma_start3A_935, %dma_start3A_936] : memref<5x40x128xf32, #tpu.memory_space<vmem>> -> memref<1x40x128xf32, #tpu.memory_space<vmem>>
      %dma_start3A_938 = tpu.memref_squeeze %dma_start3A_937 : memref<1x40x128xf32, #tpu.memory_space<vmem>> -> memref<40x128xf32, #tpu.memory_space<vmem>>
      %dma_start3A_939 = arith.constant 0 : i32
      %dma_start3A_940 = tpu.memref_slice %arg7[%add3A_933, %dma_start3A_939] : memref<50x40xi32, #tpu.memory_space<vmem>> -> memref<1x40xi32, #tpu.memory_space<vmem>>
      %dma_start3A_941 = tpu.memref_squeeze %dma_start3A_940 : memref<1x40xi32, #tpu.memory_space<vmem>> -> memref<40xi32, #tpu.memory_space<vmem>>
      %dma_start3A_942 = arith.constant 0 : i32
      %dma_start3A_943 = arith.constant 0 : i32
      %dma_start3A_944 = tpu.memref_slice %arg2[%dma_start3A_942, %dma_start3A_943] : memref<10000x128xf32, #tpu.memory_space<hbm>> -> memref<10000x128xf32, #tpu.memory_space<hbm>>
      tpu.enqueue_indirect_dma source(%dma_start3A_944 : memref<10000x128xf32, #tpu.memory_space<hbm>>) target(%dma_start3A_938 : memref<40x128xf32, #tpu.memory_space<vmem>>) offsets(%dma_start3A_941 : memref<40xi32, #tpu.memory_space<vmem>>) semaphore(%arg10 : memref<!tpu.dma_semaphore, #tpu.memory_space<semaphore_mem>>)
      %mul3A_945 = arith.constant 5 : i32
      %mul3A_946 = arith.muli %scan3A_915, %mul3A_945 : i32
      %add3A_947 = arith.constant 1 : i32
      %add3A_948 = arith.addi %mul3A_946, %add3A_947 : i32
      %dma_wait3A_949 = arith.constant 1 : i32
      %dma_wait3A_950 = arith.constant 0 : i32
      %dma_wait3A_951 = arith.constant 0 : i32
      %dma_wait3A_952 = tpu.memref_slice %arg9[%dma_wait3A_949, %dma_wait3A_950, %dma_wait3A_951] : memref<5x40x128xf32, #tpu.memory_space<vmem>> -> memref<1x40x128xf32, #tpu.memory_space<vmem>>
      %dma_wait3A_953 = tpu.memref_squeeze %dma_wait3A_952 : memref<1x40x128xf32, #tpu.memory_space<vmem>> -> memref<40x128xf32, #tpu.memory_space<vmem>>
      %dma_wait3A_954 = arith.constant 0 : i32
      %dma_wait3A_955 = tpu.memref_slice %arg7[%add3A_948, %dma_wait3A_954] : memref<50x40xi32, #tpu.memory_space<vmem>> -> memref<1x40xi32, #tpu.memory_space<vmem>>
      %dma_wait3A_956 = tpu.memref_squeeze %dma_wait3A_955 : memref<1x40xi32, #tpu.memory_space<vmem>> -> memref<40xi32, #tpu.memory_space<vmem>>
      %dma_wait3A_957 = arith.constant 0 : i32
      %dma_wait3A_958 = arith.constant 0 : i32
      %dma_wait3A_959 = tpu.memref_slice %arg2[%dma_wait3A_957, %dma_wait3A_958] : memref<10000x128xf32, #tpu.memory_space<hbm>> -> memref<10000x128xf32, #tpu.memory_space<hbm>>
      tpu.wait_indirect_dma semaphore(%arg11 : memref<!tpu.dma_semaphore, #tpu.memory_space<semaphore_mem>>) src(%dma_wait3A_959 : memref<10000x128xf32, #tpu.memory_space<hbm>>) dst(%dma_wait3A_953 : memref<40x128xf32, #tpu.memory_space<vmem>>)
      %run_scoped3A_960 = arith.constant 1 : i32
      "tpu.region"() ({
        %run_scoped3A_1061 = tpu.sem_alloc : memref<!tpu.dma_semaphore, #tpu.memory_space<semaphore_mem>>
        %dma_start3A_1062 = arith.constant 0 : i32
        %dma_start3A_1063 = arith.constant 0 : i32
        %dma_start3A_1064 = tpu.memref_slice %arg9[%run_scoped3A_960, %dma_start3A_1062, %dma_start3A_1063] : memref<5x40x128xf32, #tpu.memory_space<vmem>> -> memref<1x40x128xf32, #tpu.memory_space<vmem>>
        %dma_start3A_1065 = tpu.memref_squeeze %dma_start3A_1064 : memref<1x40x128xf32, #tpu.memory_space<vmem>> -> memref<40x128xf32, #tpu.memory_space<vmem>>
        %dma_start3A_1066 = arith.constant 0 : i32
        %dma_start3A_1067 = tpu.memref_slice %arg8[%add3A_948, %dma_start3A_1066] : memref<50x40xi32, #tpu.memory_space<vmem>> -> memref<1x40xi32, #tpu.memory_space<vmem>>
        %dma_start3A_1068 = tpu.memref_squeeze %dma_start3A_1067 : memref<1x40xi32, #tpu.memory_space<vmem>> -> memref<40xi32, #tpu.memory_space<vmem>>
        %dma_start3A_1069 = arith.constant 0 : i32
        %dma_start3A_1070 = arith.constant 0 : i32
        %dma_start3A_1071 = tpu.memref_slice %arg6[%dma_start3A_1069, %dma_start3A_1070] : memref<10240x128xf32, #tpu.memory_space<vmem_shared>> -> memref<10240x128xf32, #tpu.memory_space<vmem_shared>>
        tpu.enqueue_indirect_dma source(%dma_start3A_1065 : memref<40x128xf32, #tpu.memory_space<vmem>>) target(%dma_start3A_1071 : memref<10240x128xf32, #tpu.memory_space<vmem_shared>>) offsets(%dma_start3A_1068 : memref<40xi32, #tpu.memory_space<vmem>>) semaphore(%run_scoped3A_1061 : memref<!tpu.dma_semaphore, #tpu.memory_space<semaphore_mem>>) {add = true}
        %dma_wait3A_1072 = arith.constant 0 : i32
        %dma_wait3A_1073 = arith.constant 0 : i32
        %dma_wait3A_1074 = tpu.memref_slice %arg9[%run_scoped3A_960, %dma_wait3A_1072, %dma_wait3A_1073] : memref<5x40x128xf32, #tpu.memory_space<vmem>> -> memref<1x40x128xf32, #tpu.memory_space<vmem>>
        %dma_wait3A_1075 = tpu.memref_squeeze %dma_wait3A_1074 : memref<1x40x128xf32, #tpu.memory_space<vmem>> -> memref<40x128xf32, #tpu.memory_space<vmem>>
        %dma_wait3A_1076 = arith.constant 0 : i32
        %dma_wait3A_1077 = tpu.memref_slice %arg8[%add3A_948, %dma_wait3A_1076] : memref<50x40xi32, #tpu.memory_space<vmem>> -> memref<1x40xi32, #tpu.memory_space<vmem>>
        %dma_wait3A_1078 = tpu.memref_squeeze %dma_wait3A_1077 : memref<1x40xi32, #tpu.memory_space<vmem>> -> memref<40xi32, #tpu.memory_space<vmem>>
        %dma_wait3A_1079 = arith.constant 0 : i32
        %dma_wait3A_1080 = arith.constant 0 : i32
        %dma_wait3A_1081 = tpu.memref_slice %arg6[%dma_wait3A_1079, %dma_wait3A_1080] : memref<10240x128xf32, #tpu.memory_space<vmem_shared>> -> memref<10240x128xf32, #tpu.memory_space<vmem_shared>>
        tpu.wait_indirect_dma semaphore(%run_scoped3A_1061 : memref<!tpu.dma_semaphore, #tpu.memory_space<semaphore_mem>>) src(%dma_wait3A_1075 : memref<40x128xf32, #tpu.memory_space<vmem>>) dst(%dma_wait3A_1081 : memref<10240x128xf32, #tpu.memory_space<vmem_shared>>)
        tpu.yield
      }) : () -> ()
      %add3A_961 = arith.constant 5 : i32
      %add3A_962 = arith.addi %add3A_948, %add3A_961 : i32
      %dma_start3A_963 = arith.constant 1 : i32
      %dma_start3A_964 = arith.constant 0 : i32
      %dma_start3A_965 = arith.constant 0 : i32
      %dma_start3A_966 = tpu.memref_slice %arg9[%dma_start3A_963, %dma_start3A_964, %dma_start3A_965] : memref<5x40x128xf32, #tpu.memory_space<vmem>> -> memref<1x40x128xf32, #tpu.memory_space<vmem>>
      %dma_start3A_967 = tpu.memref_squeeze %dma_start3A_966 : memref<1x40x128xf32, #tpu.memory_space<vmem>> -> memref<40x128xf32, #tpu.memory_space<vmem>>
      %dma_start3A_968 = arith.constant 0 : i32
      %dma_start3A_969 = tpu.memref_slice %arg7[%add3A_962, %dma_start3A_968] : memref<50x40xi32, #tpu.memory_space<vmem>> -> memref<1x40xi32, #tpu.memory_space<vmem>>
      %dma_start3A_970 = tpu.memref_squeeze %dma_start3A_969 : memref<1x40xi32, #tpu.memory_space<vmem>> -> memref<40xi32, #tpu.memory_space<vmem>>
      %dma_start3A_971 = arith.constant 0 : i32
      %dma_start3A_972 = arith.constant 0 : i32
      %dma_start3A_973 = tpu.memref_slice %arg2[%dma_start3A_971, %dma_start3A_972] : memref<10000x128xf32, #tpu.memory_space<hbm>> -> memref<10000x128xf32, #tpu.memory_space<hbm>>
      tpu.enqueue_indirect_dma source(%dma_start3A_973 : memref<10000x128xf32, #tpu.memory_space<hbm>>) target(%dma_start3A_967 : memref<40x128xf32, #tpu.memory_space<vmem>>) offsets(%dma_start3A_970 : memref<40xi32, #tpu.memory_space<vmem>>) semaphore(%arg11 : memref<!tpu.dma_semaphore, #tpu.memory_space<semaphore_mem>>)
      %mul3A_974 = arith.constant 5 : i32
      %mul3A_975 = arith.muli %scan3A_915, %mul3A_974 : i32
      %add3A_976 = arith.constant 2 : i32
      %add3A_977 = arith.addi %mul3A_975, %add3A_976 : i32
      %dma_wait3A_978 = arith.constant 2 : i32
      %dma_wait3A_979 = arith.constant 0 : i32
      %dma_wait3A_980 = arith.constant 0 : i32
      %dma_wait3A_981 = tpu.memref_slice %arg9[%dma_wait3A_978, %dma_wait3A_979, %dma_wait3A_980] : memref<5x40x128xf32, #tpu.memory_space<vmem>> -> memref<1x40x128xf32, #tpu.memory_space<vmem>>
      %dma_wait3A_982 = tpu.memref_squeeze %dma_wait3A_981 : memref<1x40x128xf32, #tpu.memory_space<vmem>> -> memref<40x128xf32, #tpu.memory_space<vmem>>
      %dma_wait3A_983 = arith.constant 0 : i32
      %dma_wait3A_984 = tpu.memref_slice %arg7[%add3A_977, %dma_wait3A_983] : memref<50x40xi32, #tpu.memory_space<vmem>> -> memref<1x40xi32, #tpu.memory_space<vmem>>
      %dma_wait3A_985 = tpu.memref_squeeze %dma_wait3A_984 : memref<1x40xi32, #tpu.memory_space<vmem>> -> memref<40xi32, #tpu.memory_space<vmem>>
      %dma_wait3A_986 = arith.constant 0 : i32
      %dma_wait3A_987 = arith.constant 0 : i32
      %dma_wait3A_988 = tpu.memref_slice %arg2[%dma_wait3A_986, %dma_wait3A_987] : memref<10000x128xf32, #tpu.memory_space<hbm>> -> memref<10000x128xf32, #tpu.memory_space<hbm>>
      tpu.wait_indirect_dma semaphore(%arg12 : memref<!tpu.dma_semaphore, #tpu.memory_space<semaphore_mem>>) src(%dma_wait3A_988 : memref<10000x128xf32, #tpu.memory_space<hbm>>) dst(%dma_wait3A_982 : memref<40x128xf32, #tpu.memory_space<vmem>>)
      %run_scoped3A_989 = arith.constant 2 : i32
      "tpu.region"() ({
        %run_scoped3A_1061 = tpu.sem_alloc : memref<!tpu.dma_semaphore, #tpu.memory_space<semaphore_mem>>
        %dma_start3A_1062 = arith.constant 0 : i32
        %dma_start3A_1063 = arith.constant 0 : i32
        %dma_start3A_1064 = tpu.memref_slice %arg9[%run_scoped3A_989, %dma_start3A_1062, %dma_start3A_1063] : memref<5x40x128xf32, #tpu.memory_space<vmem>> -> memref<1x40x128xf32, #tpu.memory_space<vmem>>
        %dma_start3A_1065 = tpu.memref_squeeze %dma_start3A_1064 : memref<1x40x128xf32, #tpu.memory_space<vmem>> -> memref<40x128xf32, #tpu.memory_space<vmem>>
        %dma_start3A_1066 = arith.constant 0 : i32
        %dma_start3A_1067 = tpu.memref_slice %arg8[%add3A_977, %dma_start3A_1066] : memref<50x40xi32, #tpu.memory_space<vmem>> -> memref<1x40xi32, #tpu.memory_space<vmem>>
        %dma_start3A_1068 = tpu.memref_squeeze %dma_start3A_1067 : memref<1x40xi32, #tpu.memory_space<vmem>> -> memref<40xi32, #tpu.memory_space<vmem>>
        %dma_start3A_1069 = arith.constant 0 : i32
        %dma_start3A_1070 = arith.constant 0 : i32
        %dma_start3A_1071 = tpu.memref_slice %arg6[%dma_start3A_1069, %dma_start3A_1070] : memref<10240x128xf32, #tpu.memory_space<vmem_shared>> -> memref<10240x128xf32, #tpu.memory_space<vmem_shared>>
        tpu.enqueue_indirect_dma source(%dma_start3A_1065 : memref<40x128xf32, #tpu.memory_space<vmem>>) target(%dma_start3A_1071 : memref<10240x128xf32, #tpu.memory_space<vmem_shared>>) offsets(%dma_start3A_1068 : memref<40xi32, #tpu.memory_space<vmem>>) semaphore(%run_scoped3A_1061 : memref<!tpu.dma_semaphore, #tpu.memory_space<semaphore_mem>>) {add = true}
        %dma_wait3A_1072 = arith.constant 0 : i32
        %dma_wait3A_1073 = arith.constant 0 : i32
        %dma_wait3A_1074 = tpu.memref_slice %arg9[%run_scoped3A_989, %dma_wait3A_1072, %dma_wait3A_1073] : memref<5x40x128xf32, #tpu.memory_space<vmem>> -> memref<1x40x128xf32, #tpu.memory_space<vmem>>
        %dma_wait3A_1075 = tpu.memref_squeeze %dma_wait3A_1074 : memref<1x40x128xf32, #tpu.memory_space<vmem>> -> memref<40x128xf32, #tpu.memory_space<vmem>>
        %dma_wait3A_1076 = arith.constant 0 : i32
        %dma_wait3A_1077 = tpu.memref_slice %arg8[%add3A_977, %dma_wait3A_1076] : memref<50x40xi32, #tpu.memory_space<vmem>> -> memref<1x40xi32, #tpu.memory_space<vmem>>
        %dma_wait3A_1078 = tpu.memref_squeeze %dma_wait3A_1077 : memref<1x40xi32, #tpu.memory_space<vmem>> -> memref<40xi32, #tpu.memory_space<vmem>>
        %dma_wait3A_1079 = arith.constant 0 : i32
        %dma_wait3A_1080 = arith.constant 0 : i32
        %dma_wait3A_1081 = tpu.memref_slice %arg6[%dma_wait3A_1079, %dma_wait3A_1080] : memref<10240x128xf32, #tpu.memory_space<vmem_shared>> -> memref<10240x128xf32, #tpu.memory_space<vmem_shared>>
        tpu.wait_indirect_dma semaphore(%run_scoped3A_1061 : memref<!tpu.dma_semaphore, #tpu.memory_space<semaphore_mem>>) src(%dma_wait3A_1075 : memref<40x128xf32, #tpu.memory_space<vmem>>) dst(%dma_wait3A_1081 : memref<10240x128xf32, #tpu.memory_space<vmem_shared>>)
        tpu.yield
      }) : () -> ()
      %add3A_990 = arith.constant 5 : i32
      %add3A_991 = arith.addi %add3A_977, %add3A_990 : i32
      %dma_start3A_992 = arith.constant 2 : i32
      %dma_start3A_993 = arith.constant 0 : i32
      %dma_start3A_994 = arith.constant 0 : i32
      %dma_start3A_995 = tpu.memref_slice %arg9[%dma_start3A_992, %dma_start3A_993, %dma_start3A_994] : memref<5x40x128xf32, #tpu.memory_space<vmem>> -> memref<1x40x128xf32, #tpu.memory_space<vmem>>
      %dma_start3A_996 = tpu.memref_squeeze %dma_start3A_995 : memref<1x40x128xf32, #tpu.memory_space<vmem>> -> memref<40x128xf32, #tpu.memory_space<vmem>>
      %dma_start3A_997 = arith.constant 0 : i32
      %dma_start3A_998 = tpu.memref_slice %arg7[%add3A_991, %dma_start3A_997] : memref<50x40xi32, #tpu.memory_space<vmem>> -> memref<1x40xi32, #tpu.memory_space<vmem>>
      %dma_start3A_999 = tpu.memref_squeeze %dma_start3A_998 : memref<1x40xi32, #tpu.memory_space<vmem>> -> memref<40xi32, #tpu.memory_space<vmem>>
      %dma_start3A_1000 = arith.constant 0 : i32
      %dma_start3A_1001 = arith.constant 0 : i32
      %dma_start3A_1002 = tpu.memref_slice %arg2[%dma_start3A_1000, %dma_start3A_1001] : memref<10000x128xf32, #tpu.memory_space<hbm>> -> memref<10000x128xf32, #tpu.memory_space<hbm>>
      tpu.enqueue_indirect_dma source(%dma_start3A_1002 : memref<10000x128xf32, #tpu.memory_space<hbm>>) target(%dma_start3A_996 : memref<40x128xf32, #tpu.memory_space<vmem>>) offsets(%dma_start3A_999 : memref<40xi32, #tpu.memory_space<vmem>>) semaphore(%arg12 : memref<!tpu.dma_semaphore, #tpu.memory_space<semaphore_mem>>)
      %mul3A_1003 = arith.constant 5 : i32
      %mul3A_1004 = arith.muli %scan3A_915, %mul3A_1003 : i32
      %add3A_1005 = arith.constant 3 : i32
      %add3A_1006 = arith.addi %mul3A_1004, %add3A_1005 : i32
      %dma_wait3A_1007 = arith.constant 3 : i32
      %dma_wait3A_1008 = arith.constant 0 : i32
      %dma_wait3A_1009 = arith.constant 0 : i32
      %dma_wait3A_1010 = tpu.memref_slice %arg9[%dma_wait3A_1007, %dma_wait3A_1008, %dma_wait3A_1009] : memref<5x40x128xf32, #tpu.memory_space<vmem>> -> memref<1x40x128xf32, #tpu.memory_space<vmem>>
      %dma_wait3A_1011 = tpu.memref_squeeze %dma_wait3A_1010 : memref<1x40x128xf32, #tpu.memory_space<vmem>> -> memref<40x128xf32, #tpu.memory_space<vmem>>
      %dma_wait3A_1012 = arith.constant 0 : i32
      %dma_wait3A_1013 = tpu.memref_slice %arg7[%add3A_1006, %dma_wait3A_1012] : memref<50x40xi32, #tpu.memory_space<vmem>> -> memref<1x40xi32, #tpu.memory_space<vmem>>
      %dma_wait3A_1014 = tpu.memref_squeeze %dma_wait3A_1013 : memref<1x40xi32, #tpu.memory_space<vmem>> -> memref<40xi32, #tpu.memory_space<vmem>>
      %dma_wait3A_1015 = arith.constant 0 : i32
      %dma_wait3A_1016 = arith.constant 0 : i32
      %dma_wait3A_1017 = tpu.memref_slice %arg2[%dma_wait3A_1015, %dma_wait3A_1016] : memref<10000x128xf32, #tpu.memory_space<hbm>> -> memref<10000x128xf32, #tpu.memory_space<hbm>>
      tpu.wait_indirect_dma semaphore(%arg13 : memref<!tpu.dma_semaphore, #tpu.memory_space<semaphore_mem>>) src(%dma_wait3A_1017 : memref<10000x128xf32, #tpu.memory_space<hbm>>) dst(%dma_wait3A_1011 : memref<40x128xf32, #tpu.memory_space<vmem>>)
      %run_scoped3A_1018 = arith.constant 3 : i32
      "tpu.region"() ({
        %run_scoped3A_1061 = tpu.sem_alloc : memref<!tpu.dma_semaphore, #tpu.memory_space<semaphore_mem>>
        %dma_start3A_1062 = arith.constant 0 : i32
        %dma_start3A_1063 = arith.constant 0 : i32
        %dma_start3A_1064 = tpu.memref_slice %arg9[%run_scoped3A_1018, %dma_start3A_1062, %dma_start3A_1063] : memref<5x40x128xf32, #tpu.memory_space<vmem>> -> memref<1x40x128xf32, #tpu.memory_space<vmem>>
        %dma_start3A_1065 = tpu.memref_squeeze %dma_start3A_1064 : memref<1x40x128xf32, #tpu.memory_space<vmem>> -> memref<40x128xf32, #tpu.memory_space<vmem>>
        %dma_start3A_1066 = arith.constant 0 : i32
        %dma_start3A_1067 = tpu.memref_slice %arg8[%add3A_1006, %dma_start3A_1066] : memref<50x40xi32, #tpu.memory_space<vmem>> -> memref<1x40xi32, #tpu.memory_space<vmem>>
        %dma_start3A_1068 = tpu.memref_squeeze %dma_start3A_1067 : memref<1x40xi32, #tpu.memory_space<vmem>> -> memref<40xi32, #tpu.memory_space<vmem>>
        %dma_start3A_1069 = arith.constant 0 : i32
        %dma_start3A_1070 = arith.constant 0 : i32
        %dma_start3A_1071 = tpu.memref_slice %arg6[%dma_start3A_1069, %dma_start3A_1070] : memref<10240x128xf32, #tpu.memory_space<vmem_shared>> -> memref<10240x128xf32, #tpu.memory_space<vmem_shared>>
        tpu.enqueue_indirect_dma source(%dma_start3A_1065 : memref<40x128xf32, #tpu.memory_space<vmem>>) target(%dma_start3A_1071 : memref<10240x128xf32, #tpu.memory_space<vmem_shared>>) offsets(%dma_start3A_1068 : memref<40xi32, #tpu.memory_space<vmem>>) semaphore(%run_scoped3A_1061 : memref<!tpu.dma_semaphore, #tpu.memory_space<semaphore_mem>>) {add = true}
        %dma_wait3A_1072 = arith.constant 0 : i32
        %dma_wait3A_1073 = arith.constant 0 : i32
        %dma_wait3A_1074 = tpu.memref_slice %arg9[%run_scoped3A_1018, %dma_wait3A_1072, %dma_wait3A_1073] : memref<5x40x128xf32, #tpu.memory_space<vmem>> -> memref<1x40x128xf32, #tpu.memory_space<vmem>>
        %dma_wait3A_1075 = tpu.memref_squeeze %dma_wait3A_1074 : memref<1x40x128xf32, #tpu.memory_space<vmem>> -> memref<40x128xf32, #tpu.memory_space<vmem>>
        %dma_wait3A_1076 = arith.constant 0 : i32
        %dma_wait3A_1077 = tpu.memref_slice %arg8[%add3A_1006, %dma_wait3A_1076] : memref<50x40xi32, #tpu.memory_space<vmem>> -> memref<1x40xi32, #tpu.memory_space<vmem>>
        %dma_wait3A_1078 = tpu.memref_squeeze %dma_wait3A_1077 : memref<1x40xi32, #tpu.memory_space<vmem>> -> memref<40xi32, #tpu.memory_space<vmem>>
        %dma_wait3A_1079 = arith.constant 0 : i32
        %dma_wait3A_1080 = arith.constant 0 : i32
        %dma_wait3A_1081 = tpu.memref_slice %arg6[%dma_wait3A_1079, %dma_wait3A_1080] : memref<10240x128xf32, #tpu.memory_space<vmem_shared>> -> memref<10240x128xf32, #tpu.memory_space<vmem_shared>>
        tpu.wait_indirect_dma semaphore(%run_scoped3A_1061 : memref<!tpu.dma_semaphore, #tpu.memory_space<semaphore_mem>>) src(%dma_wait3A_1075 : memref<40x128xf32, #tpu.memory_space<vmem>>) dst(%dma_wait3A_1081 : memref<10240x128xf32, #tpu.memory_space<vmem_shared>>)
        tpu.yield
      }) : () -> ()
      %add3A_1019 = arith.constant 5 : i32
      %add3A_1020 = arith.addi %add3A_1006, %add3A_1019 : i32
      %dma_start3A_1021 = arith.constant 3 : i32
      %dma_start3A_1022 = arith.constant 0 : i32
      %dma_start3A_1023 = arith.constant 0 : i32
      %dma_start3A_1024 = tpu.memref_slice %arg9[%dma_start3A_1021, %dma_start3A_1022, %dma_start3A_1023] : memref<5x40x128xf32, #tpu.memory_space<vmem>> -> memref<1x40x128xf32, #tpu.memory_space<vmem>>
      %dma_start3A_1025 = tpu.memref_squeeze %dma_start3A_1024 : memref<1x40x128xf32, #tpu.memory_space<vmem>> -> memref<40x128xf32, #tpu.memory_space<vmem>>
      %dma_start3A_1026 = arith.constant 0 : i32
      %dma_start3A_1027 = tpu.memref_slice %arg7[%add3A_1020, %dma_start3A_1026] : memref<50x40xi32, #tpu.memory_space<vmem>> -> memref<1x40xi32, #tpu.memory_space<vmem>>
      %dma_start3A_1028 = tpu.memref_squeeze %dma_start3A_1027 : memref<1x40xi32, #tpu.memory_space<vmem>> -> memref<40xi32, #tpu.memory_space<vmem>>
      %dma_start3A_1029 = arith.constant 0 : i32
      %dma_start3A_1030 = arith.constant 0 : i32
      %dma_start3A_1031 = tpu.memref_slice %arg2[%dma_start3A_1029, %dma_start3A_1030] : memref<10000x128xf32, #tpu.memory_space<hbm>> -> memref<10000x128xf32, #tpu.memory_space<hbm>>
      tpu.enqueue_indirect_dma source(%dma_start3A_1031 : memref<10000x128xf32, #tpu.memory_space<hbm>>) target(%dma_start3A_1025 : memref<40x128xf32, #tpu.memory_space<vmem>>) offsets(%dma_start3A_1028 : memref<40xi32, #tpu.memory_space<vmem>>) semaphore(%arg13 : memref<!tpu.dma_semaphore, #tpu.memory_space<semaphore_mem>>)
      %mul3A_1032 = arith.constant 5 : i32
      %mul3A_1033 = arith.muli %scan3A_915, %mul3A_1032 : i32
      %add3A_1034 = arith.constant 4 : i32
      %add3A_1035 = arith.addi %mul3A_1033, %add3A_1034 : i32
      %dma_wait3A_1036 = arith.constant 4 : i32
      %dma_wait3A_1037 = arith.constant 0 : i32
      %dma_wait3A_1038 = arith.constant 0 : i32
      %dma_wait3A_1039 = tpu.memref_slice %arg9[%dma_wait3A_1036, %dma_wait3A_1037, %dma_wait3A_1038] : memref<5x40x128xf32, #tpu.memory_space<vmem>> -> memref<1x40x128xf32, #tpu.memory_space<vmem>>
      %dma_wait3A_1040 = tpu.memref_squeeze %dma_wait3A_1039 : memref<1x40x128xf32, #tpu.memory_space<vmem>> -> memref<40x128xf32, #tpu.memory_space<vmem>>
      %dma_wait3A_1041 = arith.constant 0 : i32
      %dma_wait3A_1042 = tpu.memref_slice %arg7[%add3A_1035, %dma_wait3A_1041] : memref<50x40xi32, #tpu.memory_space<vmem>> -> memref<1x40xi32, #tpu.memory_space<vmem>>
      %dma_wait3A_1043 = tpu.memref_squeeze %dma_wait3A_1042 : memref<1x40xi32, #tpu.memory_space<vmem>> -> memref<40xi32, #tpu.memory_space<vmem>>
      %dma_wait3A_1044 = arith.constant 0 : i32
      %dma_wait3A_1045 = arith.constant 0 : i32
      %dma_wait3A_1046 = tpu.memref_slice %arg2[%dma_wait3A_1044, %dma_wait3A_1045] : memref<10000x128xf32, #tpu.memory_space<hbm>> -> memref<10000x128xf32, #tpu.memory_space<hbm>>
      tpu.wait_indirect_dma semaphore(%arg14 : memref<!tpu.dma_semaphore, #tpu.memory_space<semaphore_mem>>) src(%dma_wait3A_1046 : memref<10000x128xf32, #tpu.memory_space<hbm>>) dst(%dma_wait3A_1040 : memref<40x128xf32, #tpu.memory_space<vmem>>)
      %run_scoped3A_1047 = arith.constant 4 : i32
      "tpu.region"() ({
        %run_scoped3A_1061 = tpu.sem_alloc : memref<!tpu.dma_semaphore, #tpu.memory_space<semaphore_mem>>
        %dma_start3A_1062 = arith.constant 0 : i32
        %dma_start3A_1063 = arith.constant 0 : i32
        %dma_start3A_1064 = tpu.memref_slice %arg9[%run_scoped3A_1047, %dma_start3A_1062, %dma_start3A_1063] : memref<5x40x128xf32, #tpu.memory_space<vmem>> -> memref<1x40x128xf32, #tpu.memory_space<vmem>>
        %dma_start3A_1065 = tpu.memref_squeeze %dma_start3A_1064 : memref<1x40x128xf32, #tpu.memory_space<vmem>> -> memref<40x128xf32, #tpu.memory_space<vmem>>
        %dma_start3A_1066 = arith.constant 0 : i32
        %dma_start3A_1067 = tpu.memref_slice %arg8[%add3A_1035, %dma_start3A_1066] : memref<50x40xi32, #tpu.memory_space<vmem>> -> memref<1x40xi32, #tpu.memory_space<vmem>>
        %dma_start3A_1068 = tpu.memref_squeeze %dma_start3A_1067 : memref<1x40xi32, #tpu.memory_space<vmem>> -> memref<40xi32, #tpu.memory_space<vmem>>
        %dma_start3A_1069 = arith.constant 0 : i32
        %dma_start3A_1070 = arith.constant 0 : i32
        %dma_start3A_1071 = tpu.memref_slice %arg6[%dma_start3A_1069, %dma_start3A_1070] : memref<10240x128xf32, #tpu.memory_space<vmem_shared>> -> memref<10240x128xf32, #tpu.memory_space<vmem_shared>>
        tpu.enqueue_indirect_dma source(%dma_start3A_1065 : memref<40x128xf32, #tpu.memory_space<vmem>>) target(%dma_start3A_1071 : memref<10240x128xf32, #tpu.memory_space<vmem_shared>>) offsets(%dma_start3A_1068 : memref<40xi32, #tpu.memory_space<vmem>>) semaphore(%run_scoped3A_1061 : memref<!tpu.dma_semaphore, #tpu.memory_space<semaphore_mem>>) {add = true}
        %dma_wait3A_1072 = arith.constant 0 : i32
        %dma_wait3A_1073 = arith.constant 0 : i32
        %dma_wait3A_1074 = tpu.memref_slice %arg9[%run_scoped3A_1047, %dma_wait3A_1072, %dma_wait3A_1073] : memref<5x40x128xf32, #tpu.memory_space<vmem>> -> memref<1x40x128xf32, #tpu.memory_space<vmem>>
        %dma_wait3A_1075 = tpu.memref_squeeze %dma_wait3A_1074 : memref<1x40x128xf32, #tpu.memory_space<vmem>> -> memref<40x128xf32, #tpu.memory_space<vmem>>
        %dma_wait3A_1076 = arith.constant 0 : i32
        %dma_wait3A_1077 = tpu.memref_slice %arg8[%add3A_1035, %dma_wait3A_1076] : memref<50x40xi32, #tpu.memory_space<vmem>> -> memref<1x40xi32, #tpu.memory_space<vmem>>
        %dma_wait3A_1078 = tpu.memref_squeeze %dma_wait3A_1077 : memref<1x40xi32, #tpu.memory_space<vmem>> -> memref<40xi32, #tpu.memory_space<vmem>>
        %dma_wait3A_1079 = arith.constant 0 : i32
        %dma_wait3A_1080 = arith.constant 0 : i32
        %dma_wait3A_1081 = tpu.memref_slice %arg6[%dma_wait3A_1079, %dma_wait3A_1080] : memref<10240x128xf32, #tpu.memory_space<vmem_shared>> -> memref<10240x128xf32, #tpu.memory_space<vmem_shared>>
        tpu.wait_indirect_dma semaphore(%run_scoped3A_1061 : memref<!tpu.dma_semaphore, #tpu.memory_space<semaphore_mem>>) src(%dma_wait3A_1075 : memref<40x128xf32, #tpu.memory_space<vmem>>) dst(%dma_wait3A_1081 : memref<10240x128xf32, #tpu.memory_space<vmem_shared>>)
        tpu.yield
      }) : () -> ()
      %add3A_1048 = arith.constant 5 : i32
      %add3A_1049 = arith.addi %add3A_1035, %add3A_1048 : i32
      %dma_start3A_1050 = arith.constant 4 : i32
      %dma_start3A_1051 = arith.constant 0 : i32
      %dma_start3A_1052 = arith.constant 0 : i32
      %dma_start3A_1053 = tpu.memref_slice %arg9[%dma_start3A_1050, %dma_start3A_1051, %dma_start3A_1052] : memref<5x40x128xf32, #tpu.memory_space<vmem>> -> memref<1x40x128xf32, #tpu.memory_space<vmem>>
      %dma_start3A_1054 = tpu.memref_squeeze %dma_start3A_1053 : memref<1x40x128xf32, #tpu.memory_space<vmem>> -> memref<40x128xf32, #tpu.memory_space<vmem>>
      %dma_start3A_1055 = arith.constant 0 : i32
      %dma_start3A_1056 = tpu.memref_slice %arg7[%add3A_1049, %dma_start3A_1055] : memref<50x40xi32, #tpu.memory_space<vmem>> -> memref<1x40xi32, #tpu.memory_space<vmem>>
      %dma_start3A_1057 = tpu.memref_squeeze %dma_start3A_1056 : memref<1x40xi32, #tpu.memory_space<vmem>> -> memref<40xi32, #tpu.memory_space<vmem>>
      %dma_start3A_1058 = arith.constant 0 : i32
      %dma_start3A_1059 = arith.constant 0 : i32
      %dma_start3A_1060 = tpu.memref_slice %arg2[%dma_start3A_1058, %dma_start3A_1059] : memref<10000x128xf32, #tpu.memory_space<hbm>> -> memref<10000x128xf32, #tpu.memory_space<hbm>>
      tpu.enqueue_indirect_dma source(%dma_start3A_1060 : memref<10000x128xf32, #tpu.memory_space<hbm>>) target(%dma_start3A_1054 : memref<40x128xf32, #tpu.memory_space<vmem>>) offsets(%dma_start3A_1057 : memref<40xi32, #tpu.memory_space<vmem>>) semaphore(%arg14 : memref<!tpu.dma_semaphore, #tpu.memory_space<semaphore_mem>>)
    }
    %scan3A_843 = arith.constant 9 : i32
    %dma_wait3A_844 = arith.constant 45 : i32
    %dma_wait3A_845 = arith.constant 0 : i32
    %dma_wait3A_846 = arith.constant 0 : i32
    %dma_wait3A_847 = arith.constant 0 : i32
    %dma_wait3A_848 = tpu.memref_slice %arg9[%dma_wait3A_845, %dma_wait3A_846, %dma_wait3A_847] : memref<5x40x128xf32, #tpu.memory_space<vmem>> -> memref<1x40x128xf32, #tpu.memory_space<vmem>>
    %dma_wait3A_849 = tpu.memref_squeeze %dma_wait3A_848 : memref<1x40x128xf32, #tpu.memory_space<vmem>> -> memref<40x128xf32, #tpu.memory_space<vmem>>
    %dma_wait3A_850 = arith.constant 0 : i32
    %dma_wait3A_851 = tpu.memref_slice %arg7[%dma_wait3A_844, %dma_wait3A_850] : memref<50x40xi32, #tpu.memory_space<vmem>> -> memref<1x40xi32, #tpu.memory_space<vmem>>
    %dma_wait3A_852 = tpu.memref_squeeze %dma_wait3A_851 : memref<1x40xi32, #tpu.memory_space<vmem>> -> memref<40xi32, #tpu.memory_space<vmem>>
    %dma_wait3A_853 = arith.constant 0 : i32
    %dma_wait3A_854 = arith.constant 0 : i32
    %dma_wait3A_855 = tpu.memref_slice %arg2[%dma_wait3A_853, %dma_wait3A_854] : memref<10000x128xf32, #tpu.memory_space<hbm>> -> memref<10000x128xf32, #tpu.memory_space<hbm>>
    tpu.wait_indirect_dma semaphore(%arg10 : memref<!tpu.dma_semaphore, #tpu.memory_space<semaphore_mem>>) src(%dma_wait3A_855 : memref<10000x128xf32, #tpu.memory_space<hbm>>) dst(%dma_wait3A_849 : memref<40x128xf32, #tpu.memory_space<vmem>>)
    %run_scoped3A_856 = arith.constant 0 : i32
    %run_scoped3A_857 = arith.constant 45 : i32
    "tpu.region"() ({
      %run_scoped3A_915 = tpu.sem_alloc : memref<!tpu.dma_semaphore, #tpu.memory_space<semaphore_mem>>
      %dma_start3A_916 = arith.constant 0 : i32
      %dma_start3A_917 = arith.constant 0 : i32
      %dma_start3A_918 = tpu.memref_slice %arg9[%run_scoped3A_856, %dma_start3A_916, %dma_start3A_917] : memref<5x40x128xf32, #tpu.memory_space<vmem>> -> memref<1x40x128xf32, #tpu.memory_space<vmem>>
      %dma_start3A_919 = tpu.memref_squeeze %dma_start3A_918 : memref<1x40x128xf32, #tpu.memory_space<vmem>> -> memref<40x128xf32, #tpu.memory_space<vmem>>
      %dma_start3A_920 = arith.constant 0 : i32
      %dma_start3A_921 = tpu.memref_slice %arg8[%run_scoped3A_857, %dma_start3A_920] : memref<50x40xi32, #tpu.memory_space<vmem>> -> memref<1x40xi32, #tpu.memory_space<vmem>>
      %dma_start3A_922 = tpu.memref_squeeze %dma_start3A_921 : memref<1x40xi32, #tpu.memory_space<vmem>> -> memref<40xi32, #tpu.memory_space<vmem>>
      %dma_start3A_923 = arith.constant 0 : i32
      %dma_start3A_924 = arith.constant 0 : i32
      %dma_start3A_925 = tpu.memref_slice %arg6[%dma_start3A_923, %dma_start3A_924] : memref<10240x128xf32, #tpu.memory_space<vmem_shared>> -> memref<10240x128xf32, #tpu.memory_space<vmem_shared>>
      tpu.enqueue_indirect_dma source(%dma_start3A_919 : memref<40x128xf32, #tpu.memory_space<vmem>>) target(%dma_start3A_925 : memref<10240x128xf32, #tpu.memory_space<vmem_shared>>) offsets(%dma_start3A_922 : memref<40xi32, #tpu.memory_space<vmem>>) semaphore(%run_scoped3A_915 : memref<!tpu.dma_semaphore, #tpu.memory_space<semaphore_mem>>) {add = true}
      %dma_wait3A_926 = arith.constant 0 : i32
      %dma_wait3A_927 = arith.constant 0 : i32
      %dma_wait3A_928 = tpu.memref_slice %arg9[%run_scoped3A_856, %dma_wait3A_926, %dma_wait3A_927] : memref<5x40x128xf32, #tpu.memory_space<vmem>> -> memref<1x40x128xf32, #tpu.memory_space<vmem>>
      %dma_wait3A_929 = tpu.memref_squeeze %dma_wait3A_928 : memref<1x40x128xf32, #tpu.memory_space<vmem>> -> memref<40x128xf32, #tpu.memory_space<vmem>>
      %dma_wait3A_930 = arith.constant 0 : i32
      %dma_wait3A_931 = tpu.memref_slice %arg8[%run_scoped3A_857, %dma_wait3A_930] : memref<50x40xi32, #tpu.memory_space<vmem>> -> memref<1x40xi32, #tpu.memory_space<vmem>>
      %dma_wait3A_932 = tpu.memref_squeeze %dma_wait3A_931 : memref<1x40xi32, #tpu.memory_space<vmem>> -> memref<40xi32, #tpu.memory_space<vmem>>
      %dma_wait3A_933 = arith.constant 0 : i32
      %dma_wait3A_934 = arith.constant 0 : i32
      %dma_wait3A_935 = tpu.memref_slice %arg6[%dma_wait3A_933, %dma_wait3A_934] : memref<10240x128xf32, #tpu.memory_space<vmem_shared>> -> memref<10240x128xf32, #tpu.memory_space<vmem_shared>>
      tpu.wait_indirect_dma semaphore(%run_scoped3A_915 : memref<!tpu.dma_semaphore, #tpu.memory_space<semaphore_mem>>) src(%dma_wait3A_929 : memref<40x128xf32, #tpu.memory_space<vmem>>) dst(%dma_wait3A_935 : memref<10240x128xf32, #tpu.memory_space<vmem_shared>>)
      tpu.yield
    }) : () -> ()
    %dma_wait3A_858 = arith.constant 46 : i32
    %dma_wait3A_859 = arith.constant 1 : i32
    %dma_wait3A_860 = arith.constant 0 : i32
    %dma_wait3A_861 = arith.constant 0 : i32
    %dma_wait3A_862 = tpu.memref_slice %arg9[%dma_wait3A_859, %dma_wait3A_860, %dma_wait3A_861] : memref<5x40x128xf32, #tpu.memory_space<vmem>> -> memref<1x40x128xf32, #tpu.memory_space<vmem>>
    %dma_wait3A_863 = tpu.memref_squeeze %dma_wait3A_862 : memref<1x40x128xf32, #tpu.memory_space<vmem>> -> memref<40x128xf32, #tpu.memory_space<vmem>>
    %dma_wait3A_864 = arith.constant 0 : i32
    %dma_wait3A_865 = tpu.memref_slice %arg7[%dma_wait3A_858, %dma_wait3A_864] : memref<50x40xi32, #tpu.memory_space<vmem>> -> memref<1x40xi32, #tpu.memory_space<vmem>>
    %dma_wait3A_866 = tpu.memref_squeeze %dma_wait3A_865 : memref<1x40xi32, #tpu.memory_space<vmem>> -> memref<40xi32, #tpu.memory_space<vmem>>
    %dma_wait3A_867 = arith.constant 0 : i32
    %dma_wait3A_868 = arith.constant 0 : i32
    %dma_wait3A_869 = tpu.memref_slice %arg2[%dma_wait3A_867, %dma_wait3A_868] : memref<10000x128xf32, #tpu.memory_space<hbm>> -> memref<10000x128xf32, #tpu.memory_space<hbm>>
    tpu.wait_indirect_dma semaphore(%arg11 : memref<!tpu.dma_semaphore, #tpu.memory_space<semaphore_mem>>) src(%dma_wait3A_869 : memref<10000x128xf32, #tpu.memory_space<hbm>>) dst(%dma_wait3A_863 : memref<40x128xf32, #tpu.memory_space<vmem>>)
    %run_scoped3A_870 = arith.constant 1 : i32
    %run_scoped3A_871 = arith.constant 46 : i32
    "tpu.region"() ({
      %run_scoped3A_915 = tpu.sem_alloc : memref<!tpu.dma_semaphore, #tpu.memory_space<semaphore_mem>>
      %dma_start3A_916 = arith.constant 0 : i32
      %dma_start3A_917 = arith.constant 0 : i32
      %dma_start3A_918 = tpu.memref_slice %arg9[%run_scoped3A_870, %dma_start3A_916, %dma_start3A_917] : memref<5x40x128xf32, #tpu.memory_space<vmem>> -> memref<1x40x128xf32, #tpu.memory_space<vmem>>
      %dma_start3A_919 = tpu.memref_squeeze %dma_start3A_918 : memref<1x40x128xf32, #tpu.memory_space<vmem>> -> memref<40x128xf32, #tpu.memory_space<vmem>>
      %dma_start3A_920 = arith.constant 0 : i32
      %dma_start3A_921 = tpu.memref_slice %arg8[%run_scoped3A_871, %dma_start3A_920] : memref<50x40xi32, #tpu.memory_space<vmem>> -> memref<1x40xi32, #tpu.memory_space<vmem>>
      %dma_start3A_922 = tpu.memref_squeeze %dma_start3A_921 : memref<1x40xi32, #tpu.memory_space<vmem>> -> memref<40xi32, #tpu.memory_space<vmem>>
      %dma_start3A_923 = arith.constant 0 : i32
      %dma_start3A_924 = arith.constant 0 : i32
      %dma_start3A_925 = tpu.memref_slice %arg6[%dma_start3A_923, %dma_start3A_924] : memref<10240x128xf32, #tpu.memory_space<vmem_shared>> -> memref<10240x128xf32, #tpu.memory_space<vmem_shared>>
      tpu.enqueue_indirect_dma source(%dma_start3A_919 : memref<40x128xf32, #tpu.memory_space<vmem>>) target(%dma_start3A_925 : memref<10240x128xf32, #tpu.memory_space<vmem_shared>>) offsets(%dma_start3A_922 : memref<40xi32, #tpu.memory_space<vmem>>) semaphore(%run_scoped3A_915 : memref<!tpu.dma_semaphore, #tpu.memory_space<semaphore_mem>>) {add = true}
      %dma_wait3A_926 = arith.constant 0 : i32
      %dma_wait3A_927 = arith.constant 0 : i32
      %dma_wait3A_928 = tpu.memref_slice %arg9[%run_scoped3A_870, %dma_wait3A_926, %dma_wait3A_927] : memref<5x40x128xf32, #tpu.memory_space<vmem>> -> memref<1x40x128xf32, #tpu.memory_space<vmem>>
      %dma_wait3A_929 = tpu.memref_squeeze %dma_wait3A_928 : memref<1x40x128xf32, #tpu.memory_space<vmem>> -> memref<40x128xf32, #tpu.memory_space<vmem>>
      %dma_wait3A_930 = arith.constant 0 : i32
      %dma_wait3A_931 = tpu.memref_slice %arg8[%run_scoped3A_871, %dma_wait3A_930] : memref<50x40xi32, #tpu.memory_space<vmem>> -> memref<1x40xi32, #tpu.memory_space<vmem>>
      %dma_wait3A_932 = tpu.memref_squeeze %dma_wait3A_931 : memref<1x40xi32, #tpu.memory_space<vmem>> -> memref<40xi32, #tpu.memory_space<vmem>>
      %dma_wait3A_933 = arith.constant 0 : i32
      %dma_wait3A_934 = arith.constant 0 : i32
      %dma_wait3A_935 = tpu.memref_slice %arg6[%dma_wait3A_933, %dma_wait3A_934] : memref<10240x128xf32, #tpu.memory_space<vmem_shared>> -> memref<10240x128xf32, #tpu.memory_space<vmem_shared>>
      tpu.wait_indirect_dma semaphore(%run_scoped3A_915 : memref<!tpu.dma_semaphore, #tpu.memory_space<semaphore_mem>>) src(%dma_wait3A_929 : memref<40x128xf32, #tpu.memory_space<vmem>>) dst(%dma_wait3A_935 : memref<10240x128xf32, #tpu.memory_space<vmem_shared>>)
      tpu.yield
    }) : () -> ()
    %dma_wait3A_872 = arith.constant 47 : i32
    %dma_wait3A_873 = arith.constant 2 : i32
    %dma_wait3A_874 = arith.constant 0 : i32
    %dma_wait3A_875 = arith.constant 0 : i32
    %dma_wait3A_876 = tpu.memref_slice %arg9[%dma_wait3A_873, %dma_wait3A_874, %dma_wait3A_875] : memref<5x40x128xf32, #tpu.memory_space<vmem>> -> memref<1x40x128xf32, #tpu.memory_space<vmem>>
    %dma_wait3A_877 = tpu.memref_squeeze %dma_wait3A_876 : memref<1x40x128xf32, #tpu.memory_space<vmem>> -> memref<40x128xf32, #tpu.memory_space<vmem>>
    %dma_wait3A_878 = arith.constant 0 : i32
    %dma_wait3A_879 = tpu.memref_slice %arg7[%dma_wait3A_872, %dma_wait3A_878] : memref<50x40xi32, #tpu.memory_space<vmem>> -> memref<1x40xi32, #tpu.memory_space<vmem>>
    %dma_wait3A_880 = tpu.memref_squeeze %dma_wait3A_879 : memref<1x40xi32, #tpu.memory_space<vmem>> -> memref<40xi32, #tpu.memory_space<vmem>>
    %dma_wait3A_881 = arith.constant 0 : i32
    %dma_wait3A_882 = arith.constant 0 : i32
    %dma_wait3A_883 = tpu.memref_slice %arg2[%dma_wait3A_881, %dma_wait3A_882] : memref<10000x128xf32, #tpu.memory_space<hbm>> -> memref<10000x128xf32, #tpu.memory_space<hbm>>
    tpu.wait_indirect_dma semaphore(%arg12 : memref<!tpu.dma_semaphore, #tpu.memory_space<semaphore_mem>>) src(%dma_wait3A_883 : memref<10000x128xf32, #tpu.memory_space<hbm>>) dst(%dma_wait3A_877 : memref<40x128xf32, #tpu.memory_space<vmem>>)
    %run_scoped3A_884 = arith.constant 2 : i32
    %run_scoped3A_885 = arith.constant 47 : i32
    "tpu.region"() ({
      %run_scoped3A_915 = tpu.sem_alloc : memref<!tpu.dma_semaphore, #tpu.memory_space<semaphore_mem>>
      %dma_start3A_916 = arith.constant 0 : i32
      %dma_start3A_917 = arith.constant 0 : i32
      %dma_start3A_918 = tpu.memref_slice %arg9[%run_scoped3A_884, %dma_start3A_916, %dma_start3A_917] : memref<5x40x128xf32, #tpu.memory_space<vmem>> -> memref<1x40x128xf32, #tpu.memory_space<vmem>>
      %dma_start3A_919 = tpu.memref_squeeze %dma_start3A_918 : memref<1x40x128xf32, #tpu.memory_space<vmem>> -> memref<40x128xf32, #tpu.memory_space<vmem>>
      %dma_start3A_920 = arith.constant 0 : i32
      %dma_start3A_921 = tpu.memref_slice %arg8[%run_scoped3A_885, %dma_start3A_920] : memref<50x40xi32, #tpu.memory_space<vmem>> -> memref<1x40xi32, #tpu.memory_space<vmem>>
      %dma_start3A_922 = tpu.memref_squeeze %dma_start3A_921 : memref<1x40xi32, #tpu.memory_space<vmem>> -> memref<40xi32, #tpu.memory_space<vmem>>
      %dma_start3A_923 = arith.constant 0 : i32
      %dma_start3A_924 = arith.constant 0 : i32
      %dma_start3A_925 = tpu.memref_slice %arg6[%dma_start3A_923, %dma_start3A_924] : memref<10240x128xf32, #tpu.memory_space<vmem_shared>> -> memref<10240x128xf32, #tpu.memory_space<vmem_shared>>
      tpu.enqueue_indirect_dma source(%dma_start3A_919 : memref<40x128xf32, #tpu.memory_space<vmem>>) target(%dma_start3A_925 : memref<10240x128xf32, #tpu.memory_space<vmem_shared>>) offsets(%dma_start3A_922 : memref<40xi32, #tpu.memory_space<vmem>>) semaphore(%run_scoped3A_915 : memref<!tpu.dma_semaphore, #tpu.memory_space<semaphore_mem>>) {add = true}
      %dma_wait3A_926 = arith.constant 0 : i32
      %dma_wait3A_927 = arith.constant 0 : i32
      %dma_wait3A_928 = tpu.memref_slice %arg9[%run_scoped3A_884, %dma_wait3A_926, %dma_wait3A_927] : memref<5x40x128xf32, #tpu.memory_space<vmem>> -> memref<1x40x128xf32, #tpu.memory_space<vmem>>
      %dma_wait3A_929 = tpu.memref_squeeze %dma_wait3A_928 : memref<1x40x128xf32, #tpu.memory_space<vmem>> -> memref<40x128xf32, #tpu.memory_space<vmem>>
      %dma_wait3A_930 = arith.constant 0 : i32
      %dma_wait3A_931 = tpu.memref_slice %arg8[%run_scoped3A_885, %dma_wait3A_930] : memref<50x40xi32, #tpu.memory_space<vmem>> -> memref<1x40xi32, #tpu.memory_space<vmem>>
      %dma_wait3A_932 = tpu.memref_squeeze %dma_wait3A_931 : memref<1x40xi32, #tpu.memory_space<vmem>> -> memref<40xi32, #tpu.memory_space<vmem>>
      %dma_wait3A_933 = arith.constant 0 : i32
      %dma_wait3A_934 = arith.constant 0 : i32
      %dma_wait3A_935 = tpu.memref_slice %arg6[%dma_wait3A_933, %dma_wait3A_934] : memref<10240x128xf32, #tpu.memory_space<vmem_shared>> -> memref<10240x128xf32, #tpu.memory_space<vmem_shared>>
      tpu.wait_indirect_dma semaphore(%run_scoped3A_915 : memref<!tpu.dma_semaphore, #tpu.memory_space<semaphore_mem>>) src(%dma_wait3A_929 : memref<40x128xf32, #tpu.memory_space<vmem>>) dst(%dma_wait3A_935 : memref<10240x128xf32, #tpu.memory_space<vmem_shared>>)
      tpu.yield
    }) : () -> ()
    %dma_wait3A_886 = arith.constant 48 : i32
    %dma_wait3A_887 = arith.constant 3 : i32
    %dma_wait3A_888 = arith.constant 0 : i32
    %dma_wait3A_889 = arith.constant 0 : i32
    %dma_wait3A_890 = tpu.memref_slice %arg9[%dma_wait3A_887, %dma_wait3A_888, %dma_wait3A_889] : memref<5x40x128xf32, #tpu.memory_space<vmem>> -> memref<1x40x128xf32, #tpu.memory_space<vmem>>
    %dma_wait3A_891 = tpu.memref_squeeze %dma_wait3A_890 : memref<1x40x128xf32, #tpu.memory_space<vmem>> -> memref<40x128xf32, #tpu.memory_space<vmem>>
    %dma_wait3A_892 = arith.constant 0 : i32
    %dma_wait3A_893 = tpu.memref_slice %arg7[%dma_wait3A_886, %dma_wait3A_892] : memref<50x40xi32, #tpu.memory_space<vmem>> -> memref<1x40xi32, #tpu.memory_space<vmem>>
    %dma_wait3A_894 = tpu.memref_squeeze %dma_wait3A_893 : memref<1x40xi32, #tpu.memory_space<vmem>> -> memref<40xi32, #tpu.memory_space<vmem>>
    %dma_wait3A_895 = arith.constant 0 : i32
    %dma_wait3A_896 = arith.constant 0 : i32
    %dma_wait3A_897 = tpu.memref_slice %arg2[%dma_wait3A_895, %dma_wait3A_896] : memref<10000x128xf32, #tpu.memory_space<hbm>> -> memref<10000x128xf32, #tpu.memory_space<hbm>>
    tpu.wait_indirect_dma semaphore(%arg13 : memref<!tpu.dma_semaphore, #tpu.memory_space<semaphore_mem>>) src(%dma_wait3A_897 : memref<10000x128xf32, #tpu.memory_space<hbm>>) dst(%dma_wait3A_891 : memref<40x128xf32, #tpu.memory_space<vmem>>)
    %run_scoped3A_898 = arith.constant 3 : i32
    %run_scoped3A_899 = arith.constant 48 : i32
    "tpu.region"() ({
      %run_scoped3A_915 = tpu.sem_alloc : memref<!tpu.dma_semaphore, #tpu.memory_space<semaphore_mem>>
      %dma_start3A_916 = arith.constant 0 : i32
      %dma_start3A_917 = arith.constant 0 : i32
      %dma_start3A_918 = tpu.memref_slice %arg9[%run_scoped3A_898, %dma_start3A_916, %dma_start3A_917] : memref<5x40x128xf32, #tpu.memory_space<vmem>> -> memref<1x40x128xf32, #tpu.memory_space<vmem>>
      %dma_start3A_919 = tpu.memref_squeeze %dma_start3A_918 : memref<1x40x128xf32, #tpu.memory_space<vmem>> -> memref<40x128xf32, #tpu.memory_space<vmem>>
      %dma_start3A_920 = arith.constant 0 : i32
      %dma_start3A_921 = tpu.memref_slice %arg8[%run_scoped3A_899, %dma_start3A_920] : memref<50x40xi32, #tpu.memory_space<vmem>> -> memref<1x40xi32, #tpu.memory_space<vmem>>
      %dma_start3A_922 = tpu.memref_squeeze %dma_start3A_921 : memref<1x40xi32, #tpu.memory_space<vmem>> -> memref<40xi32, #tpu.memory_space<vmem>>
      %dma_start3A_923 = arith.constant 0 : i32
      %dma_start3A_924 = arith.constant 0 : i32
      %dma_start3A_925 = tpu.memref_slice %arg6[%dma_start3A_923, %dma_start3A_924] : memref<10240x128xf32, #tpu.memory_space<vmem_shared>> -> memref<10240x128xf32, #tpu.memory_space<vmem_shared>>
      tpu.enqueue_indirect_dma source(%dma_start3A_919 : memref<40x128xf32, #tpu.memory_space<vmem>>) target(%dma_start3A_925 : memref<10240x128xf32, #tpu.memory_space<vmem_shared>>) offsets(%dma_start3A_922 : memref<40xi32, #tpu.memory_space<vmem>>) semaphore(%run_scoped3A_915 : memref<!tpu.dma_semaphore, #tpu.memory_space<semaphore_mem>>) {add = true}
      %dma_wait3A_926 = arith.constant 0 : i32
      %dma_wait3A_927 = arith.constant 0 : i32
      %dma_wait3A_928 = tpu.memref_slice %arg9[%run_scoped3A_898, %dma_wait3A_926, %dma_wait3A_927] : memref<5x40x128xf32, #tpu.memory_space<vmem>> -> memref<1x40x128xf32, #tpu.memory_space<vmem>>
      %dma_wait3A_929 = tpu.memref_squeeze %dma_wait3A_928 : memref<1x40x128xf32, #tpu.memory_space<vmem>> -> memref<40x128xf32, #tpu.memory_space<vmem>>
      %dma_wait3A_930 = arith.constant 0 : i32
      %dma_wait3A_931 = tpu.memref_slice %arg8[%run_scoped3A_899, %dma_wait3A_930] : memref<50x40xi32, #tpu.memory_space<vmem>> -> memref<1x40xi32, #tpu.memory_space<vmem>>
      %dma_wait3A_932 = tpu.memref_squeeze %dma_wait3A_931 : memref<1x40xi32, #tpu.memory_space<vmem>> -> memref<40xi32, #tpu.memory_space<vmem>>
      %dma_wait3A_933 = arith.constant 0 : i32
      %dma_wait3A_934 = arith.constant 0 : i32
      %dma_wait3A_935 = tpu.memref_slice %arg6[%dma_wait3A_933, %dma_wait3A_934] : memref<10240x128xf32, #tpu.memory_space<vmem_shared>> -> memref<10240x128xf32, #tpu.memory_space<vmem_shared>>
      tpu.wait_indirect_dma semaphore(%run_scoped3A_915 : memref<!tpu.dma_semaphore, #tpu.memory_space<semaphore_mem>>) src(%dma_wait3A_929 : memref<40x128xf32, #tpu.memory_space<vmem>>) dst(%dma_wait3A_935 : memref<10240x128xf32, #tpu.memory_space<vmem_shared>>)
      tpu.yield
    }) : () -> ()
    %dma_wait3A_900 = arith.constant 49 : i32
    %dma_wait3A_901 = arith.constant 4 : i32
    %dma_wait3A_902 = arith.constant 0 : i32
    %dma_wait3A_903 = arith.constant 0 : i32
    %dma_wait3A_904 = tpu.memref_slice %arg9[%dma_wait3A_901, %dma_wait3A_902, %dma_wait3A_903] : memref<5x40x128xf32, #tpu.memory_space<vmem>> -> memref<1x40x128xf32, #tpu.memory_space<vmem>>
    %dma_wait3A_905 = tpu.memref_squeeze %dma_wait3A_904 : memref<1x40x128xf32, #tpu.memory_space<vmem>> -> memref<40x128xf32, #tpu.memory_space<vmem>>
    %dma_wait3A_906 = arith.constant 0 : i32
    %dma_wait3A_907 = tpu.memref_slice %arg7[%dma_wait3A_900, %dma_wait3A_906] : memref<50x40xi32, #tpu.memory_space<vmem>> -> memref<1x40xi32, #tpu.memory_space<vmem>>
    %dma_wait3A_908 = tpu.memref_squeeze %dma_wait3A_907 : memref<1x40xi32, #tpu.memory_space<vmem>> -> memref<40xi32, #tpu.memory_space<vmem>>
    %dma_wait3A_909 = arith.constant 0 : i32
    %dma_wait3A_910 = arith.constant 0 : i32
    %dma_wait3A_911 = tpu.memref_slice %arg2[%dma_wait3A_909, %dma_wait3A_910] : memref<10000x128xf32, #tpu.memory_space<hbm>> -> memref<10000x128xf32, #tpu.memory_space<hbm>>
    tpu.wait_indirect_dma semaphore(%arg14 : memref<!tpu.dma_semaphore, #tpu.memory_space<semaphore_mem>>) src(%dma_wait3A_911 : memref<10000x128xf32, #tpu.memory_space<hbm>>) dst(%dma_wait3A_905 : memref<40x128xf32, #tpu.memory_space<vmem>>)
    %run_scoped3A_912 = arith.constant 4 : i32
    %run_scoped3A_913 = arith.constant 49 : i32
    "tpu.region"() ({
      %run_scoped3A_915 = tpu.sem_alloc : memref<!tpu.dma_semaphore, #tpu.memory_space<semaphore_mem>>
      %dma_start3A_916 = arith.constant 0 : i32
      %dma_start3A_917 = arith.constant 0 : i32
      %dma_start3A_918 = tpu.memref_slice %arg9[%run_scoped3A_912, %dma_start3A_916, %dma_start3A_917] : memref<5x40x128xf32, #tpu.memory_space<vmem>> -> memref<1x40x128xf32, #tpu.memory_space<vmem>>
      %dma_start3A_919 = tpu.memref_squeeze %dma_start3A_918 : memref<1x40x128xf32, #tpu.memory_space<vmem>> -> memref<40x128xf32, #tpu.memory_space<vmem>>
      %dma_start3A_920 = arith.constant 0 : i32
      %dma_start3A_921 = tpu.memref_slice %arg8[%run_scoped3A_913, %dma_start3A_920] : memref<50x40xi32, #tpu.memory_space<vmem>> -> memref<1x40xi32, #tpu.memory_space<vmem>>
      %dma_start3A_922 = tpu.memref_squeeze %dma_start3A_921 : memref<1x40xi32, #tpu.memory_space<vmem>> -> memref<40xi32, #tpu.memory_space<vmem>>
      %dma_start3A_923 = arith.constant 0 : i32
      %dma_start3A_924 = arith.constant 0 : i32
      %dma_start3A_925 = tpu.memref_slice %arg6[%dma_start3A_923, %dma_start3A_924] : memref<10240x128xf32, #tpu.memory_space<vmem_shared>> -> memref<10240x128xf32, #tpu.memory_space<vmem_shared>>
      tpu.enqueue_indirect_dma source(%dma_start3A_919 : memref<40x128xf32, #tpu.memory_space<vmem>>) target(%dma_start3A_925 : memref<10240x128xf32, #tpu.memory_space<vmem_shared>>) offsets(%dma_start3A_922 : memref<40xi32, #tpu.memory_space<vmem>>) semaphore(%run_scoped3A_915 : memref<!tpu.dma_semaphore, #tpu.memory_space<semaphore_mem>>) {add = true}
      %dma_wait3A_926 = arith.constant 0 : i32
      %dma_wait3A_927 = arith.constant 0 : i32
      %dma_wait3A_928 = tpu.memref_slice %arg9[%run_scoped3A_912, %dma_wait3A_926, %dma_wait3A_927] : memref<5x40x128xf32, #tpu.memory_space<vmem>> -> memref<1x40x128xf32, #tpu.memory_space<vmem>>
      %dma_wait3A_929 = tpu.memref_squeeze %dma_wait3A_928 : memref<1x40x128xf32, #tpu.memory_space<vmem>> -> memref<40x128xf32, #tpu.memory_space<vmem>>
      %dma_wait3A_930 = arith.constant 0 : i32
      %dma_wait3A_931 = tpu.memref_slice %arg8[%run_scoped3A_913, %dma_wait3A_930] : memref<50x40xi32, #tpu.memory_space<vmem>> -> memref<1x40xi32, #tpu.memory_space<vmem>>
      %dma_wait3A_932 = tpu.memref_squeeze %dma_wait3A_931 : memref<1x40xi32, #tpu.memory_space<vmem>> -> memref<40xi32, #tpu.memory_space<vmem>>
      %dma_wait3A_933 = arith.constant 0 : i32
      %dma_wait3A_934 = arith.constant 0 : i32
      %dma_wait3A_935 = tpu.memref_slice %arg6[%dma_wait3A_933, %dma_wait3A_934] : memref<10240x128xf32, #tpu.memory_space<vmem_shared>> -> memref<10240x128xf32, #tpu.memory_space<vmem_shared>>
      tpu.wait_indirect_dma semaphore(%run_scoped3A_915 : memref<!tpu.dma_semaphore, #tpu.memory_space<semaphore_mem>>) src(%dma_wait3A_929 : memref<40x128xf32, #tpu.memory_space<vmem>>) dst(%dma_wait3A_935 : memref<10240x128xf32, #tpu.memory_space<vmem_shared>>)
      tpu.yield
    }) : () -> ()
    %barrier3A_914 = arith.constant 0 : index
    tpu.barrier barrier_id(%barrier3A_914)
    "tpu.region"() ({
      %run_scoped3A_915 = tpu.sem_alloc : memref<!tpu.dma_semaphore, #tpu.memory_space<semaphore_mem>>
      %dma_start3A_916 = arith.constant 0 : i32
      %dma_start3A_917 = tpu.memref_slice %arg5[%arg0, %mul3A_0, %dma_start3A_916] : memref<2x10240x128xf32, #tpu.memory_space<hbm>> -> memref<1x640x128xf32, #tpu.memory_space<hbm>>
      %dma_start3A_918 = tpu.memref_squeeze %dma_start3A_917 : memref<1x640x128xf32, #tpu.memory_space<hbm>> -> memref<640x128xf32, #tpu.memory_space<hbm>>
      %dma_start3A_919 = arith.constant 0 : i32
      %dma_start3A_920 = tpu.memref_slice %arg6[%mul3A_0, %dma_start3A_919] : memref<10240x128xf32, #tpu.memory_space<vmem_shared>> -> memref<640x128xf32, #tpu.memory_space<vmem_shared>>
      tpu.enqueue_dma source(%dma_start3A_920 : memref<640x128xf32, #tpu.memory_space<vmem_shared>>) target(%dma_start3A_918 : memref<640x128xf32, #tpu.memory_space<hbm>>) target_semaphore(%run_scoped3A_915 : memref<!tpu.dma_semaphore, #tpu.memory_space<semaphore_mem>>)
      %dma_wait3A_921 = arith.constant 0 : i32
      %dma_wait3A_922 = tpu.memref_slice %arg5[%arg0, %mul3A_0, %dma_wait3A_921] : memref<2x10240x128xf32, #tpu.memory_space<hbm>> -> memref<1x640x128xf32, #tpu.memory_space<hbm>>
      %dma_wait3A_923 = tpu.memref_squeeze %dma_wait3A_922 : memref<1x640x128xf32, #tpu.memory_space<hbm>> -> memref<640x128xf32, #tpu.memory_space<hbm>>
      %dma_wait3A_924 = arith.constant 0 : i32
      %dma_wait3A_925 = tpu.memref_slice %arg6[%mul3A_0, %dma_wait3A_924] : memref<10240x128xf32, #tpu.memory_space<vmem_shared>> -> memref<640x128xf32, #tpu.memory_space<vmem_shared>>
      tpu.wait_dma2 semaphore(%run_scoped3A_915 : memref<!tpu.dma_semaphore, #tpu.memory_space<semaphore_mem>>) src(%dma_wait3A_925 : memref<640x128xf32, #tpu.memory_space<vmem_shared>>) dst(%dma_wait3A_923 : memref<640x128xf32, #tpu.memory_space<hbm>>)
      tpu.yield
    }) : () -> ()
    return
  }
}

module attributes {stable_mosaic.version = 14 : i64} {
  func.func @body(%arg0: memref<2x10240x128xf32, #tpu.memory_space<vmem>>, %arg1: memref<10000x128xf32, #tpu.memory_space<vmem>>, %arg2: memref<1x10000xi32, #tpu.memory_space<vmem>>, %arg3: memref<128x128xf32, #tpu.memory_space<vmem>>, %arg4: memref<128x128xf32, #tpu.memory_space<vmem>>, %arg5: memref<128x1xf32, #tpu.memory_space<vmem>>, %arg6: memref<1x1xf32, #tpu.memory_space<vmem>>, %arg7: memref<64x1xf32, #tpu.memory_space<vmem>>) attributes {dimension_semantics = [], scalar_prefetch = 0 : i64, scratch_operands = 0 : i64, tpu.core_type = #tpu.core_type<tc>} {
    %get3A = arith.constant 0 : index
    %get3A_0 = arith.constant 0 : index
    %get3A_1 = arith.constant 0 : index
    %get3A_2 = vector.load %arg0[%get3A, %get3A_0, %get3A_1] : memref<2x10240x128xf32, #tpu.memory_space<vmem>>, vector<1x10000x128xf32>
    %get3A_3 = vector.shape_cast %get3A_2 : vector<1x10000x128xf32> to vector<10000x128xf32>
    %get3A_4 = arith.constant 1 : index
    %get3A_5 = arith.constant 0 : index
    %get3A_6 = arith.constant 0 : index
    %get3A_7 = vector.load %arg0[%get3A_4, %get3A_5, %get3A_6] : memref<2x10240x128xf32, #tpu.memory_space<vmem>>, vector<1x10000x128xf32>
    %get3A_8 = vector.shape_cast %get3A_7 : vector<1x10000x128xf32> to vector<10000x128xf32>
    %add3A = arith.addf %get3A_3, %get3A_8 : vector<10000x128xf32>
    %get3A_9 = arith.constant 0 : index
    %get3A_10 = arith.constant 0 : index
    %get3A_11 = vector.load %arg3[%get3A_9, %get3A_10] : memref<128x128xf32, #tpu.memory_space<vmem>>, vector<128x128xf32>
    %dot_general3A = arith.constant dense<0.000000e+00> : vector<10000x128xf32>
    %dot_general3A_12 = tpu.matmul %add3A, %get3A_11, %dot_general3A {dimension_numbers = #tpu.dot_dimension_numbers<[1], [0], [0], [1], [0, 0, 1, 1], [], []>, transpose_lhs_hint = false} : vector<10000x128xf32>, vector<128x128xf32>, vector<10000x128xf32> -> vector<10000x128xf32>
    %get3A_13 = arith.constant 0 : index
    %get3A_14 = arith.constant 0 : index
    %get3A_15 = vector.load %arg4[%get3A_13, %get3A_14] : memref<128x128xf32, #tpu.memory_space<vmem>>, vector<128x128xf32>
    %dot_general3A_16 = arith.constant dense<0.000000e+00> : vector<10000x128xf32>
    %dot_general3A_17 = tpu.matmul %dot_general3A_12, %get3A_15, %dot_general3A_16 {dimension_numbers = #tpu.dot_dimension_numbers<[1], [0], [0], [1], [0, 0, 1, 1], [], []>, transpose_lhs_hint = false} : vector<10000x128xf32>, vector<128x128xf32>, vector<10000x128xf32> -> vector<10000x128xf32>
    %get3A_18 = arith.constant 0 : index
    %get3A_19 = arith.constant 0 : index
    %get3A_20 = vector.load %arg1[%get3A_18, %get3A_19] : memref<10000x128xf32, #tpu.memory_space<vmem>>, vector<10000x128xf32>
    %add3A_21 = arith.addf %dot_general3A_17, %get3A_20 : vector<10000x128xf32>
    %max3A = arith.constant 0.000000e+00 : f32
    %max3A_22 = vector.broadcast %max3A : f32 to vector<10000x128xf32>
    %max3A_23 = arith.maximumf %add3A_21, %max3A_22 : vector<10000x128xf32>
    %get3A_24 = arith.constant 0 : index
    %get3A_25 = arith.constant 0 : index
    %get3A_26 = vector.load %arg2[%get3A_24, %get3A_25] : memref<1x10000xi32, #tpu.memory_space<vmem>>, vector<1x10000xi32>
    %reshape3A = vector.shape_cast %get3A_26 : vector<1x10000xi32> to vector<10000x1xi32>
    %iota3A = tpu.iota {dimensions = array<i32: 1>} : vector<10000x64xi32>
    %eq3A = vector.broadcast %reshape3A : vector<10000x1xi32> to vector<10000x64xi32>
    %eq3A_27 = arith.cmpi eq, %eq3A, %iota3A : vector<10000x64xi32>
    %convert_element_type3A = arith.extui %eq3A_27 : vector<10000x64xi1> to vector<10000x64xi32>
    %convert_element_type3A_28 = arith.sitofp %convert_element_type3A : vector<10000x64xi32> to vector<10000x64xf32>
    %dot_general3A_29 = arith.constant dense<0.000000e+00> : vector<64x128xf32>
    %dot_general3A_30 = tpu.matmul %convert_element_type3A_28, %max3A_23, %dot_general3A_29 {dimension_numbers = #tpu.dot_dimension_numbers<[0], [0], [1], [1], [0, 1, 1, 1], [], []>, transpose_lhs_hint = false} : vector<10000x64xf32>, vector<10000x128xf32>, vector<64x128xf32> -> vector<64x128xf32>
    %get3A_31 = arith.constant 0 : index
    %get3A_32 = arith.constant 0 : index
    %get3A_33 = vector.load %arg5[%get3A_31, %get3A_32] : memref<128x1xf32, #tpu.memory_space<vmem>>, vector<128x1xf32>
    %dot_general3A_34 = arith.constant dense<0.000000e+00> : vector<64x1xf32>
    %dot_general3A_35 = tpu.matmul %dot_general3A_30, %get3A_33, %dot_general3A_34 {dimension_numbers = #tpu.dot_dimension_numbers<[1], [0], [0], [1], [0, 0, 1, 1], [], []>, transpose_lhs_hint = false} : vector<64x128xf32>, vector<128x1xf32>, vector<64x1xf32> -> vector<64x1xf32>
    %get3A_36 = arith.constant 0 : index
    %get3A_37 = arith.constant 0 : index
    %get3A_38 = vector.load %arg6[%get3A_36, %get3A_37] : memref<1x1xf32, #tpu.memory_space<vmem>>, vector<1x1xf32>
    %get3A_39 = vector.extract %get3A_38[0, 0] : f32 from vector<1x1xf32>
    %add3A_40 = vector.broadcast %get3A_39 : f32 to vector<64x1xf32>
    %add3A_41 = arith.addf %dot_general3A_35, %add3A_40 : vector<64x1xf32>
    %neg3A = arith.constant 0.000000e+00 : f32
    %neg3A_42 = vector.broadcast %neg3A : f32 to vector<64x1xf32>
    %neg3A_43 = arith.subf %neg3A_42, %add3A_41 : vector<64x1xf32>
    %exp3A = math.exp %neg3A_43 : vector<64x1xf32>
    %add3A_44 = arith.constant 1.000000e+00 : f32
    %add3A_45 = vector.broadcast %add3A_44 : f32 to vector<64x1xf32>
    %add3A_46 = arith.addf %add3A_45, %exp3A : vector<64x1xf32>
    %div3A = arith.constant 1.000000e+00 : f32
    %div3A_47 = vector.broadcast %div3A : f32 to vector<64x1xf32>
    %div3A_48 = arith.divf %div3A_47, %add3A_46 : vector<64x1xf32>
    %swap3A = arith.constant 0 : index
    %swap3A_49 = arith.constant 0 : index
    %swap3A_50 = vector.load %arg7[%swap3A, %swap3A_49] : memref<64x1xf32, #tpu.memory_space<vmem>>, vector<64x1xf32>
    tpu.vector_store %arg7[%swap3A, %swap3A_49], %div3A_48 {strides = array<i32>} : memref<64x1xf32, #tpu.memory_space<vmem>>, vector<64x1xf32>,
    return
  }
}

</mosaic_0001>

<sc_bundles>
// kernel: kernel.4.cloned.1.call-start
scs
__scs_entry_jumppad:
0x0: {  	(pc) =	sbr.rel $0x88, $3  }
0x1: {  	(tag) =	ssettag $0x0;
	lr =	simm.s32 $0x1  }
0x2: {  	[smem:$0x3F9A] =	sst lr;
	_ =	strace $0xD0000000  }
0x3: {  	_ = 	snop  }
0x4: {  	_ = 	snop  }
0x5: {  	_ = 	snop  }
0x6: {  	_ = 	snop  }
0x7: {  	_ = 	snop  }
__scs_overlays_trampoline_lowered:
0x8: {  	[smem:$0x3FA9] =	sst s0  }
0x9: {  	[smem:$0x3FAA] =	sst s1  }
0xa: {  	[smem:$0x3FAB] =	sst s2  }
0xb: {  	[smem:$0x3FAC] =	sst s3  }
0xc: {  	[smem:$0x3FAD] =	sst s4  }
0xd: {  	[smem:$0x3FAE] =	sst s5  }
0xe: {  	[smem:$0x3FAF] =	sst s6  }
0xf: {  	[smem:$0x3FB0] =	sst s7  }
0x10: {  	[smem:$0x3FB1] =	sst s8  }
0x11: {  	[smem:$0x3FB2] =	sst s9;
	s0 =	simm.s32 @!p0 $0x0  }
0x12: {  	s1 =	sld [smem:$0x3F98];
	s0 =	simm.s32 @p0 $0x1  }
0x13: {  	[smem:$0x3FB3] =	sst s0;
	s0 =	simm.s32 @!p1 $0x0  }
0x14: {  	s2 =	sld [smem:$0x3F97];
	s0 =	simm.s32 @p1 $0x1  }
0x15: {  	[smem:$0x3FB4] =	sst s0;
	s0 =	simm.s32 @!p2 $0x0  }
0x16: {  	s3 =	sld [smem:$0x3FDB];
	s0 =	simm.s32 @p2 $0x1  }
0x17: {  	s4 =	simm.s32 $0x1BF5;
	[smem:$0x3FB6] =	sst s0  }
0x18: {  	s0 =	sld [smem:$0x3F99];
	_ =	swait.ge [sflag:s4], $0x0  }
0x19: {  	s7 =	sld [smem:$0x3F9A]  }
0x1a: {  	s8 =	sadd.s32 $0xFFFFE003, lr  }
0x1b: {  	s9 =	sadd.s32 $0xFFFFFEF7, lr;
	s5 =	simm.s32 $0xFFFFFFFF;
	p2 =	slt.u32 s8, $0xFFFFF086  }
0x1c: {  	p1 =	slt.u32 s9, $0xF7A;
	s5 =	simm.s32 @!p2 $0x0  }
0x1d: {  	s5 =	simm.s32 @p1 $0x1;
	p0 =	seq.s32 s7, s2  }
0x1e: {  	s7 =	smul.u32 @!p0 $0xF7A, s2;
	p2 =	seq.s32 @!p0 s5, $0x0  }
0x1f: {  	s9 =	smul.u32 $0xF7A, s1;
	s8 =	simm.s32 @!p0 $0x1BF5;
	p2 =	por !p2, p0  }
0x20: {  	[sflag:s8] =	ssyncset.s32 @!p0 $0xFFFFF086;
	s6 =	sadd.s32 @!p0 s3, s7;
	s7 =	simm.s32 @!p0 $0x108  }
0x21: {  	s3 =	sadd.s32 s3, s9;
	s6 =	sadd.s32 @!p0 $0x88, s6;
	s7 =	simm.s32 @p2 $0x1082  }
0x22: {  	[simem:s7], [sflag:s8] =	dma.local @!p0 [hbm:s6], $0xF7A  }
0x23: {  	s9 =	sor.u32 $0xD0000000, s2;
	s6 =	simm.s32 $0x108;
	_ =	swait.ge @!p0 [sflag:s8], $0x0  }
0x24: {  	s3 =	sadd.s32 $0x88, s3;
	s6 =	simm.s32 @!p1 $0x1082;
	[sflag:s4] =	ssyncset.s32 $0xFFFFF086  }
0x25: {  	[simem:s6], [sflag:s4] =	dma.local [hbm:s3], $0xF7A  }
0x26: {  	[smem:$0x3F9A] =	sst s1;
	(tag) =	ssettag s2;
	_ =	strace s9  }
0x27: {  	s1 =	sld [smem:$0x3FAA]  }
0x28: {  	s2 =	sld [smem:$0x3FAB]  }
0x29: {  	s4 =	sld [smem:$0x3FAD]  }
0x2a: {  	p0 =	seq.s32 s5, $0x0;
	s5 =	sld [smem:$0x3FAE]  }
0x2b: {  	s6 =	sld [smem:$0x3FAF]  }
0x2c: {  	s7 =	sld [smem:$0x3FB0]  }
0x2d: {  	s3 =	simm.s32 $0x108;
	s8 =	sld [smem:$0x3FB1]  }
0x2e: {  	s3 =	simm.s32 @!p0 $0x1082;
	s9 =	sld [smem:$0x3FB2]  }
0x2f: {  	lr =	sadd.s32 s0, s3;
	s0 =	sld [smem:$0x3FA9]  }
0x30: {  	s3 =	sld [smem:$0x3FAC]  }
0x31: {  	[smem:$0x3FB5] =	sst s10  }
0x32: {  	s10 =	sld [smem:$0x3FB3];
	_ =	sdelay $0x3  }
0x33: {  	p0 =	seq.s32 s10, $0x1;
	s10 =	sld [smem:$0x3FB5];
	_ =	sdelay $0x3  }
0x34: {  	[smem:$0x3FB5] =	sst s10  }
0x35: {  	s10 =	sld [smem:$0x3FB4];
	_ =	sdelay $0x3  }
0x36: {  	p1 =	seq.s32 s10, $0x1;
	s10 =	sld [smem:$0x3FB5];
	_ =	sdelay $0x3  }
0x37: {  	[smem:$0x3FB5] =	sst s10  }
0x38: {  	s10 =	sld [smem:$0x3FB6]  }
0x39: {  	_ = 	snop;
	(pc) =	sbr.ind lr, $3  }
0x3a: {  	_ = 	snop  }
0x3b: {  	_ = 	snop  }
0x3c: {  	p2 =	seq.s32 s10, $0x1;
	s10 =	sld [smem:$0x3FB5]  }
0x3d: {  	_ =	shalt  }
0x3e: {  	_ =	shalt  }
0x3f: {  	_ =	shalt  }
0x40: {  	_ =	shalt  }
0x41: {  	_ =	shalt  }
0x42: {  	_ =	shalt  }
0x43: {  	_ =	shalt  }
0x44: {  	_ =	shalt  }
0x45: {  	_ =	shalt  }
0x46: {  	_ =	shalt  }
0x47: {  	_ =	shalt  }
0x48: {  	_ =	shalt  }
0x49: {  	_ =	shalt  }
0x4a: {  	_ =	shalt  }
0x4b: {  	_ =	shalt  }
0x4c: {  	_ =	shalt  }
0x4d: {  	_ =	shalt  }
0x4e: {  	_ =	shalt  }
0x4f: {  	_ =	shalt  }
0x50: {  	_ =	shalt  }
0x51: {  	_ =	shalt  }
0x52: {  	_ =	shalt  }
0x53: {  	_ =	shalt  }
0x54: {  	_ =	shalt  }
0x55: {  	_ =	shalt  }
0x56: {  	_ =	shalt  }
0x57: {  	_ =	shalt  }
0x58: {  	_ =	shalt  }
0x59: {  	_ =	shalt  }
0x5a: {  	_ =	shalt  }
0x5b: {  	_ =	shalt  }
0x5c: {  	_ =	shalt  }
0x5d: {  	_ =	shalt  }
0x5e: {  	_ =	shalt  }
0x5f: {  	_ =	shalt  }
0x60: {  	_ =	shalt  }
0x61: {  	_ =	shalt  }
0x62: {  	_ =	shalt  }
0x63: {  	_ =	shalt  }
0x64: {  	_ =	shalt  }
0x65: {  	_ =	shalt  }
0x66: {  	_ =	shalt  }
0x67: {  	_ =	shalt  }
0x68: {  	_ =	shalt  }
0x69: {  	_ =	shalt  }
0x6a: {  	_ =	shalt  }
0x6b: {  	_ =	shalt  }
0x6c: {  	_ =	shalt  }
0x6d: {  	_ =	shalt  }
0x6e: {  	_ =	shalt  }
0x6f: {  	_ =	shalt  }
0x70: {  	_ =	shalt  }
0x71: {  	_ =	shalt  }
0x72: {  	_ =	shalt  }
0x73: {  	_ =	shalt  }
0x74: {  	_ =	shalt  }
0x75: {  	_ =	shalt  }
0x76: {  	_ =	shalt  }
0x77: {  	_ =	shalt  }
0x78: {  	_ =	shalt  }
0x79: {  	_ =	shalt  }
0x7a: {  	_ =	shalt  }
0x7b: {  	_ =	shalt  }
0x7c: {  	_ =	shalt  }
0x7d: {  	_ =	shalt  }
0x7e: {  	_ =	shalt  }
0x7f: {  	_ =	shalt  }
0x80: {  	_ =	shalt  }
0x81: {  	_ =	shalt  }
0x82: {  	_ =	shalt  }
0x83: {  	_ =	shalt  }
0x84: {  	_ =	shalt  }
0x85: {  	_ =	shalt  }
0x86: {  	_ =	shalt  }
0x87: {  	_ =	shalt  }
.Lfunc_end0:
.L_simem_size_0:
called_computation_lowered:
.L_overlay_start_0:
0x88: {  	s2 =	sld [smem:$0x3FD9]  }
0x89: {  	s3 =	sld [smem:$0x3FFE];
	_ =	sdelay $0x1  }
0x8a: {  	s1 =	srdreg.scid  }
0x8b: {  	s0 =	sand.u32 $0x1, s1  }
0x8c: {  	s17 =	sshll.u32 s0, $0xA;
	s2 =	sadd.s32 s3, s2  }
0x8d: {  	s2 =	sadd.s32 s2, s17  }
0x8e: {  	[smem:$0x3FC1] =	sst s2  }
0x8f: {  	_ = 	snop  }
0x90: {  	s2 =	sld [smem:$0x3FC9];
	(tm) =	ssettm $0x1  }
0x91: {  	s18 =	sld [smem:$0x3FFB];
	_ =	sdelay $0x3  }
0x92: {  	_ =	strace s18  }
0x93: {  	s3 =	sld [smem:$0x3FFC];
	_ =	sdelay $0x3  }
0x94: {  	_ =	strace s3  }
0x95: {  	s3 =	sld [smem:$0x3FFD];
	_ =	sdelay $0x3  }
0x96: {  	_ =	strace s3  }
0x97: {  	_ =	strace $0x8FFFFFFF  }
0x98: {  	s19 =	sld [smem:$0x3FDB];
	_ =	sdelay $0x1  }
0x99: {  	s4 =	simm.s32 $_scs_section_size  }
0x9a: {  	s5 =	simm.s32 $_size__tile_overlayer_lowered;
	s6 =	simm.s32 $_tile_overlayer_lowered  }
0x9b: {  	s22 =	simm.s32 $0x1BFF;
	s21 =	sshll.u32 s6, $0x1;
	s3 =	sadd.s32 s4, s19  }
0x9c: {  	s7 =	simm.s32 $0x0;
	s20 =	sshll.u32 s5, $0x1;
	s5 =	sadd.s32 s21, s3  }
0x9d: {  	[timem:s7], [sflag:s22] =	dma.local [hbm:s5], s20  }
0x9e: {  	_ =	swait.ge [sflag:s22], s20  }
0x9f: {  	s4 =	ssub.s32 $0x0, s20;
	[sflag:s22] =	ssyncset.done $0x0  }
0xa0: {  	[sflag:s22] =	ssyncadd.s32 s4;
	_ =	sdelay $0x1  }
0xa1: {  	s23 =	simm.s32 $0x1B8B  }
0xa2: {  	_ =	swait.ge [sflag:s23], $0x1  }
0xa3: {  	[sflag:s23] =	ssyncset.done $0x0  }
0xa4: {  	s25 =	simm.s32 $0x1B8E;
	s24 =	sld [smem:$0x3FFE];
	[sflag:s23] =	ssyncadd.s32 $0xFFFFFFFF  }
0xa5: {  	s26 =	simm.s32 $execute0_lowered;
	[smem:$0x3FD2] =	sst s25  }
0xa6: {  	s5 =	sshll.u32 s26, $0x1;
	_ =	strace $0x80000046;
	[dreg:$0x1] =	wrdreg $0xFFFFFFFF  }
0xa7: {  	s28 =	simm.s32 $_size_execute0_lowered;
	s3 =	sadd.s32 s3, s5;
	[dreg:$0x0] =	wrdreg $0x0  }
0xa8: {  	s5 =	sshll.u32 s28, $0x1;
	[dreg:$0x2] =	wrdreg s3  }
0xa9: {  	[dreg:$0x3] =	wrdreg s5  }
0xaa: {  	[dreg:$0x4] =	wrdreg $0xC0  }
0xab: {  	_ =	task [dreg:s7], $0x5FFFF  }
0xac: {  	[dreg:$0x1] =	wrdreg $0xFFFFFFFF  }
0xad: {  	[dreg:$0x0] =	wrdreg $0x60  }
0xae: {  	[dreg:$0x2] =	wrdreg s2  }
0xaf: {  	[dreg:$0x3] =	wrdreg s24  }
0xb0: {  	[dreg:$0x4] =	wrdreg $0x0  }
0xb1: {  	[dreg:$0x5] =	wrdreg $0x9  }
0xb2: {  	_ =	task.clear_ibuf [dreg:s7], $0x6FFFF;
	_ =	strace $0x90000046  }
0xb3: {  	s29 =	simm.s32 $0x9;
	_ =	strace $0x80000048  }
0xb4: {  	_ =	swait.ge [sflag:s29], $0x1  }
0xb5: {  	[sflag:s29] =	ssyncadd.s32 $0xFFFFFFFF  }
0xb6: {  	_ =	strace $0x90000048  }
0xb7: {  	_ =	sfence  }
0xb8: {  	s30 =	sld [smem:$0x0];
	_ =	sdelay $0x2  }
0xb9: {  	s31 =	sshll.u32 s1, $0xD;
	s1 =	sshrl.u32 s1, $0x2  }
0xba: {  	s3 =	sand.u32 $0x4000, s31;
	s1 =	sadd.s32 s1, s30  }
0xbb: {  	s0 =	sor.u32 s3, s0;
	s1 =	sshll.u32 s1, $0x11  }
0xbc: {  	s0 =	sor.u32 s1, s0  }
0xbd: {  	s0 =	sadd.s32 $0x8F2B, s0  }
0xbe: {  	[sflag:s0] =	ssyncadd.remote.s32 $0x1  }
0xbf: {  	_ =	sfence.sel $0xFFFF  }
0xc0: {  	[dreg:$0x0] =	wrdreg $0xFFFFFFFF;
	(pc) =	sbr.abs _section_cstart, $3  }
0xc1: {  	[dreg:$0x1] =	wrdreg $0xFFFFFFFF  }
0xc2: {  	_ =	task.clear_ibuf [dreg:s7], $0x2FFFF;
	_ =	strace $0x9FFFFFFF  }
0xc3: {  	(tm) =	ssettm $0x7FFFFFFF  }
tec
execute0_lowered:
.L_overlay_start_1:
0x0: {  	(tag) =	ssettag $0x1  }
0x1: {  	s1 =	rddreg [dreg:$0x0]  }
0x2: {  	s0 =	rddreg [dreg:$0x1]  }
0x3: {  	s2 =	rddreg [dreg:$0x2];
	s7 =	stileid.u32  }
0x4: {  	s3 =	srdreg.scid;
	s5 =	simm.s32 $0x0;
	s19 =	smul.u32 $0x50000, s7  }
0x5: {  	s28 =	simm.s32 $0x17400;
	s29 =	simm.s32 $0x17480;
	s3 =	sand.u32 $0x1, s3  }
0x6: {  	s30 =	simm.s32 $0x0;
	s6 =	sshll.u32 s3, $0x4;
	s22 =	sshrl.u32 s19, $0x2  }
0x7: {  	s17 =	smul.u32 $0x14000, s7;
	s6 =	sor.u32 s7, s6;
	s7 =	sadd.s32 s22, s2  }
0x8: {  	[smem:$0x7FF] =	sst s5;
	s8 =	sadd.s32 $0xE00, s0;
	s5 =	sadd.s32 $0x1400, s7  }
0x9: {  	_ =	strace $0x80000047;
	s25 =	sadd.s32 $0x2800, s7;
	[dreg:$0x6] =	wrdreg s5  }
0xa: {  	s9 =	sadd.s32 $0x23E00, s0;
	s26 =	sadd.s32 $0x3C00, s7;
	[dreg:$0x7] =	wrdreg s25  }
0xb: {  	s4 =	smul.u32 $0x140000, s3;
	s31 =	sadd.s32 $0x5000, s7;
	[dreg:$0x8] =	wrdreg s26  }
0xc: {  	s18 =	smul.u32 $0x8C00, s6;
	s6 =	sadd.s32 $0x6400, s7;
	[dreg:$0x9] =	wrdreg s31  }
0xd: {  	s3 =	ssub.s32 $0x2, s3;
	s10 =	sadd.s32 $0x7800, s7;
	[dreg:$0xa] =	wrdreg s6  }
0xe: {  	s20 =	sshrl.u32 s3, $0x1;
	s11 =	sadd.s32 $0x8C00, s7;
	[dreg:$0xb] =	wrdreg s10  }
0xf: {  	s3 =	ssub.s32 s3, s20;
	s19 =	sadd.s32 $0xA000, s7;
	[dreg:$0xc] =	wrdreg s11  }
0x10: {  	s4 =	sadd.s32 s17, s4;
	s20 =	smax.u32 s3, $0x1;
	[dreg:$0x15] =	wrdreg s19  }
0x11: {  	s4 =	sshrl.u32 s4, $0x3;
	s22 =	sadd.s32 $0xC800, s7;
	[dreg:$0x17] =	wrdreg s20  }
0x12: {  	s0 =	sadd.s32 s4, s0;
	[dreg:$0x19] =	wrdreg s22;
	s25 =	sadd.s32 $0x10400, s7  }
0x13: {  	s21 =	sshrl.u32 s18, $0x3;
	s26 =	sadd.s32 $0x11800, s7;
	[dreg:$0x1c] =	wrdreg s25  }
0x14: {  	s31 =	sadd.s32 $0x12C00, s7;
	s6 =	simm.s32 $0x17800;
	[dreg:$0x1d] =	wrdreg s26  }
0x15: {  	s23 =	sadd.s32 s8, s21;
	s24 =	sadd.s32 s9, s21;
	[dreg:$0x1e] =	wrdreg s31  }
0x16: {  	s12 =	sadd.s32 $0x380, s21;
	s13 =	sadd.s32 $0x700, s21;
	[dreg:$0x4] =	wrdreg s23  }
0x17: {  	s16 =	sadd.s32 $0xA80, s21;
	s0 =	sadd.s32 $0x46E00, s0;
	[dreg:$0x5] =	wrdreg s24  }
0x18: {  	s4 =	sadd.s32 $0xE00, s21;
	s21 =	sadd.s32 $0xB400, s7;
	[dreg:$0x16] =	wrdreg s0  }
0x19: {  	s11 =	simm.s32 $0x14080;
	s10 =	sadd.s32 s8, s12;
	[dreg:$0x18] =	wrdreg s21  }
0x1a: {  	s19 =	simm.s32 $0x1;
	s5 =	sadd.s32 s9, s12;
	[dreg:$0xd] =	wrdreg s10  }
0x1b: {  	s20 =	simm.s32 $0x2;
	s14 =	sadd.s32 s8, s13;
	[dreg:$0xe] =	wrdreg s5  }
0x1c: {  	s22 =	simm.s32 $0x4;
	s15 =	sadd.s32 s9, s13;
	[dreg:$0xf] =	wrdreg s14  }
0x1d: {  	s25 =	simm.s32 $0x17300;
	s17 =	sadd.s32 s8, s16;
	[dreg:$0x10] =	wrdreg s15  }
0x1e: {  	s26 =	simm.s32 $0x17380;
	s18 =	sadd.s32 s8, s4;
	[dreg:$0x11] =	wrdreg s17  }
0x1f: {  	s4 =	sadd.s32 s9, s4;
	s23 =	sadd.s32 $0xDC00, s7;
	[dreg:$0x13] =	wrdreg s18  }
0x20: {  	s24 =	sadd.s32 $0xF000, s7;
	s8 =	simm.s32 $0x7;
	[dreg:$0x14] =	wrdreg s4  }
0x21: {  	s12 =	simm.s32 $0x18C00;
	s13 =	simm.s32 $0x14100;
	[dreg:$0x1a] =	wrdreg s23  }
0x22: {  	s21 =	simm.s32 $0x3;
	s5 =	sadd.s32 s9, s16;
	[dreg:$0x1b] =	wrdreg s24  }
0x23: {  	s4 =	simm.s32 $0x14000;
	s9 =	simm.s32 $0x6;
	s10 =	simm.s32 $0x28  }
0x24: {  	s14 =	simm.s32 $0x1A000;
	s15 =	simm.s32 $0x14180;
	s16 =	simm.s32 $0x1B400  }
0x25: {  	s17 =	simm.s32 $0x14200;
	s18 =	simm.s32 $0x1C800;
	s23 =	simm.s32 $0x5  }
0x26: {  	v0 =	vimm.f32 $0.0e+00;
	s24 =	simm.s32 $0x17280;
	[dreg:$0x12] =	wrdreg s5;
	s5 =	simm.s32 $0x15C00  }
.LBB2_1:
0x27: {  	s0 =	simm.s32 $0x0;
	s3 =	rddreg [dreg:$0x4]  }
0x28: {  	[tilespmem:s4], [sflag:$0x6] =	stream.linear.gather [hbm4b:s3+s0], $0x1900, $0x38;
	[tilespmem:$0x1DC00] =	vst v63  }
0x29: {  	s3 =	rddreg [dreg:$0x5]  }
0x2a: {  	[tilespmem:s5], [sflag:$0x6] =	stream.linear.gather [hbm4b:s3+s0], $0x1900, $0x38;
	[tilespmem:$0x1DC00] =	vst v63  }
0x2b: {  	s31 =	simm.s32 $0x200;
	s0 =	simm.s32 $0x0  }
.LBB2_2:
0x2c: {  	p0 =	sne.s32 s31, $0x4E00;
	[tilespmem:s0+$0x17870] =	vst v0  }
0x2d: {  	[tilespmem:s0+$0x17800] =	vst v0  }
0x2e: {  	[tilespmem:s0+$0x17810] =	vst v0  }
.Ltmp0:
0x2f: {  	[tilespmem:s0+$0x17820] =	vst v0;
	(pc) =	sbr.rel @p0 .LBB2_2-.Ltmp0, $4  }
0x30: {  	[tilespmem:s0+$0x17830] =	vst v0  }
0x31: {  	[tilespmem:s0+$0x17840] =	vst v0  }
0x32: {  	[tilespmem:s0+$0x17850] =	vst v0  }
0x33: {  	[tilespmem:s0+$0x17860] =	vst v0;
	s0 =	sshra.s32 s31, $0x2;
	s31 =	sadd.s32 $0x200, s31  }
0x34: {  	[tilespmem:s0+$0x17870] =	vst v0  }
0x35: {  	[tilespmem:s0+$0x17800] =	vst v0  }
0x36: {  	[tilespmem:s0+$0x17810] =	vst v0  }
0x37: {  	[tilespmem:s0+$0x17820] =	vst v0  }
0x38: {  	[tilespmem:s0+$0x17830] =	vst v0  }
0x39: {  	[tilespmem:s0+$0x17840] =	vst v0  }
0x3a: {  	[tilespmem:s0+$0x17850] =	vst v0  }
0x3b: {  	[tilespmem:s0+$0x17860] =	vst v0  }
0x3c: {  	[spmem:s7] =	stream.linear.scatter [tilespmem:s6], [sflag:$0x7], $0x1400, $0x38;
	[tilespmem:$0x1DC00] =	vst v63  }
0x3d: {  	_ =	swait.ge [sflag:s8], $0x1400  }
0x3e: {  	[sflag:s8] =	ssyncset.done $0x0  }
0x3f: {  	s3 =	rddreg [dreg:$0x6];
	[sflag:s8] =	ssyncadd.s32 $0xFFFFEC00  }
0x40: {  	[spmem:s3] =	stream.linear.scatter [tilespmem:s6], [sflag:$0x7], $0x1400, $0x38;
	[tilespmem:$0x1DC00] =	vst v63  }
0x41: {  	_ =	swait.ge [sflag:s8], $0x1400  }
0x42: {  	[sflag:s8] =	ssyncset.done $0x0  }
0x43: {  	s3 =	rddreg [dreg:$0x7];
	[sflag:s8] =	ssyncadd.s32 $0xFFFFEC00  }
0x44: {  	[spmem:s3] =	stream.linear.scatter [tilespmem:s6], [sflag:$0x7], $0x1400, $0x38;
	[tilespmem:$0x1DC00] =	vst v63  }
0x45: {  	_ =	swait.ge [sflag:s8], $0x1400  }
0x46: {  	[sflag:s8] =	ssyncset.done $0x0  }
0x47: {  	s3 =	rddreg [dreg:$0x8];
	[sflag:s8] =	ssyncadd.s32 $0xFFFFEC00  }
0x48: {  	[spmem:s3] =	stream.linear.scatter [tilespmem:s6], [sflag:$0x7], $0x1400, $0x38;
	[tilespmem:$0x1DC00] =	vst v63  }
0x49: {  	_ =	swait.ge [sflag:s8], $0x1400  }
0x4a: {  	[sflag:s8] =	ssyncset.done $0x0  }
0x4b: {  	s3 =	rddreg [dreg:$0x9];
	[sflag:s8] =	ssyncadd.s32 $0xFFFFEC00  }
0x4c: {  	[spmem:s3] =	stream.linear.scatter [tilespmem:s6], [sflag:$0x7], $0x1400, $0x38;
	[tilespmem:$0x1DC00] =	vst v63  }
0x4d: {  	_ =	swait.ge [sflag:s8], $0x1400  }
0x4e: {  	[sflag:s8] =	ssyncset.done $0x0  }
0x4f: {  	s3 =	rddreg [dreg:$0xa];
	[sflag:s8] =	ssyncadd.s32 $0xFFFFEC00  }
0x50: {  	[spmem:s3] =	stream.linear.scatter [tilespmem:s6], [sflag:$0x7], $0x1400, $0x38;
	[tilespmem:$0x1DC00] =	vst v63  }
0x51: {  	_ =	swait.ge [sflag:s8], $0x1400  }
0x52: {  	[sflag:s8] =	ssyncset.done $0x0  }
0x53: {  	s3 =	rddreg [dreg:$0xb];
	[sflag:s8] =	ssyncadd.s32 $0xFFFFEC00  }
0x54: {  	[spmem:s3] =	stream.linear.scatter [tilespmem:s6], [sflag:$0x7], $0x1400, $0x38;
	[tilespmem:$0x1DC00] =	vst v63  }
0x55: {  	_ =	swait.ge [sflag:s8], $0x1400  }
0x56: {  	[sflag:s8] =	ssyncset.done $0x0  }
0x57: {  	s3 =	rddreg [dreg:$0xc];
	[sflag:s8] =	ssyncadd.s32 $0xFFFFEC00  }
0x58: {  	[spmem:s3] =	stream.linear.scatter [tilespmem:s6], [sflag:$0x7], $0x1400, $0x38;
	[tilespmem:$0x1DC00] =	vst v63  }
0x59: {  	_ =	swait.ge [sflag:s8], $0x1400  }
0x5a: {  	[sflag:s8] =	ssyncset.done $0x0  }
0x5b: {  	s3 =	rddreg [dreg:$0x15];
	[sflag:s8] =	ssyncadd.s32 $0xFFFFEC00  }
0x5c: {  	[spmem:s3] =	stream.linear.scatter [tilespmem:s6], [sflag:$0x7], $0x1400, $0x38;
	[tilespmem:$0x1DC00] =	vst v63  }
0x5d: {  	_ =	swait.ge [sflag:s8], $0x1400  }
0x5e: {  	[sflag:s8] =	ssyncset.done $0x0  }
0x5f: {  	s3 =	rddreg [dreg:$0x18];
	[sflag:s8] =	ssyncadd.s32 $0xFFFFEC00  }
0x60: {  	[spmem:s3] =	stream.linear.scatter [tilespmem:s6], [sflag:$0x7], $0x1400, $0x38;
	[tilespmem:$0x1DC00] =	vst v63  }
0x61: {  	_ =	swait.ge [sflag:s8], $0x1400  }
0x62: {  	[sflag:s8] =	ssyncset.done $0x0  }
0x63: {  	s3 =	rddreg [dreg:$0x19];
	[sflag:s8] =	ssyncadd.s32 $0xFFFFEC00  }
0x64: {  	[spmem:s3] =	stream.linear.scatter [tilespmem:s6], [sflag:$0x7], $0x1400, $0x38;
	[tilespmem:$0x1DC00] =	vst v63  }
0x65: {  	_ =	swait.ge [sflag:s8], $0x1400  }
0x66: {  	[sflag:s8] =	ssyncset.done $0x0  }
0x67: {  	s3 =	rddreg [dreg:$0x1a];
	[sflag:s8] =	ssyncadd.s32 $0xFFFFEC00  }
0x68: {  	[spmem:s3] =	stream.linear.scatter [tilespmem:s6], [sflag:$0x7], $0x1400, $0x38;
	[tilespmem:$0x1DC00] =	vst v63  }
0x69: {  	_ =	swait.ge [sflag:s8], $0x1400  }
0x6a: {  	[sflag:s8] =	ssyncset.done $0x0  }
0x6b: {  	s3 =	rddreg [dreg:$0x1b];
	[sflag:s8] =	ssyncadd.s32 $0xFFFFEC00  }
0x6c: {  	[spmem:s3] =	stream.linear.scatter [tilespmem:s6], [sflag:$0x7], $0x1400, $0x38;
	[tilespmem:$0x1DC00] =	vst v63  }
0x6d: {  	_ =	swait.ge [sflag:s8], $0x1400  }
0x6e: {  	[sflag:s8] =	ssyncset.done $0x0  }
0x6f: {  	s3 =	rddreg [dreg:$0x1c];
	[sflag:s8] =	ssyncadd.s32 $0xFFFFEC00  }
0x70: {  	[spmem:s3] =	stream.linear.scatter [tilespmem:s6], [sflag:$0x7], $0x1400, $0x38;
	[tilespmem:$0x1DC00] =	vst v63  }
0x71: {  	_ =	swait.ge [sflag:s8], $0x1400  }
0x72: {  	[sflag:s8] =	ssyncset.done $0x0  }
0x73: {  	s3 =	rddreg [dreg:$0x1d];
	[sflag:s8] =	ssyncadd.s32 $0xFFFFEC00  }
0x74: {  	[spmem:s3] =	stream.linear.scatter [tilespmem:s6], [sflag:$0x7], $0x1400, $0x38;
	[tilespmem:$0x1DC00] =	vst v63  }
0x75: {  	_ =	swait.ge [sflag:s8], $0x1400  }
0x76: {  	[sflag:s8] =	ssyncset.done $0x0  }
0x77: {  	s3 =	rddreg [dreg:$0x1e];
	[sflag:s8] =	ssyncadd.s32 $0xFFFFEC00  }
0x78: {  	[spmem:s3] =	stream.linear.scatter [tilespmem:s6], [sflag:$0x7], $0x1400, $0x38;
	[tilespmem:$0x1DC00] =	vst v63  }
0x79: {  	_ =	swait.ge [sflag:s8], $0x1400  }
0x7a: {  	[sflag:s8] =	ssyncset.done $0x0  }
0x7b: {  	[sflag:s8] =	ssyncadd.s32 $0xFFFFEC00  }
0x7c: {  	[bflag:$0x0] =	sbarrier.arrive $0xFFFF  }
0x7d: {  	_ =	swait.ge [sflag:s9], $0x1900  }
0x7e: {  	[sflag:s9] =	ssyncset.done $0x0  }
0x7f: {  	[sflag:s9] =	ssyncadd.s32 $0xFFFFE700  }
0x80: {  	_ =	swait.ge [sflag:s9], $0x1900  }
0x81: {  	[sflag:s9] =	ssyncset.done $0x0  }
0x82: {  	[sflag:s9] =	ssyncadd.s32 $0xFFFFE700  }
0x83: {  	[tilespmem:s6], [sflag:$0x1] =	stream.indirect.gather [hbm4b:s1+s10], $0x80, s4, s10, $0xb8;
	[tilespmem:$0x1DC00] =	vst v63  }
0x84: {  	_ = 	snop  }
0x85: {  	[tilespmem:s12], [sflag:$0x2] =	stream.indirect.gather [hbm4b:s1+s10], $0x80, s11, s10, $0xb8;
	[tilespmem:$0x1DC00] =	vst v63  }
0x86: {  	_ = 	snop  }
0x87: {  	[tilespmem:s14], [sflag:$0x3] =	stream.indirect.gather [hbm4b:s1+s10], $0x80, s13, s10, $0xb8;
	[tilespmem:$0x1DC00] =	vst v63  }
0x88: {  	_ = 	snop  }
0x89: {  	[tilespmem:s16], [sflag:$0x4] =	stream.indirect.gather [hbm4b:s1+s10], $0x80, s15, s10, $0xb8;
	[tilespmem:$0x1DC00] =	vst v63  }
0x8a: {  	_ = 	snop  }
0x8b: {  	[tilespmem:s18], [sflag:$0x5] =	stream.indirect.gather [hbm4b:s1+s10], $0x80, s17, s10, $0xb8;
	[tilespmem:$0x1DC00] =	vst v63  }
0x8c: {  	_ =	swait.ge [sflag:s19], $0x1400  }
0x8d: {  	[sflag:s19] =	ssyncset.done $0x0  }
0x8e: {  	s3 =	simm.s32 $0x15C00;
	[sflag:s19] =	ssyncadd.s32 $0xFFFFEC00  }
0x8f: {  	[spmem:s2] =	stream.indirect.scatter.add.f32 [tilespmem:s6], [sflag:$0x7], $0x80, s3, s10, $0xb8;
	[tilespmem:$0x1DC00] =	vst v63  }
0x90: {  	_ =	swait.ge [sflag:s8], $0x1400  }
0x91: {  	[sflag:s8] =	ssyncset.done $0x0  }
0x92: {  	s3 =	simm.s32 $0x14280;
	[sflag:s8] =	ssyncadd.s32 $0xFFFFEC00  }
0x93: {  	[tilespmem:s6], [sflag:$0x1] =	stream.indirect.gather [hbm4b:s1+s10], $0x80, s3, s10, $0xb8;
	[tilespmem:$0x1DC00] =	vst v63  }
0x94: {  	_ =	swait.ge [sflag:s20], $0x1400  }
0x95: {  	[sflag:s20] =	ssyncset.done $0x0  }
0x96: {  	s3 =	simm.s32 $0x15C80;
	[sflag:s20] =	ssyncadd.s32 $0xFFFFEC00  }
0x97: {  	[spmem:s2] =	stream.indirect.scatter.add.f32 [tilespmem:s12], [sflag:$0x7], $0x80, s3, s10, $0xb8;
	[tilespmem:$0x1DC00] =	vst v63  }
0x98: {  	_ =	swait.ge [sflag:s8], $0x1400  }
0x99: {  	[sflag:s8] =	ssyncset.done $0x0  }
0x9a: {  	s3 =	simm.s32 $0x14300;
	[sflag:s8] =	ssyncadd.s32 $0xFFFFEC00  }
0x9b: {  	[tilespmem:s12], [sflag:$0x2] =	stream.indirect.gather [hbm4b:s1+s10], $0x80, s3, s10, $0xb8;
	[tilespmem:$0x1DC00] =	vst v63  }
0x9c: {  	_ =	swait.ge [sflag:s21], $0x1400  }
0x9d: {  	[sflag:s21] =	ssyncset.done $0x0  }
0x9e: {  	s3 =	simm.s32 $0x15D00;
	[sflag:s21] =	ssyncadd.s32 $0xFFFFEC00  }
0x9f: {  	[spmem:s2] =	stream.indirect.scatter.add.f32 [tilespmem:s14], [sflag:$0x7], $0x80, s3, s10, $0xb8;
	[tilespmem:$0x1DC00] =	vst v63  }
0xa0: {  	_ =	swait.ge [sflag:s8], $0x1400  }
0xa1: {  	[sflag:s8] =	ssyncset.done $0x0  }
0xa2: {  	s3 =	simm.s32 $0x14380;
	[sflag:s8] =	ssyncadd.s32 $0xFFFFEC00  }
0xa3: {  	[tilespmem:s14], [sflag:$0x3] =	stream.indirect.gather [hbm4b:s1+s10], $0x80, s3, s10, $0xb8;
	[tilespmem:$0x1DC00] =	vst v63  }
0xa4: {  	_ =	swait.ge [sflag:s22], $0x1400  }
0xa5: {  	[sflag:s22] =	ssyncset.done $0x0  }
0xa6: {  	s3 =	simm.s32 $0x15D80;
	[sflag:s22] =	ssyncadd.s32 $0xFFFFEC00  }
0xa7: {  	[spmem:s2] =	stream.indirect.scatter.add.f32 [tilespmem:s16], [sflag:$0x7], $0x80, s3, s10, $0xb8;
	[tilespmem:$0x1DC00] =	vst v63  }
0xa8: {  	_ =	swait.ge [sflag:s8], $0x1400  }
0xa9: {  	[sflag:s8] =	ssyncset.done $0x0  }
0xaa: {  	s3 =	simm.s32 $0x14400;
	[sflag:s8] =	ssyncadd.s32 $0xFFFFEC00  }
0xab: {  	[tilespmem:s16], [sflag:$0x4] =	stream.indirect.gather [hbm4b:s1+s10], $0x80, s3, s10, $0xb8;
	[tilespmem:$0x1DC00] =	vst v63  }
0xac: {  	_ =	swait.ge [sflag:s23], $0x1400  }
0xad: {  	[sflag:s23] =	ssyncset.done $0x0  }
0xae: {  	s3 =	simm.s32 $0x15E00;
	[sflag:s23] =	ssyncadd.s32 $0xFFFFEC00  }
0xaf: {  	[spmem:s2] =	stream.indirect.scatter.add.f32 [tilespmem:s18], [sflag:$0x7], $0x80, s3, s10, $0xb8;
	[tilespmem:$0x1DC00] =	vst v63  }
0xb0: {  	_ =	swait.ge [sflag:s8], $0x1400  }
0xb1: {  	[sflag:s8] =	ssyncset.done $0x0  }
0xb2: {  	s31 =	simm.s32 $0xA00;
	s0 =	simm.s32 $0x14480;
	[sflag:s8] =	ssyncadd.s32 $0xFFFFEC00  }
.LBB2_4:
0xb3: {  	[tilespmem:s18], [sflag:$0x5] =	stream.indirect.gather [hbm4b:s1+s10], $0x80, s0, s10, $0xb8;
	[tilespmem:$0x1DC00] =	vst v63  }
0xb4: {  	s0 =	smov.u32 s31  }
0xb5: {  	p0 =	sne.s32 s31, $0x5000;
	s31 =	sadd.s32 $0xA00, s31;
	_ =	swait.ge [sflag:s19], $0x1400  }
0xb6: {  	s0 =	sshra.s32 s0, $0x2;
	[sflag:s19] =	ssyncset.done $0x0  }
0xb7: {  	s3 =	sadd.s32 $0x15C00, s0;
	[sflag:s19] =	ssyncadd.s32 $0xFFFFEC00  }
0xb8: {  	[spmem:s2] =	stream.indirect.scatter.add.f32 [tilespmem:s6], [sflag:$0x7], $0x80, s3, s10, $0xb8;
	[tilespmem:$0x1DC00] =	vst v63  }
0xb9: {  	_ =	swait.ge [sflag:s8], $0x1400  }
0xba: {  	[sflag:s8] =	ssyncset.done $0x0  }
0xbb: {  	s3 =	sadd.s32 $0x14280, s0;
	[sflag:s8] =	ssyncadd.s32 $0xFFFFEC00  }
0xbc: {  	[tilespmem:s6], [sflag:$0x1] =	stream.indirect.gather [hbm4b:s1+s10], $0x80, s3, s10, $0xb8;
	[tilespmem:$0x1DC00] =	vst v63  }
0xbd: {  	_ =	swait.ge [sflag:s20], $0x1400  }
0xbe: {  	[sflag:s20] =	ssyncset.done $0x0  }
0xbf: {  	s3 =	sadd.s32 $0x15C80, s0;
	[sflag:s20] =	ssyncadd.s32 $0xFFFFEC00  }
0xc0: {  	[spmem:s2] =	stream.indirect.scatter.add.f32 [tilespmem:s12], [sflag:$0x7], $0x80, s3, s10, $0xb8;
	[tilespmem:$0x1DC00] =	vst v63  }
0xc1: {  	_ =	swait.ge [sflag:s8], $0x1400  }
0xc2: {  	[sflag:s8] =	ssyncset.done $0x0  }
0xc3: {  	s3 =	sadd.s32 $0x14300, s0;
	[sflag:s8] =	ssyncadd.s32 $0xFFFFEC00  }
0xc4: {  	[tilespmem:s12], [sflag:$0x2] =	stream.indirect.gather [hbm4b:s1+s10], $0x80, s3, s10, $0xb8;
	[tilespmem:$0x1DC00] =	vst v63  }
0xc5: {  	_ =	swait.ge [sflag:s21], $0x1400  }
0xc6: {  	[sflag:s21] =	ssyncset.done $0x0  }
0xc7: {  	s3 =	sadd.s32 $0x15D00, s0;
	[sflag:s21] =	ssyncadd.s32 $0xFFFFEC00  }
0xc8: {  	[spmem:s2] =	stream.indirect.scatter.add.f32 [tilespmem:s14], [sflag:$0x7], $0x80, s3, s10, $0xb8;
	[tilespmem:$0x1DC00] =	vst v63  }
0xc9: {  	_ =	swait.ge [sflag:s8], $0x1400  }
0xca: {  	[sflag:s8] =	ssyncset.done $0x0  }
0xcb: {  	s3 =	sadd.s32 $0x14380, s0;
	[sflag:s8] =	ssyncadd.s32 $0xFFFFEC00  }
0xcc: {  	[tilespmem:s14], [sflag:$0x3] =	stream.indirect.gather [hbm4b:s1+s10], $0x80, s3, s10, $0xb8;
	[tilespmem:$0x1DC00] =	vst v63  }
0xcd: {  	_ =	swait.ge [sflag:s22], $0x1400  }
0xce: {  	[sflag:s22] =	ssyncset.done $0x0  }
0xcf: {  	s3 =	sadd.s32 $0x15D80, s0;
	[sflag:s22] =	ssyncadd.s32 $0xFFFFEC00  }
0xd0: {  	[spmem:s2] =	stream.indirect.scatter.add.f32 [tilespmem:s16], [sflag:$0x7], $0x80, s3, s10, $0xb8;
	[tilespmem:$0x1DC00] =	vst v63  }
0xd1: {  	_ =	swait.ge [sflag:s8], $0x1400  }
0xd2: {  	[sflag:s8] =	ssyncset.done $0x0  }
0xd3: {  	s3 =	sadd.s32 $0x14400, s0;
	[sflag:s8] =	ssyncadd.s32 $0xFFFFEC00  }
0xd4: {  	[tilespmem:s16], [sflag:$0x4] =	stream.indirect.gather [hbm4b:s1+s10], $0x80, s3, s10, $0xb8;
	[tilespmem:$0x1DC00] =	vst v63  }
0xd5: {  	_ =	swait.ge [sflag:s23], $0x1400  }
0xd6: {  	[sflag:s23] =	ssyncset.done $0x0  }
.Ltmp1:
0xd7: {  	s3 =	sadd.s32 $0x15E00, s0;
	[sflag:s23] =	ssyncadd.s32 $0xFFFFEC00;
	(pc) =	sbr.rel @p0 .LBB2_4-.Ltmp1, $4  }
0xd8: {  	[spmem:s2] =	stream.indirect.scatter.add.f32 [tilespmem:s18], [sflag:$0x7], $0x80, s3, s10, $0xb8;
	[tilespmem:$0x1DC00] =	vst v63  }
0xd9: {  	_ =	swait.ge [sflag:s8], $0x1400  }
0xda: {  	[sflag:s8] =	ssyncset.done $0x0  }
0xdb: {  	s0 =	sadd.s32 $0x14480, s0;
	[sflag:s8] =	ssyncadd.s32 $0xFFFFEC00  }
0xdc: {  	[tilespmem:s18], [sflag:$0x5] =	stream.indirect.gather [hbm4b:s1+s10], $0x80, s0, s10, $0xb8;
	[tilespmem:$0x1DC00] =	vst v63  }
0xdd: {  	_ =	swait.ge [sflag:s19], $0x1400  }
0xde: {  	[sflag:s19] =	ssyncset.done $0x0  }
0xdf: {  	[sflag:s19] =	ssyncadd.s32 $0xFFFFEC00  }
0xe0: {  	[spmem:s2] =	stream.indirect.scatter.add.f32 [tilespmem:s6], [sflag:$0x7], $0x80, s24, s10, $0xb8;
	[tilespmem:$0x1DC00] =	vst v63  }
0xe1: {  	_ =	swait.ge [sflag:s8], $0x1400  }
0xe2: {  	[sflag:s8] =	ssyncset.done $0x0  }
0xe3: {  	[sflag:s8] =	ssyncadd.s32 $0xFFFFEC00  }
0xe4: {  	_ =	swait.ge [sflag:s20], $0x1400  }
0xe5: {  	[sflag:s20] =	ssyncset.done $0x0  }
0xe6: {  	[sflag:s20] =	ssyncadd.s32 $0xFFFFEC00  }
0xe7: {  	[spmem:s2] =	stream.indirect.scatter.add.f32 [tilespmem:s12], [sflag:$0x7], $0x80, s25, s10, $0xb8;
	[tilespmem:$0x1DC00] =	vst v63  }
0xe8: {  	_ =	swait.ge [sflag:s8], $0x1400  }
0xe9: {  	[sflag:s8] =	ssyncset.done $0x0  }
0xea: {  	[sflag:s8] =	ssyncadd.s32 $0xFFFFEC00  }
0xeb: {  	_ =	swait.ge [sflag:s21], $0x1400  }
0xec: {  	[sflag:s21] =	ssyncset.done $0x0  }
0xed: {  	[sflag:s21] =	ssyncadd.s32 $0xFFFFEC00  }
0xee: {  	[spmem:s2] =	stream.indirect.scatter.add.f32 [tilespmem:s14], [sflag:$0x7], $0x80, s26, s10, $0xb8;
	[tilespmem:$0x1DC00] =	vst v63  }
0xef: {  	_ =	swait.ge [sflag:s8], $0x1400  }
0xf0: {  	[sflag:s8] =	ssyncset.done $0x0  }
0xf1: {  	[sflag:s8] =	ssyncadd.s32 $0xFFFFEC00  }
0xf2: {  	_ =	swait.ge [sflag:s22], $0x1400  }
0xf3: {  	[sflag:s22] =	ssyncset.done $0x0  }
0xf4: {  	[sflag:s22] =	ssyncadd.s32 $0xFFFFEC00  }
0xf5: {  	[spmem:s2] =	stream.indirect.scatter.add.f32 [tilespmem:s16], [sflag:$0x7], $0x80, s28, s10, $0xb8;
	[tilespmem:$0x1DC00] =	vst v63  }
0xf6: {  	_ =	swait.ge [sflag:s8], $0x1400  }
0xf7: {  	[sflag:s8] =	ssyncset.done $0x0  }
0xf8: {  	[sflag:s8] =	ssyncadd.s32 $0xFFFFEC00  }
0xf9: {  	_ =	swait.ge [sflag:s23], $0x1400  }
0xfa: {  	[sflag:s23] =	ssyncset.done $0x0  }
0xfb: {  	[sflag:s23] =	ssyncadd.s32 $0xFFFFEC00  }
0xfc: {  	[spmem:s2] =	stream.indirect.scatter.add.f32 [tilespmem:s18], [sflag:$0x7], $0x80, s29, s10, $0xb8;
	[tilespmem:$0x1DC00] =	vst v63  }
0xfd: {  	_ =	swait.ge [sflag:s8], $0x1400  }
0xfe: {  	[sflag:s8] =	ssyncset.done $0x0  }
0xff: {  	s0 =	simm.s32 $0x0;
	s3 =	rddreg [dreg:$0xd];
	[sflag:s8] =	ssyncadd.s32 $0xFFFFEC00  }
0x100: {  	[tilespmem:s4], [sflag:$0x6] =	stream.linear.gather [hbm4b:s3+s0], $0x1900, $0x38;
	[tilespmem:$0x1DC00] =	vst v63  }
0x101: {  	s3 =	rddreg [dreg:$0xe]  }
0x102: {  	[tilespmem:s5], [sflag:$0x6] =	stream.linear.gather [hbm4b:s3+s0], $0x1900, $0x38;
	[tilespmem:$0x1DC00] =	vst v63  }
0x103: {  	_ =	swait.ge [sflag:s9], $0x1900  }
0x104: {  	[sflag:s9] =	ssyncset.done $0x0  }
0x105: {  	[sflag:s9] =	ssyncadd.s32 $0xFFFFE700  }
0x106: {  	_ =	swait.ge [sflag:s9], $0x1900  }
0x107: {  	[sflag:s9] =	ssyncset.done $0x0  }
0x108: {  	[sflag:s9] =	ssyncadd.s32 $0xFFFFE700  }
0x109: {  	[tilespmem:s6], [sflag:$0x1] =	stream.indirect.gather [hbm4b:s1+s10], $0x80, s4, s10, $0xb8;
	[tilespmem:$0x1DC00] =	vst v63  }
0x10a: {  	_ = 	snop  }
0x10b: {  	[tilespmem:s12], [sflag:$0x2] =	stream.indirect.gather [hbm4b:s1+s10], $0x80, s11, s10, $0xb8;
	[tilespmem:$0x1DC00] =	vst v63  }
0x10c: {  	_ = 	snop  }
0x10d: {  	[tilespmem:s14], [sflag:$0x3] =	stream.indirect.gather [hbm4b:s1+s10], $0x80, s13, s10, $0xb8;
	[tilespmem:$0x1DC00] =	vst v63  }
0x10e: {  	_ = 	snop  }
0x10f: {  	[tilespmem:s16], [sflag:$0x4] =	stream.indirect.gather [hbm4b:s1+s10], $0x80, s15, s10, $0xb8;
	[tilespmem:$0x1DC00] =	vst v63  }
0x110: {  	_ = 	snop  }
0x111: {  	[tilespmem:s18], [sflag:$0x5] =	stream.indirect.gather [hbm4b:s1+s10], $0x80, s17, s10, $0xb8;
	[tilespmem:$0x1DC00] =	vst v63  }
0x112: {  	_ =	swait.ge [sflag:s19], $0x1400  }
0x113: {  	[sflag:s19] =	ssyncset.done $0x0  }
0x114: {  	s3 =	simm.s32 $0x15C00;
	[sflag:s19] =	ssyncadd.s32 $0xFFFFEC00  }
0x115: {  	[spmem:s2] =	stream.indirect.scatter.add.f32 [tilespmem:s6], [sflag:$0x7], $0x80, s3, s10, $0xb8;
	[tilespmem:$0x1DC00] =	vst v63  }
0x116: {  	_ =	swait.ge [sflag:s8], $0x1400  }
0x117: {  	[sflag:s8] =	ssyncset.done $0x0  }
0x118: {  	s3 =	simm.s32 $0x14280;
	[sflag:s8] =	ssyncadd.s32 $0xFFFFEC00  }
0x119: {  	[tilespmem:s6], [sflag:$0x1] =	stream.indirect.gather [hbm4b:s1+s10], $0x80, s3, s10, $0xb8;
	[tilespmem:$0x1DC00] =	vst v63  }
0x11a: {  	_ =	swait.ge [sflag:s20], $0x1400  }
0x11b: {  	[sflag:s20] =	ssyncset.done $0x0  }
0x11c: {  	s3 =	simm.s32 $0x15C80;
	[sflag:s20] =	ssyncadd.s32 $0xFFFFEC00  }
0x11d: {  	[spmem:s2] =	stream.indirect.scatter.add.f32 [tilespmem:s12], [sflag:$0x7], $0x80, s3, s10, $0xb8;
	[tilespmem:$0x1DC00] =	vst v63  }
0x11e: {  	_ =	swait.ge [sflag:s8], $0x1400  }
0x11f: {  	[sflag:s8] =	ssyncset.done $0x0  }
0x120: {  	s3 =	simm.s32 $0x14300;
	[sflag:s8] =	ssyncadd.s32 $0xFFFFEC00  }
0x121: {  	[tilespmem:s12], [sflag:$0x2] =	stream.indirect.gather [hbm4b:s1+s10], $0x80, s3, s10, $0xb8;
	[tilespmem:$0x1DC00] =	vst v63  }
0x122: {  	_ =	swait.ge [sflag:s21], $0x1400  }
0x123: {  	[sflag:s21] =	ssyncset.done $0x0  }
0x124: {  	s3 =	simm.s32 $0x15D00;
	[sflag:s21] =	ssyncadd.s32 $0xFFFFEC00  }
0x125: {  	[spmem:s2] =	stream.indirect.scatter.add.f32 [tilespmem:s14], [sflag:$0x7], $0x80, s3, s10, $0xb8;
	[tilespmem:$0x1DC00] =	vst v63  }
0x126: {  	_ =	swait.ge [sflag:s8], $0x1400  }
0x127: {  	[sflag:s8] =	ssyncset.done $0x0  }
0x128: {  	s3 =	simm.s32 $0x14380;
	[sflag:s8] =	ssyncadd.s32 $0xFFFFEC00  }
0x129: {  	[tilespmem:s14], [sflag:$0x3] =	stream.indirect.gather [hbm4b:s1+s10], $0x80, s3, s10, $0xb8;
	[tilespmem:$0x1DC00] =	vst v63  }
0x12a: {  	_ =	swait.ge [sflag:s22], $0x1400  }
0x12b: {  	[sflag:s22] =	ssyncset.done $0x0  }
0x12c: {  	s3 =	simm.s32 $0x15D80;
	[sflag:s22] =	ssyncadd.s32 $0xFFFFEC00  }
0x12d: {  	[spmem:s2] =	stream.indirect.scatter.add.f32 [tilespmem:s16], [sflag:$0x7], $0x80, s3, s10, $0xb8;
	[tilespmem:$0x1DC00] =	vst v63  }
0x12e: {  	_ =	swait.ge [sflag:s8], $0x1400  }
0x12f: {  	[sflag:s8] =	ssyncset.done $0x0  }
0x130: {  	s3 =	simm.s32 $0x14400;
	[sflag:s8] =	ssyncadd.s32 $0xFFFFEC00  }
0x131: {  	[tilespmem:s16], [sflag:$0x4] =	stream.indirect.gather [hbm4b:s1+s10], $0x80, s3, s10, $0xb8;
	[tilespmem:$0x1DC00] =	vst v63  }
0x132: {  	_ =	swait.ge [sflag:s23], $0x1400  }
0x133: {  	[sflag:s23] =	ssyncset.done $0x0  }
0x134: {  	s3 =	simm.s32 $0x15E00;
	[sflag:s23] =	ssyncadd.s32 $0xFFFFEC00  }
0x135: {  	[spmem:s2] =	stream.indirect.scatter.add.f32 [tilespmem:s18], [sflag:$0x7], $0x80, s3, s10, $0xb8;
	[tilespmem:$0x1DC00] =	vst v63  }
0x136: {  	_ =	swait.ge [sflag:s8], $0x1400  }
0x137: {  	[sflag:s8] =	ssyncset.done $0x0  }
0x138: {  	s31 =	simm.s32 $0xA00;
	s0 =	simm.s32 $0x14480;
	[sflag:s8] =	ssyncadd.s32 $0xFFFFEC00  }
.LBB2_6:
0x139: {  	[tilespmem:s18], [sflag:$0x5] =	stream.indirect.gather [hbm4b:s1+s10], $0x80, s0, s10, $0xb8;
	[tilespmem:$0x1DC00] =	vst v63  }
0x13a: {  	s0 =	smov.u32 s31  }
0x13b: {  	p0 =	sne.s32 s31, $0x5000;
	s31 =	sadd.s32 $0xA00, s31;
	_ =	swait.ge [sflag:s19], $0x1400  }
0x13c: {  	s0 =	sshra.s32 s0, $0x2;
	[sflag:s19] =	ssyncset.done $0x0  }
0x13d: {  	s3 =	sadd.s32 $0x15C00, s0;
	[sflag:s19] =	ssyncadd.s32 $0xFFFFEC00  }
0x13e: {  	[spmem:s2] =	stream.indirect.scatter.add.f32 [tilespmem:s6], [sflag:$0x7], $0x80, s3, s10, $0xb8;
	[tilespmem:$0x1DC00] =	vst v63  }
0x13f: {  	_ =	swait.ge [sflag:s8], $0x1400  }
0x140: {  	[sflag:s8] =	ssyncset.done $0x0  }
0x141: {  	s3 =	sadd.s32 $0x14280, s0;
	[sflag:s8] =	ssyncadd.s32 $0xFFFFEC00  }
0x142: {  	[tilespmem:s6], [sflag:$0x1] =	stream.indirect.gather [hbm4b:s1+s10], $0x80, s3, s10, $0xb8;
	[tilespmem:$0x1DC00] =	vst v63  }
0x143: {  	_ =	swait.ge [sflag:s20], $0x1400  }
0x144: {  	[sflag:s20] =	ssyncset.done $0x0  }
0x145: {  	s3 =	sadd.s32 $0x15C80, s0;
	[sflag:s20] =	ssyncadd.s32 $0xFFFFEC00  }
0x146: {  	[spmem:s2] =	stream.indirect.scatter.add.f32 [tilespmem:s12], [sflag:$0x7], $0x80, s3, s10, $0xb8;
	[tilespmem:$0x1DC00] =	vst v63  }
0x147: {  	_ =	swait.ge [sflag:s8], $0x1400  }
0x148: {  	[sflag:s8] =	ssyncset.done $0x0  }
0x149: {  	s3 =	sadd.s32 $0x14300, s0;
	[sflag:s8] =	ssyncadd.s32 $0xFFFFEC00  }
0x14a: {  	[tilespmem:s12], [sflag:$0x2] =	stream.indirect.gather [hbm4b:s1+s10], $0x80, s3, s10, $0xb8;
	[tilespmem:$0x1DC00] =	vst v63  }
0x14b: {  	_ =	swait.ge [sflag:s21], $0x1400  }
0x14c: {  	[sflag:s21] =	ssyncset.done $0x0  }
0x14d: {  	s3 =	sadd.s32 $0x15D00, s0;
	[sflag:s21] =	ssyncadd.s32 $0xFFFFEC00  }
0x14e: {  	[spmem:s2] =	stream.indirect.scatter.add.f32 [tilespmem:s14], [sflag:$0x7], $0x80, s3, s10, $0xb8;
	[tilespmem:$0x1DC00] =	vst v63  }
0x14f: {  	_ =	swait.ge [sflag:s8], $0x1400  }
0x150: {  	[sflag:s8] =	ssyncset.done $0x0  }
0x151: {  	s3 =	sadd.s32 $0x14380, s0;
	[sflag:s8] =	ssyncadd.s32 $0xFFFFEC00  }
0x152: {  	[tilespmem:s14], [sflag:$0x3] =	stream.indirect.gather [hbm4b:s1+s10], $0x80, s3, s10, $0xb8;
	[tilespmem:$0x1DC00] =	vst v63  }
0x153: {  	_ =	swait.ge [sflag:s22], $0x1400  }
0x154: {  	[sflag:s22] =	ssyncset.done $0x0  }
0x155: {  	s3 =	sadd.s32 $0x15D80, s0;
	[sflag:s22] =	ssyncadd.s32 $0xFFFFEC00  }
0x156: {  	[spmem:s2] =	stream.indirect.scatter.add.f32 [tilespmem:s16], [sflag:$0x7], $0x80, s3, s10, $0xb8;
	[tilespmem:$0x1DC00] =	vst v63  }
0x157: {  	_ =	swait.ge [sflag:s8], $0x1400  }
0x158: {  	[sflag:s8] =	ssyncset.done $0x0  }
0x159: {  	s3 =	sadd.s32 $0x14400, s0;
	[sflag:s8] =	ssyncadd.s32 $0xFFFFEC00  }
0x15a: {  	[tilespmem:s16], [sflag:$0x4] =	stream.indirect.gather [hbm4b:s1+s10], $0x80, s3, s10, $0xb8;
	[tilespmem:$0x1DC00] =	vst v63  }
0x15b: {  	_ =	swait.ge [sflag:s23], $0x1400  }
0x15c: {  	[sflag:s23] =	ssyncset.done $0x0  }
.Ltmp2:
0x15d: {  	s3 =	sadd.s32 $0x15E00, s0;
	[sflag:s23] =	ssyncadd.s32 $0xFFFFEC00;
	(pc) =	sbr.rel @p0 .LBB2_6-.Ltmp2, $4  }
0x15e: {  	[spmem:s2] =	stream.indirect.scatter.add.f32 [tilespmem:s18], [sflag:$0x7], $0x80, s3, s10, $0xb8;
	[tilespmem:$0x1DC00] =	vst v63  }
0x15f: {  	_ =	swait.ge [sflag:s8], $0x1400  }
0x160: {  	[sflag:s8] =	ssyncset.done $0x0  }
0x161: {  	s0 =	sadd.s32 $0x14480, s0;
	[sflag:s8] =	ssyncadd.s32 $0xFFFFEC00  }
0x162: {  	[tilespmem:s18], [sflag:$0x5] =	stream.indirect.gather [hbm4b:s1+s10], $0x80, s0, s10, $0xb8;
	[tilespmem:$0x1DC00] =	vst v63  }
0x163: {  	_ =	swait.ge [sflag:s19], $0x1400  }
0x164: {  	[sflag:s19] =	ssyncset.done $0x0  }
0x165: {  	[sflag:s19] =	ssyncadd.s32 $0xFFFFEC00  }
0x166: {  	[spmem:s2] =	stream.indirect.scatter.add.f32 [tilespmem:s6], [sflag:$0x7], $0x80, s24, s10, $0xb8;
	[tilespmem:$0x1DC00] =	vst v63  }
0x167: {  	_ =	swait.ge [sflag:s8], $0x1400  }
0x168: {  	[sflag:s8] =	ssyncset.done $0x0  }
0x169: {  	[sflag:s8] =	ssyncadd.s32 $0xFFFFEC00  }
0x16a: {  	_ =	swait.ge [sflag:s20], $0x1400  }
0x16b: {  	[sflag:s20] =	ssyncset.done $0x0  }
0x16c: {  	[sflag:s20] =	ssyncadd.s32 $0xFFFFEC00  }
0x16d: {  	[spmem:s2] =	stream.indirect.scatter.add.f32 [tilespmem:s12], [sflag:$0x7], $0x80, s25, s10, $0xb8;
	[tilespmem:$0x1DC00] =	vst v63  }
0x16e: {  	_ =	swait.ge [sflag:s8], $0x1400  }
0x16f: {  	[sflag:s8] =	ssyncset.done $0x0  }
0x170: {  	[sflag:s8] =	ssyncadd.s32 $0xFFFFEC00  }
0x171: {  	_ =	swait.ge [sflag:s21], $0x1400  }
0x172: {  	[sflag:s21] =	ssyncset.done $0x0  }
0x173: {  	[sflag:s21] =	ssyncadd.s32 $0xFFFFEC00  }
0x174: {  	[spmem:s2] =	stream.indirect.scatter.add.f32 [tilespmem:s14], [sflag:$0x7], $0x80, s26, s10, $0xb8;
	[tilespmem:$0x1DC00] =	vst v63  }
0x175: {  	_ =	swait.ge [sflag:s8], $0x1400  }
0x176: {  	[sflag:s8] =	ssyncset.done $0x0  }
0x177: {  	[sflag:s8] =	ssyncadd.s32 $0xFFFFEC00  }
0x178: {  	_ =	swait.ge [sflag:s22], $0x1400  }
0x179: {  	[sflag:s22] =	ssyncset.done $0x0  }
0x17a: {  	[sflag:s22] =	ssyncadd.s32 $0xFFFFEC00  }
0x17b: {  	[spmem:s2] =	stream.indirect.scatter.add.f32 [tilespmem:s16], [sflag:$0x7], $0x80, s28, s10, $0xb8;
	[tilespmem:$0x1DC00] =	vst v63  }
0x17c: {  	_ =	swait.ge [sflag:s8], $0x1400  }
0x17d: {  	[sflag:s8] =	ssyncset.done $0x0  }
0x17e: {  	[sflag:s8] =	ssyncadd.s32 $0xFFFFEC00  }
0x17f: {  	_ =	swait.ge [sflag:s23], $0x1400  }
0x180: {  	[sflag:s23] =	ssyncset.done $0x0  }
0x181: {  	[sflag:s23] =	ssyncadd.s32 $0xFFFFEC00  }
0x182: {  	[spmem:s2] =	stream.indirect.scatter.add.f32 [tilespmem:s18], [sflag:$0x7], $0x80, s29, s10, $0xb8;
	[tilespmem:$0x1DC00] =	vst v63  }
0x183: {  	_ =	swait.ge [sflag:s8], $0x1400  }
0x184: {  	[sflag:s8] =	ssyncset.done $0x0  }
0x185: {  	s0 =	simm.s32 $0x0;
	s3 =	rddreg [dreg:$0xf];
	[sflag:s8] =	ssyncadd.s32 $0xFFFFEC00  }
0x186: {  	[tilespmem:s4], [sflag:$0x6] =	stream.linear.gather [hbm4b:s3+s0], $0x1900, $0x38;
	[tilespmem:$0x1DC00] =	vst v63  }
0x187: {  	s3 =	rddreg [dreg:$0x10]  }
0x188: {  	[tilespmem:s5], [sflag:$0x6] =	stream.linear.gather [hbm4b:s3+s0], $0x1900, $0x38;
	[tilespmem:$0x1DC00] =	vst v63  }
0x189: {  	_ =	swait.ge [sflag:s9], $0x1900  }
0x18a: {  	[sflag:s9] =	ssyncset.done $0x0  }
0x18b: {  	[sflag:s9] =	ssyncadd.s32 $0xFFFFE700  }
0x18c: {  	_ =	swait.ge [sflag:s9], $0x1900  }
0x18d: {  	[sflag:s9] =	ssyncset.done $0x0  }
0x18e: {  	[sflag:s9] =	ssyncadd.s32 $0xFFFFE700  }
0x18f: {  	[tilespmem:s6], [sflag:$0x1] =	stream.indirect.gather [hbm4b:s1+s10], $0x80, s4, s10, $0xb8;
	[tilespmem:$0x1DC00] =	vst v63  }
0x190: {  	_ = 	snop  }
0x191: {  	[tilespmem:s12], [sflag:$0x2] =	stream.indirect.gather [hbm4b:s1+s10], $0x80, s11, s10, $0xb8;
	[tilespmem:$0x1DC00] =	vst v63  }
0x192: {  	_ = 	snop  }
0x193: {  	[tilespmem:s14], [sflag:$0x3] =	stream.indirect.gather [hbm4b:s1+s10], $0x80, s13, s10, $0xb8;
	[tilespmem:$0x1DC00] =	vst v63  }
0x194: {  	_ = 	snop  }
0x195: {  	[tilespmem:s16], [sflag:$0x4] =	stream.indirect.gather [hbm4b:s1+s10], $0x80, s15, s10, $0xb8;
	[tilespmem:$0x1DC00] =	vst v63  }
0x196: {  	_ = 	snop  }
0x197: {  	[tilespmem:s18], [sflag:$0x5] =	stream.indirect.gather [hbm4b:s1+s10], $0x80, s17, s10, $0xb8;
	[tilespmem:$0x1DC00] =	vst v63  }
0x198: {  	_ =	swait.ge [sflag:s19], $0x1400  }
0x199: {  	[sflag:s19] =	ssyncset.done $0x0  }
0x19a: {  	s3 =	simm.s32 $0x15C00;
	[sflag:s19] =	ssyncadd.s32 $0xFFFFEC00  }
0x19b: {  	[spmem:s2] =	stream.indirect.scatter.add.f32 [tilespmem:s6], [sflag:$0x7], $0x80, s3, s10, $0xb8;
	[tilespmem:$0x1DC00] =	vst v63  }
0x19c: {  	_ =	swait.ge [sflag:s8], $0x1400  }
0x19d: {  	[sflag:s8] =	ssyncset.done $0x0  }
0x19e: {  	s3 =	simm.s32 $0x14280;
	[sflag:s8] =	ssyncadd.s32 $0xFFFFEC00  }
0x19f: {  	[tilespmem:s6], [sflag:$0x1] =	stream.indirect.gather [hbm4b:s1+s10], $0x80, s3, s10, $0xb8;
	[tilespmem:$0x1DC00] =	vst v63  }
0x1a0: {  	_ =	swait.ge [sflag:s20], $0x1400  }
0x1a1: {  	[sflag:s20] =	ssyncset.done $0x0  }
0x1a2: {  	s3 =	simm.s32 $0x15C80;
	[sflag:s20] =	ssyncadd.s32 $0xFFFFEC00  }
0x1a3: {  	[spmem:s2] =	stream.indirect.scatter.add.f32 [tilespmem:s12], [sflag:$0x7], $0x80, s3, s10, $0xb8;
	[tilespmem:$0x1DC00] =	vst v63  }
0x1a4: {  	_ =	swait.ge [sflag:s8], $0x1400  }
0x1a5: {  	[sflag:s8] =	ssyncset.done $0x0  }
0x1a6: {  	s3 =	simm.s32 $0x14300;
	[sflag:s8] =	ssyncadd.s32 $0xFFFFEC00  }
0x1a7: {  	[tilespmem:s12], [sflag:$0x2] =	stream.indirect.gather [hbm4b:s1+s10], $0x80, s3, s10, $0xb8;
	[tilespmem:$0x1DC00] =	vst v63  }
0x1a8: {  	_ =	swait.ge [sflag:s21], $0x1400  }
0x1a9: {  	[sflag:s21] =	ssyncset.done $0x0  }
0x1aa: {  	s3 =	simm.s32 $0x15D00;
	[sflag:s21] =	ssyncadd.s32 $0xFFFFEC00  }
0x1ab: {  	[spmem:s2] =	stream.indirect.scatter.add.f32 [tilespmem:s14], [sflag:$0x7], $0x80, s3, s10, $0xb8;
	[tilespmem:$0x1DC00] =	vst v63  }
0x1ac: {  	_ =	swait.ge [sflag:s8], $0x1400  }
0x1ad: {  	[sflag:s8] =	ssyncset.done $0x0  }
0x1ae: {  	s3 =	simm.s32 $0x14380;
	[sflag:s8] =	ssyncadd.s32 $0xFFFFEC00  }
0x1af: {  	[tilespmem:s14], [sflag:$0x3] =	stream.indirect.gather [hbm4b:s1+s10], $0x80, s3, s10, $0xb8;
	[tilespmem:$0x1DC00] =	vst v63  }
0x1b0: {  	_ =	swait.ge [sflag:s22], $0x1400  }
0x1b1: {  	[sflag:s22] =	ssyncset.done $0x0  }
0x1b2: {  	s3 =	simm.s32 $0x15D80;
	[sflag:s22] =	ssyncadd.s32 $0xFFFFEC00  }
0x1b3: {  	[spmem:s2] =	stream.indirect.scatter.add.f32 [tilespmem:s16], [sflag:$0x7], $0x80, s3, s10, $0xb8;
	[tilespmem:$0x1DC00] =	vst v63  }
0x1b4: {  	_ =	swait.ge [sflag:s8], $0x1400  }
0x1b5: {  	[sflag:s8] =	ssyncset.done $0x0  }
0x1b6: {  	s3 =	simm.s32 $0x14400;
	[sflag:s8] =	ssyncadd.s32 $0xFFFFEC00  }
0x1b7: {  	[tilespmem:s16], [sflag:$0x4] =	stream.indirect.gather [hbm4b:s1+s10], $0x80, s3, s10, $0xb8;
	[tilespmem:$0x1DC00] =	vst v63  }
0x1b8: {  	_ =	swait.ge [sflag:s23], $0x1400  }
0x1b9: {  	[sflag:s23] =	ssyncset.done $0x0  }
0x1ba: {  	s3 =	simm.s32 $0x15E00;
	[sflag:s23] =	ssyncadd.s32 $0xFFFFEC00  }
0x1bb: {  	[spmem:s2] =	stream.indirect.scatter.add.f32 [tilespmem:s18], [sflag:$0x7], $0x80, s3, s10, $0xb8;
	[tilespmem:$0x1DC00] =	vst v63  }
0x1bc: {  	_ =	swait.ge [sflag:s8], $0x1400  }
0x1bd: {  	[sflag:s8] =	ssyncset.done $0x0  }
0x1be: {  	s31 =	simm.s32 $0xA00;
	s0 =	simm.s32 $0x14480;
	[sflag:s8] =	ssyncadd.s32 $0xFFFFEC00  }
.LBB2_8:
0x1bf: {  	[tilespmem:s18], [sflag:$0x5] =	stream.indirect.gather [hbm4b:s1+s10], $0x80, s0, s10, $0xb8;
	[tilespmem:$0x1DC00] =	vst v63  }
0x1c0: {  	s0 =	smov.u32 s31  }
0x1c1: {  	p0 =	sne.s32 s31, $0x5000;
	s31 =	sadd.s32 $0xA00, s31;
	_ =	swait.ge [sflag:s19], $0x1400  }
0x1c2: {  	s0 =	sshra.s32 s0, $0x2;
	[sflag:s19] =	ssyncset.done $0x0  }
0x1c3: {  	s3 =	sadd.s32 $0x15C00, s0;
	[sflag:s19] =	ssyncadd.s32 $0xFFFFEC00  }
0x1c4: {  	[spmem:s2] =	stream.indirect.scatter.add.f32 [tilespmem:s6], [sflag:$0x7], $0x80, s3, s10, $0xb8;
	[tilespmem:$0x1DC00] =	vst v63  }
0x1c5: {  	_ =	swait.ge [sflag:s8], $0x1400  }
0x1c6: {  	[sflag:s8] =	ssyncset.done $0x0  }
0x1c7: {  	s3 =	sadd.s32 $0x14280, s0;
	[sflag:s8] =	ssyncadd.s32 $0xFFFFEC00  }
0x1c8: {  	[tilespmem:s6], [sflag:$0x1] =	stream.indirect.gather [hbm4b:s1+s10], $0x80, s3, s10, $0xb8;
	[tilespmem:$0x1DC00] =	vst v63  }
0x1c9: {  	_ =	swait.ge [sflag:s20], $0x1400  }
0x1ca: {  	[sflag:s20] =	ssyncset.done $0x0  }
0x1cb: {  	s3 =	sadd.s32 $0x15C80, s0;
	[sflag:s20] =	ssyncadd.s32 $0xFFFFEC00  }
0x1cc: {  	[spmem:s2] =	stream.indirect.scatter.add.f32 [tilespmem:s12], [sflag:$0x7], $0x80, s3, s10, $0xb8;
	[tilespmem:$0x1DC00] =	vst v63  }
0x1cd: {  	_ =	swait.ge [sflag:s8], $0x1400  }
0x1ce: {  	[sflag:s8] =	ssyncset.done $0x0  }
0x1cf: {  	s3 =	sadd.s32 $0x14300, s0;
	[sflag:s8] =	ssyncadd.s32 $0xFFFFEC00  }
0x1d0: {  	[tilespmem:s12], [sflag:$0x2] =	stream.indirect.gather [hbm4b:s1+s10], $0x80, s3, s10, $0xb8;
	[tilespmem:$0x1DC00] =	vst v63  }
0x1d1: {  	_ =	swait.ge [sflag:s21], $0x1400  }
0x1d2: {  	[sflag:s21] =	ssyncset.done $0x0  }
0x1d3: {  	s3 =	sadd.s32 $0x15D00, s0;
	[sflag:s21] =	ssyncadd.s32 $0xFFFFEC00  }
0x1d4: {  	[spmem:s2] =	stream.indirect.scatter.add.f32 [tilespmem:s14], [sflag:$0x7], $0x80, s3, s10, $0xb8;
	[tilespmem:$0x1DC00] =	vst v63  }
0x1d5: {  	_ =	swait.ge [sflag:s8], $0x1400  }
0x1d6: {  	[sflag:s8] =	ssyncset.done $0x0  }
0x1d7: {  	s3 =	sadd.s32 $0x14380, s0;
	[sflag:s8] =	ssyncadd.s32 $0xFFFFEC00  }
0x1d8: {  	[tilespmem:s14], [sflag:$0x3] =	stream.indirect.gather [hbm4b:s1+s10], $0x80, s3, s10, $0xb8;
	[tilespmem:$0x1DC00] =	vst v63  }
0x1d9: {  	_ =	swait.ge [sflag:s22], $0x1400  }
0x1da: {  	[sflag:s22] =	ssyncset.done $0x0  }
0x1db: {  	s3 =	sadd.s32 $0x15D80, s0;
	[sflag:s22] =	ssyncadd.s32 $0xFFFFEC00  }
0x1dc: {  	[spmem:s2] =	stream.indirect.scatter.add.f32 [tilespmem:s16], [sflag:$0x7], $0x80, s3, s10, $0xb8;
	[tilespmem:$0x1DC00] =	vst v63  }
0x1dd: {  	_ =	swait.ge [sflag:s8], $0x1400  }
0x1de: {  	[sflag:s8] =	ssyncset.done $0x0  }
0x1df: {  	s3 =	sadd.s32 $0x14400, s0;
	[sflag:s8] =	ssyncadd.s32 $0xFFFFEC00  }
0x1e0: {  	[tilespmem:s16], [sflag:$0x4] =	stream.indirect.gather [hbm4b:s1+s10], $0x80, s3, s10, $0xb8;
	[tilespmem:$0x1DC00] =	vst v63  }
0x1e1: {  	_ =	swait.ge [sflag:s23], $0x1400  }
0x1e2: {  	[sflag:s23] =	ssyncset.done $0x0  }
.Ltmp3:
0x1e3: {  	s3 =	sadd.s32 $0x15E00, s0;
	[sflag:s23] =	ssyncadd.s32 $0xFFFFEC00;
	(pc) =	sbr.rel @p0 .LBB2_8-.Ltmp3, $4  }
0x1e4: {  	[spmem:s2] =	stream.indirect.scatter.add.f32 [tilespmem:s18], [sflag:$0x7], $0x80, s3, s10, $0xb8;
	[tilespmem:$0x1DC00] =	vst v63  }
0x1e5: {  	_ =	swait.ge [sflag:s8], $0x1400  }
0x1e6: {  	[sflag:s8] =	ssyncset.done $0x0  }
0x1e7: {  	s0 =	sadd.s32 $0x14480, s0;
	[sflag:s8] =	ssyncadd.s32 $0xFFFFEC00  }
0x1e8: {  	[tilespmem:s18], [sflag:$0x5] =	stream.indirect.gather [hbm4b:s1+s10], $0x80, s0, s10, $0xb8;
	[tilespmem:$0x1DC00] =	vst v63  }
0x1e9: {  	_ =	swait.ge [sflag:s19], $0x1400  }
0x1ea: {  	[sflag:s19] =	ssyncset.done $0x0  }
0x1eb: {  	[sflag:s19] =	ssyncadd.s32 $0xFFFFEC00  }
0x1ec: {  	[spmem:s2] =	stream.indirect.scatter.add.f32 [tilespmem:s6], [sflag:$0x7], $0x80, s24, s10, $0xb8;
	[tilespmem:$0x1DC00] =	vst v63  }
0x1ed: {  	_ =	swait.ge [sflag:s8], $0x1400  }
0x1ee: {  	[sflag:s8] =	ssyncset.done $0x0  }
0x1ef: {  	[sflag:s8] =	ssyncadd.s32 $0xFFFFEC00  }
0x1f0: {  	_ =	swait.ge [sflag:s20], $0x1400  }
0x1f1: {  	[sflag:s20] =	ssyncset.done $0x0  }
0x1f2: {  	[sflag:s20] =	ssyncadd.s32 $0xFFFFEC00  }
0x1f3: {  	[spmem:s2] =	stream.indirect.scatter.add.f32 [tilespmem:s12], [sflag:$0x7], $0x80, s25, s10, $0xb8;
	[tilespmem:$0x1DC00] =	vst v63  }
0x1f4: {  	_ =	swait.ge [sflag:s8], $0x1400  }
0x1f5: {  	[sflag:s8] =	ssyncset.done $0x0  }
0x1f6: {  	[sflag:s8] =	ssyncadd.s32 $0xFFFFEC00  }
0x1f7: {  	_ =	swait.ge [sflag:s21], $0x1400  }
0x1f8: {  	[sflag:s21] =	ssyncset.done $0x0  }
0x1f9: {  	[sflag:s21] =	ssyncadd.s32 $0xFFFFEC00  }
0x1fa: {  	[spmem:s2] =	stream.indirect.scatter.add.f32 [tilespmem:s14], [sflag:$0x7], $0x80, s26, s10, $0xb8;
	[tilespmem:$0x1DC00] =	vst v63  }
0x1fb: {  	_ =	swait.ge [sflag:s8], $0x1400  }
0x1fc: {  	[sflag:s8] =	ssyncset.done $0x0  }
0x1fd: {  	[sflag:s8] =	ssyncadd.s32 $0xFFFFEC00  }
0x1fe: {  	_ =	swait.ge [sflag:s22], $0x1400  }
0x1ff: {  	[sflag:s22] =	ssyncset.done $0x0  }
0x200: {  	[sflag:s22] =	ssyncadd.s32 $0xFFFFEC00  }
0x201: {  	[spmem:s2] =	stream.indirect.scatter.add.f32 [tilespmem:s16], [sflag:$0x7], $0x80, s28, s10, $0xb8;
	[tilespmem:$0x1DC00] =	vst v63  }
0x202: {  	_ =	swait.ge [sflag:s8], $0x1400  }
0x203: {  	[sflag:s8] =	ssyncset.done $0x0  }
0x204: {  	[sflag:s8] =	ssyncadd.s32 $0xFFFFEC00  }
0x205: {  	_ =	swait.ge [sflag:s23], $0x1400  }
0x206: {  	[sflag:s23] =	ssyncset.done $0x0  }
0x207: {  	[sflag:s23] =	ssyncadd.s32 $0xFFFFEC00  }
0x208: {  	[spmem:s2] =	stream.indirect.scatter.add.f32 [tilespmem:s18], [sflag:$0x7], $0x80, s29, s10, $0xb8;
	[tilespmem:$0x1DC00] =	vst v63  }
0x209: {  	_ =	swait.ge [sflag:s8], $0x1400  }
0x20a: {  	[sflag:s8] =	ssyncset.done $0x0  }
0x20b: {  	s0 =	simm.s32 $0x0;
	s3 =	rddreg [dreg:$0x11];
	[sflag:s8] =	ssyncadd.s32 $0xFFFFEC00  }
0x20c: {  	[tilespmem:s4], [sflag:$0x6] =	stream.linear.gather [hbm4b:s3+s0], $0x1900, $0x38;
	[tilespmem:$0x1DC00] =	vst v63  }
0x20d: {  	s3 =	rddreg [dreg:$0x12]  }
0x20e: {  	[tilespmem:s5], [sflag:$0x6] =	stream.linear.gather [hbm4b:s3+s0], $0x1900, $0x38;
	[tilespmem:$0x1DC00] =	vst v63  }
0x20f: {  	_ =	swait.ge [sflag:s9], $0x1900  }
0x210: {  	[sflag:s9] =	ssyncset.done $0x0  }
0x211: {  	[sflag:s9] =	ssyncadd.s32 $0xFFFFE700  }
0x212: {  	_ =	swait.ge [sflag:s9], $0x1900  }
0x213: {  	[sflag:s9] =	ssyncset.done $0x0  }
0x214: {  	[sflag:s9] =	ssyncadd.s32 $0xFFFFE700  }
0x215: {  	[tilespmem:s6], [sflag:$0x1] =	stream.indirect.gather [hbm4b:s1+s10], $0x80, s4, s10, $0xb8;
	[tilespmem:$0x1DC00] =	vst v63  }
0x216: {  	_ = 	snop  }
0x217: {  	[tilespmem:s12], [sflag:$0x2] =	stream.indirect.gather [hbm4b:s1+s10], $0x80, s11, s10, $0xb8;
	[tilespmem:$0x1DC00] =	vst v63  }
0x218: {  	_ = 	snop  }
0x219: {  	[tilespmem:s14], [sflag:$0x3] =	stream.indirect.gather [hbm4b:s1+s10], $0x80, s13, s10, $0xb8;
	[tilespmem:$0x1DC00] =	vst v63  }
0x21a: {  	_ = 	snop  }
0x21b: {  	[tilespmem:s16], [sflag:$0x4] =	stream.indirect.gather [hbm4b:s1+s10], $0x80, s15, s10, $0xb8;
	[tilespmem:$0x1DC00] =	vst v63  }
0x21c: {  	_ = 	snop  }
0x21d: {  	[tilespmem:s18], [sflag:$0x5] =	stream.indirect.gather [hbm4b:s1+s10], $0x80, s17, s10, $0xb8;
	[tilespmem:$0x1DC00] =	vst v63  }
0x21e: {  	_ =	swait.ge [sflag:s19], $0x1400  }
0x21f: {  	[sflag:s19] =	ssyncset.done $0x0  }
0x220: {  	s3 =	simm.s32 $0x15C00;
	[sflag:s19] =	ssyncadd.s32 $0xFFFFEC00  }
0x221: {  	[spmem:s2] =	stream.indirect.scatter.add.f32 [tilespmem:s6], [sflag:$0x7], $0x80, s3, s10, $0xb8;
	[tilespmem:$0x1DC00] =	vst v63  }
0x222: {  	_ =	swait.ge [sflag:s8], $0x1400  }
0x223: {  	[sflag:s8] =	ssyncset.done $0x0  }
0x224: {  	s3 =	simm.s32 $0x14280;
	[sflag:s8] =	ssyncadd.s32 $0xFFFFEC00  }
0x225: {  	[tilespmem:s6], [sflag:$0x1] =	stream.indirect.gather [hbm4b:s1+s10], $0x80, s3, s10, $0xb8;
	[tilespmem:$0x1DC00] =	vst v63  }
0x226: {  	_ =	swait.ge [sflag:s20], $0x1400  }
0x227: {  	[sflag:s20] =	ssyncset.done $0x0  }
0x228: {  	s3 =	simm.s32 $0x15C80;
	[sflag:s20] =	ssyncadd.s32 $0xFFFFEC00  }
0x229: {  	[spmem:s2] =	stream.indirect.scatter.add.f32 [tilespmem:s12], [sflag:$0x7], $0x80, s3, s10, $0xb8;
	[tilespmem:$0x1DC00] =	vst v63  }
0x22a: {  	_ =	swait.ge [sflag:s8], $0x1400  }
0x22b: {  	[sflag:s8] =	ssyncset.done $0x0  }
0x22c: {  	s3 =	simm.s32 $0x14300;
	[sflag:s8] =	ssyncadd.s32 $0xFFFFEC00  }
0x22d: {  	[tilespmem:s12], [sflag:$0x2] =	stream.indirect.gather [hbm4b:s1+s10], $0x80, s3, s10, $0xb8;
	[tilespmem:$0x1DC00] =	vst v63  }
0x22e: {  	_ =	swait.ge [sflag:s21], $0x1400  }
0x22f: {  	[sflag:s21] =	ssyncset.done $0x0  }
0x230: {  	s3 =	simm.s32 $0x15D00;
	[sflag:s21] =	ssyncadd.s32 $0xFFFFEC00  }
0x231: {  	[spmem:s2] =	stream.indirect.scatter.add.f32 [tilespmem:s14], [sflag:$0x7], $0x80, s3, s10, $0xb8;
	[tilespmem:$0x1DC00] =	vst v63  }
0x232: {  	_ =	swait.ge [sflag:s8], $0x1400  }
0x233: {  	[sflag:s8] =	ssyncset.done $0x0  }
0x234: {  	s3 =	simm.s32 $0x14380;
	[sflag:s8] =	ssyncadd.s32 $0xFFFFEC00  }
0x235: {  	[tilespmem:s14], [sflag:$0x3] =	stream.indirect.gather [hbm4b:s1+s10], $0x80, s3, s10, $0xb8;
	[tilespmem:$0x1DC00] =	vst v63  }
0x236: {  	_ =	swait.ge [sflag:s22], $0x1400  }
0x237: {  	[sflag:s22] =	ssyncset.done $0x0  }
0x238: {  	s3 =	simm.s32 $0x15D80;
	[sflag:s22] =	ssyncadd.s32 $0xFFFFEC00  }
0x239: {  	[spmem:s2] =	stream.indirect.scatter.add.f32 [tilespmem:s16], [sflag:$0x7], $0x80, s3, s10, $0xb8;
	[tilespmem:$0x1DC00] =	vst v63  }
0x23a: {  	_ =	swait.ge [sflag:s8], $0x1400  }
0x23b: {  	[sflag:s8] =	ssyncset.done $0x0  }
0x23c: {  	s3 =	simm.s32 $0x14400;
	[sflag:s8] =	ssyncadd.s32 $0xFFFFEC00  }
0x23d: {  	[tilespmem:s16], [sflag:$0x4] =	stream.indirect.gather [hbm4b:s1+s10], $0x80, s3, s10, $0xb8;
	[tilespmem:$0x1DC00] =	vst v63  }
0x23e: {  	_ =	swait.ge [sflag:s23], $0x1400  }
0x23f: {  	[sflag:s23] =	ssyncset.done $0x0  }
0x240: {  	s3 =	simm.s32 $0x15E00;
	[sflag:s23] =	ssyncadd.s32 $0xFFFFEC00  }
0x241: {  	[spmem:s2] =	stream.indirect.scatter.add.f32 [tilespmem:s18], [sflag:$0x7], $0x80, s3, s10, $0xb8;
	[tilespmem:$0x1DC00] =	vst v63  }
0x242: {  	_ =	swait.ge [sflag:s8], $0x1400  }
0x243: {  	[sflag:s8] =	ssyncset.done $0x0  }
0x244: {  	s31 =	simm.s32 $0xA00;
	s0 =	simm.s32 $0x14480;
	[sflag:s8] =	ssyncadd.s32 $0xFFFFEC00  }
.LBB2_10:
0x245: {  	[tilespmem:s18], [sflag:$0x5] =	stream.indirect.gather [hbm4b:s1+s10], $0x80, s0, s10, $0xb8;
	[tilespmem:$0x1DC00] =	vst v63  }
0x246: {  	s0 =	smov.u32 s31  }
0x247: {  	p0 =	sne.s32 s31, $0x5000;
	s31 =	sadd.s32 $0xA00, s31;
	_ =	swait.ge [sflag:s19], $0x1400  }
0x248: {  	s0 =	sshra.s32 s0, $0x2;
	[sflag:s19] =	ssyncset.done $0x0  }
0x249: {  	s3 =	sadd.s32 $0x15C00, s0;
	[sflag:s19] =	ssyncadd.s32 $0xFFFFEC00  }
0x24a: {  	[spmem:s2] =	stream.indirect.scatter.add.f32 [tilespmem:s6], [sflag:$0x7], $0x80, s3, s10, $0xb8;
	[tilespmem:$0x1DC00] =	vst v63  }
0x24b: {  	_ =	swait.ge [sflag:s8], $0x1400  }
0x24c: {  	[sflag:s8] =	ssyncset.done $0x0  }
0x24d: {  	s3 =	sadd.s32 $0x14280, s0;
	[sflag:s8] =	ssyncadd.s32 $0xFFFFEC00  }
0x24e: {  	[tilespmem:s6], [sflag:$0x1] =	stream.indirect.gather [hbm4b:s1+s10], $0x80, s3, s10, $0xb8;
	[tilespmem:$0x1DC00] =	vst v63  }
0x24f: {  	_ =	swait.ge [sflag:s20], $0x1400  }
0x250: {  	[sflag:s20] =	ssyncset.done $0x0  }
0x251: {  	s3 =	sadd.s32 $0x15C80, s0;
	[sflag:s20] =	ssyncadd.s32 $0xFFFFEC00  }
0x252: {  	[spmem:s2] =	stream.indirect.scatter.add.f32 [tilespmem:s12], [sflag:$0x7], $0x80, s3, s10, $0xb8;
	[tilespmem:$0x1DC00] =	vst v63  }
0x253: {  	_ =	swait.ge [sflag:s8], $0x1400  }
0x254: {  	[sflag:s8] =	ssyncset.done $0x0  }
0x255: {  	s3 =	sadd.s32 $0x14300, s0;
	[sflag:s8] =	ssyncadd.s32 $0xFFFFEC00  }
0x256: {  	[tilespmem:s12], [sflag:$0x2] =	stream.indirect.gather [hbm4b:s1+s10], $0x80, s3, s10, $0xb8;
	[tilespmem:$0x1DC00] =	vst v63  }
0x257: {  	_ =	swait.ge [sflag:s21], $0x1400  }
0x258: {  	[sflag:s21] =	ssyncset.done $0x0  }
0x259: {  	s3 =	sadd.s32 $0x15D00, s0;
	[sflag:s21] =	ssyncadd.s32 $0xFFFFEC00  }
0x25a: {  	[spmem:s2] =	stream.indirect.scatter.add.f32 [tilespmem:s14], [sflag:$0x7], $0x80, s3, s10, $0xb8;
	[tilespmem:$0x1DC00] =	vst v63  }
0x25b: {  	_ =	swait.ge [sflag:s8], $0x1400  }
0x25c: {  	[sflag:s8] =	ssyncset.done $0x0  }
0x25d: {  	s3 =	sadd.s32 $0x14380, s0;
	[sflag:s8] =	ssyncadd.s32 $0xFFFFEC00  }
0x25e: {  	[tilespmem:s14], [sflag:$0x3] =	stream.indirect.gather [hbm4b:s1+s10], $0x80, s3, s10, $0xb8;
	[tilespmem:$0x1DC00] =	vst v63  }
0x25f: {  	_ =	swait.ge [sflag:s22], $0x1400  }
0x260: {  	[sflag:s22] =	ssyncset.done $0x0  }
0x261: {  	s3 =	sadd.s32 $0x15D80, s0;
	[sflag:s22] =	ssyncadd.s32 $0xFFFFEC00  }
0x262: {  	[spmem:s2] =	stream.indirect.scatter.add.f32 [tilespmem:s16], [sflag:$0x7], $0x80, s3, s10, $0xb8;
	[tilespmem:$0x1DC00] =	vst v63  }
0x263: {  	_ =	swait.ge [sflag:s8], $0x1400  }
0x264: {  	[sflag:s8] =	ssyncset.done $0x0  }
0x265: {  	s3 =	sadd.s32 $0x14400, s0;
	[sflag:s8] =	ssyncadd.s32 $0xFFFFEC00  }
0x266: {  	[tilespmem:s16], [sflag:$0x4] =	stream.indirect.gather [hbm4b:s1+s10], $0x80, s3, s10, $0xb8;
	[tilespmem:$0x1DC00] =	vst v63  }
0x267: {  	_ =	swait.ge [sflag:s23], $0x1400  }
0x268: {  	[sflag:s23] =	ssyncset.done $0x0  }
.Ltmp4:
0x269: {  	s3 =	sadd.s32 $0x15E00, s0;
	[sflag:s23] =	ssyncadd.s32 $0xFFFFEC00;
	(pc) =	sbr.rel @p0 .LBB2_10-.Ltmp4, $4  }
0x26a: {  	[spmem:s2] =	stream.indirect.scatter.add.f32 [tilespmem:s18], [sflag:$0x7], $0x80, s3, s10, $0xb8;
	[tilespmem:$0x1DC00] =	vst v63  }
0x26b: {  	_ =	swait.ge [sflag:s8], $0x1400  }
0x26c: {  	[sflag:s8] =	ssyncset.done $0x0  }
0x26d: {  	s0 =	sadd.s32 $0x14480, s0;
	[sflag:s8] =	ssyncadd.s32 $0xFFFFEC00  }
0x26e: {  	[tilespmem:s18], [sflag:$0x5] =	stream.indirect.gather [hbm4b:s1+s10], $0x80, s0, s10, $0xb8;
	[tilespmem:$0x1DC00] =	vst v63  }
0x26f: {  	_ =	swait.ge [sflag:s19], $0x1400  }
0x270: {  	[sflag:s19] =	ssyncset.done $0x0  }
0x271: {  	[sflag:s19] =	ssyncadd.s32 $0xFFFFEC00  }
0x272: {  	[spmem:s2] =	stream.indirect.scatter.add.f32 [tilespmem:s6], [sflag:$0x7], $0x80, s24, s10, $0xb8;
	[tilespmem:$0x1DC00] =	vst v63  }
0x273: {  	_ =	swait.ge [sflag:s8], $0x1400  }
0x274: {  	[sflag:s8] =	ssyncset.done $0x0  }
0x275: {  	[sflag:s8] =	ssyncadd.s32 $0xFFFFEC00  }
0x276: {  	_ =	swait.ge [sflag:s20], $0x1400  }
0x277: {  	[sflag:s20] =	ssyncset.done $0x0  }
0x278: {  	[sflag:s20] =	ssyncadd.s32 $0xFFFFEC00  }
0x279: {  	[spmem:s2] =	stream.indirect.scatter.add.f32 [tilespmem:s12], [sflag:$0x7], $0x80, s25, s10, $0xb8;
	[tilespmem:$0x1DC00] =	vst v63  }
0x27a: {  	_ =	swait.ge [sflag:s8], $0x1400  }
0x27b: {  	[sflag:s8] =	ssyncset.done $0x0  }
0x27c: {  	[sflag:s8] =	ssyncadd.s32 $0xFFFFEC00  }
0x27d: {  	_ =	swait.ge [sflag:s21], $0x1400  }
0x27e: {  	[sflag:s21] =	ssyncset.done $0x0  }
0x27f: {  	[sflag:s21] =	ssyncadd.s32 $0xFFFFEC00  }
0x280: {  	[spmem:s2] =	stream.indirect.scatter.add.f32 [tilespmem:s14], [sflag:$0x7], $0x80, s26, s10, $0xb8;
	[tilespmem:$0x1DC00] =	vst v63  }
0x281: {  	_ =	swait.ge [sflag:s8], $0x1400  }
0x282: {  	[sflag:s8] =	ssyncset.done $0x0  }
0x283: {  	[sflag:s8] =	ssyncadd.s32 $0xFFFFEC00  }
0x284: {  	_ =	swait.ge [sflag:s22], $0x1400  }
0x285: {  	[sflag:s22] =	ssyncset.done $0x0  }
0x286: {  	[sflag:s22] =	ssyncadd.s32 $0xFFFFEC00  }
0x287: {  	[spmem:s2] =	stream.indirect.scatter.add.f32 [tilespmem:s16], [sflag:$0x7], $0x80, s28, s10, $0xb8;
	[tilespmem:$0x1DC00] =	vst v63  }
0x288: {  	_ =	swait.ge [sflag:s8], $0x1400  }
0x289: {  	[sflag:s8] =	ssyncset.done $0x0  }
0x28a: {  	[sflag:s8] =	ssyncadd.s32 $0xFFFFEC00  }
0x28b: {  	_ =	swait.ge [sflag:s23], $0x1400  }
0x28c: {  	[sflag:s23] =	ssyncset.done $0x0  }
0x28d: {  	[sflag:s23] =	ssyncadd.s32 $0xFFFFEC00  }
0x28e: {  	[spmem:s2] =	stream.indirect.scatter.add.f32 [tilespmem:s18], [sflag:$0x7], $0x80, s29, s10, $0xb8;
	[tilespmem:$0x1DC00] =	vst v63  }
0x28f: {  	_ =	swait.ge [sflag:s8], $0x1400  }
0x290: {  	[sflag:s8] =	ssyncset.done $0x0  }
0x291: {  	s0 =	simm.s32 $0x0;
	s3 =	rddreg [dreg:$0x13];
	[sflag:s8] =	ssyncadd.s32 $0xFFFFEC00  }
0x292: {  	[tilespmem:s4], [sflag:$0x6] =	stream.linear.gather [hbm4b:s3+s0], $0x1900, $0x38;
	[tilespmem:$0x1DC00] =	vst v63  }
0x293: {  	s3 =	rddreg [dreg:$0x14]  }
0x294: {  	[tilespmem:s5], [sflag:$0x6] =	stream.linear.gather [hbm4b:s3+s0], $0x1900, $0x38;
	[tilespmem:$0x1DC00] =	vst v63  }
0x295: {  	_ =	swait.ge [sflag:s9], $0x1900  }
0x296: {  	[sflag:s9] =	ssyncset.done $0x0  }
0x297: {  	[sflag:s9] =	ssyncadd.s32 $0xFFFFE700  }
0x298: {  	_ =	swait.ge [sflag:s9], $0x1900  }
0x299: {  	[sflag:s9] =	ssyncset.done $0x0  }
0x29a: {  	[sflag:s9] =	ssyncadd.s32 $0xFFFFE700  }
0x29b: {  	[tilespmem:s6], [sflag:$0x1] =	stream.indirect.gather [hbm4b:s1+s10], $0x80, s4, s10, $0xb8;
	[tilespmem:$0x1DC00] =	vst v63  }
0x29c: {  	_ = 	snop  }
0x29d: {  	[tilespmem:s12], [sflag:$0x2] =	stream.indirect.gather [hbm4b:s1+s10], $0x80, s11, s10, $0xb8;
	[tilespmem:$0x1DC00] =	vst v63  }
0x29e: {  	_ = 	snop  }
0x29f: {  	[tilespmem:s14], [sflag:$0x3] =	stream.indirect.gather [hbm4b:s1+s10], $0x80, s13, s10, $0xb8;
	[tilespmem:$0x1DC00] =	vst v63  }
0x2a0: {  	_ = 	snop  }
0x2a1: {  	[tilespmem:s16], [sflag:$0x4] =	stream.indirect.gather [hbm4b:s1+s10], $0x80, s15, s10, $0xb8;
	[tilespmem:$0x1DC00] =	vst v63  }
0x2a2: {  	_ = 	snop  }
0x2a3: {  	[tilespmem:s18], [sflag:$0x5] =	stream.indirect.gather [hbm4b:s1+s10], $0x80, s17, s10, $0xb8;
	[tilespmem:$0x1DC00] =	vst v63  }
0x2a4: {  	_ =	swait.ge [sflag:s19], $0x1400  }
0x2a5: {  	[sflag:s19] =	ssyncset.done $0x0  }
0x2a6: {  	s3 =	simm.s32 $0x15C00;
	[sflag:s19] =	ssyncadd.s32 $0xFFFFEC00  }
0x2a7: {  	[spmem:s2] =	stream.indirect.scatter.add.f32 [tilespmem:s6], [sflag:$0x7], $0x80, s3, s10, $0xb8;
	[tilespmem:$0x1DC00] =	vst v63  }
0x2a8: {  	_ =	swait.ge [sflag:s8], $0x1400  }
0x2a9: {  	[sflag:s8] =	ssyncset.done $0x0  }
0x2aa: {  	s3 =	simm.s32 $0x14280;
	[sflag:s8] =	ssyncadd.s32 $0xFFFFEC00  }
0x2ab: {  	[tilespmem:s6], [sflag:$0x1] =	stream.indirect.gather [hbm4b:s1+s10], $0x80, s3, s10, $0xb8;
	[tilespmem:$0x1DC00] =	vst v63  }
0x2ac: {  	_ =	swait.ge [sflag:s20], $0x1400  }
0x2ad: {  	[sflag:s20] =	ssyncset.done $0x0  }
0x2ae: {  	s3 =	simm.s32 $0x15C80;
	[sflag:s20] =	ssyncadd.s32 $0xFFFFEC00  }
0x2af: {  	[spmem:s2] =	stream.indirect.scatter.add.f32 [tilespmem:s12], [sflag:$0x7], $0x80, s3, s10, $0xb8;
	[tilespmem:$0x1DC00] =	vst v63  }
0x2b0: {  	_ =	swait.ge [sflag:s8], $0x1400  }
0x2b1: {  	[sflag:s8] =	ssyncset.done $0x0  }
0x2b2: {  	s3 =	simm.s32 $0x14300;
	[sflag:s8] =	ssyncadd.s32 $0xFFFFEC00  }
0x2b3: {  	[tilespmem:s12], [sflag:$0x2] =	stream.indirect.gather [hbm4b:s1+s10], $0x80, s3, s10, $0xb8;
	[tilespmem:$0x1DC00] =	vst v63  }
0x2b4: {  	_ =	swait.ge [sflag:s21], $0x1400  }
0x2b5: {  	[sflag:s21] =	ssyncset.done $0x0  }
0x2b6: {  	s3 =	simm.s32 $0x15D00;
	[sflag:s21] =	ssyncadd.s32 $0xFFFFEC00  }
0x2b7: {  	[spmem:s2] =	stream.indirect.scatter.add.f32 [tilespmem:s14], [sflag:$0x7], $0x80, s3, s10, $0xb8;
	[tilespmem:$0x1DC00] =	vst v63  }
0x2b8: {  	_ =	swait.ge [sflag:s8], $0x1400  }
0x2b9: {  	[sflag:s8] =	ssyncset.done $0x0  }
0x2ba: {  	s3 =	simm.s32 $0x14380;
	[sflag:s8] =	ssyncadd.s32 $0xFFFFEC00  }
0x2bb: {  	[tilespmem:s14], [sflag:$0x3] =	stream.indirect.gather [hbm4b:s1+s10], $0x80, s3, s10, $0xb8;
	[tilespmem:$0x1DC00] =	vst v63  }
0x2bc: {  	_ =	swait.ge [sflag:s22], $0x1400  }
0x2bd: {  	[sflag:s22] =	ssyncset.done $0x0  }
0x2be: {  	s3 =	simm.s32 $0x15D80;
	[sflag:s22] =	ssyncadd.s32 $0xFFFFEC00  }
0x2bf: {  	[spmem:s2] =	stream.indirect.scatter.add.f32 [tilespmem:s16], [sflag:$0x7], $0x80, s3, s10, $0xb8;
	[tilespmem:$0x1DC00] =	vst v63  }
0x2c0: {  	_ =	swait.ge [sflag:s8], $0x1400  }
0x2c1: {  	[sflag:s8] =	ssyncset.done $0x0  }
0x2c2: {  	s3 =	simm.s32 $0x14400;
	[sflag:s8] =	ssyncadd.s32 $0xFFFFEC00  }
0x2c3: {  	[tilespmem:s16], [sflag:$0x4] =	stream.indirect.gather [hbm4b:s1+s10], $0x80, s3, s10, $0xb8;
	[tilespmem:$0x1DC00] =	vst v63  }
0x2c4: {  	_ =	swait.ge [sflag:s23], $0x1400  }
0x2c5: {  	[sflag:s23] =	ssyncset.done $0x0  }
0x2c6: {  	s3 =	simm.s32 $0x15E00;
	[sflag:s23] =	ssyncadd.s32 $0xFFFFEC00  }
0x2c7: {  	[spmem:s2] =	stream.indirect.scatter.add.f32 [tilespmem:s18], [sflag:$0x7], $0x80, s3, s10, $0xb8;
	[tilespmem:$0x1DC00] =	vst v63  }
0x2c8: {  	_ =	swait.ge [sflag:s8], $0x1400  }
0x2c9: {  	[sflag:s8] =	ssyncset.done $0x0  }
0x2ca: {  	s31 =	simm.s32 $0xA00;
	s0 =	simm.s32 $0x14480;
	[sflag:s8] =	ssyncadd.s32 $0xFFFFEC00  }
.LBB2_12:
0x2cb: {  	[tilespmem:s18], [sflag:$0x5] =	stream.indirect.gather [hbm4b:s1+s10], $0x80, s0, s10, $0xb8;
	[tilespmem:$0x1DC00] =	vst v63  }
0x2cc: {  	s0 =	smov.u32 s31  }
0x2cd: {  	p0 =	sne.s32 s31, $0x5000;
	s31 =	sadd.s32 $0xA00, s31;
	_ =	swait.ge [sflag:s19], $0x1400  }
0x2ce: {  	s0 =	sshra.s32 s0, $0x2;
	[sflag:s19] =	ssyncset.done $0x0  }
0x2cf: {  	s3 =	sadd.s32 $0x15C00, s0;
	[sflag:s19] =	ssyncadd.s32 $0xFFFFEC00  }
0x2d0: {  	[spmem:s2] =	stream.indirect.scatter.add.f32 [tilespmem:s6], [sflag:$0x7], $0x80, s3, s10, $0xb8;
	[tilespmem:$0x1DC00] =	vst v63  }
0x2d1: {  	_ =	swait.ge [sflag:s8], $0x1400  }
0x2d2: {  	[sflag:s8] =	ssyncset.done $0x0  }
0x2d3: {  	s3 =	sadd.s32 $0x14280, s0;
	[sflag:s8] =	ssyncadd.s32 $0xFFFFEC00  }
0x2d4: {  	[tilespmem:s6], [sflag:$0x1] =	stream.indirect.gather [hbm4b:s1+s10], $0x80, s3, s10, $0xb8;
	[tilespmem:$0x1DC00] =	vst v63  }
0x2d5: {  	_ =	swait.ge [sflag:s20], $0x1400  }
0x2d6: {  	[sflag:s20] =	ssyncset.done $0x0  }
0x2d7: {  	s3 =	sadd.s32 $0x15C80, s0;
	[sflag:s20] =	ssyncadd.s32 $0xFFFFEC00  }
0x2d8: {  	[spmem:s2] =	stream.indirect.scatter.add.f32 [tilespmem:s12], [sflag:$0x7], $0x80, s3, s10, $0xb8;
	[tilespmem:$0x1DC00] =	vst v63  }
0x2d9: {  	_ =	swait.ge [sflag:s8], $0x1400  }
0x2da: {  	[sflag:s8] =	ssyncset.done $0x0  }
0x2db: {  	s3 =	sadd.s32 $0x14300, s0;
	[sflag:s8] =	ssyncadd.s32 $0xFFFFEC00  }
0x2dc: {  	[tilespmem:s12], [sflag:$0x2] =	stream.indirect.gather [hbm4b:s1+s10], $0x80, s3, s10, $0xb8;
	[tilespmem:$0x1DC00] =	vst v63  }
0x2dd: {  	_ =	swait.ge [sflag:s21], $0x1400  }
0x2de: {  	[sflag:s21] =	ssyncset.done $0x0  }
0x2df: {  	s3 =	sadd.s32 $0x15D00, s0;
	[sflag:s21] =	ssyncadd.s32 $0xFFFFEC00  }
0x2e0: {  	[spmem:s2] =	stream.indirect.scatter.add.f32 [tilespmem:s14], [sflag:$0x7], $0x80, s3, s10, $0xb8;
	[tilespmem:$0x1DC00] =	vst v63  }
0x2e1: {  	_ =	swait.ge [sflag:s8], $0x1400  }
0x2e2: {  	[sflag:s8] =	ssyncset.done $0x0  }
0x2e3: {  	s3 =	sadd.s32 $0x14380, s0;
	[sflag:s8] =	ssyncadd.s32 $0xFFFFEC00  }
0x2e4: {  	[tilespmem:s14], [sflag:$0x3] =	stream.indirect.gather [hbm4b:s1+s10], $0x80, s3, s10, $0xb8;
	[tilespmem:$0x1DC00] =	vst v63  }
0x2e5: {  	_ =	swait.ge [sflag:s22], $0x1400  }
0x2e6: {  	[sflag:s22] =	ssyncset.done $0x0  }
0x2e7: {  	s3 =	sadd.s32 $0x15D80, s0;
	[sflag:s22] =	ssyncadd.s32 $0xFFFFEC00  }
0x2e8: {  	[spmem:s2] =	stream.indirect.scatter.add.f32 [tilespmem:s16], [sflag:$0x7], $0x80, s3, s10, $0xb8;
	[tilespmem:$0x1DC00] =	vst v63  }
0x2e9: {  	_ =	swait.ge [sflag:s8], $0x1400  }
0x2ea: {  	[sflag:s8] =	ssyncset.done $0x0  }
0x2eb: {  	s3 =	sadd.s32 $0x14400, s0;
	[sflag:s8] =	ssyncadd.s32 $0xFFFFEC00  }
0x2ec: {  	[tilespmem:s16], [sflag:$0x4] =	stream.indirect.gather [hbm4b:s1+s10], $0x80, s3, s10, $0xb8;
	[tilespmem:$0x1DC00] =	vst v63  }
0x2ed: {  	_ =	swait.ge [sflag:s23], $0x1400  }
0x2ee: {  	[sflag:s23] =	ssyncset.done $0x0  }
.Ltmp5:
0x2ef: {  	s3 =	sadd.s32 $0x15E00, s0;
	[sflag:s23] =	ssyncadd.s32 $0xFFFFEC00;
	(pc) =	sbr.rel @p0 .LBB2_12-.Ltmp5, $4  }
0x2f0: {  	[spmem:s2] =	stream.indirect.scatter.add.f32 [tilespmem:s18], [sflag:$0x7], $0x80, s3, s10, $0xb8;
	[tilespmem:$0x1DC00] =	vst v63  }
0x2f1: {  	_ =	swait.ge [sflag:s8], $0x1400  }
0x2f2: {  	[sflag:s8] =	ssyncset.done $0x0  }
0x2f3: {  	s0 =	sadd.s32 $0x14480, s0;
	[sflag:s8] =	ssyncadd.s32 $0xFFFFEC00  }
0x2f4: {  	[tilespmem:s18], [sflag:$0x5] =	stream.indirect.gather [hbm4b:s1+s10], $0x80, s0, s10, $0xb8;
	[tilespmem:$0x1DC00] =	vst v63  }
0x2f5: {  	_ =	swait.ge [sflag:s19], $0x1400  }
0x2f6: {  	[sflag:s19] =	ssyncset.done $0x0  }
0x2f7: {  	[sflag:s19] =	ssyncadd.s32 $0xFFFFEC00  }
0x2f8: {  	[spmem:s2] =	stream.indirect.scatter.add.f32 [tilespmem:s6], [sflag:$0x7], $0x80, s24, s10, $0xb8;
	[tilespmem:$0x1DC00] =	vst v63  }
0x2f9: {  	_ =	swait.ge [sflag:s8], $0x1400  }
0x2fa: {  	[sflag:s8] =	ssyncset.done $0x0  }
0x2fb: {  	[sflag:s8] =	ssyncadd.s32 $0xFFFFEC00  }
0x2fc: {  	_ =	swait.ge [sflag:s20], $0x1400  }
0x2fd: {  	[sflag:s20] =	ssyncset.done $0x0  }
0x2fe: {  	[sflag:s20] =	ssyncadd.s32 $0xFFFFEC00  }
0x2ff: {  	[spmem:s2] =	stream.indirect.scatter.add.f32 [tilespmem:s12], [sflag:$0x7], $0x80, s25, s10, $0xb8;
	[tilespmem:$0x1DC00] =	vst v63  }
0x300: {  	_ =	swait.ge [sflag:s8], $0x1400  }
0x301: {  	[sflag:s8] =	ssyncset.done $0x0  }
0x302: {  	[sflag:s8] =	ssyncadd.s32 $0xFFFFEC00  }
0x303: {  	_ =	swait.ge [sflag:s21], $0x1400  }
0x304: {  	[sflag:s21] =	ssyncset.done $0x0  }
0x305: {  	[sflag:s21] =	ssyncadd.s32 $0xFFFFEC00  }
0x306: {  	[spmem:s2] =	stream.indirect.scatter.add.f32 [tilespmem:s14], [sflag:$0x7], $0x80, s26, s10, $0xb8;
	[tilespmem:$0x1DC00] =	vst v63  }
0x307: {  	_ =	swait.ge [sflag:s8], $0x1400  }
0x308: {  	[sflag:s8] =	ssyncset.done $0x0  }
0x309: {  	[sflag:s8] =	ssyncadd.s32 $0xFFFFEC00  }
0x30a: {  	_ =	swait.ge [sflag:s22], $0x1400  }
0x30b: {  	[sflag:s22] =	ssyncset.done $0x0  }
0x30c: {  	[sflag:s22] =	ssyncadd.s32 $0xFFFFEC00  }
0x30d: {  	[spmem:s2] =	stream.indirect.scatter.add.f32 [tilespmem:s16], [sflag:$0x7], $0x80, s28, s10, $0xb8;
	[tilespmem:$0x1DC00] =	vst v63  }
0x30e: {  	_ =	swait.ge [sflag:s8], $0x1400  }
0x30f: {  	[sflag:s8] =	ssyncset.done $0x0  }
0x310: {  	[sflag:s8] =	ssyncadd.s32 $0xFFFFEC00  }
0x311: {  	_ =	swait.ge [sflag:s23], $0x1400  }
0x312: {  	[sflag:s23] =	ssyncset.done $0x0  }
0x313: {  	[sflag:s23] =	ssyncadd.s32 $0xFFFFEC00  }
0x314: {  	[spmem:s2] =	stream.indirect.scatter.add.f32 [tilespmem:s18], [sflag:$0x7], $0x80, s29, s10, $0xb8;
	[tilespmem:$0x1DC00] =	vst v63  }
0x315: {  	_ =	swait.ge [sflag:s8], $0x1400  }
0x316: {  	[sflag:s8] =	ssyncset.done $0x0  }
0x317: {  	s3 =	stileid.u32;
	[sflag:s8] =	ssyncadd.s32 $0xFFFFEC00  }
0x318: {  	s0 =	sshll.u32 s3, $0x6;
	[bflag:$0x0] =	sbarrier.arrive $0xFFFF  }
0x319: {  	s3 =	sshrl.u32 s7, $0x3;
	s0 =	sor.u32 $0x1C07, s0;
	s31 =	rddreg [dreg:$0x16]  }
0x31a: {  	[hbm:s31], [sflag:s0] =	dma.local [spmem:s3], $0x2800  }
0x31b: {  	_ =	swait.ge [sflag:s8], $0x2800  }
0x31c: {  	s30 =	sadd.s32 $0x1, s30;
	s31 =	rddreg [dreg:$0x17]  }
0x31d: {  	p0 =	sne.s32 s30, s31  }
.Ltmp6:
0x31e: {  	_ = 	snop;
	(pc) =	sbr.rel @p0 .LBB2_1-.Ltmp6, $3  }
0x31f: {  	_ =	sdelay $0x1  }
0x320: {  	[sflag:s8] =	ssyncset.done $0x0  }
0x321: {  	[sflag:s8] =	ssyncadd.s32 $0xFFFFD800  }
0x322: {  	_ =	sfence.sel $0x180000  }
0x323: {  	[bflag:$0x0] =	sbarrier.arrive $0xFFFF  }
0x324: {  	_ =	strace $0x90000047  }
0x325: {  	s0 =	stileid.u32;
	[bflag:$0x2] =	sbarrier.arrive $0xFFFF  }
0x326: {  	p0 =	sne.s32 s0, $0x0;
	s0 =	rddreg [dreg:$0x3]  }
0x327: {  	s0 =	sadd.s32 @!p0 $0x100000, s0  }
0x328: {  	[sflag:s0] =	ssyncadd.tile.s32 @!p0 $0x1;
	_ =	shalt  }
.Lfunc_end2:
_tile_overlayer_lowered:
.L_overlay_start_2:
0x329: {  	(tag) =	ssettag $0x2  }
0x32a: {  	s0 =	rddreg [dreg:$0x0];
	s2 =	stileid.u32  }
0x32b: {  	s1 =	rddreg [dreg:$0x1];
	p0 =	sne.s32 s2, $0x0  }
0x32c: {  	s3 =	rddreg [dreg:$0x2];
	[bflag:$0x3] =	sbarrier.arrive $0xFFFF;
	s2 =	simm.s32 @!p0 $0x1C07  }
0x32d: {  	[timem:s3], [sflag:s2] =	dma.local @!p0 [hbm:s0], s1  }
0x32e: {  	s0 =	simm.s32 @!p0 $0x7  }
0x32f: {  	_ =	swait.ge @!p0 [sflag:s0], s1  }
0x330: {  	s1 =	ssub.s32 @!p0 $0x0, s1;
	[sflag:s0] =	ssyncset.done @!p0 $0x0  }
0x331: {  	[sflag:s0] =	ssyncadd.s32 @!p0 s1  }
0x332: {  	[bflag:$0x3] =	sbarrier.arrive $0xFFFF  }
0x333: {  	_ =	shalt  }

</sc_bundles>
